<compile_context>
chip_gen: v7x
topology: tpu7x:2x2x1
jax: 0.10.2.dev20260603
libtpu: 0.0.44.dev20260713+nightly
codegen_flags: <defaults>
</compile_context>

<pallas_src>
import functools

import jax
import jax.numpy as jnp
from jax import lax
from jax.experimental import pallas as pl
from jax.experimental.pallas import tpu as pltpu
from jax.experimental.pallas import tpu_sc as plsc

N_NODES = 10000
N_EDGES = 320000
D = 128
CPAD = 4
CHUNK = 128
NCHUNKS = N_EDGES // CHUNK
NGRP = CHUNK // 16

NC = 2
NS = 16
NW = NC * NS

ZCH = 80
NZCH = N_NODES // ZCH


def _leaky(x):
    return jnp.where(x > 0, x, 0.2 * x)


UNROLL = 6


def _sc_gather_body(nch, p_hbm, q_hbm, cx_hbm, cy_hbm, cz_hbm, rc_hbm,
                    esum_hbm, rad_hbm,
                    idx_v, buf_p, buf_q, buf_rad, cx_t, cy_t, cz_t,
                    gsem0, gsem1, wsem0, wsem1, wsem2,
                    isem0, isem1, isem2):
    NLOOP = UNROLL * pl.cdiv(pl.cdiv(nch, NW), UNROLL)
    wid = lax.axis_index("s") * NC + lax.axis_index("c")
    gsems = (gsem0, gsem1)
    wsems = (wsem0, wsem1, wsem2)
    isems = (isem0, isem1, isem2)

    pltpu.sync_copy(cx_hbm, cx_t)
    pltpu.sync_copy(cy_hbm, cy_t)
    pltpu.sync_copy(cz_hbm, cz_t)

    def cid_of(i):
        return i * NW + wid

    def issue_idx(isl, cid):
        pltpu.async_copy(rc_hbm.at[cid], idx_v.at[isl], isems[isl])

    def wait_idx(isl):
        pltpu.make_async_copy(rc_hbm.at[0], idx_v.at[isl], isems[isl]).wait()

    def issue(isl, qs, ps):
        pltpu.async_copy(p_hbm.at[idx_v.at[isl, 0]], buf_p.at[ps], gsems[qs])
        pltpu.async_copy(q_hbm.at[idx_v.at[isl, 1]], buf_q.at[qs], gsems[qs])

    def wait_gathers(isl, qs, ps):
        pltpu.make_async_copy(p_hbm.at[idx_v.at[isl, 0]], buf_p.at[ps],
                              gsems[qs]).wait()
        pltpu.make_async_copy(q_hbm.at[idx_v.at[isl, 1]], buf_q.at[qs],
                              gsems[qs]).wait()

    def write(ps, cid):
        pltpu.async_copy(buf_p.at[ps], esum_hbm.at[pl.ds(cid * CHUNK, CHUNK)],
                         wsems[ps])
        pltpu.async_copy(buf_rad.at[ps], rad_hbm.at[pl.ds(cid * CHUNK, CHUNK)],
                         wsems[ps])

    def wait_write(ps):
        pltpu.make_async_copy(buf_p.at[ps], esum_hbm.at[pl.ds(0, CHUNK)],
                              wsems[ps]).wait()
        pltpu.make_async_copy(buf_rad.at[ps], rad_hbm.at[pl.ds(0, CHUNK)],
                              wsems[ps]).wait()

    def fuse(isl, qs, ps):
        def grp_body(g, carry):
            iv = idx_v[isl, 0, pl.ds(g * 16, 16)]
            jv = idx_v[isl, 1, pl.ds(g * 16, 16)]
            dx = plsc.load_gather(cx_t, [iv]) - plsc.load_gather(cx_t, [jv])
            dy = plsc.load_gather(cy_t, [iv]) - plsc.load_gather(cy_t, [jv])
            dz = plsc.load_gather(cz_t, [iv]) - plsc.load_gather(cz_t, [jv])
            buf_rad[ps, pl.ds(g * 16, 16)] = dx * dx + dy * dy + dz * dz
            return carry

        lax.fori_loop(0, NGRP, grp_body, 0)

        def add_body(e, carry):
            for k in range(D // 16):
                sl = pl.ds(k * 16, 16)
                plsc.addupdate(buf_p.at[ps, e, sl], buf_q[qs, e, sl])
            return carry

        lax.fori_loop(0, CHUNK, add_body, 0)

    issue_idx(0, cid_of(0))

    @pl.when(cid_of(1) < nch)
    def _():
        issue_idx(1, cid_of(1))

    wait_idx(0)
    issue(0, 0, 0)

    def outer(j, carry):
        for t in range(UNROLL):
            i = j * UNROLL + t
            isl, qs, ps = t % 3, t % 2, t % 3
            isl_n, qs_n, ps_n = (t + 1) % 3, (t + 1) % 2, (t + 1) % 3
            isl_n2 = (t + 2) % 3

            @pl.when(cid_of(i + 2) < nch)
            def _():
                issue_idx(isl_n2, cid_of(i + 2))

            @pl.when(cid_of(i + 1) < nch)
            def _():
                @pl.when(i >= 2)
                def _():
                    wait_write(ps_n)
                wait_idx(isl_n)
                issue(isl_n, qs_n, ps_n)

            @pl.when(cid_of(i) < nch)
            def _():
                wait_gathers(isl, qs, ps)
                fuse(isl, qs, ps)
                write(ps, cid_of(i))

        return carry

    lax.fori_loop(0, NLOOP // UNROLL, outer, 0)
    wait_write(0)
    wait_write(1)
    wait_write(2)


@functools.lru_cache(maxsize=None)
def _sc_gather(nch):
    return pl.kernel(
        functools.partial(_sc_gather_body, nch),
        out_type=(
            jax.ShapeDtypeStruct((nch * CHUNK, D), jnp.float32),
            jax.ShapeDtypeStruct((nch * CHUNK,), jnp.float32),
        ),
        mesh=plsc.VectorSubcoreMesh(
            core_axis_name="c", subcore_axis_name="s",
            num_cores=NC, num_subcores=NS),
        scratch_types=[
            pltpu.VMEM((3, 2, CHUNK), jnp.int32),
            pltpu.VMEM((3, CHUNK, D), jnp.float32),
            pltpu.VMEM((2, CHUNK, D), jnp.float32),
            pltpu.VMEM((3, CHUNK), jnp.float32),
            pltpu.VMEM((N_NODES,), jnp.float32),
            pltpu.VMEM((N_NODES,), jnp.float32),
            pltpu.VMEM((N_NODES,), jnp.float32),
            pltpu.SemaphoreType.DMA,
            pltpu.SemaphoreType.DMA,
            pltpu.SemaphoreType.DMA,
            pltpu.SemaphoreType.DMA,
            pltpu.SemaphoreType.DMA,
            pltpu.SemaphoreType.DMA,
            pltpu.SemaphoreType.DMA,
            pltpu.SemaphoreType.DMA,
        ],
        compiler_params=pltpu.CompilerParams(needs_layout_passes=False),
    )


def _sc_scatter_body(nch, ef_hbm, rc_hbm, zero_hbm, out_hbm,
                     idx_v, ef_v, agg_sh,
                     rsem0, rsem1, ssem0, ssem1):
    NSTEPS = 2 * pl.cdiv(pl.cdiv(pl.cdiv(nch, NC), NS), 2)
    c = lax.axis_index("c")
    s = lax.axis_index("s")
    rsems = (rsem0, rsem1)
    ssems = (ssem0, ssem1)

    z_v = ef_v.at[0, pl.ds(0, ZCH)]
    pltpu.sync_copy(zero_hbm, z_v)
    for i in range(pl.cdiv(NZCH, NS)):
        j = i * NS + s

        @pl.when(j < NZCH)
        def _():
            pltpu.sync_copy(z_v, agg_sh.at[pl.ds(j * ZCH, ZCH)])

    plsc.subcore_barrier()

    def jm_of(i):
        return i * NS + s

    def issue_read(b, m):
        pltpu.async_copy(rc_hbm.at[m], idx_v.at[b], rsems[b])
        pltpu.async_copy(ef_hbm.at[pl.ds(m * CHUNK, CHUNK)], ef_v.at[b],
                         rsems[b])

    def wait_read(b):
        pltpu.make_async_copy(rc_hbm.at[0], idx_v.at[b], rsems[b]).wait()
        pltpu.make_async_copy(ef_hbm.at[pl.ds(0, CHUNK)], ef_v.at[b],
                              rsems[b]).wait()

    def issue_scatter(b):
        pltpu.async_copy(ef_v.at[b], agg_sh.at[idx_v.at[b, 0]], ssems[b],
                         add=True)

    def wait_scatter(b):
        pltpu.make_async_copy(ef_v.at[b], agg_sh.at[idx_v.at[b, 0]],
                              ssems[b]).wait()

    issue_read(0, jm_of(0) * NC + c)

    def outer(jj, carry):
        for t in range(2):
            i = jj * 2 + t
            b, nb = t, 1 - t

            @pl.when(jm_of(i + 1) * NC + c < nch)
            def _():
                @pl.when(i >= 1)
                def _():
                    wait_scatter(nb)
                issue_read(nb, jm_of(i + 1) * NC + c)

            @pl.when(jm_of(i) * NC + c < nch)
            def _():
                wait_read(b)
                issue_scatter(b)

        return carry

    lax.fori_loop(0, NSTEPS // 2, outer, 0)
    wait_scatter(0)
    wait_scatter(1)
    plsc.subcore_barrier()

    for i in range(pl.cdiv(NZCH, NS)):
        j = i * NS + s

        @pl.when(j < NZCH)
        def _():
            off = j * ZCH
            pltpu.sync_copy(agg_sh.at[pl.ds(off, ZCH)], z_v)
            pltpu.sync_copy(z_v, out_hbm.at[c, pl.ds(off, ZCH)])


@functools.lru_cache(maxsize=None)
def _sc_scatter(nch):
    return pl.kernel(
        functools.partial(_sc_scatter_body, nch),
        out_type=jax.ShapeDtypeStruct((NC, N_NODES, D), jnp.float32),
        mesh=plsc.VectorSubcoreMesh(
            core_axis_name="c", subcore_axis_name="s",
            num_cores=NC, num_subcores=NS),
        scratch_types=[
            pltpu.VMEM((2, 2, CHUNK), jnp.int32),
            pltpu.VMEM((2, CHUNK, D), jnp.float32),
            pltpu.VMEM_SHARED((N_NODES, D), jnp.float32),
            pltpu.SemaphoreType.DMA,
            pltpu.SemaphoreType.DMA,
            pltpu.SemaphoreType.DMA,
            pltpu.SemaphoreType.DMA,
        ],
    )


def _tc_prep_body(h_ref, at_ref, bt_ref, p_ref, q_ref):
    hh = h_ref[...]
    p_ref[...] = jnp.dot(hh, at_ref[...], preferred_element_type=jnp.float32)
    q_ref[...] = jnp.dot(hh, bt_ref[...], preferred_element_type=jnp.float32)


def _tc_prep(h, At, Bt):
    return pl.pallas_call(
        _tc_prep_body,
        out_shape=(
            jax.ShapeDtypeStruct((N_NODES, D), jnp.float32),
            jax.ShapeDtypeStruct((N_NODES, D), jnp.float32),
        ),
    )(h, At, Bt)


BE = 3200


def _tc_edge_body(es_ref, rad_ref, mf_ref, ones_ref, wr_ref, b1_ref, w2_ref,
                  b2_ref, out_ref):
    radm = rad_ref[0]
    rows = jnp.broadcast_to(radm[:, None, :], (BE // CHUNK, CHUNK, CHUNK))
    rows = rows.reshape(BE, CHUNK)
    radial = jnp.dot(rows * mf_ref[...], ones_ref[...],
                     preferred_element_type=jnp.float32)
    x = _leaky(es_ref[...] + radial * wr_ref[...] + b1_ref[...])
    y = jnp.dot(x, w2_ref[...], preferred_element_type=jnp.float32) + b2_ref[...]
    out_ref[...] = _leaky(y)


def _tc_edge(esum, radp, mf, ones_col, wr, be1, W2t, be2):
    ne = esum.shape[0]
    grid = (ne // BE,)
    return pl.pallas_call(
        _tc_edge_body,
        grid=grid,
        in_specs=[
            pl.BlockSpec((BE, D), lambda i: (i, 0)),
            pl.BlockSpec((1, BE // CHUNK, CHUNK), lambda i: (i, 0, 0)),
            pl.BlockSpec((BE, CHUNK), lambda i: (0, 0)),
            pl.BlockSpec((CHUNK, 1), lambda i: (0, 0)),
            pl.BlockSpec((1, D), lambda i: (0, 0)),
            pl.BlockSpec((1, D), lambda i: (0, 0)),
            pl.BlockSpec((D, D), lambda i: (0, 0)),
            pl.BlockSpec((1, D), lambda i: (0, 0)),
        ],
        out_specs=pl.BlockSpec((BE, D), lambda i: (i, 0)),
        out_shape=jax.ShapeDtypeStruct((ne, D), jnp.float32),
    )(esum, radp, mf, ones_col, wr, be1, W2t, be2)


def _tc_node_body(h_ref, agg_ref, w1h_ref, w1a_ref, b1_ref,
                  w2_ref, b2_ref, out_ref):
    hh = h_ref[...]
    agg = agg_ref[0] + agg_ref[1]
    x = (jnp.dot(hh, w1h_ref[...], preferred_element_type=jnp.float32)
         + jnp.dot(agg, w1a_ref[...], preferred_element_type=jnp.float32)
         + b1_ref[...])
    x = _leaky(x)
    y = jnp.dot(x, w2_ref[...], preferred_element_type=jnp.float32) + b2_ref[...]
    out_ref[...] = hh + y


def _tc_node(h, aggp, W1ht, W1at, bn1, W2t, bn2):
    return pl.pallas_call(
        _tc_node_body,
        out_shape=jax.ShapeDtypeStruct((N_NODES, D), jnp.float32),
    )(h, aggp, W1ht, W1at, bn1, W2t, bn2)


def kernel(h, edge_index, coord, We1, be1, We2, be2, Wn1, bn1, Wn2, bn2):
    f32 = jnp.float32
    row = edge_index[0].astype(jnp.int32)
    col = edge_index[1].astype(jnp.int32)
    rc = jnp.stack([row.reshape(NCHUNKS, CHUNK),
                    col.reshape(NCHUNKS, CHUNK)], axis=1)
    cx = coord[:, 0].astype(f32)
    cy = coord[:, 1].astype(f32)
    cz = coord[:, 2].astype(f32)

    At = We1[:, :D].T
    Bt = We1[:, D:2 * D].T
    wr = We1[:, 2 * D].reshape(1, D)
    b1e = be1.reshape(1, D)
    W2t = We2.T
    b2e = be2.reshape(1, D)
    W1ht = Wn1[:, :D].T
    W1at = Wn1[:, D:].T
    b1n = bn1.reshape(1, D)
    W2nt = Wn2.T
    b2n = bn2.reshape(1, D)

    P, Q = _tc_prep(h, At, Bt)
    zeros_tile = jnp.zeros((ZCH, D), f32)

    esum, radf = _sc_gather(NCHUNKS)(P, Q, cx, cy, cz, rc)
    radp = radf.reshape(N_EDGES // BE, BE // CHUNK, CHUNK)
    mf = (jnp.arange(BE)[:, None] % CHUNK
          == jnp.arange(CHUNK)[None, :]).astype(f32)
    ones_col = jnp.ones((CHUNK, 1), f32)
    edge_feat = _tc_edge(esum, radp, mf, ones_col, wr, b1e, W2t, b2e)
    aggp = _sc_scatter(NCHUNKS)(edge_feat, rc, zeros_tile)
    h_out = _tc_node(h, aggp, W1ht, W1at, b1n, W2nt, b2n)
    return (h_out, coord, edge_feat)

# --- scband reference (transcript-rebuilt; emitter-appended) ---
"""Pipeline reference for scband-egnn-static-24395414242137 (READ-ONLY COPY).

The authoritative reference and input builder live on the scoring server;
editing this copy changes nothing except your own understanding.
"""

import jax, jax.numpy as jnp
import numpy as np

N_NODES = 10000
N_EDGES = 320000
D = 128
HID = 128

def leaky_relu(x):
    return jnp.where(x > 0, x, 0.2 * x)

def setup_inputs(seed: int = 0) -> dict:
    key = jax.random.key(seed)
    ks = jax.random.split(key, 12)
    h = jax.random.normal(ks[0], (N_NODES, D), dtype=jnp.float32)
    edge_index = jax.random.randint(ks[1], (2, N_EDGES), 0, N_NODES, dtype=jnp.int64)
    coord = jax.random.normal(ks[2], (N_NODES, 3), dtype=jnp.float32)
    # edge_mlp: Linear(2*D+1 -> HID), LeakyReLU(0.2), Linear(HID -> D), LeakyReLU(0.2)
    in_e = 2 * D + 1
    We1 = jax.random.normal(ks[3], (HID, in_e), dtype=jnp.float32) / np.sqrt(in_e)
    be1 = jnp.zeros((HID,), dtype=jnp.float32)
    We2 = jax.random.normal(ks[4], (D, HID), dtype=jnp.float32) / np.sqrt(HID)
    be2 = jnp.zeros((D,), dtype=jnp.float32)
    # node_mlp: Linear(D + D -> HID), LeakyReLU(0.2), Linear(HID -> D)
    Wn1 = jax.random.normal(ks[5], (HID, 2 * D), dtype=jnp.float32) / np.sqrt(2 * D)
    bn1 = jnp.zeros((HID,), dtype=jnp.float32)
    Wn2 = jax.random.normal(ks[6], (D, HID), dtype=jnp.float32) / np.sqrt(HID)
    bn2 = jnp.zeros((D,), dtype=jnp.float32)
    return {"h": h, "edge_index": edge_index, "coord": coord,
            "We1": We1, "be1": be1, "We2": We2, "be2": be2,
            "Wn1": Wn1, "bn1": bn1, "Wn2": Wn2, "bn2": bn2}

def reference(h, edge_index, coord, We1, be1, We2, be2, Wn1, bn1, Wn2, bn2):
    row = edge_index[0]
    col = edge_index[1]
    # coord2radial
    coord_diff = coord[row] - coord[col]
    radial = jnp.sum(coord_diff ** 2, axis=1, keepdims=True)
    # edge_model (no edge_attr, no_3D=False, coords_weight=0 so no coord update)
    edge_in = jnp.concatenate([h[row], h[col], radial], axis=1)
    e = leaky_relu(edge_in @ We1.T + be1)
    edge_feat = leaky_relu(e @ We2.T + be2)
    # node_model: unsorted_segment_sum over row
    agg = jax.ops.segment_sum(edge_feat, row, num_segments=h.shape[0])
    node_in = jnp.concatenate([h, agg], axis=1)
    out = leaky_relu(node_in @ Wn1.T + bn1) @ Wn2.T + bn2
    h_out = h + out  # residual=True
    return (h_out, coord, edge_feat)

if __name__ == "__main__":
    import jax
    _d = setup_inputs()
    print(jax.jit(kernel)(*tuple(_d.values())))

</pallas_src>

<mosaic_0001>
#map = affine_map<(d0, d1) -> (0, 0)>
#map1 = affine_map<(d0, d1) -> (0)>
#map2 = affine_map<(d0, d1) -> (0, 0, 0)>
module attributes {stable_mosaic.version = 14 : i64} {
  func.func @_sc_gather_body(%arg0: i32, %arg1: i32, %arg2: memref<10000x128xf32, #tpu.memory_space<hbm>>, %arg3: memref<10000x128xf32, #tpu.memory_space<hbm>>, %arg4: memref<10000xf32, #tpu.memory_space<hbm>>, %arg5: memref<10000xf32, #tpu.memory_space<hbm>>, %arg6: memref<10000xf32, #tpu.memory_space<hbm>>, %arg7: memref<2500x2x128xi32, #tpu.memory_space<hbm>>, %arg8: memref<320000x128xf32, #tpu.memory_space<hbm>>, %arg9: memref<320000xf32, #tpu.memory_space<hbm>>, %arg10: memref<3x2x128xi32, #tpu.memory_space<vmem>>, %arg11: memref<3x128x128xf32, #tpu.memory_space<vmem>>, %arg12: memref<2x128x128xf32, #tpu.memory_space<vmem>>, %arg13: memref<3x128xf32, #tpu.memory_space<vmem>>, %arg14: memref<10000xf32, #tpu.memory_space<vmem>>, %arg15: memref<10000xf32, #tpu.memory_space<vmem>>, %arg16: memref<10000xf32, #tpu.memory_space<vmem>>, %arg17: memref<!tpu.dma_semaphore, #tpu.memory_space<semaphore_mem>>, %arg18: memref<!tpu.dma_semaphore, #tpu.memory_space<semaphore_mem>>, %arg19: memref<!tpu.dma_semaphore, #tpu.memory_space<semaphore_mem>>, %arg20: memref<!tpu.dma_semaphore, #tpu.memory_space<semaphore_mem>>, %arg21: memref<!tpu.dma_semaphore, #tpu.memory_space<semaphore_mem>>, %arg22: memref<!tpu.dma_semaphore, #tpu.memory_space<semaphore_mem>>, %arg23: memref<!tpu.dma_semaphore, #tpu.memory_space<semaphore_mem>>, %arg24: memref<!tpu.dma_semaphore, #tpu.memory_space<semaphore_mem>>) attributes {dimension_semantics = [#tpu.dimension_semantics<core_parallel>, #tpu.dimension_semantics<subcore_parallel>], iteration_bounds = array<i64: 2, 16>, scalar_prefetch = 0 : i64, scratch_operands = 15 : i64, tpu.core_type = #tpu.core_type<sc_vector_subcore>, window_params = [{transform_indices = #map}, {transform_indices = #map}, {transform_indices = #map1}, {transform_indices = #map1}, {transform_indices = #map1}, {transform_indices = #map2}, {transform_indices = #map}, {transform_indices = #map1}]} {
    %mul3A = arith.constant 2 : i32
    %mul3A_0 = arith.muli %arg1, %mul3A : i32
    %add3A = arith.addi %mul3A_0, %arg0 : i32
    "tpu.region"() ({
      %run_scoped3A = tpu.sem_alloc : memref<!tpu.dma_semaphore, #tpu.memory_space<semaphore_mem>>
      tpu.enqueue_dma source(%arg4 : memref<10000xf32, #tpu.memory_space<hbm>>) target(%arg14 : memref<10000xf32, #tpu.memory_space<vmem>>) target_semaphore(%run_scoped3A : memref<!tpu.dma_semaphore, #tpu.memory_space<semaphore_mem>>)
      tpu.wait_dma2 semaphore(%run_scoped3A : memref<!tpu.dma_semaphore, #tpu.memory_space<semaphore_mem>>) src(%arg4 : memref<10000xf32, #tpu.memory_space<hbm>>) dst(%arg14 : memref<10000xf32, #tpu.memory_space<vmem>>)
      tpu.yield
    }) : () -> ()
    "tpu.region"() ({
      %run_scoped3A = tpu.sem_alloc : memref<!tpu.dma_semaphore, #tpu.memory_space<semaphore_mem>>
      tpu.enqueue_dma source(%arg5 : memref<10000xf32, #tpu.memory_space<hbm>>) target(%arg15 : memref<10000xf32, #tpu.memory_space<vmem>>) target_semaphore(%run_scoped3A : memref<!tpu.dma_semaphore, #tpu.memory_space<semaphore_mem>>)
      tpu.wait_dma2 semaphore(%run_scoped3A : memref<!tpu.dma_semaphore, #tpu.memory_space<semaphore_mem>>) src(%arg5 : memref<10000xf32, #tpu.memory_space<hbm>>) dst(%arg15 : memref<10000xf32, #tpu.memory_space<vmem>>)
      tpu.yield
    }) : () -> ()
    "tpu.region"() ({
      %run_scoped3A = tpu.sem_alloc : memref<!tpu.dma_semaphore, #tpu.memory_space<semaphore_mem>>
      tpu.enqueue_dma source(%arg6 : memref<10000xf32, #tpu.memory_space<hbm>>) target(%arg16 : memref<10000xf32, #tpu.memory_space<vmem>>) target_semaphore(%run_scoped3A : memref<!tpu.dma_semaphore, #tpu.memory_space<semaphore_mem>>)
      tpu.wait_dma2 semaphore(%run_scoped3A : memref<!tpu.dma_semaphore, #tpu.memory_space<semaphore_mem>>) src(%arg6 : memref<10000xf32, #tpu.memory_space<hbm>>) dst(%arg16 : memref<10000xf32, #tpu.memory_space<vmem>>)
      tpu.yield
    }) : () -> ()
    %add3A_1 = arith.constant 0 : i32
    %add3A_2 = arith.addi %add3A_1, %add3A : i32
    %dma_start3A = arith.constant 0 : i32
    %dma_start3A_3 = arith.constant 0 : i32
    %dma_start3A_4 = arith.constant 0 : i32
    %dma_start3A_5 = tpu.memref_slice %arg10[%dma_start3A, %dma_start3A_3, %dma_start3A_4] : memref<3x2x128xi32, #tpu.memory_space<vmem>> -> memref<1x2x128xi32, #tpu.memory_space<vmem>>
    %dma_start3A_6 = tpu.memref_squeeze %dma_start3A_5 : memref<1x2x128xi32, #tpu.memory_space<vmem>> -> memref<2x128xi32, #tpu.memory_space<vmem>>
    %dma_start3A_7 = arith.constant 0 : i32
    %dma_start3A_8 = arith.constant 0 : i32
    %dma_start3A_9 = tpu.memref_slice %arg7[%add3A_2, %dma_start3A_7, %dma_start3A_8] : memref<2500x2x128xi32, #tpu.memory_space<hbm>> -> memref<1x2x128xi32, #tpu.memory_space<hbm>>
    %dma_start3A_10 = tpu.memref_squeeze %dma_start3A_9 : memref<1x2x128xi32, #tpu.memory_space<hbm>> -> memref<2x128xi32, #tpu.memory_space<hbm>>
    %dma_start3A_11 = arith.constant 0 : i32
    %dma_start3A_12 = arith.constant 0 : i32
    %dma_start3A_13 = tpu.memref_slice %arg10[%dma_start3A, %dma_start3A_11, %dma_start3A_12] : memref<3x2x128xi32, #tpu.memory_space<vmem>> -> memref<1x2x128xi32, #tpu.memory_space<vmem>>
    %dma_start3A_14 = tpu.memref_squeeze %dma_start3A_13 : memref<1x2x128xi32, #tpu.memory_space<vmem>> -> memref<2x128xi32, #tpu.memory_space<vmem>>
    %dma_start3A_15 = arith.constant 0 : i32
    %dma_start3A_16 = arith.constant 0 : i32
    %dma_start3A_17 = tpu.memref_slice %arg7[%add3A_2, %dma_start3A_15, %dma_start3A_16] : memref<2500x2x128xi32, #tpu.memory_space<hbm>> -> memref<1x2x128xi32, #tpu.memory_space<hbm>>
    %dma_start3A_18 = tpu.memref_squeeze %dma_start3A_17 : memref<1x2x128xi32, #tpu.memory_space<hbm>> -> memref<2x128xi32, #tpu.memory_space<hbm>>
    tpu.enqueue_dma source(%dma_start3A_18 : memref<2x128xi32, #tpu.memory_space<hbm>>) target(%dma_start3A_14 : memref<2x128xi32, #tpu.memory_space<vmem>>) target_semaphore(%arg22 : memref<!tpu.dma_semaphore, #tpu.memory_space<semaphore_mem>>)
    %add3A_19 = arith.constant 32 : i32
    %add3A_20 = arith.addi %add3A_19, %add3A : i32
    %lt3A = arith.constant 2500 : i32
    %lt3A_21 = arith.cmpi slt, %add3A_20, %lt3A : i32
    %convert_element_type3A = arith.extui %lt3A_21 : i1 to i32
    %cond3A = arith.constant 0 : i32
    %cond3A_22 = arith.cmpi ne, %convert_element_type3A, %cond3A : i32
    scf.if %cond3A_22 {
      %add3A_149 = arith.constant 32 : i32
      %add3A_150 = arith.addi %add3A_149, %add3A : i32
      %dma_start3A_151 = arith.constant 1 : i32
      %dma_start3A_152 = arith.constant 0 : i32
      %dma_start3A_153 = arith.constant 0 : i32
      %dma_start3A_154 = tpu.memref_slice %arg10[%dma_start3A_151, %dma_start3A_152, %dma_start3A_153] : memref<3x2x128xi32, #tpu.memory_space<vmem>> -> memref<1x2x128xi32, #tpu.memory_space<vmem>>
      %dma_start3A_155 = tpu.memref_squeeze %dma_start3A_154 : memref<1x2x128xi32, #tpu.memory_space<vmem>> -> memref<2x128xi32, #tpu.memory_space<vmem>>
      %dma_start3A_156 = arith.constant 0 : i32
      %dma_start3A_157 = arith.constant 0 : i32
      %dma_start3A_158 = tpu.memref_slice %arg7[%add3A_150, %dma_start3A_156, %dma_start3A_157] : memref<2500x2x128xi32, #tpu.memory_space<hbm>> -> memref<1x2x128xi32, #tpu.memory_space<hbm>>
      %dma_start3A_159 = tpu.memref_squeeze %dma_start3A_158 : memref<1x2x128xi32, #tpu.memory_space<hbm>> -> memref<2x128xi32, #tpu.memory_space<hbm>>
      %dma_start3A_160 = arith.constant 0 : i32
      %dma_start3A_161 = arith.constant 0 : i32
      %dma_start3A_162 = tpu.memref_slice %arg10[%dma_start3A_151, %dma_start3A_160, %dma_start3A_161] : memref<3x2x128xi32, #tpu.memory_space<vmem>> -> memref<1x2x128xi32, #tpu.memory_space<vmem>>
      %dma_start3A_163 = tpu.memref_squeeze %dma_start3A_162 : memref<1x2x128xi32, #tpu.memory_space<vmem>> -> memref<2x128xi32, #tpu.memory_space<vmem>>
      %dma_start3A_164 = arith.constant 0 : i32
      %dma_start3A_165 = arith.constant 0 : i32
      %dma_start3A_166 = tpu.memref_slice %arg7[%add3A_150, %dma_start3A_164, %dma_start3A_165] : memref<2500x2x128xi32, #tpu.memory_space<hbm>> -> memref<1x2x128xi32, #tpu.memory_space<hbm>>
      %dma_start3A_167 = tpu.memref_squeeze %dma_start3A_166 : memref<1x2x128xi32, #tpu.memory_space<hbm>> -> memref<2x128xi32, #tpu.memory_space<hbm>>
      tpu.enqueue_dma source(%dma_start3A_167 : memref<2x128xi32, #tpu.memory_space<hbm>>) target(%dma_start3A_163 : memref<2x128xi32, #tpu.memory_space<vmem>>) target_semaphore(%arg23 : memref<!tpu.dma_semaphore, #tpu.memory_space<semaphore_mem>>)
    } else {
    }
    %dma_wait3A = arith.constant 0 : i32
    %dma_wait3A_23 = arith.constant 0 : i32
    %dma_wait3A_24 = arith.constant 0 : i32
    %dma_wait3A_25 = arith.constant 0 : i32
    %dma_wait3A_26 = tpu.memref_slice %arg10[%dma_wait3A_23, %dma_wait3A_24, %dma_wait3A_25] : memref<3x2x128xi32, #tpu.memory_space<vmem>> -> memref<1x2x128xi32, #tpu.memory_space<vmem>>
    %dma_wait3A_27 = tpu.memref_squeeze %dma_wait3A_26 : memref<1x2x128xi32, #tpu.memory_space<vmem>> -> memref<2x128xi32, #tpu.memory_space<vmem>>
    %dma_wait3A_28 = arith.constant 0 : i32
    %dma_wait3A_29 = arith.constant 0 : i32
    %dma_wait3A_30 = tpu.memref_slice %arg7[%dma_wait3A, %dma_wait3A_28, %dma_wait3A_29] : memref<2500x2x128xi32, #tpu.memory_space<hbm>> -> memref<1x2x128xi32, #tpu.memory_space<hbm>>
    %dma_wait3A_31 = tpu.memref_squeeze %dma_wait3A_30 : memref<1x2x128xi32, #tpu.memory_space<hbm>> -> memref<2x128xi32, #tpu.memory_space<hbm>>
    %dma_wait3A_32 = arith.constant 0 : i32
    %dma_wait3A_33 = arith.constant 0 : i32
    %dma_wait3A_34 = tpu.memref_slice %arg10[%dma_wait3A_23, %dma_wait3A_32, %dma_wait3A_33] : memref<3x2x128xi32, #tpu.memory_space<vmem>> -> memref<1x2x128xi32, #tpu.memory_space<vmem>>
    %dma_wait3A_35 = tpu.memref_squeeze %dma_wait3A_34 : memref<1x2x128xi32, #tpu.memory_space<vmem>> -> memref<2x128xi32, #tpu.memory_space<vmem>>
    %dma_wait3A_36 = arith.constant 0 : i32
    %dma_wait3A_37 = arith.constant 0 : i32
    %dma_wait3A_38 = tpu.memref_slice %arg7[%dma_wait3A, %dma_wait3A_36, %dma_wait3A_37] : memref<2500x2x128xi32, #tpu.memory_space<hbm>> -> memref<1x2x128xi32, #tpu.memory_space<hbm>>
    %dma_wait3A_39 = tpu.memref_squeeze %dma_wait3A_38 : memref<1x2x128xi32, #tpu.memory_space<hbm>> -> memref<2x128xi32, #tpu.memory_space<hbm>>
    tpu.wait_dma2 semaphore(%arg22 : memref<!tpu.dma_semaphore, #tpu.memory_space<semaphore_mem>>) src(%dma_wait3A_39 : memref<2x128xi32, #tpu.memory_space<hbm>>) dst(%dma_wait3A_35 : memref<2x128xi32, #tpu.memory_space<vmem>>)
    %dma_start3A_40 = arith.constant 0 : i32
    %dma_start3A_41 = arith.constant 0 : i32
    %dma_start3A_42 = arith.constant 0 : i32
    %dma_start3A_43 = arith.constant 0 : i32
    %dma_start3A_44 = arith.constant 0 : i32
    %dma_start3A_45 = tpu.memref_slice %arg11[%dma_start3A_42, %dma_start3A_43, %dma_start3A_44] : memref<3x128x128xf32, #tpu.memory_space<vmem>> -> memref<1x128x128xf32, #tpu.memory_space<vmem>>
    %dma_start3A_46 = tpu.memref_squeeze %dma_start3A_45 : memref<1x128x128xf32, #tpu.memory_space<vmem>> -> memref<128x128xf32, #tpu.memory_space<vmem>>
    %dma_start3A_47 = arith.constant 0 : i32
    %dma_start3A_48 = tpu.memref_slice %arg10[%dma_start3A_40, %dma_start3A_41, %dma_start3A_47] : memref<3x2x128xi32, #tpu.memory_space<vmem>> -> memref<1x1x128xi32, #tpu.memory_space<vmem>>
    %dma_start3A_49 = tpu.memref_squeeze %dma_start3A_48 : memref<1x1x128xi32, #tpu.memory_space<vmem>> -> memref<128xi32, #tpu.memory_space<vmem>>
    %dma_start3A_50 = arith.constant 0 : i32
    %dma_start3A_51 = arith.constant 0 : i32
    %dma_start3A_52 = tpu.memref_slice %arg2[%dma_start3A_50, %dma_start3A_51] : memref<10000x128xf32, #tpu.memory_space<hbm>> -> memref<10000x128xf32, #tpu.memory_space<hbm>>
    tpu.enqueue_indirect_dma source(%dma_start3A_52 : memref<10000x128xf32, #tpu.memory_space<hbm>>) target(%dma_start3A_46 : memref<128x128xf32, #tpu.memory_space<vmem>>) offsets(%dma_start3A_49 : memref<128xi32, #tpu.memory_space<vmem>>) semaphore(%arg17 : memref<!tpu.dma_semaphore, #tpu.memory_space<semaphore_mem>>)
    %dma_start3A_53 = arith.constant 0 : i32
    %dma_start3A_54 = arith.constant 1 : i32
    %dma_start3A_55 = arith.constant 0 : i32
    %dma_start3A_56 = arith.constant 0 : i32
    %dma_start3A_57 = arith.constant 0 : i32
    %dma_start3A_58 = tpu.memref_slice %arg12[%dma_start3A_55, %dma_start3A_56, %dma_start3A_57] : memref<2x128x128xf32, #tpu.memory_space<vmem>> -> memref<1x128x128xf32, #tpu.memory_space<vmem>>
    %dma_start3A_59 = tpu.memref_squeeze %dma_start3A_58 : memref<1x128x128xf32, #tpu.memory_space<vmem>> -> memref<128x128xf32, #tpu.memory_space<vmem>>
    %dma_start3A_60 = arith.constant 0 : i32
    %dma_start3A_61 = tpu.memref_slice %arg10[%dma_start3A_53, %dma_start3A_54, %dma_start3A_60] : memref<3x2x128xi32, #tpu.memory_space<vmem>> -> memref<1x1x128xi32, #tpu.memory_space<vmem>>
    %dma_start3A_62 = tpu.memref_squeeze %dma_start3A_61 : memref<1x1x128xi32, #tpu.memory_space<vmem>> -> memref<128xi32, #tpu.memory_space<vmem>>
    %dma_start3A_63 = arith.constant 0 : i32
    %dma_start3A_64 = arith.constant 0 : i32
    %dma_start3A_65 = tpu.memref_slice %arg3[%dma_start3A_63, %dma_start3A_64] : memref<10000x128xf32, #tpu.memory_space<hbm>> -> memref<10000x128xf32, #tpu.memory_space<hbm>>
    tpu.enqueue_indirect_dma source(%dma_start3A_65 : memref<10000x128xf32, #tpu.memory_space<hbm>>) target(%dma_start3A_59 : memref<128x128xf32, #tpu.memory_space<vmem>>) offsets(%dma_start3A_62 : memref<128xi32, #tpu.memory_space<vmem>>) semaphore(%arg17 : memref<!tpu.dma_semaphore, #tpu.memory_space<semaphore_mem>>)
    %scan3A = arith.constant 0 : i32
    %scan3A_66 = arith.constant 0 : i32
    %scan3A_67 = arith.constant 14 : i32
    %scan3A_68 = arith.addi %scan3A_66, %scan3A_67 : i32
    %scan3A_69 = arith.constant 1 : i32
    scf.for %scan3A_149 = %scan3A_66 to %scan3A_68 step %scan3A_69  : i32 {
      %mul3A_150 = arith.constant 6 : i32
      %mul3A_151 = arith.muli %scan3A_149, %mul3A_150 : i32
      %add3A_152 = arith.constant 0 : i32
      %add3A_153 = arith.addi %mul3A_151, %add3A_152 : i32
      %add3A_154 = arith.constant 2 : i32
      %add3A_155 = arith.addi %add3A_153, %add3A_154 : i32
      %mul3A_156 = arith.constant 32 : i32
      %mul3A_157 = arith.muli %add3A_155, %mul3A_156 : i32
      %add3A_158 = arith.addi %mul3A_157, %add3A : i32
      %lt3A_159 = arith.constant 2500 : i32
      %lt3A_160 = arith.cmpi slt, %add3A_158, %lt3A_159 : i32
      %convert_element_type3A_161 = arith.extui %lt3A_160 : i1 to i32
      %cond3A_162 = arith.constant 0 : i32
      %cond3A_163 = arith.cmpi ne, %convert_element_type3A_161, %cond3A_162 : i32
      scf.if %cond3A_163 {
        %add3A_342 = arith.constant 2 : i32
        %add3A_343 = arith.addi %add3A_153, %add3A_342 : i32
        %mul3A_344 = arith.constant 32 : i32
        %mul3A_345 = arith.muli %add3A_343, %mul3A_344 : i32
        %add3A_346 = arith.addi %mul3A_345, %add3A : i32
        %dma_start3A_347 = arith.constant 2 : i32
        %dma_start3A_348 = arith.constant 0 : i32
        %dma_start3A_349 = arith.constant 0 : i32
        %dma_start3A_350 = tpu.memref_slice %arg10[%dma_start3A_347, %dma_start3A_348, %dma_start3A_349] : memref<3x2x128xi32, #tpu.memory_space<vmem>> -> memref<1x2x128xi32, #tpu.memory_space<vmem>>
        %dma_start3A_351 = tpu.memref_squeeze %dma_start3A_350 : memref<1x2x128xi32, #tpu.memory_space<vmem>> -> memref<2x128xi32, #tpu.memory_space<vmem>>
        %dma_start3A_352 = arith.constant 0 : i32
        %dma_start3A_353 = arith.constant 0 : i32
        %dma_start3A_354 = tpu.memref_slice %arg7[%add3A_346, %dma_start3A_352, %dma_start3A_353] : memref<2500x2x128xi32, #tpu.memory_space<hbm>> -> memref<1x2x128xi32, #tpu.memory_space<hbm>>
        %dma_start3A_355 = tpu.memref_squeeze %dma_start3A_354 : memref<1x2x128xi32, #tpu.memory_space<hbm>> -> memref<2x128xi32, #tpu.memory_space<hbm>>
        %dma_start3A_356 = arith.constant 0 : i32
        %dma_start3A_357 = arith.constant 0 : i32
        %dma_start3A_358 = tpu.memref_slice %arg10[%dma_start3A_347, %dma_start3A_356, %dma_start3A_357] : memref<3x2x128xi32, #tpu.memory_space<vmem>> -> memref<1x2x128xi32, #tpu.memory_space<vmem>>
        %dma_start3A_359 = tpu.memref_squeeze %dma_start3A_358 : memref<1x2x128xi32, #tpu.memory_space<vmem>> -> memref<2x128xi32, #tpu.memory_space<vmem>>
        %dma_start3A_360 = arith.constant 0 : i32
        %dma_start3A_361 = arith.constant 0 : i32
        %dma_start3A_362 = tpu.memref_slice %arg7[%add3A_346, %dma_start3A_360, %dma_start3A_361] : memref<2500x2x128xi32, #tpu.memory_space<hbm>> -> memref<1x2x128xi32, #tpu.memory_space<hbm>>
        %dma_start3A_363 = tpu.memref_squeeze %dma_start3A_362 : memref<1x2x128xi32, #tpu.memory_space<hbm>> -> memref<2x128xi32, #tpu.memory_space<hbm>>
        tpu.enqueue_dma source(%dma_start3A_363 : memref<2x128xi32, #tpu.memory_space<hbm>>) target(%dma_start3A_359 : memref<2x128xi32, #tpu.memory_space<vmem>>) target_semaphore(%arg24 : memref<!tpu.dma_semaphore, #tpu.memory_space<semaphore_mem>>)
      } else {
      }
      %add3A_164 = arith.constant 1 : i32
      %add3A_165 = arith.addi %add3A_153, %add3A_164 : i32
      %mul3A_166 = arith.constant 32 : i32
      %mul3A_167 = arith.muli %add3A_165, %mul3A_166 : i32
      %add3A_168 = arith.addi %mul3A_167, %add3A : i32
      %lt3A_169 = arith.constant 2500 : i32
      %lt3A_170 = arith.cmpi slt, %add3A_168, %lt3A_169 : i32
      %convert_element_type3A_171 = arith.extui %lt3A_170 : i1 to i32
      %cond3A_172 = arith.constant 0 : i32
      %cond3A_173 = arith.cmpi ne, %convert_element_type3A_171, %cond3A_172 : i32
      scf.if %cond3A_173 {
        %ge3A = arith.constant 2 : i32
        %ge3A_342 = arith.cmpi sge, %add3A_153, %ge3A : i32
        %convert_element_type3A_343 = arith.extui %ge3A_342 : i1 to i32
        %cond3A_344 = arith.constant 0 : i32
        %cond3A_345 = arith.cmpi ne, %convert_element_type3A_343, %cond3A_344 : i32
        scf.if %cond3A_345 {
          %dma_wait3A_390 = arith.constant 1 : i32
          %dma_wait3A_391 = arith.constant 0 : i32
          %dma_wait3A_392 = arith.constant 0 : i32
          %dma_wait3A_393 = tpu.memref_slice %arg11[%dma_wait3A_390, %dma_wait3A_391, %dma_wait3A_392] : memref<3x128x128xf32, #tpu.memory_space<vmem>> -> memref<1x128x128xf32, #tpu.memory_space<vmem>>
          %dma_wait3A_394 = tpu.memref_squeeze %dma_wait3A_393 : memref<1x128x128xf32, #tpu.memory_space<vmem>> -> memref<128x128xf32, #tpu.memory_space<vmem>>
          %dma_wait3A_395 = arith.constant 0 : i32
          %dma_wait3A_396 = arith.constant 0 : i32
          %dma_wait3A_397 = tpu.memref_slice %arg8[%dma_wait3A_395, %dma_wait3A_396] : memref<320000x128xf32, #tpu.memory_space<hbm>> -> memref<128x128xf32, #tpu.memory_space<hbm>>
          %dma_wait3A_398 = arith.constant 0 : i32
          %dma_wait3A_399 = arith.constant 0 : i32
          %dma_wait3A_400 = tpu.memref_slice %arg8[%dma_wait3A_398, %dma_wait3A_399] : memref<320000x128xf32, #tpu.memory_space<hbm>> -> memref<128x128xf32, #tpu.memory_space<hbm>>
          %dma_wait3A_401 = arith.constant 0 : i32
          %dma_wait3A_402 = arith.constant 0 : i32
          %dma_wait3A_403 = tpu.memref_slice %arg11[%dma_wait3A_390, %dma_wait3A_401, %dma_wait3A_402] : memref<3x128x128xf32, #tpu.memory_space<vmem>> -> memref<1x128x128xf32, #tpu.memory_space<vmem>>
          %dma_wait3A_404 = tpu.memref_squeeze %dma_wait3A_403 : memref<1x128x128xf32, #tpu.memory_space<vmem>> -> memref<128x128xf32, #tpu.memory_space<vmem>>
          tpu.wait_dma2 semaphore(%arg20 : memref<!tpu.dma_semaphore, #tpu.memory_space<semaphore_mem>>) src(%dma_wait3A_404 : memref<128x128xf32, #tpu.memory_space<vmem>>) dst(%dma_wait3A_400 : memref<128x128xf32, #tpu.memory_space<hbm>>)
          %dma_wait3A_405 = arith.constant 1 : i32
          %dma_wait3A_406 = arith.constant 0 : i32
          %dma_wait3A_407 = tpu.memref_slice %arg13[%dma_wait3A_405, %dma_wait3A_406] : memref<3x128xf32, #tpu.memory_space<vmem>> -> memref<1x128xf32, #tpu.memory_space<vmem>>
          %dma_wait3A_408 = tpu.memref_squeeze %dma_wait3A_407 : memref<1x128xf32, #tpu.memory_space<vmem>> -> memref<128xf32, #tpu.memory_space<vmem>>
          %dma_wait3A_409 = arith.constant 0 : i32
          %dma_wait3A_410 = tpu.memref_slice %arg9[%dma_wait3A_409] : memref<320000xf32, #tpu.memory_space<hbm>> -> memref<128xf32, #tpu.memory_space<hbm>>
          %dma_wait3A_411 = arith.constant 0 : i32
          %dma_wait3A_412 = tpu.memref_slice %arg9[%dma_wait3A_411] : memref<320000xf32, #tpu.memory_space<hbm>> -> memref<128xf32, #tpu.memory_space<hbm>>
          %dma_wait3A_413 = arith.constant 0 : i32
          %dma_wait3A_414 = tpu.memref_slice %arg13[%dma_wait3A_405, %dma_wait3A_413] : memref<3x128xf32, #tpu.memory_space<vmem>> -> memref<1x128xf32, #tpu.memory_space<vmem>>
          %dma_wait3A_415 = tpu.memref_squeeze %dma_wait3A_414 : memref<1x128xf32, #tpu.memory_space<vmem>> -> memref<128xf32, #tpu.memory_space<vmem>>
          tpu.wait_dma2 semaphore(%arg20 : memref<!tpu.dma_semaphore, #tpu.memory_space<semaphore_mem>>) src(%dma_wait3A_415 : memref<128xf32, #tpu.memory_space<vmem>>) dst(%dma_wait3A_412 : memref<128xf32, #tpu.memory_space<hbm>>)
        } else {
        }
        %dma_wait3A_346 = arith.constant 0 : i32
        %dma_wait3A_347 = arith.constant 1 : i32
        %dma_wait3A_348 = arith.constant 0 : i32
        %dma_wait3A_349 = arith.constant 0 : i32
        %dma_wait3A_350 = tpu.memref_slice %arg10[%dma_wait3A_347, %dma_wait3A_348, %dma_wait3A_349] : memref<3x2x128xi32, #tpu.memory_space<vmem>> -> memref<1x2x128xi32, #tpu.memory_space<vmem>>
        %dma_wait3A_351 = tpu.memref_squeeze %dma_wait3A_350 : memref<1x2x128xi32, #tpu.memory_space<vmem>> -> memref<2x128xi32, #tpu.memory_space<vmem>>
        %dma_wait3A_352 = arith.constant 0 : i32
        %dma_wait3A_353 = arith.constant 0 : i32
        %dma_wait3A_354 = tpu.memref_slice %arg7[%dma_wait3A_346, %dma_wait3A_352, %dma_wait3A_353] : memref<2500x2x128xi32, #tpu.memory_space<hbm>> -> memref<1x2x128xi32, #tpu.memory_space<hbm>>
        %dma_wait3A_355 = tpu.memref_squeeze %dma_wait3A_354 : memref<1x2x128xi32, #tpu.memory_space<hbm>> -> memref<2x128xi32, #tpu.memory_space<hbm>>
        %dma_wait3A_356 = arith.constant 0 : i32
        %dma_wait3A_357 = arith.constant 0 : i32
        %dma_wait3A_358 = tpu.memref_slice %arg10[%dma_wait3A_347, %dma_wait3A_356, %dma_wait3A_357] : memref<3x2x128xi32, #tpu.memory_space<vmem>> -> memref<1x2x128xi32, #tpu.memory_space<vmem>>
        %dma_wait3A_359 = tpu.memref_squeeze %dma_wait3A_358 : memref<1x2x128xi32, #tpu.memory_space<vmem>> -> memref<2x128xi32, #tpu.memory_space<vmem>>
        %dma_wait3A_360 = arith.constant 0 : i32
        %dma_wait3A_361 = arith.constant 0 : i32
        %dma_wait3A_362 = tpu.memref_slice %arg7[%dma_wait3A_346, %dma_wait3A_360, %dma_wait3A_361] : memref<2500x2x128xi32, #tpu.memory_space<hbm>> -> memref<1x2x128xi32, #tpu.memory_space<hbm>>
        %dma_wait3A_363 = tpu.memref_squeeze %dma_wait3A_362 : memref<1x2x128xi32, #tpu.memory_space<hbm>> -> memref<2x128xi32, #tpu.memory_space<hbm>>
        tpu.wait_dma2 semaphore(%arg23 : memref<!tpu.dma_semaphore, #tpu.memory_space<semaphore_mem>>) src(%dma_wait3A_363 : memref<2x128xi32, #tpu.memory_space<hbm>>) dst(%dma_wait3A_359 : memref<2x128xi32, #tpu.memory_space<vmem>>)
        %dma_start3A_364 = arith.constant 1 : i32
        %dma_start3A_365 = arith.constant 0 : i32
        %dma_start3A_366 = arith.constant 1 : i32
        %dma_start3A_367 = arith.constant 0 : i32
        %dma_start3A_368 = arith.constant 0 : i32
        %dma_start3A_369 = tpu.memref_slice %arg11[%dma_start3A_366, %dma_start3A_367, %dma_start3A_368] : memref<3x128x128xf32, #tpu.memory_space<vmem>> -> memref<1x128x128xf32, #tpu.memory_space<vmem>>
        %dma_start3A_370 = tpu.memref_squeeze %dma_start3A_369 : memref<1x128x128xf32, #tpu.memory_space<vmem>> -> memref<128x128xf32, #tpu.memory_space<vmem>>
        %dma_start3A_371 = arith.constant 0 : i32
        %dma_start3A_372 = tpu.memref_slice %arg10[%dma_start3A_364, %dma_start3A_365, %dma_start3A_371] : memref<3x2x128xi32, #tpu.memory_space<vmem>> -> memref<1x1x128xi32, #tpu.memory_space<vmem>>
        %dma_start3A_373 = tpu.memref_squeeze %dma_start3A_372 : memref<1x1x128xi32, #tpu.memory_space<vmem>> -> memref<128xi32, #tpu.memory_space<vmem>>
        %dma_start3A_374 = arith.constant 0 : i32
        %dma_start3A_375 = arith.constant 0 : i32
        %dma_start3A_376 = tpu.memref_slice %arg2[%dma_start3A_374, %dma_start3A_375] : memref<10000x128xf32, #tpu.memory_space<hbm>> -> memref<10000x128xf32, #tpu.memory_space<hbm>>
        tpu.enqueue_indirect_dma source(%dma_start3A_376 : memref<10000x128xf32, #tpu.memory_space<hbm>>) target(%dma_start3A_370 : memref<128x128xf32, #tpu.memory_space<vmem>>) offsets(%dma_start3A_373 : memref<128xi32, #tpu.memory_space<vmem>>) semaphore(%arg18 : memref<!tpu.dma_semaphore, #tpu.memory_space<semaphore_mem>>)
        %dma_start3A_377 = arith.constant 1 : i32
        %dma_start3A_378 = arith.constant 1 : i32
        %dma_start3A_379 = arith.constant 1 : i32
        %dma_start3A_380 = arith.constant 0 : i32
        %dma_start3A_381 = arith.constant 0 : i32
        %dma_start3A_382 = tpu.memref_slice %arg12[%dma_start3A_379, %dma_start3A_380, %dma_start3A_381] : memref<2x128x128xf32, #tpu.memory_space<vmem>> -> memref<1x128x128xf32, #tpu.memory_space<vmem>>
        %dma_start3A_383 = tpu.memref_squeeze %dma_start3A_382 : memref<1x128x128xf32, #tpu.memory_space<vmem>> -> memref<128x128xf32, #tpu.memory_space<vmem>>
        %dma_start3A_384 = arith.constant 0 : i32
        %dma_start3A_385 = tpu.memref_slice %arg10[%dma_start3A_377, %dma_start3A_378, %dma_start3A_384] : memref<3x2x128xi32, #tpu.memory_space<vmem>> -> memref<1x1x128xi32, #tpu.memory_space<vmem>>
        %dma_start3A_386 = tpu.memref_squeeze %dma_start3A_385 : memref<1x1x128xi32, #tpu.memory_space<vmem>> -> memref<128xi32, #tpu.memory_space<vmem>>
        %dma_start3A_387 = arith.constant 0 : i32
        %dma_start3A_388 = arith.constant 0 : i32
        %dma_start3A_389 = tpu.memref_slice %arg3[%dma_start3A_387, %dma_start3A_388] : memref<10000x128xf32, #tpu.memory_space<hbm>> -> memref<10000x128xf32, #tpu.memory_space<hbm>>
        tpu.enqueue_indirect_dma source(%dma_start3A_389 : memref<10000x128xf32, #tpu.memory_space<hbm>>) target(%dma_start3A_383 : memref<128x128xf32, #tpu.memory_space<vmem>>) offsets(%dma_start3A_386 : memref<128xi32, #tpu.memory_space<vmem>>) semaphore(%arg18 : memref<!tpu.dma_semaphore, #tpu.memory_space<semaphore_mem>>)
      } else {
      }
      %mul3A_174 = arith.constant 32 : i32
      %mul3A_175 = arith.muli %add3A_153, %mul3A_174 : i32
      %add3A_176 = arith.addi %mul3A_175, %add3A : i32
      %lt3A_177 = arith.constant 2500 : i32
      %lt3A_178 = arith.cmpi slt, %add3A_176, %lt3A_177 : i32
      %convert_element_type3A_179 = arith.extui %lt3A_178 : i1 to i32
      %cond3A_180 = arith.constant 0 : i32
      %cond3A_181 = arith.cmpi ne, %convert_element_type3A_179, %cond3A_180 : i32
      scf.if %cond3A_181 {
        %dma_wait3A_342 = arith.constant 0 : i32
        %dma_wait3A_343 = arith.constant 0 : i32
        %dma_wait3A_344 = arith.constant 0 : i32
        %dma_wait3A_345 = arith.constant 0 : i32
        %dma_wait3A_346 = arith.constant 0 : i32
        %dma_wait3A_347 = tpu.memref_slice %arg11[%dma_wait3A_344, %dma_wait3A_345, %dma_wait3A_346] : memref<3x128x128xf32, #tpu.memory_space<vmem>> -> memref<1x128x128xf32, #tpu.memory_space<vmem>>
        %dma_wait3A_348 = tpu.memref_squeeze %dma_wait3A_347 : memref<1x128x128xf32, #tpu.memory_space<vmem>> -> memref<128x128xf32, #tpu.memory_space<vmem>>
        %dma_wait3A_349 = arith.constant 0 : i32
        %dma_wait3A_350 = tpu.memref_slice %arg10[%dma_wait3A_342, %dma_wait3A_343, %dma_wait3A_349] : memref<3x2x128xi32, #tpu.memory_space<vmem>> -> memref<1x1x128xi32, #tpu.memory_space<vmem>>
        %dma_wait3A_351 = tpu.memref_squeeze %dma_wait3A_350 : memref<1x1x128xi32, #tpu.memory_space<vmem>> -> memref<128xi32, #tpu.memory_space<vmem>>
        %dma_wait3A_352 = arith.constant 0 : i32
        %dma_wait3A_353 = arith.constant 0 : i32
        %dma_wait3A_354 = tpu.memref_slice %arg2[%dma_wait3A_352, %dma_wait3A_353] : memref<10000x128xf32, #tpu.memory_space<hbm>> -> memref<10000x128xf32, #tpu.memory_space<hbm>>
        tpu.wait_indirect_dma semaphore(%arg17 : memref<!tpu.dma_semaphore, #tpu.memory_space<semaphore_mem>>) src(%dma_wait3A_354 : memref<10000x128xf32, #tpu.memory_space<hbm>>) dst(%dma_wait3A_348 : memref<128x128xf32, #tpu.memory_space<vmem>>)
        %dma_wait3A_355 = arith.constant 0 : i32
        %dma_wait3A_356 = arith.constant 1 : i32
        %dma_wait3A_357 = arith.constant 0 : i32
        %dma_wait3A_358 = arith.constant 0 : i32
        %dma_wait3A_359 = arith.constant 0 : i32
        %dma_wait3A_360 = tpu.memref_slice %arg12[%dma_wait3A_357, %dma_wait3A_358, %dma_wait3A_359] : memref<2x128x128xf32, #tpu.memory_space<vmem>> -> memref<1x128x128xf32, #tpu.memory_space<vmem>>
        %dma_wait3A_361 = tpu.memref_squeeze %dma_wait3A_360 : memref<1x128x128xf32, #tpu.memory_space<vmem>> -> memref<128x128xf32, #tpu.memory_space<vmem>>
        %dma_wait3A_362 = arith.constant 0 : i32
        %dma_wait3A_363 = tpu.memref_slice %arg10[%dma_wait3A_355, %dma_wait3A_356, %dma_wait3A_362] : memref<3x2x128xi32, #tpu.memory_space<vmem>> -> memref<1x1x128xi32, #tpu.memory_space<vmem>>
        %dma_wait3A_364 = tpu.memref_squeeze %dma_wait3A_363 : memref<1x1x128xi32, #tpu.memory_space<vmem>> -> memref<128xi32, #tpu.memory_space<vmem>>
        %dma_wait3A_365 = arith.constant 0 : i32
        %dma_wait3A_366 = arith.constant 0 : i32
        %dma_wait3A_367 = tpu.memref_slice %arg3[%dma_wait3A_365, %dma_wait3A_366] : memref<10000x128xf32, #tpu.memory_space<hbm>> -> memref<10000x128xf32, #tpu.memory_space<hbm>>
        tpu.wait_indirect_dma semaphore(%arg17 : memref<!tpu.dma_semaphore, #tpu.memory_space<semaphore_mem>>) src(%dma_wait3A_367 : memref<10000x128xf32, #tpu.memory_space<hbm>>) dst(%dma_wait3A_361 : memref<128x128xf32, #tpu.memory_space<vmem>>)
        %scan3A_368 = arith.constant 0 : i32
        %scan3A_369 = arith.constant 0 : i32
        %scan3A_370 = arith.constant 8 : i32
        %scan3A_371 = arith.addi %scan3A_369, %scan3A_370 : i32
        %scan3A_372 = arith.constant 1 : i32
        scf.for %scan3A_409 = %scan3A_369 to %scan3A_371 step %scan3A_372  : i32 {
          %mul3A_410 = arith.constant 16 : i32
          %mul3A_411 = arith.muli %scan3A_409, %mul3A_410 : i32
          %get3A = arith.constant 0 : i32
          %get3A_412 = arith.constant 0 : i32
          %get3A_413 = arith.index_cast %get3A : i32 to index
          %get3A_414 = arith.index_cast %get3A_412 : i32 to index
          %get3A_415 = arith.index_cast %mul3A_411 : i32 to index
          %get3A_416 = tpu.vector_load %arg10[%get3A_413, %get3A_414, %get3A_415] {strides = array<i32>} : memref<3x2x128xi32, #tpu.memory_space<vmem>>, vector<16xi32>,
          %mul3A_417 = arith.constant 16 : i32
          %mul3A_418 = arith.muli %scan3A_409, %mul3A_417 : i32
          %get3A_419 = arith.constant 0 : i32
          %get3A_420 = arith.constant 1 : i32
          %get3A_421 = arith.index_cast %get3A_419 : i32 to index
          %get3A_422 = arith.index_cast %get3A_420 : i32 to index
          %get3A_423 = arith.index_cast %mul3A_418 : i32 to index
          %get3A_424 = tpu.vector_load %arg10[%get3A_421, %get3A_422, %get3A_423] {strides = array<i32>} : memref<3x2x128xi32, #tpu.memory_space<vmem>>, vector<16xi32>,
          %gather3A = tpu.vector_load_idx %arg14[%get3A_416] : memref<10000xf32, #tpu.memory_space<vmem>>[vector<16xi32>], vector<16xf32>,
          %gather3A_425 = tpu.vector_load_idx %arg14[%get3A_424] : memref<10000xf32, #tpu.memory_space<vmem>>[vector<16xi32>], vector<16xf32>,
          %sub3A = arith.subf %gather3A, %gather3A_425 : vector<16xf32>
          %gather3A_426 = tpu.vector_load_idx %arg15[%get3A_416] : memref<10000xf32, #tpu.memory_space<vmem>>[vector<16xi32>], vector<16xf32>,
          %gather3A_427 = tpu.vector_load_idx %arg15[%get3A_424] : memref<10000xf32, #tpu.memory_space<vmem>>[vector<16xi32>], vector<16xf32>,
          %sub3A_428 = arith.subf %gather3A_426, %gather3A_427 : vector<16xf32>
          %gather3A_429 = tpu.vector_load_idx %arg16[%get3A_416] : memref<10000xf32, #tpu.memory_space<vmem>>[vector<16xi32>], vector<16xf32>,
          %gather3A_430 = tpu.vector_load_idx %arg16[%get3A_424] : memref<10000xf32, #tpu.memory_space<vmem>>[vector<16xi32>], vector<16xf32>,
          %sub3A_431 = arith.subf %gather3A_429, %gather3A_430 : vector<16xf32>
          %mul3A_432 = arith.mulf %sub3A, %sub3A : vector<16xf32>
          %mul3A_433 = arith.mulf %sub3A_428, %sub3A_428 : vector<16xf32>
          %add3A_434 = arith.addf %mul3A_432, %mul3A_433 : vector<16xf32>
          %mul3A_435 = arith.mulf %sub3A_431, %sub3A_431 : vector<16xf32>
          %add3A_436 = arith.addf %add3A_434, %mul3A_435 : vector<16xf32>
          %mul3A_437 = arith.constant 16 : i32
          %mul3A_438 = arith.muli %scan3A_409, %mul3A_437 : i32
          %swap3A = arith.constant 0 : i32
          %swap3A_439 = arith.index_cast %swap3A : i32 to index
          %swap3A_440 = arith.index_cast %mul3A_438 : i32 to index
          %swap3A_441 = tpu.vector_load %arg13[%swap3A_439, %swap3A_440] {strides = array<i32>} : memref<3x128xf32, #tpu.memory_space<vmem>>, vector<16xf32>,
          tpu.vector_store %arg13[%swap3A_439, %swap3A_440], %add3A_436 {strides = array<i32>} : memref<3x128xf32, #tpu.memory_space<vmem>>, vector<16xf32>,
        }
        %scan3A_373 = arith.constant 8 : i32
        %scan3A_374 = arith.constant 0 : i32
        %scan3A_375 = arith.constant 0 : i32
        %scan3A_376 = arith.constant 128 : i32
        %scan3A_377 = arith.addi %scan3A_375, %scan3A_376 : i32
        %scan3A_378 = arith.constant 1 : i32
        scf.for %scan3A_409 = %scan3A_375 to %scan3A_377 step %scan3A_378  : i32 {
          %get3A = arith.constant 0 : i32
          %get3A_410 = arith.index_cast %get3A : i32 to index
          %get3A_411 = arith.index_cast %scan3A_409 : i32 to index
          %get3A_412 = arith.constant 0 : index
          %get3A_413 = tpu.vector_load %arg12[%get3A_410, %get3A_411, %get3A_412] {strides = array<i32>} : memref<2x128x128xf32, #tpu.memory_space<vmem>>, vector<16xf32>,
          %swap3A = arith.constant 0 : i32
          %swap3A_414 = arith.index_cast %swap3A : i32 to index
          %swap3A_415 = arith.index_cast %scan3A_409 : i32 to index
          %swap3A_416 = arith.constant 0 : index
          %swap3A_417 = tpu.vector_load %arg11[%swap3A_414, %swap3A_415, %swap3A_416] {strides = array<i32>} : memref<3x128x128xf32, #tpu.memory_space<vmem>>, vector<16xf32>,
          tpu.vector_store %arg11[%swap3A_414, %swap3A_415, %swap3A_416], %get3A_413 {add = true, strides = array<i32>} : memref<3x128x128xf32, #tpu.memory_space<vmem>>, vector<16xf32>,
          %get3A_418 = arith.constant 0 : i32
          %get3A_419 = arith.index_cast %get3A_418 : i32 to index
          %get3A_420 = arith.index_cast %scan3A_409 : i32 to index
          %get3A_421 = arith.constant 16 : index
          %get3A_422 = tpu.vector_load %arg12[%get3A_419, %get3A_420, %get3A_421] {strides = array<i32>} : memref<2x128x128xf32, #tpu.memory_space<vmem>>, vector<16xf32>,
          %swap3A_423 = arith.constant 0 : i32
          %swap3A_424 = arith.index_cast %swap3A_423 : i32 to index
          %swap3A_425 = arith.index_cast %scan3A_409 : i32 to index
          %swap3A_426 = arith.constant 16 : index
          %swap3A_427 = tpu.vector_load %arg11[%swap3A_424, %swap3A_425, %swap3A_426] {strides = array<i32>} : memref<3x128x128xf32, #tpu.memory_space<vmem>>, vector<16xf32>,
          tpu.vector_store %arg11[%swap3A_424, %swap3A_425, %swap3A_426], %get3A_422 {add = true, strides = array<i32>} : memref<3x128x128xf32, #tpu.memory_space<vmem>>, vector<16xf32>,
          %get3A_428 = arith.constant 0 : i32
          %get3A_429 = arith.index_cast %get3A_428 : i32 to index
          %get3A_430 = arith.index_cast %scan3A_409 : i32 to index
          %get3A_431 = arith.constant 32 : index
          %get3A_432 = tpu.vector_load %arg12[%get3A_429, %get3A_430, %get3A_431] {strides = array<i32>} : memref<2x128x128xf32, #tpu.memory_space<vmem>>, vector<16xf32>,
          %swap3A_433 = arith.constant 0 : i32
          %swap3A_434 = arith.index_cast %swap3A_433 : i32 to index
          %swap3A_435 = arith.index_cast %scan3A_409 : i32 to index
          %swap3A_436 = arith.constant 32 : index
          %swap3A_437 = tpu.vector_load %arg11[%swap3A_434, %swap3A_435, %swap3A_436] {strides = array<i32>} : memref<3x128x128xf32, #tpu.memory_space<vmem>>, vector<16xf32>,
          tpu.vector_store %arg11[%swap3A_434, %swap3A_435, %swap3A_436], %get3A_432 {add = true, strides = array<i32>} : memref<3x128x128xf32, #tpu.memory_space<vmem>>, vector<16xf32>,
          %get3A_438 = arith.constant 0 : i32
          %get3A_439 = arith.index_cast %get3A_438 : i32 to index
          %get3A_440 = arith.index_cast %scan3A_409 : i32 to index
          %get3A_441 = arith.constant 48 : index
          %get3A_442 = tpu.vector_load %arg12[%get3A_439, %get3A_440, %get3A_441] {strides = array<i32>} : memref<2x128x128xf32, #tpu.memory_space<vmem>>, vector<16xf32>,
          %swap3A_443 = arith.constant 0 : i32
          %swap3A_444 = arith.index_cast %swap3A_443 : i32 to index
          %swap3A_445 = arith.index_cast %scan3A_409 : i32 to index
          %swap3A_446 = arith.constant 48 : index
          %swap3A_447 = tpu.vector_load %arg11[%swap3A_444, %swap3A_445, %swap3A_446] {strides = array<i32>} : memref<3x128x128xf32, #tpu.memory_space<vmem>>, vector<16xf32>,
          tpu.vector_store %arg11[%swap3A_444, %swap3A_445, %swap3A_446], %get3A_442 {add = true, strides = array<i32>} : memref<3x128x128xf32, #tpu.memory_space<vmem>>, vector<16xf32>,
          %get3A_448 = arith.constant 0 : i32
          %get3A_449 = arith.index_cast %get3A_448 : i32 to index
          %get3A_450 = arith.index_cast %scan3A_409 : i32 to index
          %get3A_451 = arith.constant 64 : index
          %get3A_452 = tpu.vector_load %arg12[%get3A_449, %get3A_450, %get3A_451] {strides = array<i32>} : memref<2x128x128xf32, #tpu.memory_space<vmem>>, vector<16xf32>,
          %swap3A_453 = arith.constant 0 : i32
          %swap3A_454 = arith.index_cast %swap3A_453 : i32 to index
          %swap3A_455 = arith.index_cast %scan3A_409 : i32 to index
          %swap3A_456 = arith.constant 64 : index
          %swap3A_457 = tpu.vector_load %arg11[%swap3A_454, %swap3A_455, %swap3A_456] {strides = array<i32>} : memref<3x128x128xf32, #tpu.memory_space<vmem>>, vector<16xf32>,
          tpu.vector_store %arg11[%swap3A_454, %swap3A_455, %swap3A_456], %get3A_452 {add = true, strides = array<i32>} : memref<3x128x128xf32, #tpu.memory_space<vmem>>, vector<16xf32>,
          %get3A_458 = arith.constant 0 : i32
          %get3A_459 = arith.index_cast %get3A_458 : i32 to index
          %get3A_460 = arith.index_cast %scan3A_409 : i32 to index
          %get3A_461 = arith.constant 80 : index
          %get3A_462 = tpu.vector_load %arg12[%get3A_459, %get3A_460, %get3A_461] {strides = array<i32>} : memref<2x128x128xf32, #tpu.memory_space<vmem>>, vector<16xf32>,
          %swap3A_463 = arith.constant 0 : i32
          %swap3A_464 = arith.index_cast %swap3A_463 : i32 to index
          %swap3A_465 = arith.index_cast %scan3A_409 : i32 to index
          %swap3A_466 = arith.constant 80 : index
          %swap3A_467 = tpu.vector_load %arg11[%swap3A_464, %swap3A_465, %swap3A_466] {strides = array<i32>} : memref<3x128x128xf32, #tpu.memory_space<vmem>>, vector<16xf32>,
          tpu.vector_store %arg11[%swap3A_464, %swap3A_465, %swap3A_466], %get3A_462 {add = true, strides = array<i32>} : memref<3x128x128xf32, #tpu.memory_space<vmem>>, vector<16xf32>,
          %get3A_468 = arith.constant 0 : i32
          %get3A_469 = arith.index_cast %get3A_468 : i32 to index
          %get3A_470 = arith.index_cast %scan3A_409 : i32 to index
          %get3A_471 = arith.constant 96 : index
          %get3A_472 = tpu.vector_load %arg12[%get3A_469, %get3A_470, %get3A_471] {strides = array<i32>} : memref<2x128x128xf32, #tpu.memory_space<vmem>>, vector<16xf32>,
          %swap3A_473 = arith.constant 0 : i32
          %swap3A_474 = arith.index_cast %swap3A_473 : i32 to index
          %swap3A_475 = arith.index_cast %scan3A_409 : i32 to index
          %swap3A_476 = arith.constant 96 : index
          %swap3A_477 = tpu.vector_load %arg11[%swap3A_474, %swap3A_475, %swap3A_476] {strides = array<i32>} : memref<3x128x128xf32, #tpu.memory_space<vmem>>, vector<16xf32>,
          tpu.vector_store %arg11[%swap3A_474, %swap3A_475, %swap3A_476], %get3A_472 {add = true, strides = array<i32>} : memref<3x128x128xf32, #tpu.memory_space<vmem>>, vector<16xf32>,
          %get3A_478 = arith.constant 0 : i32
          %get3A_479 = arith.index_cast %get3A_478 : i32 to index
          %get3A_480 = arith.index_cast %scan3A_409 : i32 to index
          %get3A_481 = arith.constant 112 : index
          %get3A_482 = tpu.vector_load %arg12[%get3A_479, %get3A_480, %get3A_481] {strides = array<i32>} : memref<2x128x128xf32, #tpu.memory_space<vmem>>, vector<16xf32>,
          %swap3A_483 = arith.constant 0 : i32
          %swap3A_484 = arith.index_cast %swap3A_483 : i32 to index
          %swap3A_485 = arith.index_cast %scan3A_409 : i32 to index
          %swap3A_486 = arith.constant 112 : index
          %swap3A_487 = tpu.vector_load %arg11[%swap3A_484, %swap3A_485, %swap3A_486] {strides = array<i32>} : memref<3x128x128xf32, #tpu.memory_space<vmem>>, vector<16xf32>,
          tpu.vector_store %arg11[%swap3A_484, %swap3A_485, %swap3A_486], %get3A_482 {add = true, strides = array<i32>} : memref<3x128x128xf32, #tpu.memory_space<vmem>>, vector<16xf32>,
        }
        %scan3A_379 = arith.constant 128 : i32
        %mul3A_380 = arith.constant 32 : i32
        %mul3A_381 = arith.muli %add3A_153, %mul3A_380 : i32
        %add3A_382 = arith.addi %mul3A_381, %add3A : i32
        %mul3A_383 = arith.constant 128 : i32
        %mul3A_384 = arith.muli %add3A_382, %mul3A_383 : i32
        %dma_start3A_385 = arith.constant 0 : i32
        %dma_start3A_386 = arith.constant 0 : i32
        %dma_start3A_387 = arith.constant 0 : i32
        %dma_start3A_388 = tpu.memref_slice %arg11[%dma_start3A_385, %dma_start3A_386, %dma_start3A_387] : memref<3x128x128xf32, #tpu.memory_space<vmem>> -> memref<1x128x128xf32, #tpu.memory_space<vmem>>
        %dma_start3A_389 = tpu.memref_squeeze %dma_start3A_388 : memref<1x128x128xf32, #tpu.memory_space<vmem>> -> memref<128x128xf32, #tpu.memory_space<vmem>>
        %dma_start3A_390 = arith.constant 0 : i32
        %dma_start3A_391 = tpu.memref_slice %arg8[%mul3A_384, %dma_start3A_390] : memref<320000x128xf32, #tpu.memory_space<hbm>> -> memref<128x128xf32, #tpu.memory_space<hbm>>
        %dma_start3A_392 = arith.constant 0 : i32
        %dma_start3A_393 = tpu.memref_slice %arg8[%mul3A_384, %dma_start3A_392] : memref<320000x128xf32, #tpu.memory_space<hbm>> -> memref<128x128xf32, #tpu.memory_space<hbm>>
        %dma_start3A_394 = arith.constant 0 : i32
        %dma_start3A_395 = arith.constant 0 : i32
        %dma_start3A_396 = tpu.memref_slice %arg11[%dma_start3A_385, %dma_start3A_394, %dma_start3A_395] : memref<3x128x128xf32, #tpu.memory_space<vmem>> -> memref<1x128x128xf32, #tpu.memory_space<vmem>>
        %dma_start3A_397 = tpu.memref_squeeze %dma_start3A_396 : memref<1x128x128xf32, #tpu.memory_space<vmem>> -> memref<128x128xf32, #tpu.memory_space<vmem>>
        tpu.enqueue_dma source(%dma_start3A_397 : memref<128x128xf32, #tpu.memory_space<vmem>>) target(%dma_start3A_393 : memref<128x128xf32, #tpu.memory_space<hbm>>) target_semaphore(%arg19 : memref<!tpu.dma_semaphore, #tpu.memory_space<semaphore_mem>>)
        %mul3A_398 = arith.constant 128 : i32
        %mul3A_399 = arith.muli %add3A_382, %mul3A_398 : i32
        %dma_start3A_400 = arith.constant 0 : i32
        %dma_start3A_401 = arith.constant 0 : i32
        %dma_start3A_402 = tpu.memref_slice %arg13[%dma_start3A_400, %dma_start3A_401] : memref<3x128xf32, #tpu.memory_space<vmem>> -> memref<1x128xf32, #tpu.memory_space<vmem>>
        %dma_start3A_403 = tpu.memref_squeeze %dma_start3A_402 : memref<1x128xf32, #tpu.memory_space<vmem>> -> memref<128xf32, #tpu.memory_space<vmem>>
        %dma_start3A_404 = tpu.memref_slice %arg9[%mul3A_399] : memref<320000xf32, #tpu.memory_space<hbm>> -> memref<128xf32, #tpu.memory_space<hbm>>
        %dma_start3A_405 = tpu.memref_slice %arg9[%mul3A_399] : memref<320000xf32, #tpu.memory_space<hbm>> -> memref<128xf32, #tpu.memory_space<hbm>>
        %dma_start3A_406 = arith.constant 0 : i32
        %dma_start3A_407 = tpu.memref_slice %arg13[%dma_start3A_400, %dma_start3A_406] : memref<3x128xf32, #tpu.memory_space<vmem>> -> memref<1x128xf32, #tpu.memory_space<vmem>>
        %dma_start3A_408 = tpu.memref_squeeze %dma_start3A_407 : memref<1x128xf32, #tpu.memory_space<vmem>> -> memref<128xf32, #tpu.memory_space<vmem>>
        tpu.enqueue_dma source(%dma_start3A_408 : memref<128xf32, #tpu.memory_space<vmem>>) target(%dma_start3A_405 : memref<128xf32, #tpu.memory_space<hbm>>) target_semaphore(%arg19 : memref<!tpu.dma_semaphore, #tpu.memory_space<semaphore_mem>>)
      } else {
      }
      %mul3A_182 = arith.constant 6 : i32
      %mul3A_183 = arith.muli %scan3A_149, %mul3A_182 : i32
      %add3A_184 = arith.constant 1 : i32
      %add3A_185 = arith.addi %mul3A_183, %add3A_184 : i32
      %add3A_186 = arith.constant 2 : i32
      %add3A_187 = arith.addi %add3A_185, %add3A_186 : i32
      %mul3A_188 = arith.constant 32 : i32
      %mul3A_189 = arith.muli %add3A_187, %mul3A_188 : i32
      %add3A_190 = arith.addi %mul3A_189, %add3A : i32
      %lt3A_191 = arith.constant 2500 : i32
      %lt3A_192 = arith.cmpi slt, %add3A_190, %lt3A_191 : i32
      %convert_element_type3A_193 = arith.extui %lt3A_192 : i1 to i32
      %cond3A_194 = arith.constant 0 : i32
      %cond3A_195 = arith.cmpi ne, %convert_element_type3A_193, %cond3A_194 : i32
      scf.if %cond3A_195 {
        %add3A_342 = arith.constant 2 : i32
        %add3A_343 = arith.addi %add3A_185, %add3A_342 : i32
        %mul3A_344 = arith.constant 32 : i32
        %mul3A_345 = arith.muli %add3A_343, %mul3A_344 : i32
        %add3A_346 = arith.addi %mul3A_345, %add3A : i32
        %dma_start3A_347 = arith.constant 0 : i32
        %dma_start3A_348 = arith.constant 0 : i32
        %dma_start3A_349 = arith.constant 0 : i32
        %dma_start3A_350 = tpu.memref_slice %arg10[%dma_start3A_347, %dma_start3A_348, %dma_start3A_349] : memref<3x2x128xi32, #tpu.memory_space<vmem>> -> memref<1x2x128xi32, #tpu.memory_space<vmem>>
        %dma_start3A_351 = tpu.memref_squeeze %dma_start3A_350 : memref<1x2x128xi32, #tpu.memory_space<vmem>> -> memref<2x128xi32, #tpu.memory_space<vmem>>
        %dma_start3A_352 = arith.constant 0 : i32
        %dma_start3A_353 = arith.constant 0 : i32
        %dma_start3A_354 = tpu.memref_slice %arg7[%add3A_346, %dma_start3A_352, %dma_start3A_353] : memref<2500x2x128xi32, #tpu.memory_space<hbm>> -> memref<1x2x128xi32, #tpu.memory_space<hbm>>
        %dma_start3A_355 = tpu.memref_squeeze %dma_start3A_354 : memref<1x2x128xi32, #tpu.memory_space<hbm>> -> memref<2x128xi32, #tpu.memory_space<hbm>>
        %dma_start3A_356 = arith.constant 0 : i32
        %dma_start3A_357 = arith.constant 0 : i32
        %dma_start3A_358 = tpu.memref_slice %arg10[%dma_start3A_347, %dma_start3A_356, %dma_start3A_357] : memref<3x2x128xi32, #tpu.memory_space<vmem>> -> memref<1x2x128xi32, #tpu.memory_space<vmem>>
        %dma_start3A_359 = tpu.memref_squeeze %dma_start3A_358 : memref<1x2x128xi32, #tpu.memory_space<vmem>> -> memref<2x128xi32, #tpu.memory_space<vmem>>
        %dma_start3A_360 = arith.constant 0 : i32
        %dma_start3A_361 = arith.constant 0 : i32
        %dma_start3A_362 = tpu.memref_slice %arg7[%add3A_346, %dma_start3A_360, %dma_start3A_361] : memref<2500x2x128xi32, #tpu.memory_space<hbm>> -> memref<1x2x128xi32, #tpu.memory_space<hbm>>
        %dma_start3A_363 = tpu.memref_squeeze %dma_start3A_362 : memref<1x2x128xi32, #tpu.memory_space<hbm>> -> memref<2x128xi32, #tpu.memory_space<hbm>>
        tpu.enqueue_dma source(%dma_start3A_363 : memref<2x128xi32, #tpu.memory_space<hbm>>) target(%dma_start3A_359 : memref<2x128xi32, #tpu.memory_space<vmem>>) target_semaphore(%arg22 : memref<!tpu.dma_semaphore, #tpu.memory_space<semaphore_mem>>)
      } else {
      }
      %add3A_196 = arith.constant 1 : i32
      %add3A_197 = arith.addi %add3A_185, %add3A_196 : i32
      %mul3A_198 = arith.constant 32 : i32
      %mul3A_199 = arith.muli %add3A_197, %mul3A_198 : i32
      %add3A_200 = arith.addi %mul3A_199, %add3A : i32
      %lt3A_201 = arith.constant 2500 : i32
      %lt3A_202 = arith.cmpi slt, %add3A_200, %lt3A_201 : i32
      %convert_element_type3A_203 = arith.extui %lt3A_202 : i1 to i32
      %cond3A_204 = arith.constant 0 : i32
      %cond3A_205 = arith.cmpi ne, %convert_element_type3A_203, %cond3A_204 : i32
      scf.if %cond3A_205 {
        %ge3A = arith.constant 2 : i32
        %ge3A_342 = arith.cmpi sge, %add3A_185, %ge3A : i32
        %convert_element_type3A_343 = arith.extui %ge3A_342 : i1 to i32
        %cond3A_344 = arith.constant 0 : i32
        %cond3A_345 = arith.cmpi ne, %convert_element_type3A_343, %cond3A_344 : i32
        scf.if %cond3A_345 {
          %dma_wait3A_390 = arith.constant 2 : i32
          %dma_wait3A_391 = arith.constant 0 : i32
          %dma_wait3A_392 = arith.constant 0 : i32
          %dma_wait3A_393 = tpu.memref_slice %arg11[%dma_wait3A_390, %dma_wait3A_391, %dma_wait3A_392] : memref<3x128x128xf32, #tpu.memory_space<vmem>> -> memref<1x128x128xf32, #tpu.memory_space<vmem>>
          %dma_wait3A_394 = tpu.memref_squeeze %dma_wait3A_393 : memref<1x128x128xf32, #tpu.memory_space<vmem>> -> memref<128x128xf32, #tpu.memory_space<vmem>>
          %dma_wait3A_395 = arith.constant 0 : i32
          %dma_wait3A_396 = arith.constant 0 : i32
          %dma_wait3A_397 = tpu.memref_slice %arg8[%dma_wait3A_395, %dma_wait3A_396] : memref<320000x128xf32, #tpu.memory_space<hbm>> -> memref<128x128xf32, #tpu.memory_space<hbm>>
          %dma_wait3A_398 = arith.constant 0 : i32
          %dma_wait3A_399 = arith.constant 0 : i32
          %dma_wait3A_400 = tpu.memref_slice %arg8[%dma_wait3A_398, %dma_wait3A_399] : memref<320000x128xf32, #tpu.memory_space<hbm>> -> memref<128x128xf32, #tpu.memory_space<hbm>>
          %dma_wait3A_401 = arith.constant 0 : i32
          %dma_wait3A_402 = arith.constant 0 : i32
          %dma_wait3A_403 = tpu.memref_slice %arg11[%dma_wait3A_390, %dma_wait3A_401, %dma_wait3A_402] : memref<3x128x128xf32, #tpu.memory_space<vmem>> -> memref<1x128x128xf32, #tpu.memory_space<vmem>>
          %dma_wait3A_404 = tpu.memref_squeeze %dma_wait3A_403 : memref<1x128x128xf32, #tpu.memory_space<vmem>> -> memref<128x128xf32, #tpu.memory_space<vmem>>
          tpu.wait_dma2 semaphore(%arg21 : memref<!tpu.dma_semaphore, #tpu.memory_space<semaphore_mem>>) src(%dma_wait3A_404 : memref<128x128xf32, #tpu.memory_space<vmem>>) dst(%dma_wait3A_400 : memref<128x128xf32, #tpu.memory_space<hbm>>)
          %dma_wait3A_405 = arith.constant 2 : i32
          %dma_wait3A_406 = arith.constant 0 : i32
          %dma_wait3A_407 = tpu.memref_slice %arg13[%dma_wait3A_405, %dma_wait3A_406] : memref<3x128xf32, #tpu.memory_space<vmem>> -> memref<1x128xf32, #tpu.memory_space<vmem>>
          %dma_wait3A_408 = tpu.memref_squeeze %dma_wait3A_407 : memref<1x128xf32, #tpu.memory_space<vmem>> -> memref<128xf32, #tpu.memory_space<vmem>>
          %dma_wait3A_409 = arith.constant 0 : i32
          %dma_wait3A_410 = tpu.memref_slice %arg9[%dma_wait3A_409] : memref<320000xf32, #tpu.memory_space<hbm>> -> memref<128xf32, #tpu.memory_space<hbm>>
          %dma_wait3A_411 = arith.constant 0 : i32
          %dma_wait3A_412 = tpu.memref_slice %arg9[%dma_wait3A_411] : memref<320000xf32, #tpu.memory_space<hbm>> -> memref<128xf32, #tpu.memory_space<hbm>>
          %dma_wait3A_413 = arith.constant 0 : i32
          %dma_wait3A_414 = tpu.memref_slice %arg13[%dma_wait3A_405, %dma_wait3A_413] : memref<3x128xf32, #tpu.memory_space<vmem>> -> memref<1x128xf32, #tpu.memory_space<vmem>>
          %dma_wait3A_415 = tpu.memref_squeeze %dma_wait3A_414 : memref<1x128xf32, #tpu.memory_space<vmem>> -> memref<128xf32, #tpu.memory_space<vmem>>
          tpu.wait_dma2 semaphore(%arg21 : memref<!tpu.dma_semaphore, #tpu.memory_space<semaphore_mem>>) src(%dma_wait3A_415 : memref<128xf32, #tpu.memory_space<vmem>>) dst(%dma_wait3A_412 : memref<128xf32, #tpu.memory_space<hbm>>)
        } else {
        }
        %dma_wait3A_346 = arith.constant 0 : i32
        %dma_wait3A_347 = arith.constant 2 : i32
        %dma_wait3A_348 = arith.constant 0 : i32
        %dma_wait3A_349 = arith.constant 0 : i32
        %dma_wait3A_350 = tpu.memref_slice %arg10[%dma_wait3A_347, %dma_wait3A_348, %dma_wait3A_349] : memref<3x2x128xi32, #tpu.memory_space<vmem>> -> memref<1x2x128xi32, #tpu.memory_space<vmem>>
        %dma_wait3A_351 = tpu.memref_squeeze %dma_wait3A_350 : memref<1x2x128xi32, #tpu.memory_space<vmem>> -> memref<2x128xi32, #tpu.memory_space<vmem>>
        %dma_wait3A_352 = arith.constant 0 : i32
        %dma_wait3A_353 = arith.constant 0 : i32
        %dma_wait3A_354 = tpu.memref_slice %arg7[%dma_wait3A_346, %dma_wait3A_352, %dma_wait3A_353] : memref<2500x2x128xi32, #tpu.memory_space<hbm>> -> memref<1x2x128xi32, #tpu.memory_space<hbm>>
        %dma_wait3A_355 = tpu.memref_squeeze %dma_wait3A_354 : memref<1x2x128xi32, #tpu.memory_space<hbm>> -> memref<2x128xi32, #tpu.memory_space<hbm>>
        %dma_wait3A_356 = arith.constant 0 : i32
        %dma_wait3A_357 = arith.constant 0 : i32
        %dma_wait3A_358 = tpu.memref_slice %arg10[%dma_wait3A_347, %dma_wait3A_356, %dma_wait3A_357] : memref<3x2x128xi32, #tpu.memory_space<vmem>> -> memref<1x2x128xi32, #tpu.memory_space<vmem>>
        %dma_wait3A_359 = tpu.memref_squeeze %dma_wait3A_358 : memref<1x2x128xi32, #tpu.memory_space<vmem>> -> memref<2x128xi32, #tpu.memory_space<vmem>>
        %dma_wait3A_360 = arith.constant 0 : i32
        %dma_wait3A_361 = arith.constant 0 : i32
        %dma_wait3A_362 = tpu.memref_slice %arg7[%dma_wait3A_346, %dma_wait3A_360, %dma_wait3A_361] : memref<2500x2x128xi32, #tpu.memory_space<hbm>> -> memref<1x2x128xi32, #tpu.memory_space<hbm>>
        %dma_wait3A_363 = tpu.memref_squeeze %dma_wait3A_362 : memref<1x2x128xi32, #tpu.memory_space<hbm>> -> memref<2x128xi32, #tpu.memory_space<hbm>>
        tpu.wait_dma2 semaphore(%arg24 : memref<!tpu.dma_semaphore, #tpu.memory_space<semaphore_mem>>) src(%dma_wait3A_363 : memref<2x128xi32, #tpu.memory_space<hbm>>) dst(%dma_wait3A_359 : memref<2x128xi32, #tpu.memory_space<vmem>>)
        %dma_start3A_364 = arith.constant 2 : i32
        %dma_start3A_365 = arith.constant 0 : i32
        %dma_start3A_366 = arith.constant 2 : i32
        %dma_start3A_367 = arith.constant 0 : i32
        %dma_start3A_368 = arith.constant 0 : i32
        %dma_start3A_369 = tpu.memref_slice %arg11[%dma_start3A_366, %dma_start3A_367, %dma_start3A_368] : memref<3x128x128xf32, #tpu.memory_space<vmem>> -> memref<1x128x128xf32, #tpu.memory_space<vmem>>
        %dma_start3A_370 = tpu.memref_squeeze %dma_start3A_369 : memref<1x128x128xf32, #tpu.memory_space<vmem>> -> memref<128x128xf32, #tpu.memory_space<vmem>>
        %dma_start3A_371 = arith.constant 0 : i32
        %dma_start3A_372 = tpu.memref_slice %arg10[%dma_start3A_364, %dma_start3A_365, %dma_start3A_371] : memref<3x2x128xi32, #tpu.memory_space<vmem>> -> memref<1x1x128xi32, #tpu.memory_space<vmem>>
        %dma_start3A_373 = tpu.memref_squeeze %dma_start3A_372 : memref<1x1x128xi32, #tpu.memory_space<vmem>> -> memref<128xi32, #tpu.memory_space<vmem>>
        %dma_start3A_374 = arith.constant 0 : i32
        %dma_start3A_375 = arith.constant 0 : i32
        %dma_start3A_376 = tpu.memref_slice %arg2[%dma_start3A_374, %dma_start3A_375] : memref<10000x128xf32, #tpu.memory_space<hbm>> -> memref<10000x128xf32, #tpu.memory_space<hbm>>
        tpu.enqueue_indirect_dma source(%dma_start3A_376 : memref<10000x128xf32, #tpu.memory_space<hbm>>) target(%dma_start3A_370 : memref<128x128xf32, #tpu.memory_space<vmem>>) offsets(%dma_start3A_373 : memref<128xi32, #tpu.memory_space<vmem>>) semaphore(%arg17 : memref<!tpu.dma_semaphore, #tpu.memory_space<semaphore_mem>>)
        %dma_start3A_377 = arith.constant 2 : i32
        %dma_start3A_378 = arith.constant 1 : i32
        %dma_start3A_379 = arith.constant 0 : i32
        %dma_start3A_380 = arith.constant 0 : i32
        %dma_start3A_381 = arith.constant 0 : i32
        %dma_start3A_382 = tpu.memref_slice %arg12[%dma_start3A_379, %dma_start3A_380, %dma_start3A_381] : memref<2x128x128xf32, #tpu.memory_space<vmem>> -> memref<1x128x128xf32, #tpu.memory_space<vmem>>
        %dma_start3A_383 = tpu.memref_squeeze %dma_start3A_382 : memref<1x128x128xf32, #tpu.memory_space<vmem>> -> memref<128x128xf32, #tpu.memory_space<vmem>>
        %dma_start3A_384 = arith.constant 0 : i32
        %dma_start3A_385 = tpu.memref_slice %arg10[%dma_start3A_377, %dma_start3A_378, %dma_start3A_384] : memref<3x2x128xi32, #tpu.memory_space<vmem>> -> memref<1x1x128xi32, #tpu.memory_space<vmem>>
        %dma_start3A_386 = tpu.memref_squeeze %dma_start3A_385 : memref<1x1x128xi32, #tpu.memory_space<vmem>> -> memref<128xi32, #tpu.memory_space<vmem>>
        %dma_start3A_387 = arith.constant 0 : i32
        %dma_start3A_388 = arith.constant 0 : i32
        %dma_start3A_389 = tpu.memref_slice %arg3[%dma_start3A_387, %dma_start3A_388] : memref<10000x128xf32, #tpu.memory_space<hbm>> -> memref<10000x128xf32, #tpu.memory_space<hbm>>
        tpu.enqueue_indirect_dma source(%dma_start3A_389 : memref<10000x128xf32, #tpu.memory_space<hbm>>) target(%dma_start3A_383 : memref<128x128xf32, #tpu.memory_space<vmem>>) offsets(%dma_start3A_386 : memref<128xi32, #tpu.memory_space<vmem>>) semaphore(%arg17 : memref<!tpu.dma_semaphore, #tpu.memory_space<semaphore_mem>>)
      } else {
      }
      %mul3A_206 = arith.constant 32 : i32
      %mul3A_207 = arith.muli %add3A_185, %mul3A_206 : i32
      %add3A_208 = arith.addi %mul3A_207, %add3A : i32
      %lt3A_209 = arith.constant 2500 : i32
      %lt3A_210 = arith.cmpi slt, %add3A_208, %lt3A_209 : i32
      %convert_element_type3A_211 = arith.extui %lt3A_210 : i1 to i32
      %cond3A_212 = arith.constant 0 : i32
      %cond3A_213 = arith.cmpi ne, %convert_element_type3A_211, %cond3A_212 : i32
      scf.if %cond3A_213 {
        %dma_wait3A_342 = arith.constant 1 : i32
        %dma_wait3A_343 = arith.constant 0 : i32
        %dma_wait3A_344 = arith.constant 1 : i32
        %dma_wait3A_345 = arith.constant 0 : i32
        %dma_wait3A_346 = arith.constant 0 : i32
        %dma_wait3A_347 = tpu.memref_slice %arg11[%dma_wait3A_344, %dma_wait3A_345, %dma_wait3A_346] : memref<3x128x128xf32, #tpu.memory_space<vmem>> -> memref<1x128x128xf32, #tpu.memory_space<vmem>>
        %dma_wait3A_348 = tpu.memref_squeeze %dma_wait3A_347 : memref<1x128x128xf32, #tpu.memory_space<vmem>> -> memref<128x128xf32, #tpu.memory_space<vmem>>
        %dma_wait3A_349 = arith.constant 0 : i32
        %dma_wait3A_350 = tpu.memref_slice %arg10[%dma_wait3A_342, %dma_wait3A_343, %dma_wait3A_349] : memref<3x2x128xi32, #tpu.memory_space<vmem>> -> memref<1x1x128xi32, #tpu.memory_space<vmem>>
        %dma_wait3A_351 = tpu.memref_squeeze %dma_wait3A_350 : memref<1x1x128xi32, #tpu.memory_space<vmem>> -> memref<128xi32, #tpu.memory_space<vmem>>
        %dma_wait3A_352 = arith.constant 0 : i32
        %dma_wait3A_353 = arith.constant 0 : i32
        %dma_wait3A_354 = tpu.memref_slice %arg2[%dma_wait3A_352, %dma_wait3A_353] : memref<10000x128xf32, #tpu.memory_space<hbm>> -> memref<10000x128xf32, #tpu.memory_space<hbm>>
        tpu.wait_indirect_dma semaphore(%arg18 : memref<!tpu.dma_semaphore, #tpu.memory_space<semaphore_mem>>) src(%dma_wait3A_354 : memref<10000x128xf32, #tpu.memory_space<hbm>>) dst(%dma_wait3A_348 : memref<128x128xf32, #tpu.memory_space<vmem>>)
        %dma_wait3A_355 = arith.constant 1 : i32
        %dma_wait3A_356 = arith.constant 1 : i32
        %dma_wait3A_357 = arith.constant 1 : i32
        %dma_wait3A_358 = arith.constant 0 : i32
        %dma_wait3A_359 = arith.constant 0 : i32
        %dma_wait3A_360 = tpu.memref_slice %arg12[%dma_wait3A_357, %dma_wait3A_358, %dma_wait3A_359] : memref<2x128x128xf32, #tpu.memory_space<vmem>> -> memref<1x128x128xf32, #tpu.memory_space<vmem>>
        %dma_wait3A_361 = tpu.memref_squeeze %dma_wait3A_360 : memref<1x128x128xf32, #tpu.memory_space<vmem>> -> memref<128x128xf32, #tpu.memory_space<vmem>>
        %dma_wait3A_362 = arith.constant 0 : i32
        %dma_wait3A_363 = tpu.memref_slice %arg10[%dma_wait3A_355, %dma_wait3A_356, %dma_wait3A_362] : memref<3x2x128xi32, #tpu.memory_space<vmem>> -> memref<1x1x128xi32, #tpu.memory_space<vmem>>
        %dma_wait3A_364 = tpu.memref_squeeze %dma_wait3A_363 : memref<1x1x128xi32, #tpu.memory_space<vmem>> -> memref<128xi32, #tpu.memory_space<vmem>>
        %dma_wait3A_365 = arith.constant 0 : i32
        %dma_wait3A_366 = arith.constant 0 : i32
        %dma_wait3A_367 = tpu.memref_slice %arg3[%dma_wait3A_365, %dma_wait3A_366] : memref<10000x128xf32, #tpu.memory_space<hbm>> -> memref<10000x128xf32, #tpu.memory_space<hbm>>
        tpu.wait_indirect_dma semaphore(%arg18 : memref<!tpu.dma_semaphore, #tpu.memory_space<semaphore_mem>>) src(%dma_wait3A_367 : memref<10000x128xf32, #tpu.memory_space<hbm>>) dst(%dma_wait3A_361 : memref<128x128xf32, #tpu.memory_space<vmem>>)
        %scan3A_368 = arith.constant 0 : i32
        %scan3A_369 = arith.constant 0 : i32
        %scan3A_370 = arith.constant 8 : i32
        %scan3A_371 = arith.addi %scan3A_369, %scan3A_370 : i32
        %scan3A_372 = arith.constant 1 : i32
        scf.for %scan3A_409 = %scan3A_369 to %scan3A_371 step %scan3A_372  : i32 {
          %mul3A_410 = arith.constant 16 : i32
          %mul3A_411 = arith.muli %scan3A_409, %mul3A_410 : i32
          %get3A = arith.constant 1 : i32
          %get3A_412 = arith.constant 0 : i32
          %get3A_413 = arith.index_cast %get3A : i32 to index
          %get3A_414 = arith.index_cast %get3A_412 : i32 to index
          %get3A_415 = arith.index_cast %mul3A_411 : i32 to index
          %get3A_416 = tpu.vector_load %arg10[%get3A_413, %get3A_414, %get3A_415] {strides = array<i32>} : memref<3x2x128xi32, #tpu.memory_space<vmem>>, vector<16xi32>,
          %mul3A_417 = arith.constant 16 : i32
          %mul3A_418 = arith.muli %scan3A_409, %mul3A_417 : i32
          %get3A_419 = arith.constant 1 : i32
          %get3A_420 = arith.constant 1 : i32
          %get3A_421 = arith.index_cast %get3A_419 : i32 to index
          %get3A_422 = arith.index_cast %get3A_420 : i32 to index
          %get3A_423 = arith.index_cast %mul3A_418 : i32 to index
          %get3A_424 = tpu.vector_load %arg10[%get3A_421, %get3A_422, %get3A_423] {strides = array<i32>} : memref<3x2x128xi32, #tpu.memory_space<vmem>>, vector<16xi32>,
          %gather3A = tpu.vector_load_idx %arg14[%get3A_416] : memref<10000xf32, #tpu.memory_space<vmem>>[vector<16xi32>], vector<16xf32>,
          %gather3A_425 = tpu.vector_load_idx %arg14[%get3A_424] : memref<10000xf32, #tpu.memory_space<vmem>>[vector<16xi32>], vector<16xf32>,
          %sub3A = arith.subf %gather3A, %gather3A_425 : vector<16xf32>
          %gather3A_426 = tpu.vector_load_idx %arg15[%get3A_416] : memref<10000xf32, #tpu.memory_space<vmem>>[vector<16xi32>], vector<16xf32>,
          %gather3A_427 = tpu.vector_load_idx %arg15[%get3A_424] : memref<10000xf32, #tpu.memory_space<vmem>>[vector<16xi32>], vector<16xf32>,
          %sub3A_428 = arith.subf %gather3A_426, %gather3A_427 : vector<16xf32>
          %gather3A_429 = tpu.vector_load_idx %arg16[%get3A_416] : memref<10000xf32, #tpu.memory_space<vmem>>[vector<16xi32>], vector<16xf32>,
          %gather3A_430 = tpu.vector_load_idx %arg16[%get3A_424] : memref<10000xf32, #tpu.memory_space<vmem>>[vector<16xi32>], vector<16xf32>,
          %sub3A_431 = arith.subf %gather3A_429, %gather3A_430 : vector<16xf32>
          %mul3A_432 = arith.mulf %sub3A, %sub3A : vector<16xf32>
          %mul3A_433 = arith.mulf %sub3A_428, %sub3A_428 : vector<16xf32>
          %add3A_434 = arith.addf %mul3A_432, %mul3A_433 : vector<16xf32>
          %mul3A_435 = arith.mulf %sub3A_431, %sub3A_431 : vector<16xf32>
          %add3A_436 = arith.addf %add3A_434, %mul3A_435 : vector<16xf32>
          %mul3A_437 = arith.constant 16 : i32
          %mul3A_438 = arith.muli %scan3A_409, %mul3A_437 : i32
          %swap3A = arith.constant 1 : i32
          %swap3A_439 = arith.index_cast %swap3A : i32 to index
          %swap3A_440 = arith.index_cast %mul3A_438 : i32 to index
          %swap3A_441 = tpu.vector_load %arg13[%swap3A_439, %swap3A_440] {strides = array<i32>} : memref<3x128xf32, #tpu.memory_space<vmem>>, vector<16xf32>,
          tpu.vector_store %arg13[%swap3A_439, %swap3A_440], %add3A_436 {strides = array<i32>} : memref<3x128xf32, #tpu.memory_space<vmem>>, vector<16xf32>,
        }
        %scan3A_373 = arith.constant 8 : i32
        %scan3A_374 = arith.constant 0 : i32
        %scan3A_375 = arith.constant 0 : i32
        %scan3A_376 = arith.constant 128 : i32
        %scan3A_377 = arith.addi %scan3A_375, %scan3A_376 : i32
        %scan3A_378 = arith.constant 1 : i32
        scf.for %scan3A_409 = %scan3A_375 to %scan3A_377 step %scan3A_378  : i32 {
          %get3A = arith.constant 1 : i32
          %get3A_410 = arith.index_cast %get3A : i32 to index
          %get3A_411 = arith.index_cast %scan3A_409 : i32 to index
          %get3A_412 = arith.constant 0 : index
          %get3A_413 = tpu.vector_load %arg12[%get3A_410, %get3A_411, %get3A_412] {strides = array<i32>} : memref<2x128x128xf32, #tpu.memory_space<vmem>>, vector<16xf32>,
          %swap3A = arith.constant 1 : i32
          %swap3A_414 = arith.index_cast %swap3A : i32 to index
          %swap3A_415 = arith.index_cast %scan3A_409 : i32 to index
          %swap3A_416 = arith.constant 0 : index
          %swap3A_417 = tpu.vector_load %arg11[%swap3A_414, %swap3A_415, %swap3A_416] {strides = array<i32>} : memref<3x128x128xf32, #tpu.memory_space<vmem>>, vector<16xf32>,
          tpu.vector_store %arg11[%swap3A_414, %swap3A_415, %swap3A_416], %get3A_413 {add = true, strides = array<i32>} : memref<3x128x128xf32, #tpu.memory_space<vmem>>, vector<16xf32>,
          %get3A_418 = arith.constant 1 : i32
          %get3A_419 = arith.index_cast %get3A_418 : i32 to index
          %get3A_420 = arith.index_cast %scan3A_409 : i32 to index
          %get3A_421 = arith.constant 16 : index
          %get3A_422 = tpu.vector_load %arg12[%get3A_419, %get3A_420, %get3A_421] {strides = array<i32>} : memref<2x128x128xf32, #tpu.memory_space<vmem>>, vector<16xf32>,
          %swap3A_423 = arith.constant 1 : i32
          %swap3A_424 = arith.index_cast %swap3A_423 : i32 to index
          %swap3A_425 = arith.index_cast %scan3A_409 : i32 to index
          %swap3A_426 = arith.constant 16 : index
          %swap3A_427 = tpu.vector_load %arg11[%swap3A_424, %swap3A_425, %swap3A_426] {strides = array<i32>} : memref<3x128x128xf32, #tpu.memory_space<vmem>>, vector<16xf32>,
          tpu.vector_store %arg11[%swap3A_424, %swap3A_425, %swap3A_426], %get3A_422 {add = true, strides = array<i32>} : memref<3x128x128xf32, #tpu.memory_space<vmem>>, vector<16xf32>,
          %get3A_428 = arith.constant 1 : i32
          %get3A_429 = arith.index_cast %get3A_428 : i32 to index
          %get3A_430 = arith.index_cast %scan3A_409 : i32 to index
          %get3A_431 = arith.constant 32 : index
          %get3A_432 = tpu.vector_load %arg12[%get3A_429, %get3A_430, %get3A_431] {strides = array<i32>} : memref<2x128x128xf32, #tpu.memory_space<vmem>>, vector<16xf32>,
          %swap3A_433 = arith.constant 1 : i32
          %swap3A_434 = arith.index_cast %swap3A_433 : i32 to index
          %swap3A_435 = arith.index_cast %scan3A_409 : i32 to index
          %swap3A_436 = arith.constant 32 : index
          %swap3A_437 = tpu.vector_load %arg11[%swap3A_434, %swap3A_435, %swap3A_436] {strides = array<i32>} : memref<3x128x128xf32, #tpu.memory_space<vmem>>, vector<16xf32>,
          tpu.vector_store %arg11[%swap3A_434, %swap3A_435, %swap3A_436], %get3A_432 {add = true, strides = array<i32>} : memref<3x128x128xf32, #tpu.memory_space<vmem>>, vector<16xf32>,
          %get3A_438 = arith.constant 1 : i32
          %get3A_439 = arith.index_cast %get3A_438 : i32 to index
          %get3A_440 = arith.index_cast %scan3A_409 : i32 to index
          %get3A_441 = arith.constant 48 : index
          %get3A_442 = tpu.vector_load %arg12[%get3A_439, %get3A_440, %get3A_441] {strides = array<i32>} : memref<2x128x128xf32, #tpu.memory_space<vmem>>, vector<16xf32>,
          %swap3A_443 = arith.constant 1 : i32
          %swap3A_444 = arith.index_cast %swap3A_443 : i32 to index
          %swap3A_445 = arith.index_cast %scan3A_409 : i32 to index
          %swap3A_446 = arith.constant 48 : index
          %swap3A_447 = tpu.vector_load %arg11[%swap3A_444, %swap3A_445, %swap3A_446] {strides = array<i32>} : memref<3x128x128xf32, #tpu.memory_space<vmem>>, vector<16xf32>,
          tpu.vector_store %arg11[%swap3A_444, %swap3A_445, %swap3A_446], %get3A_442 {add = true, strides = array<i32>} : memref<3x128x128xf32, #tpu.memory_space<vmem>>, vector<16xf32>,
          %get3A_448 = arith.constant 1 : i32
          %get3A_449 = arith.index_cast %get3A_448 : i32 to index
          %get3A_450 = arith.index_cast %scan3A_409 : i32 to index
          %get3A_451 = arith.constant 64 : index
          %get3A_452 = tpu.vector_load %arg12[%get3A_449, %get3A_450, %get3A_451] {strides = array<i32>} : memref<2x128x128xf32, #tpu.memory_space<vmem>>, vector<16xf32>,
          %swap3A_453 = arith.constant 1 : i32
          %swap3A_454 = arith.index_cast %swap3A_453 : i32 to index
          %swap3A_455 = arith.index_cast %scan3A_409 : i32 to index
          %swap3A_456 = arith.constant 64 : index
          %swap3A_457 = tpu.vector_load %arg11[%swap3A_454, %swap3A_455, %swap3A_456] {strides = array<i32>} : memref<3x128x128xf32, #tpu.memory_space<vmem>>, vector<16xf32>,
          tpu.vector_store %arg11[%swap3A_454, %swap3A_455, %swap3A_456], %get3A_452 {add = true, strides = array<i32>} : memref<3x128x128xf32, #tpu.memory_space<vmem>>, vector<16xf32>,
          %get3A_458 = arith.constant 1 : i32
          %get3A_459 = arith.index_cast %get3A_458 : i32 to index
          %get3A_460 = arith.index_cast %scan3A_409 : i32 to index
          %get3A_461 = arith.constant 80 : index
          %get3A_462 = tpu.vector_load %arg12[%get3A_459, %get3A_460, %get3A_461] {strides = array<i32>} : memref<2x128x128xf32, #tpu.memory_space<vmem>>, vector<16xf32>,
          %swap3A_463 = arith.constant 1 : i32
          %swap3A_464 = arith.index_cast %swap3A_463 : i32 to index
          %swap3A_465 = arith.index_cast %scan3A_409 : i32 to index
          %swap3A_466 = arith.constant 80 : index
          %swap3A_467 = tpu.vector_load %arg11[%swap3A_464, %swap3A_465, %swap3A_466] {strides = array<i32>} : memref<3x128x128xf32, #tpu.memory_space<vmem>>, vector<16xf32>,
          tpu.vector_store %arg11[%swap3A_464, %swap3A_465, %swap3A_466], %get3A_462 {add = true, strides = array<i32>} : memref<3x128x128xf32, #tpu.memory_space<vmem>>, vector<16xf32>,
          %get3A_468 = arith.constant 1 : i32
          %get3A_469 = arith.index_cast %get3A_468 : i32 to index
          %get3A_470 = arith.index_cast %scan3A_409 : i32 to index
          %get3A_471 = arith.constant 96 : index
          %get3A_472 = tpu.vector_load %arg12[%get3A_469, %get3A_470, %get3A_471] {strides = array<i32>} : memref<2x128x128xf32, #tpu.memory_space<vmem>>, vector<16xf32>,
          %swap3A_473 = arith.constant 1 : i32
          %swap3A_474 = arith.index_cast %swap3A_473 : i32 to index
          %swap3A_475 = arith.index_cast %scan3A_409 : i32 to index
          %swap3A_476 = arith.constant 96 : index
          %swap3A_477 = tpu.vector_load %arg11[%swap3A_474, %swap3A_475, %swap3A_476] {strides = array<i32>} : memref<3x128x128xf32, #tpu.memory_space<vmem>>, vector<16xf32>,
          tpu.vector_store %arg11[%swap3A_474, %swap3A_475, %swap3A_476], %get3A_472 {add = true, strides = array<i32>} : memref<3x128x128xf32, #tpu.memory_space<vmem>>, vector<16xf32>,
          %get3A_478 = arith.constant 1 : i32
          %get3A_479 = arith.index_cast %get3A_478 : i32 to index
          %get3A_480 = arith.index_cast %scan3A_409 : i32 to index
          %get3A_481 = arith.constant 112 : index
          %get3A_482 = tpu.vector_load %arg12[%get3A_479, %get3A_480, %get3A_481] {strides = array<i32>} : memref<2x128x128xf32, #tpu.memory_space<vmem>>, vector<16xf32>,
          %swap3A_483 = arith.constant 1 : i32
          %swap3A_484 = arith.index_cast %swap3A_483 : i32 to index
          %swap3A_485 = arith.index_cast %scan3A_409 : i32 to index
          %swap3A_486 = arith.constant 112 : index
          %swap3A_487 = tpu.vector_load %arg11[%swap3A_484, %swap3A_485, %swap3A_486] {strides = array<i32>} : memref<3x128x128xf32, #tpu.memory_space<vmem>>, vector<16xf32>,
          tpu.vector_store %arg11[%swap3A_484, %swap3A_485, %swap3A_486], %get3A_482 {add = true, strides = array<i32>} : memref<3x128x128xf32, #tpu.memory_space<vmem>>, vector<16xf32>,
        }
        %scan3A_379 = arith.constant 128 : i32
        %mul3A_380 = arith.constant 32 : i32
        %mul3A_381 = arith.muli %add3A_185, %mul3A_380 : i32
        %add3A_382 = arith.addi %mul3A_381, %add3A : i32
        %mul3A_383 = arith.constant 128 : i32
        %mul3A_384 = arith.muli %add3A_382, %mul3A_383 : i32
        %dma_start3A_385 = arith.constant 1 : i32
        %dma_start3A_386 = arith.constant 0 : i32
        %dma_start3A_387 = arith.constant 0 : i32
        %dma_start3A_388 = tpu.memref_slice %arg11[%dma_start3A_385, %dma_start3A_386, %dma_start3A_387] : memref<3x128x128xf32, #tpu.memory_space<vmem>> -> memref<1x128x128xf32, #tpu.memory_space<vmem>>
        %dma_start3A_389 = tpu.memref_squeeze %dma_start3A_388 : memref<1x128x128xf32, #tpu.memory_space<vmem>> -> memref<128x128xf32, #tpu.memory_space<vmem>>
        %dma_start3A_390 = arith.constant 0 : i32
        %dma_start3A_391 = tpu.memref_slice %arg8[%mul3A_384, %dma_start3A_390] : memref<320000x128xf32, #tpu.memory_space<hbm>> -> memref<128x128xf32, #tpu.memory_space<hbm>>
        %dma_start3A_392 = arith.constant 0 : i32
        %dma_start3A_393 = tpu.memref_slice %arg8[%mul3A_384, %dma_start3A_392] : memref<320000x128xf32, #tpu.memory_space<hbm>> -> memref<128x128xf32, #tpu.memory_space<hbm>>
        %dma_start3A_394 = arith.constant 0 : i32
        %dma_start3A_395 = arith.constant 0 : i32
        %dma_start3A_396 = tpu.memref_slice %arg11[%dma_start3A_385, %dma_start3A_394, %dma_start3A_395] : memref<3x128x128xf32, #tpu.memory_space<vmem>> -> memref<1x128x128xf32, #tpu.memory_space<vmem>>
        %dma_start3A_397 = tpu.memref_squeeze %dma_start3A_396 : memref<1x128x128xf32, #tpu.memory_space<vmem>> -> memref<128x128xf32, #tpu.memory_space<vmem>>
        tpu.enqueue_dma source(%dma_start3A_397 : memref<128x128xf32, #tpu.memory_space<vmem>>) target(%dma_start3A_393 : memref<128x128xf32, #tpu.memory_space<hbm>>) target_semaphore(%arg20 : memref<!tpu.dma_semaphore, #tpu.memory_space<semaphore_mem>>)
        %mul3A_398 = arith.constant 128 : i32
        %mul3A_399 = arith.muli %add3A_382, %mul3A_398 : i32
        %dma_start3A_400 = arith.constant 1 : i32
        %dma_start3A_401 = arith.constant 0 : i32
        %dma_start3A_402 = tpu.memref_slice %arg13[%dma_start3A_400, %dma_start3A_401] : memref<3x128xf32, #tpu.memory_space<vmem>> -> memref<1x128xf32, #tpu.memory_space<vmem>>
        %dma_start3A_403 = tpu.memref_squeeze %dma_start3A_402 : memref<1x128xf32, #tpu.memory_space<vmem>> -> memref<128xf32, #tpu.memory_space<vmem>>
        %dma_start3A_404 = tpu.memref_slice %arg9[%mul3A_399] : memref<320000xf32, #tpu.memory_space<hbm>> -> memref<128xf32, #tpu.memory_space<hbm>>
        %dma_start3A_405 = tpu.memref_slice %arg9[%mul3A_399] : memref<320000xf32, #tpu.memory_space<hbm>> -> memref<128xf32, #tpu.memory_space<hbm>>
        %dma_start3A_406 = arith.constant 0 : i32
        %dma_start3A_407 = tpu.memref_slice %arg13[%dma_start3A_400, %dma_start3A_406] : memref<3x128xf32, #tpu.memory_space<vmem>> -> memref<1x128xf32, #tpu.memory_space<vmem>>
        %dma_start3A_408 = tpu.memref_squeeze %dma_start3A_407 : memref<1x128xf32, #tpu.memory_space<vmem>> -> memref<128xf32, #tpu.memory_space<vmem>>
        tpu.enqueue_dma source(%dma_start3A_408 : memref<128xf32, #tpu.memory_space<vmem>>) target(%dma_start3A_405 : memref<128xf32, #tpu.memory_space<hbm>>) target_semaphore(%arg20 : memref<!tpu.dma_semaphore, #tpu.memory_space<semaphore_mem>>)
      } else {
      }
      %mul3A_214 = arith.constant 6 : i32
      %mul3A_215 = arith.muli %scan3A_149, %mul3A_214 : i32
      %add3A_216 = arith.constant 2 : i32
      %add3A_217 = arith.addi %mul3A_215, %add3A_216 : i32
      %add3A_218 = arith.constant 2 : i32
      %add3A_219 = arith.addi %add3A_217, %add3A_218 : i32
      %mul3A_220 = arith.constant 32 : i32
      %mul3A_221 = arith.muli %add3A_219, %mul3A_220 : i32
      %add3A_222 = arith.addi %mul3A_221, %add3A : i32
      %lt3A_223 = arith.constant 2500 : i32
      %lt3A_224 = arith.cmpi slt, %add3A_222, %lt3A_223 : i32
      %convert_element_type3A_225 = arith.extui %lt3A_224 : i1 to i32
      %cond3A_226 = arith.constant 0 : i32
      %cond3A_227 = arith.cmpi ne, %convert_element_type3A_225, %cond3A_226 : i32
      scf.if %cond3A_227 {
        %add3A_342 = arith.constant 2 : i32
        %add3A_343 = arith.addi %add3A_217, %add3A_342 : i32
        %mul3A_344 = arith.constant 32 : i32
        %mul3A_345 = arith.muli %add3A_343, %mul3A_344 : i32
        %add3A_346 = arith.addi %mul3A_345, %add3A : i32
        %dma_start3A_347 = arith.constant 1 : i32
        %dma_start3A_348 = arith.constant 0 : i32
        %dma_start3A_349 = arith.constant 0 : i32
        %dma_start3A_350 = tpu.memref_slice %arg10[%dma_start3A_347, %dma_start3A_348, %dma_start3A_349] : memref<3x2x128xi32, #tpu.memory_space<vmem>> -> memref<1x2x128xi32, #tpu.memory_space<vmem>>
        %dma_start3A_351 = tpu.memref_squeeze %dma_start3A_350 : memref<1x2x128xi32, #tpu.memory_space<vmem>> -> memref<2x128xi32, #tpu.memory_space<vmem>>
        %dma_start3A_352 = arith.constant 0 : i32
        %dma_start3A_353 = arith.constant 0 : i32
        %dma_start3A_354 = tpu.memref_slice %arg7[%add3A_346, %dma_start3A_352, %dma_start3A_353] : memref<2500x2x128xi32, #tpu.memory_space<hbm>> -> memref<1x2x128xi32, #tpu.memory_space<hbm>>
        %dma_start3A_355 = tpu.memref_squeeze %dma_start3A_354 : memref<1x2x128xi32, #tpu.memory_space<hbm>> -> memref<2x128xi32, #tpu.memory_space<hbm>>
        %dma_start3A_356 = arith.constant 0 : i32
        %dma_start3A_357 = arith.constant 0 : i32
        %dma_start3A_358 = tpu.memref_slice %arg10[%dma_start3A_347, %dma_start3A_356, %dma_start3A_357] : memref<3x2x128xi32, #tpu.memory_space<vmem>> -> memref<1x2x128xi32, #tpu.memory_space<vmem>>
        %dma_start3A_359 = tpu.memref_squeeze %dma_start3A_358 : memref<1x2x128xi32, #tpu.memory_space<vmem>> -> memref<2x128xi32, #tpu.memory_space<vmem>>
        %dma_start3A_360 = arith.constant 0 : i32
        %dma_start3A_361 = arith.constant 0 : i32
        %dma_start3A_362 = tpu.memref_slice %arg7[%add3A_346, %dma_start3A_360, %dma_start3A_361] : memref<2500x2x128xi32, #tpu.memory_space<hbm>> -> memref<1x2x128xi32, #tpu.memory_space<hbm>>
        %dma_start3A_363 = tpu.memref_squeeze %dma_start3A_362 : memref<1x2x128xi32, #tpu.memory_space<hbm>> -> memref<2x128xi32, #tpu.memory_space<hbm>>
        tpu.enqueue_dma source(%dma_start3A_363 : memref<2x128xi32, #tpu.memory_space<hbm>>) target(%dma_start3A_359 : memref<2x128xi32, #tpu.memory_space<vmem>>) target_semaphore(%arg23 : memref<!tpu.dma_semaphore, #tpu.memory_space<semaphore_mem>>)
      } else {
      }
      %add3A_228 = arith.constant 1 : i32
      %add3A_229 = arith.addi %add3A_217, %add3A_228 : i32
      %mul3A_230 = arith.constant 32 : i32
      %mul3A_231 = arith.muli %add3A_229, %mul3A_230 : i32
      %add3A_232 = arith.addi %mul3A_231, %add3A : i32
      %lt3A_233 = arith.constant 2500 : i32
      %lt3A_234 = arith.cmpi slt, %add3A_232, %lt3A_233 : i32
      %convert_element_type3A_235 = arith.extui %lt3A_234 : i1 to i32
      %cond3A_236 = arith.constant 0 : i32
      %cond3A_237 = arith.cmpi ne, %convert_element_type3A_235, %cond3A_236 : i32
      scf.if %cond3A_237 {
        %ge3A = arith.constant 2 : i32
        %ge3A_342 = arith.cmpi sge, %add3A_217, %ge3A : i32
        %convert_element_type3A_343 = arith.extui %ge3A_342 : i1 to i32
        %cond3A_344 = arith.constant 0 : i32
        %cond3A_345 = arith.cmpi ne, %convert_element_type3A_343, %cond3A_344 : i32
        scf.if %cond3A_345 {
          %dma_wait3A_390 = arith.constant 0 : i32
          %dma_wait3A_391 = arith.constant 0 : i32
          %dma_wait3A_392 = arith.constant 0 : i32
          %dma_wait3A_393 = tpu.memref_slice %arg11[%dma_wait3A_390, %dma_wait3A_391, %dma_wait3A_392] : memref<3x128x128xf32, #tpu.memory_space<vmem>> -> memref<1x128x128xf32, #tpu.memory_space<vmem>>
          %dma_wait3A_394 = tpu.memref_squeeze %dma_wait3A_393 : memref<1x128x128xf32, #tpu.memory_space<vmem>> -> memref<128x128xf32, #tpu.memory_space<vmem>>
          %dma_wait3A_395 = arith.constant 0 : i32
          %dma_wait3A_396 = arith.constant 0 : i32
          %dma_wait3A_397 = tpu.memref_slice %arg8[%dma_wait3A_395, %dma_wait3A_396] : memref<320000x128xf32, #tpu.memory_space<hbm>> -> memref<128x128xf32, #tpu.memory_space<hbm>>
          %dma_wait3A_398 = arith.constant 0 : i32
          %dma_wait3A_399 = arith.constant 0 : i32
          %dma_wait3A_400 = tpu.memref_slice %arg8[%dma_wait3A_398, %dma_wait3A_399] : memref<320000x128xf32, #tpu.memory_space<hbm>> -> memref<128x128xf32, #tpu.memory_space<hbm>>
          %dma_wait3A_401 = arith.constant 0 : i32
          %dma_wait3A_402 = arith.constant 0 : i32
          %dma_wait3A_403 = tpu.memref_slice %arg11[%dma_wait3A_390, %dma_wait3A_401, %dma_wait3A_402] : memref<3x128x128xf32, #tpu.memory_space<vmem>> -> memref<1x128x128xf32, #tpu.memory_space<vmem>>
          %dma_wait3A_404 = tpu.memref_squeeze %dma_wait3A_403 : memref<1x128x128xf32, #tpu.memory_space<vmem>> -> memref<128x128xf32, #tpu.memory_space<vmem>>
          tpu.wait_dma2 semaphore(%arg19 : memref<!tpu.dma_semaphore, #tpu.memory_space<semaphore_mem>>) src(%dma_wait3A_404 : memref<128x128xf32, #tpu.memory_space<vmem>>) dst(%dma_wait3A_400 : memref<128x128xf32, #tpu.memory_space<hbm>>)
          %dma_wait3A_405 = arith.constant 0 : i32
          %dma_wait3A_406 = arith.constant 0 : i32
          %dma_wait3A_407 = tpu.memref_slice %arg13[%dma_wait3A_405, %dma_wait3A_406] : memref<3x128xf32, #tpu.memory_space<vmem>> -> memref<1x128xf32, #tpu.memory_space<vmem>>
          %dma_wait3A_408 = tpu.memref_squeeze %dma_wait3A_407 : memref<1x128xf32, #tpu.memory_space<vmem>> -> memref<128xf32, #tpu.memory_space<vmem>>
          %dma_wait3A_409 = arith.constant 0 : i32
          %dma_wait3A_410 = tpu.memref_slice %arg9[%dma_wait3A_409] : memref<320000xf32, #tpu.memory_space<hbm>> -> memref<128xf32, #tpu.memory_space<hbm>>
          %dma_wait3A_411 = arith.constant 0 : i32
          %dma_wait3A_412 = tpu.memref_slice %arg9[%dma_wait3A_411] : memref<320000xf32, #tpu.memory_space<hbm>> -> memref<128xf32, #tpu.memory_space<hbm>>
          %dma_wait3A_413 = arith.constant 0 : i32
          %dma_wait3A_414 = tpu.memref_slice %arg13[%dma_wait3A_405, %dma_wait3A_413] : memref<3x128xf32, #tpu.memory_space<vmem>> -> memref<1x128xf32, #tpu.memory_space<vmem>>
          %dma_wait3A_415 = tpu.memref_squeeze %dma_wait3A_414 : memref<1x128xf32, #tpu.memory_space<vmem>> -> memref<128xf32, #tpu.memory_space<vmem>>
          tpu.wait_dma2 semaphore(%arg19 : memref<!tpu.dma_semaphore, #tpu.memory_space<semaphore_mem>>) src(%dma_wait3A_415 : memref<128xf32, #tpu.memory_space<vmem>>) dst(%dma_wait3A_412 : memref<128xf32, #tpu.memory_space<hbm>>)
        } else {
        }
        %dma_wait3A_346 = arith.constant 0 : i32
        %dma_wait3A_347 = arith.constant 0 : i32
        %dma_wait3A_348 = arith.constant 0 : i32
        %dma_wait3A_349 = arith.constant 0 : i32
        %dma_wait3A_350 = tpu.memref_slice %arg10[%dma_wait3A_347, %dma_wait3A_348, %dma_wait3A_349] : memref<3x2x128xi32, #tpu.memory_space<vmem>> -> memref<1x2x128xi32, #tpu.memory_space<vmem>>
        %dma_wait3A_351 = tpu.memref_squeeze %dma_wait3A_350 : memref<1x2x128xi32, #tpu.memory_space<vmem>> -> memref<2x128xi32, #tpu.memory_space<vmem>>
        %dma_wait3A_352 = arith.constant 0 : i32
        %dma_wait3A_353 = arith.constant 0 : i32
        %dma_wait3A_354 = tpu.memref_slice %arg7[%dma_wait3A_346, %dma_wait3A_352, %dma_wait3A_353] : memref<2500x2x128xi32, #tpu.memory_space<hbm>> -> memref<1x2x128xi32, #tpu.memory_space<hbm>>
        %dma_wait3A_355 = tpu.memref_squeeze %dma_wait3A_354 : memref<1x2x128xi32, #tpu.memory_space<hbm>> -> memref<2x128xi32, #tpu.memory_space<hbm>>
        %dma_wait3A_356 = arith.constant 0 : i32
        %dma_wait3A_357 = arith.constant 0 : i32
        %dma_wait3A_358 = tpu.memref_slice %arg10[%dma_wait3A_347, %dma_wait3A_356, %dma_wait3A_357] : memref<3x2x128xi32, #tpu.memory_space<vmem>> -> memref<1x2x128xi32, #tpu.memory_space<vmem>>
        %dma_wait3A_359 = tpu.memref_squeeze %dma_wait3A_358 : memref<1x2x128xi32, #tpu.memory_space<vmem>> -> memref<2x128xi32, #tpu.memory_space<vmem>>
        %dma_wait3A_360 = arith.constant 0 : i32
        %dma_wait3A_361 = arith.constant 0 : i32
        %dma_wait3A_362 = tpu.memref_slice %arg7[%dma_wait3A_346, %dma_wait3A_360, %dma_wait3A_361] : memref<2500x2x128xi32, #tpu.memory_space<hbm>> -> memref<1x2x128xi32, #tpu.memory_space<hbm>>
        %dma_wait3A_363 = tpu.memref_squeeze %dma_wait3A_362 : memref<1x2x128xi32, #tpu.memory_space<hbm>> -> memref<2x128xi32, #tpu.memory_space<hbm>>
        tpu.wait_dma2 semaphore(%arg22 : memref<!tpu.dma_semaphore, #tpu.memory_space<semaphore_mem>>) src(%dma_wait3A_363 : memref<2x128xi32, #tpu.memory_space<hbm>>) dst(%dma_wait3A_359 : memref<2x128xi32, #tpu.memory_space<vmem>>)
        %dma_start3A_364 = arith.constant 0 : i32
        %dma_start3A_365 = arith.constant 0 : i32
        %dma_start3A_366 = arith.constant 0 : i32
        %dma_start3A_367 = arith.constant 0 : i32
        %dma_start3A_368 = arith.constant 0 : i32
        %dma_start3A_369 = tpu.memref_slice %arg11[%dma_start3A_366, %dma_start3A_367, %dma_start3A_368] : memref<3x128x128xf32, #tpu.memory_space<vmem>> -> memref<1x128x128xf32, #tpu.memory_space<vmem>>
        %dma_start3A_370 = tpu.memref_squeeze %dma_start3A_369 : memref<1x128x128xf32, #tpu.memory_space<vmem>> -> memref<128x128xf32, #tpu.memory_space<vmem>>
        %dma_start3A_371 = arith.constant 0 : i32
        %dma_start3A_372 = tpu.memref_slice %arg10[%dma_start3A_364, %dma_start3A_365, %dma_start3A_371] : memref<3x2x128xi32, #tpu.memory_space<vmem>> -> memref<1x1x128xi32, #tpu.memory_space<vmem>>
        %dma_start3A_373 = tpu.memref_squeeze %dma_start3A_372 : memref<1x1x128xi32, #tpu.memory_space<vmem>> -> memref<128xi32, #tpu.memory_space<vmem>>
        %dma_start3A_374 = arith.constant 0 : i32
        %dma_start3A_375 = arith.constant 0 : i32
        %dma_start3A_376 = tpu.memref_slice %arg2[%dma_start3A_374, %dma_start3A_375] : memref<10000x128xf32, #tpu.memory_space<hbm>> -> memref<10000x128xf32, #tpu.memory_space<hbm>>
        tpu.enqueue_indirect_dma source(%dma_start3A_376 : memref<10000x128xf32, #tpu.memory_space<hbm>>) target(%dma_start3A_370 : memref<128x128xf32, #tpu.memory_space<vmem>>) offsets(%dma_start3A_373 : memref<128xi32, #tpu.memory_space<vmem>>) semaphore(%arg18 : memref<!tpu.dma_semaphore, #tpu.memory_space<semaphore_mem>>)
        %dma_start3A_377 = arith.constant 0 : i32
        %dma_start3A_378 = arith.constant 1 : i32
        %dma_start3A_379 = arith.constant 1 : i32
        %dma_start3A_380 = arith.constant 0 : i32
        %dma_start3A_381 = arith.constant 0 : i32
        %dma_start3A_382 = tpu.memref_slice %arg12[%dma_start3A_379, %dma_start3A_380, %dma_start3A_381] : memref<2x128x128xf32, #tpu.memory_space<vmem>> -> memref<1x128x128xf32, #tpu.memory_space<vmem>>
        %dma_start3A_383 = tpu.memref_squeeze %dma_start3A_382 : memref<1x128x128xf32, #tpu.memory_space<vmem>> -> memref<128x128xf32, #tpu.memory_space<vmem>>
        %dma_start3A_384 = arith.constant 0 : i32
        %dma_start3A_385 = tpu.memref_slice %arg10[%dma_start3A_377, %dma_start3A_378, %dma_start3A_384] : memref<3x2x128xi32, #tpu.memory_space<vmem>> -> memref<1x1x128xi32, #tpu.memory_space<vmem>>
        %dma_start3A_386 = tpu.memref_squeeze %dma_start3A_385 : memref<1x1x128xi32, #tpu.memory_space<vmem>> -> memref<128xi32, #tpu.memory_space<vmem>>
        %dma_start3A_387 = arith.constant 0 : i32
        %dma_start3A_388 = arith.constant 0 : i32
        %dma_start3A_389 = tpu.memref_slice %arg3[%dma_start3A_387, %dma_start3A_388] : memref<10000x128xf32, #tpu.memory_space<hbm>> -> memref<10000x128xf32, #tpu.memory_space<hbm>>
        tpu.enqueue_indirect_dma source(%dma_start3A_389 : memref<10000x128xf32, #tpu.memory_space<hbm>>) target(%dma_start3A_383 : memref<128x128xf32, #tpu.memory_space<vmem>>) offsets(%dma_start3A_386 : memref<128xi32, #tpu.memory_space<vmem>>) semaphore(%arg18 : memref<!tpu.dma_semaphore, #tpu.memory_space<semaphore_mem>>)
      } else {
      }
      %mul3A_238 = arith.constant 32 : i32
      %mul3A_239 = arith.muli %add3A_217, %mul3A_238 : i32
      %add3A_240 = arith.addi %mul3A_239, %add3A : i32
      %lt3A_241 = arith.constant 2500 : i32
      %lt3A_242 = arith.cmpi slt, %add3A_240, %lt3A_241 : i32
      %convert_element_type3A_243 = arith.extui %lt3A_242 : i1 to i32
      %cond3A_244 = arith.constant 0 : i32
      %cond3A_245 = arith.cmpi ne, %convert_element_type3A_243, %cond3A_244 : i32
      scf.if %cond3A_245 {
        %dma_wait3A_342 = arith.constant 2 : i32
        %dma_wait3A_343 = arith.constant 0 : i32
        %dma_wait3A_344 = arith.constant 2 : i32
        %dma_wait3A_345 = arith.constant 0 : i32
        %dma_wait3A_346 = arith.constant 0 : i32
        %dma_wait3A_347 = tpu.memref_slice %arg11[%dma_wait3A_344, %dma_wait3A_345, %dma_wait3A_346] : memref<3x128x128xf32, #tpu.memory_space<vmem>> -> memref<1x128x128xf32, #tpu.memory_space<vmem>>
        %dma_wait3A_348 = tpu.memref_squeeze %dma_wait3A_347 : memref<1x128x128xf32, #tpu.memory_space<vmem>> -> memref<128x128xf32, #tpu.memory_space<vmem>>
        %dma_wait3A_349 = arith.constant 0 : i32
        %dma_wait3A_350 = tpu.memref_slice %arg10[%dma_wait3A_342, %dma_wait3A_343, %dma_wait3A_349] : memref<3x2x128xi32, #tpu.memory_space<vmem>> -> memref<1x1x128xi32, #tpu.memory_space<vmem>>
        %dma_wait3A_351 = tpu.memref_squeeze %dma_wait3A_350 : memref<1x1x128xi32, #tpu.memory_space<vmem>> -> memref<128xi32, #tpu.memory_space<vmem>>
        %dma_wait3A_352 = arith.constant 0 : i32
        %dma_wait3A_353 = arith.constant 0 : i32
        %dma_wait3A_354 = tpu.memref_slice %arg2[%dma_wait3A_352, %dma_wait3A_353] : memref<10000x128xf32, #tpu.memory_space<hbm>> -> memref<10000x128xf32, #tpu.memory_space<hbm>>
        tpu.wait_indirect_dma semaphore(%arg17 : memref<!tpu.dma_semaphore, #tpu.memory_space<semaphore_mem>>) src(%dma_wait3A_354 : memref<10000x128xf32, #tpu.memory_space<hbm>>) dst(%dma_wait3A_348 : memref<128x128xf32, #tpu.memory_space<vmem>>)
        %dma_wait3A_355 = arith.constant 2 : i32
        %dma_wait3A_356 = arith.constant 1 : i32
        %dma_wait3A_357 = arith.constant 0 : i32
        %dma_wait3A_358 = arith.constant 0 : i32
        %dma_wait3A_359 = arith.constant 0 : i32
        %dma_wait3A_360 = tpu.memref_slice %arg12[%dma_wait3A_357, %dma_wait3A_358, %dma_wait3A_359] : memref<2x128x128xf32, #tpu.memory_space<vmem>> -> memref<1x128x128xf32, #tpu.memory_space<vmem>>
        %dma_wait3A_361 = tpu.memref_squeeze %dma_wait3A_360 : memref<1x128x128xf32, #tpu.memory_space<vmem>> -> memref<128x128xf32, #tpu.memory_space<vmem>>
        %dma_wait3A_362 = arith.constant 0 : i32
        %dma_wait3A_363 = tpu.memref_slice %arg10[%dma_wait3A_355, %dma_wait3A_356, %dma_wait3A_362] : memref<3x2x128xi32, #tpu.memory_space<vmem>> -> memref<1x1x128xi32, #tpu.memory_space<vmem>>
        %dma_wait3A_364 = tpu.memref_squeeze %dma_wait3A_363 : memref<1x1x128xi32, #tpu.memory_space<vmem>> -> memref<128xi32, #tpu.memory_space<vmem>>
        %dma_wait3A_365 = arith.constant 0 : i32
        %dma_wait3A_366 = arith.constant 0 : i32
        %dma_wait3A_367 = tpu.memref_slice %arg3[%dma_wait3A_365, %dma_wait3A_366] : memref<10000x128xf32, #tpu.memory_space<hbm>> -> memref<10000x128xf32, #tpu.memory_space<hbm>>
        tpu.wait_indirect_dma semaphore(%arg17 : memref<!tpu.dma_semaphore, #tpu.memory_space<semaphore_mem>>) src(%dma_wait3A_367 : memref<10000x128xf32, #tpu.memory_space<hbm>>) dst(%dma_wait3A_361 : memref<128x128xf32, #tpu.memory_space<vmem>>)
        %scan3A_368 = arith.constant 0 : i32
        %scan3A_369 = arith.constant 0 : i32
        %scan3A_370 = arith.constant 8 : i32
        %scan3A_371 = arith.addi %scan3A_369, %scan3A_370 : i32
        %scan3A_372 = arith.constant 1 : i32
        scf.for %scan3A_409 = %scan3A_369 to %scan3A_371 step %scan3A_372  : i32 {
          %mul3A_410 = arith.constant 16 : i32
          %mul3A_411 = arith.muli %scan3A_409, %mul3A_410 : i32
          %get3A = arith.constant 2 : i32
          %get3A_412 = arith.constant 0 : i32
          %get3A_413 = arith.index_cast %get3A : i32 to index
          %get3A_414 = arith.index_cast %get3A_412 : i32 to index
          %get3A_415 = arith.index_cast %mul3A_411 : i32 to index
          %get3A_416 = tpu.vector_load %arg10[%get3A_413, %get3A_414, %get3A_415] {strides = array<i32>} : memref<3x2x128xi32, #tpu.memory_space<vmem>>, vector<16xi32>,
          %mul3A_417 = arith.constant 16 : i32
          %mul3A_418 = arith.muli %scan3A_409, %mul3A_417 : i32
          %get3A_419 = arith.constant 2 : i32
          %get3A_420 = arith.constant 1 : i32
          %get3A_421 = arith.index_cast %get3A_419 : i32 to index
          %get3A_422 = arith.index_cast %get3A_420 : i32 to index
          %get3A_423 = arith.index_cast %mul3A_418 : i32 to index
          %get3A_424 = tpu.vector_load %arg10[%get3A_421, %get3A_422, %get3A_423] {strides = array<i32>} : memref<3x2x128xi32, #tpu.memory_space<vmem>>, vector<16xi32>,
          %gather3A = tpu.vector_load_idx %arg14[%get3A_416] : memref<10000xf32, #tpu.memory_space<vmem>>[vector<16xi32>], vector<16xf32>,
          %gather3A_425 = tpu.vector_load_idx %arg14[%get3A_424] : memref<10000xf32, #tpu.memory_space<vmem>>[vector<16xi32>], vector<16xf32>,
          %sub3A = arith.subf %gather3A, %gather3A_425 : vector<16xf32>
          %gather3A_426 = tpu.vector_load_idx %arg15[%get3A_416] : memref<10000xf32, #tpu.memory_space<vmem>>[vector<16xi32>], vector<16xf32>,
          %gather3A_427 = tpu.vector_load_idx %arg15[%get3A_424] : memref<10000xf32, #tpu.memory_space<vmem>>[vector<16xi32>], vector<16xf32>,
          %sub3A_428 = arith.subf %gather3A_426, %gather3A_427 : vector<16xf32>
          %gather3A_429 = tpu.vector_load_idx %arg16[%get3A_416] : memref<10000xf32, #tpu.memory_space<vmem>>[vector<16xi32>], vector<16xf32>,
          %gather3A_430 = tpu.vector_load_idx %arg16[%get3A_424] : memref<10000xf32, #tpu.memory_space<vmem>>[vector<16xi32>], vector<16xf32>,
          %sub3A_431 = arith.subf %gather3A_429, %gather3A_430 : vector<16xf32>
          %mul3A_432 = arith.mulf %sub3A, %sub3A : vector<16xf32>
          %mul3A_433 = arith.mulf %sub3A_428, %sub3A_428 : vector<16xf32>
          %add3A_434 = arith.addf %mul3A_432, %mul3A_433 : vector<16xf32>
          %mul3A_435 = arith.mulf %sub3A_431, %sub3A_431 : vector<16xf32>
          %add3A_436 = arith.addf %add3A_434, %mul3A_435 : vector<16xf32>
          %mul3A_437 = arith.constant 16 : i32
          %mul3A_438 = arith.muli %scan3A_409, %mul3A_437 : i32
          %swap3A = arith.constant 2 : i32
          %swap3A_439 = arith.index_cast %swap3A : i32 to index
          %swap3A_440 = arith.index_cast %mul3A_438 : i32 to index
          %swap3A_441 = tpu.vector_load %arg13[%swap3A_439, %swap3A_440] {strides = array<i32>} : memref<3x128xf32, #tpu.memory_space<vmem>>, vector<16xf32>,
          tpu.vector_store %arg13[%swap3A_439, %swap3A_440], %add3A_436 {strides = array<i32>} : memref<3x128xf32, #tpu.memory_space<vmem>>, vector<16xf32>,
        }
        %scan3A_373 = arith.constant 8 : i32
        %scan3A_374 = arith.constant 0 : i32
        %scan3A_375 = arith.constant 0 : i32
        %scan3A_376 = arith.constant 128 : i32
        %scan3A_377 = arith.addi %scan3A_375, %scan3A_376 : i32
        %scan3A_378 = arith.constant 1 : i32
        scf.for %scan3A_409 = %scan3A_375 to %scan3A_377 step %scan3A_378  : i32 {
          %get3A = arith.constant 0 : i32
          %get3A_410 = arith.index_cast %get3A : i32 to index
          %get3A_411 = arith.index_cast %scan3A_409 : i32 to index
          %get3A_412 = arith.constant 0 : index
          %get3A_413 = tpu.vector_load %arg12[%get3A_410, %get3A_411, %get3A_412] {strides = array<i32>} : memref<2x128x128xf32, #tpu.memory_space<vmem>>, vector<16xf32>,
          %swap3A = arith.constant 2 : i32
          %swap3A_414 = arith.index_cast %swap3A : i32 to index
          %swap3A_415 = arith.index_cast %scan3A_409 : i32 to index
          %swap3A_416 = arith.constant 0 : index
          %swap3A_417 = tpu.vector_load %arg11[%swap3A_414, %swap3A_415, %swap3A_416] {strides = array<i32>} : memref<3x128x128xf32, #tpu.memory_space<vmem>>, vector<16xf32>,
          tpu.vector_store %arg11[%swap3A_414, %swap3A_415, %swap3A_416], %get3A_413 {add = true, strides = array<i32>} : memref<3x128x128xf32, #tpu.memory_space<vmem>>, vector<16xf32>,
          %get3A_418 = arith.constant 0 : i32
          %get3A_419 = arith.index_cast %get3A_418 : i32 to index
          %get3A_420 = arith.index_cast %scan3A_409 : i32 to index
          %get3A_421 = arith.constant 16 : index
          %get3A_422 = tpu.vector_load %arg12[%get3A_419, %get3A_420, %get3A_421] {strides = array<i32>} : memref<2x128x128xf32, #tpu.memory_space<vmem>>, vector<16xf32>,
          %swap3A_423 = arith.constant 2 : i32
          %swap3A_424 = arith.index_cast %swap3A_423 : i32 to index
          %swap3A_425 = arith.index_cast %scan3A_409 : i32 to index
          %swap3A_426 = arith.constant 16 : index
          %swap3A_427 = tpu.vector_load %arg11[%swap3A_424, %swap3A_425, %swap3A_426] {strides = array<i32>} : memref<3x128x128xf32, #tpu.memory_space<vmem>>, vector<16xf32>,
          tpu.vector_store %arg11[%swap3A_424, %swap3A_425, %swap3A_426], %get3A_422 {add = true, strides = array<i32>} : memref<3x128x128xf32, #tpu.memory_space<vmem>>, vector<16xf32>,
          %get3A_428 = arith.constant 0 : i32
          %get3A_429 = arith.index_cast %get3A_428 : i32 to index
          %get3A_430 = arith.index_cast %scan3A_409 : i32 to index
          %get3A_431 = arith.constant 32 : index
          %get3A_432 = tpu.vector_load %arg12[%get3A_429, %get3A_430, %get3A_431] {strides = array<i32>} : memref<2x128x128xf32, #tpu.memory_space<vmem>>, vector<16xf32>,
          %swap3A_433 = arith.constant 2 : i32
          %swap3A_434 = arith.index_cast %swap3A_433 : i32 to index
          %swap3A_435 = arith.index_cast %scan3A_409 : i32 to index
          %swap3A_436 = arith.constant 32 : index
          %swap3A_437 = tpu.vector_load %arg11[%swap3A_434, %swap3A_435, %swap3A_436] {strides = array<i32>} : memref<3x128x128xf32, #tpu.memory_space<vmem>>, vector<16xf32>,
          tpu.vector_store %arg11[%swap3A_434, %swap3A_435, %swap3A_436], %get3A_432 {add = true, strides = array<i32>} : memref<3x128x128xf32, #tpu.memory_space<vmem>>, vector<16xf32>,
          %get3A_438 = arith.constant 0 : i32
          %get3A_439 = arith.index_cast %get3A_438 : i32 to index
          %get3A_440 = arith.index_cast %scan3A_409 : i32 to index
          %get3A_441 = arith.constant 48 : index
          %get3A_442 = tpu.vector_load %arg12[%get3A_439, %get3A_440, %get3A_441] {strides = array<i32>} : memref<2x128x128xf32, #tpu.memory_space<vmem>>, vector<16xf32>,
          %swap3A_443 = arith.constant 2 : i32
          %swap3A_444 = arith.index_cast %swap3A_443 : i32 to index
          %swap3A_445 = arith.index_cast %scan3A_409 : i32 to index
          %swap3A_446 = arith.constant 48 : index
          %swap3A_447 = tpu.vector_load %arg11[%swap3A_444, %swap3A_445, %swap3A_446] {strides = array<i32>} : memref<3x128x128xf32, #tpu.memory_space<vmem>>, vector<16xf32>,
          tpu.vector_store %arg11[%swap3A_444, %swap3A_445, %swap3A_446], %get3A_442 {add = true, strides = array<i32>} : memref<3x128x128xf32, #tpu.memory_space<vmem>>, vector<16xf32>,
          %get3A_448 = arith.constant 0 : i32
          %get3A_449 = arith.index_cast %get3A_448 : i32 to index
          %get3A_450 = arith.index_cast %scan3A_409 : i32 to index
          %get3A_451 = arith.constant 64 : index
          %get3A_452 = tpu.vector_load %arg12[%get3A_449, %get3A_450, %get3A_451] {strides = array<i32>} : memref<2x128x128xf32, #tpu.memory_space<vmem>>, vector<16xf32>,
          %swap3A_453 = arith.constant 2 : i32
          %swap3A_454 = arith.index_cast %swap3A_453 : i32 to index
          %swap3A_455 = arith.index_cast %scan3A_409 : i32 to index
          %swap3A_456 = arith.constant 64 : index
          %swap3A_457 = tpu.vector_load %arg11[%swap3A_454, %swap3A_455, %swap3A_456] {strides = array<i32>} : memref<3x128x128xf32, #tpu.memory_space<vmem>>, vector<16xf32>,
          tpu.vector_store %arg11[%swap3A_454, %swap3A_455, %swap3A_456], %get3A_452 {add = true, strides = array<i32>} : memref<3x128x128xf32, #tpu.memory_space<vmem>>, vector<16xf32>,
          %get3A_458 = arith.constant 0 : i32
          %get3A_459 = arith.index_cast %get3A_458 : i32 to index
          %get3A_460 = arith.index_cast %scan3A_409 : i32 to index
          %get3A_461 = arith.constant 80 : index
          %get3A_462 = tpu.vector_load %arg12[%get3A_459, %get3A_460, %get3A_461] {strides = array<i32>} : memref<2x128x128xf32, #tpu.memory_space<vmem>>, vector<16xf32>,
          %swap3A_463 = arith.constant 2 : i32
          %swap3A_464 = arith.index_cast %swap3A_463 : i32 to index
          %swap3A_465 = arith.index_cast %scan3A_409 : i32 to index
          %swap3A_466 = arith.constant 80 : index
          %swap3A_467 = tpu.vector_load %arg11[%swap3A_464, %swap3A_465, %swap3A_466] {strides = array<i32>} : memref<3x128x128xf32, #tpu.memory_space<vmem>>, vector<16xf32>,
          tpu.vector_store %arg11[%swap3A_464, %swap3A_465, %swap3A_466], %get3A_462 {add = true, strides = array<i32>} : memref<3x128x128xf32, #tpu.memory_space<vmem>>, vector<16xf32>,
          %get3A_468 = arith.constant 0 : i32
          %get3A_469 = arith.index_cast %get3A_468 : i32 to index
          %get3A_470 = arith.index_cast %scan3A_409 : i32 to index
          %get3A_471 = arith.constant 96 : index
          %get3A_472 = tpu.vector_load %arg12[%get3A_469, %get3A_470, %get3A_471] {strides = array<i32>} : memref<2x128x128xf32, #tpu.memory_space<vmem>>, vector<16xf32>,
          %swap3A_473 = arith.constant 2 : i32
          %swap3A_474 = arith.index_cast %swap3A_473 : i32 to index
          %swap3A_475 = arith.index_cast %scan3A_409 : i32 to index
          %swap3A_476 = arith.constant 96 : index
          %swap3A_477 = tpu.vector_load %arg11[%swap3A_474, %swap3A_475, %swap3A_476] {strides = array<i32>} : memref<3x128x128xf32, #tpu.memory_space<vmem>>, vector<16xf32>,
          tpu.vector_store %arg11[%swap3A_474, %swap3A_475, %swap3A_476], %get3A_472 {add = true, strides = array<i32>} : memref<3x128x128xf32, #tpu.memory_space<vmem>>, vector<16xf32>,
          %get3A_478 = arith.constant 0 : i32
          %get3A_479 = arith.index_cast %get3A_478 : i32 to index
          %get3A_480 = arith.index_cast %scan3A_409 : i32 to index
          %get3A_481 = arith.constant 112 : index
          %get3A_482 = tpu.vector_load %arg12[%get3A_479, %get3A_480, %get3A_481] {strides = array<i32>} : memref<2x128x128xf32, #tpu.memory_space<vmem>>, vector<16xf32>,
          %swap3A_483 = arith.constant 2 : i32
          %swap3A_484 = arith.index_cast %swap3A_483 : i32 to index
          %swap3A_485 = arith.index_cast %scan3A_409 : i32 to index
          %swap3A_486 = arith.constant 112 : index
          %swap3A_487 = tpu.vector_load %arg11[%swap3A_484, %swap3A_485, %swap3A_486] {strides = array<i32>} : memref<3x128x128xf32, #tpu.memory_space<vmem>>, vector<16xf32>,
          tpu.vector_store %arg11[%swap3A_484, %swap3A_485, %swap3A_486], %get3A_482 {add = true, strides = array<i32>} : memref<3x128x128xf32, #tpu.memory_space<vmem>>, vector<16xf32>,
        }
        %scan3A_379 = arith.constant 128 : i32
        %mul3A_380 = arith.constant 32 : i32
        %mul3A_381 = arith.muli %add3A_217, %mul3A_380 : i32
        %add3A_382 = arith.addi %mul3A_381, %add3A : i32
        %mul3A_383 = arith.constant 128 : i32
        %mul3A_384 = arith.muli %add3A_382, %mul3A_383 : i32
        %dma_start3A_385 = arith.constant 2 : i32
        %dma_start3A_386 = arith.constant 0 : i32
        %dma_start3A_387 = arith.constant 0 : i32
        %dma_start3A_388 = tpu.memref_slice %arg11[%dma_start3A_385, %dma_start3A_386, %dma_start3A_387] : memref<3x128x128xf32, #tpu.memory_space<vmem>> -> memref<1x128x128xf32, #tpu.memory_space<vmem>>
        %dma_start3A_389 = tpu.memref_squeeze %dma_start3A_388 : memref<1x128x128xf32, #tpu.memory_space<vmem>> -> memref<128x128xf32, #tpu.memory_space<vmem>>
        %dma_start3A_390 = arith.constant 0 : i32
        %dma_start3A_391 = tpu.memref_slice %arg8[%mul3A_384, %dma_start3A_390] : memref<320000x128xf32, #tpu.memory_space<hbm>> -> memref<128x128xf32, #tpu.memory_space<hbm>>
        %dma_start3A_392 = arith.constant 0 : i32
        %dma_start3A_393 = tpu.memref_slice %arg8[%mul3A_384, %dma_start3A_392] : memref<320000x128xf32, #tpu.memory_space<hbm>> -> memref<128x128xf32, #tpu.memory_space<hbm>>
        %dma_start3A_394 = arith.constant 0 : i32
        %dma_start3A_395 = arith.constant 0 : i32
        %dma_start3A_396 = tpu.memref_slice %arg11[%dma_start3A_385, %dma_start3A_394, %dma_start3A_395] : memref<3x128x128xf32, #tpu.memory_space<vmem>> -> memref<1x128x128xf32, #tpu.memory_space<vmem>>
        %dma_start3A_397 = tpu.memref_squeeze %dma_start3A_396 : memref<1x128x128xf32, #tpu.memory_space<vmem>> -> memref<128x128xf32, #tpu.memory_space<vmem>>
        tpu.enqueue_dma source(%dma_start3A_397 : memref<128x128xf32, #tpu.memory_space<vmem>>) target(%dma_start3A_393 : memref<128x128xf32, #tpu.memory_space<hbm>>) target_semaphore(%arg21 : memref<!tpu.dma_semaphore, #tpu.memory_space<semaphore_mem>>)
        %mul3A_398 = arith.constant 128 : i32
        %mul3A_399 = arith.muli %add3A_382, %mul3A_398 : i32
        %dma_start3A_400 = arith.constant 2 : i32
        %dma_start3A_401 = arith.constant 0 : i32
        %dma_start3A_402 = tpu.memref_slice %arg13[%dma_start3A_400, %dma_start3A_401] : memref<3x128xf32, #tpu.memory_space<vmem>> -> memref<1x128xf32, #tpu.memory_space<vmem>>
        %dma_start3A_403 = tpu.memref_squeeze %dma_start3A_402 : memref<1x128xf32, #tpu.memory_space<vmem>> -> memref<128xf32, #tpu.memory_space<vmem>>
        %dma_start3A_404 = tpu.memref_slice %arg9[%mul3A_399] : memref<320000xf32, #tpu.memory_space<hbm>> -> memref<128xf32, #tpu.memory_space<hbm>>
        %dma_start3A_405 = tpu.memref_slice %arg9[%mul3A_399] : memref<320000xf32, #tpu.memory_space<hbm>> -> memref<128xf32, #tpu.memory_space<hbm>>
        %dma_start3A_406 = arith.constant 0 : i32
        %dma_start3A_407 = tpu.memref_slice %arg13[%dma_start3A_400, %dma_start3A_406] : memref<3x128xf32, #tpu.memory_space<vmem>> -> memref<1x128xf32, #tpu.memory_space<vmem>>
        %dma_start3A_408 = tpu.memref_squeeze %dma_start3A_407 : memref<1x128xf32, #tpu.memory_space<vmem>> -> memref<128xf32, #tpu.memory_space<vmem>>
        tpu.enqueue_dma source(%dma_start3A_408 : memref<128xf32, #tpu.memory_space<vmem>>) target(%dma_start3A_405 : memref<128xf32, #tpu.memory_space<hbm>>) target_semaphore(%arg21 : memref<!tpu.dma_semaphore, #tpu.memory_space<semaphore_mem>>)
      } else {
      }
      %mul3A_246 = arith.constant 6 : i32
      %mul3A_247 = arith.muli %scan3A_149, %mul3A_246 : i32
      %add3A_248 = arith.constant 3 : i32
      %add3A_249 = arith.addi %mul3A_247, %add3A_248 : i32
      %add3A_250 = arith.constant 2 : i32
      %add3A_251 = arith.addi %add3A_249, %add3A_250 : i32
      %mul3A_252 = arith.constant 32 : i32
      %mul3A_253 = arith.muli %add3A_251, %mul3A_252 : i32
      %add3A_254 = arith.addi %mul3A_253, %add3A : i32
      %lt3A_255 = arith.constant 2500 : i32
      %lt3A_256 = arith.cmpi slt, %add3A_254, %lt3A_255 : i32
      %convert_element_type3A_257 = arith.extui %lt3A_256 : i1 to i32
      %cond3A_258 = arith.constant 0 : i32
      %cond3A_259 = arith.cmpi ne, %convert_element_type3A_257, %cond3A_258 : i32
      scf.if %cond3A_259 {
        %add3A_342 = arith.constant 2 : i32
        %add3A_343 = arith.addi %add3A_249, %add3A_342 : i32
        %mul3A_344 = arith.constant 32 : i32
        %mul3A_345 = arith.muli %add3A_343, %mul3A_344 : i32
        %add3A_346 = arith.addi %mul3A_345, %add3A : i32
        %dma_start3A_347 = arith.constant 2 : i32
        %dma_start3A_348 = arith.constant 0 : i32
        %dma_start3A_349 = arith.constant 0 : i32
        %dma_start3A_350 = tpu.memref_slice %arg10[%dma_start3A_347, %dma_start3A_348, %dma_start3A_349] : memref<3x2x128xi32, #tpu.memory_space<vmem>> -> memref<1x2x128xi32, #tpu.memory_space<vmem>>
        %dma_start3A_351 = tpu.memref_squeeze %dma_start3A_350 : memref<1x2x128xi32, #tpu.memory_space<vmem>> -> memref<2x128xi32, #tpu.memory_space<vmem>>
        %dma_start3A_352 = arith.constant 0 : i32
        %dma_start3A_353 = arith.constant 0 : i32
        %dma_start3A_354 = tpu.memref_slice %arg7[%add3A_346, %dma_start3A_352, %dma_start3A_353] : memref<2500x2x128xi32, #tpu.memory_space<hbm>> -> memref<1x2x128xi32, #tpu.memory_space<hbm>>
        %dma_start3A_355 = tpu.memref_squeeze %dma_start3A_354 : memref<1x2x128xi32, #tpu.memory_space<hbm>> -> memref<2x128xi32, #tpu.memory_space<hbm>>
        %dma_start3A_356 = arith.constant 0 : i32
        %dma_start3A_357 = arith.constant 0 : i32
        %dma_start3A_358 = tpu.memref_slice %arg10[%dma_start3A_347, %dma_start3A_356, %dma_start3A_357] : memref<3x2x128xi32, #tpu.memory_space<vmem>> -> memref<1x2x128xi32, #tpu.memory_space<vmem>>
        %dma_start3A_359 = tpu.memref_squeeze %dma_start3A_358 : memref<1x2x128xi32, #tpu.memory_space<vmem>> -> memref<2x128xi32, #tpu.memory_space<vmem>>
        %dma_start3A_360 = arith.constant 0 : i32
        %dma_start3A_361 = arith.constant 0 : i32
        %dma_start3A_362 = tpu.memref_slice %arg7[%add3A_346, %dma_start3A_360, %dma_start3A_361] : memref<2500x2x128xi32, #tpu.memory_space<hbm>> -> memref<1x2x128xi32, #tpu.memory_space<hbm>>
        %dma_start3A_363 = tpu.memref_squeeze %dma_start3A_362 : memref<1x2x128xi32, #tpu.memory_space<hbm>> -> memref<2x128xi32, #tpu.memory_space<hbm>>
        tpu.enqueue_dma source(%dma_start3A_363 : memref<2x128xi32, #tpu.memory_space<hbm>>) target(%dma_start3A_359 : memref<2x128xi32, #tpu.memory_space<vmem>>) target_semaphore(%arg24 : memref<!tpu.dma_semaphore, #tpu.memory_space<semaphore_mem>>)
      } else {
      }
      %add3A_260 = arith.constant 1 : i32
      %add3A_261 = arith.addi %add3A_249, %add3A_260 : i32
      %mul3A_262 = arith.constant 32 : i32
      %mul3A_263 = arith.muli %add3A_261, %mul3A_262 : i32
      %add3A_264 = arith.addi %mul3A_263, %add3A : i32
      %lt3A_265 = arith.constant 2500 : i32
      %lt3A_266 = arith.cmpi slt, %add3A_264, %lt3A_265 : i32
      %convert_element_type3A_267 = arith.extui %lt3A_266 : i1 to i32
      %cond3A_268 = arith.constant 0 : i32
      %cond3A_269 = arith.cmpi ne, %convert_element_type3A_267, %cond3A_268 : i32
      scf.if %cond3A_269 {
        %ge3A = arith.constant 2 : i32
        %ge3A_342 = arith.cmpi sge, %add3A_249, %ge3A : i32
        %convert_element_type3A_343 = arith.extui %ge3A_342 : i1 to i32
        %cond3A_344 = arith.constant 0 : i32
        %cond3A_345 = arith.cmpi ne, %convert_element_type3A_343, %cond3A_344 : i32
        scf.if %cond3A_345 {
          %dma_wait3A_390 = arith.constant 1 : i32
          %dma_wait3A_391 = arith.constant 0 : i32
          %dma_wait3A_392 = arith.constant 0 : i32
          %dma_wait3A_393 = tpu.memref_slice %arg11[%dma_wait3A_390, %dma_wait3A_391, %dma_wait3A_392] : memref<3x128x128xf32, #tpu.memory_space<vmem>> -> memref<1x128x128xf32, #tpu.memory_space<vmem>>
          %dma_wait3A_394 = tpu.memref_squeeze %dma_wait3A_393 : memref<1x128x128xf32, #tpu.memory_space<vmem>> -> memref<128x128xf32, #tpu.memory_space<vmem>>
          %dma_wait3A_395 = arith.constant 0 : i32
          %dma_wait3A_396 = arith.constant 0 : i32
          %dma_wait3A_397 = tpu.memref_slice %arg8[%dma_wait3A_395, %dma_wait3A_396] : memref<320000x128xf32, #tpu.memory_space<hbm>> -> memref<128x128xf32, #tpu.memory_space<hbm>>
          %dma_wait3A_398 = arith.constant 0 : i32
          %dma_wait3A_399 = arith.constant 0 : i32
          %dma_wait3A_400 = tpu.memref_slice %arg8[%dma_wait3A_398, %dma_wait3A_399] : memref<320000x128xf32, #tpu.memory_space<hbm>> -> memref<128x128xf32, #tpu.memory_space<hbm>>
          %dma_wait3A_401 = arith.constant 0 : i32
          %dma_wait3A_402 = arith.constant 0 : i32
          %dma_wait3A_403 = tpu.memref_slice %arg11[%dma_wait3A_390, %dma_wait3A_401, %dma_wait3A_402] : memref<3x128x128xf32, #tpu.memory_space<vmem>> -> memref<1x128x128xf32, #tpu.memory_space<vmem>>
          %dma_wait3A_404 = tpu.memref_squeeze %dma_wait3A_403 : memref<1x128x128xf32, #tpu.memory_space<vmem>> -> memref<128x128xf32, #tpu.memory_space<vmem>>
          tpu.wait_dma2 semaphore(%arg20 : memref<!tpu.dma_semaphore, #tpu.memory_space<semaphore_mem>>) src(%dma_wait3A_404 : memref<128x128xf32, #tpu.memory_space<vmem>>) dst(%dma_wait3A_400 : memref<128x128xf32, #tpu.memory_space<hbm>>)
          %dma_wait3A_405 = arith.constant 1 : i32
          %dma_wait3A_406 = arith.constant 0 : i32
          %dma_wait3A_407 = tpu.memref_slice %arg13[%dma_wait3A_405, %dma_wait3A_406] : memref<3x128xf32, #tpu.memory_space<vmem>> -> memref<1x128xf32, #tpu.memory_space<vmem>>
          %dma_wait3A_408 = tpu.memref_squeeze %dma_wait3A_407 : memref<1x128xf32, #tpu.memory_space<vmem>> -> memref<128xf32, #tpu.memory_space<vmem>>
          %dma_wait3A_409 = arith.constant 0 : i32
          %dma_wait3A_410 = tpu.memref_slice %arg9[%dma_wait3A_409] : memref<320000xf32, #tpu.memory_space<hbm>> -> memref<128xf32, #tpu.memory_space<hbm>>
          %dma_wait3A_411 = arith.constant 0 : i32
          %dma_wait3A_412 = tpu.memref_slice %arg9[%dma_wait3A_411] : memref<320000xf32, #tpu.memory_space<hbm>> -> memref<128xf32, #tpu.memory_space<hbm>>
          %dma_wait3A_413 = arith.constant 0 : i32
          %dma_wait3A_414 = tpu.memref_slice %arg13[%dma_wait3A_405, %dma_wait3A_413] : memref<3x128xf32, #tpu.memory_space<vmem>> -> memref<1x128xf32, #tpu.memory_space<vmem>>
          %dma_wait3A_415 = tpu.memref_squeeze %dma_wait3A_414 : memref<1x128xf32, #tpu.memory_space<vmem>> -> memref<128xf32, #tpu.memory_space<vmem>>
          tpu.wait_dma2 semaphore(%arg20 : memref<!tpu.dma_semaphore, #tpu.memory_space<semaphore_mem>>) src(%dma_wait3A_415 : memref<128xf32, #tpu.memory_space<vmem>>) dst(%dma_wait3A_412 : memref<128xf32, #tpu.memory_space<hbm>>)
        } else {
        }
        %dma_wait3A_346 = arith.constant 0 : i32
        %dma_wait3A_347 = arith.constant 1 : i32
        %dma_wait3A_348 = arith.constant 0 : i32
        %dma_wait3A_349 = arith.constant 0 : i32
        %dma_wait3A_350 = tpu.memref_slice %arg10[%dma_wait3A_347, %dma_wait3A_348, %dma_wait3A_349] : memref<3x2x128xi32, #tpu.memory_space<vmem>> -> memref<1x2x128xi32, #tpu.memory_space<vmem>>
        %dma_wait3A_351 = tpu.memref_squeeze %dma_wait3A_350 : memref<1x2x128xi32, #tpu.memory_space<vmem>> -> memref<2x128xi32, #tpu.memory_space<vmem>>
        %dma_wait3A_352 = arith.constant 0 : i32
        %dma_wait3A_353 = arith.constant 0 : i32
        %dma_wait3A_354 = tpu.memref_slice %arg7[%dma_wait3A_346, %dma_wait3A_352, %dma_wait3A_353] : memref<2500x2x128xi32, #tpu.memory_space<hbm>> -> memref<1x2x128xi32, #tpu.memory_space<hbm>>
        %dma_wait3A_355 = tpu.memref_squeeze %dma_wait3A_354 : memref<1x2x128xi32, #tpu.memory_space<hbm>> -> memref<2x128xi32, #tpu.memory_space<hbm>>
        %dma_wait3A_356 = arith.constant 0 : i32
        %dma_wait3A_357 = arith.constant 0 : i32
        %dma_wait3A_358 = tpu.memref_slice %arg10[%dma_wait3A_347, %dma_wait3A_356, %dma_wait3A_357] : memref<3x2x128xi32, #tpu.memory_space<vmem>> -> memref<1x2x128xi32, #tpu.memory_space<vmem>>
        %dma_wait3A_359 = tpu.memref_squeeze %dma_wait3A_358 : memref<1x2x128xi32, #tpu.memory_space<vmem>> -> memref<2x128xi32, #tpu.memory_space<vmem>>
        %dma_wait3A_360 = arith.constant 0 : i32
        %dma_wait3A_361 = arith.constant 0 : i32
        %dma_wait3A_362 = tpu.memref_slice %arg7[%dma_wait3A_346, %dma_wait3A_360, %dma_wait3A_361] : memref<2500x2x128xi32, #tpu.memory_space<hbm>> -> memref<1x2x128xi32, #tpu.memory_space<hbm>>
        %dma_wait3A_363 = tpu.memref_squeeze %dma_wait3A_362 : memref<1x2x128xi32, #tpu.memory_space<hbm>> -> memref<2x128xi32, #tpu.memory_space<hbm>>
        tpu.wait_dma2 semaphore(%arg23 : memref<!tpu.dma_semaphore, #tpu.memory_space<semaphore_mem>>) src(%dma_wait3A_363 : memref<2x128xi32, #tpu.memory_space<hbm>>) dst(%dma_wait3A_359 : memref<2x128xi32, #tpu.memory_space<vmem>>)
        %dma_start3A_364 = arith.constant 1 : i32
        %dma_start3A_365 = arith.constant 0 : i32
        %dma_start3A_366 = arith.constant 1 : i32
        %dma_start3A_367 = arith.constant 0 : i32
        %dma_start3A_368 = arith.constant 0 : i32
        %dma_start3A_369 = tpu.memref_slice %arg11[%dma_start3A_366, %dma_start3A_367, %dma_start3A_368] : memref<3x128x128xf32, #tpu.memory_space<vmem>> -> memref<1x128x128xf32, #tpu.memory_space<vmem>>
        %dma_start3A_370 = tpu.memref_squeeze %dma_start3A_369 : memref<1x128x128xf32, #tpu.memory_space<vmem>> -> memref<128x128xf32, #tpu.memory_space<vmem>>
        %dma_start3A_371 = arith.constant 0 : i32
        %dma_start3A_372 = tpu.memref_slice %arg10[%dma_start3A_364, %dma_start3A_365, %dma_start3A_371] : memref<3x2x128xi32, #tpu.memory_space<vmem>> -> memref<1x1x128xi32, #tpu.memory_space<vmem>>
        %dma_start3A_373 = tpu.memref_squeeze %dma_start3A_372 : memref<1x1x128xi32, #tpu.memory_space<vmem>> -> memref<128xi32, #tpu.memory_space<vmem>>
        %dma_start3A_374 = arith.constant 0 : i32
        %dma_start3A_375 = arith.constant 0 : i32
        %dma_start3A_376 = tpu.memref_slice %arg2[%dma_start3A_374, %dma_start3A_375] : memref<10000x128xf32, #tpu.memory_space<hbm>> -> memref<10000x128xf32, #tpu.memory_space<hbm>>
        tpu.enqueue_indirect_dma source(%dma_start3A_376 : memref<10000x128xf32, #tpu.memory_space<hbm>>) target(%dma_start3A_370 : memref<128x128xf32, #tpu.memory_space<vmem>>) offsets(%dma_start3A_373 : memref<128xi32, #tpu.memory_space<vmem>>) semaphore(%arg17 : memref<!tpu.dma_semaphore, #tpu.memory_space<semaphore_mem>>)
        %dma_start3A_377 = arith.constant 1 : i32
        %dma_start3A_378 = arith.constant 1 : i32
        %dma_start3A_379 = arith.constant 0 : i32
        %dma_start3A_380 = arith.constant 0 : i32
        %dma_start3A_381 = arith.constant 0 : i32
        %dma_start3A_382 = tpu.memref_slice %arg12[%dma_start3A_379, %dma_start3A_380, %dma_start3A_381] : memref<2x128x128xf32, #tpu.memory_space<vmem>> -> memref<1x128x128xf32, #tpu.memory_space<vmem>>
        %dma_start3A_383 = tpu.memref_squeeze %dma_start3A_382 : memref<1x128x128xf32, #tpu.memory_space<vmem>> -> memref<128x128xf32, #tpu.memory_space<vmem>>
        %dma_start3A_384 = arith.constant 0 : i32
        %dma_start3A_385 = tpu.memref_slice %arg10[%dma_start3A_377, %dma_start3A_378, %dma_start3A_384] : memref<3x2x128xi32, #tpu.memory_space<vmem>> -> memref<1x1x128xi32, #tpu.memory_space<vmem>>
        %dma_start3A_386 = tpu.memref_squeeze %dma_start3A_385 : memref<1x1x128xi32, #tpu.memory_space<vmem>> -> memref<128xi32, #tpu.memory_space<vmem>>
        %dma_start3A_387 = arith.constant 0 : i32
        %dma_start3A_388 = arith.constant 0 : i32
        %dma_start3A_389 = tpu.memref_slice %arg3[%dma_start3A_387, %dma_start3A_388] : memref<10000x128xf32, #tpu.memory_space<hbm>> -> memref<10000x128xf32, #tpu.memory_space<hbm>>
        tpu.enqueue_indirect_dma source(%dma_start3A_389 : memref<10000x128xf32, #tpu.memory_space<hbm>>) target(%dma_start3A_383 : memref<128x128xf32, #tpu.memory_space<vmem>>) offsets(%dma_start3A_386 : memref<128xi32, #tpu.memory_space<vmem>>) semaphore(%arg17 : memref<!tpu.dma_semaphore, #tpu.memory_space<semaphore_mem>>)
      } else {
      }
      %mul3A_270 = arith.constant 32 : i32
      %mul3A_271 = arith.muli %add3A_249, %mul3A_270 : i32
      %add3A_272 = arith.addi %mul3A_271, %add3A : i32
      %lt3A_273 = arith.constant 2500 : i32
      %lt3A_274 = arith.cmpi slt, %add3A_272, %lt3A_273 : i32
      %convert_element_type3A_275 = arith.extui %lt3A_274 : i1 to i32
      %cond3A_276 = arith.constant 0 : i32
      %cond3A_277 = arith.cmpi ne, %convert_element_type3A_275, %cond3A_276 : i32
      scf.if %cond3A_277 {
        %dma_wait3A_342 = arith.constant 0 : i32
        %dma_wait3A_343 = arith.constant 0 : i32
        %dma_wait3A_344 = arith.constant 0 : i32
        %dma_wait3A_345 = arith.constant 0 : i32
        %dma_wait3A_346 = arith.constant 0 : i32
        %dma_wait3A_347 = tpu.memref_slice %arg11[%dma_wait3A_344, %dma_wait3A_345, %dma_wait3A_346] : memref<3x128x128xf32, #tpu.memory_space<vmem>> -> memref<1x128x128xf32, #tpu.memory_space<vmem>>
        %dma_wait3A_348 = tpu.memref_squeeze %dma_wait3A_347 : memref<1x128x128xf32, #tpu.memory_space<vmem>> -> memref<128x128xf32, #tpu.memory_space<vmem>>
        %dma_wait3A_349 = arith.constant 0 : i32
        %dma_wait3A_350 = tpu.memref_slice %arg10[%dma_wait3A_342, %dma_wait3A_343, %dma_wait3A_349] : memref<3x2x128xi32, #tpu.memory_space<vmem>> -> memref<1x1x128xi32, #tpu.memory_space<vmem>>
        %dma_wait3A_351 = tpu.memref_squeeze %dma_wait3A_350 : memref<1x1x128xi32, #tpu.memory_space<vmem>> -> memref<128xi32, #tpu.memory_space<vmem>>
        %dma_wait3A_352 = arith.constant 0 : i32
        %dma_wait3A_353 = arith.constant 0 : i32
        %dma_wait3A_354 = tpu.memref_slice %arg2[%dma_wait3A_352, %dma_wait3A_353] : memref<10000x128xf32, #tpu.memory_space<hbm>> -> memref<10000x128xf32, #tpu.memory_space<hbm>>
        tpu.wait_indirect_dma semaphore(%arg18 : memref<!tpu.dma_semaphore, #tpu.memory_space<semaphore_mem>>) src(%dma_wait3A_354 : memref<10000x128xf32, #tpu.memory_space<hbm>>) dst(%dma_wait3A_348 : memref<128x128xf32, #tpu.memory_space<vmem>>)
        %dma_wait3A_355 = arith.constant 0 : i32
        %dma_wait3A_356 = arith.constant 1 : i32
        %dma_wait3A_357 = arith.constant 1 : i32
        %dma_wait3A_358 = arith.constant 0 : i32
        %dma_wait3A_359 = arith.constant 0 : i32
        %dma_wait3A_360 = tpu.memref_slice %arg12[%dma_wait3A_357, %dma_wait3A_358, %dma_wait3A_359] : memref<2x128x128xf32, #tpu.memory_space<vmem>> -> memref<1x128x128xf32, #tpu.memory_space<vmem>>
        %dma_wait3A_361 = tpu.memref_squeeze %dma_wait3A_360 : memref<1x128x128xf32, #tpu.memory_space<vmem>> -> memref<128x128xf32, #tpu.memory_space<vmem>>
        %dma_wait3A_362 = arith.constant 0 : i32
        %dma_wait3A_363 = tpu.memref_slice %arg10[%dma_wait3A_355, %dma_wait3A_356, %dma_wait3A_362] : memref<3x2x128xi32, #tpu.memory_space<vmem>> -> memref<1x1x128xi32, #tpu.memory_space<vmem>>
        %dma_wait3A_364 = tpu.memref_squeeze %dma_wait3A_363 : memref<1x1x128xi32, #tpu.memory_space<vmem>> -> memref<128xi32, #tpu.memory_space<vmem>>
        %dma_wait3A_365 = arith.constant 0 : i32
        %dma_wait3A_366 = arith.constant 0 : i32
        %dma_wait3A_367 = tpu.memref_slice %arg3[%dma_wait3A_365, %dma_wait3A_366] : memref<10000x128xf32, #tpu.memory_space<hbm>> -> memref<10000x128xf32, #tpu.memory_space<hbm>>
        tpu.wait_indirect_dma semaphore(%arg18 : memref<!tpu.dma_semaphore, #tpu.memory_space<semaphore_mem>>) src(%dma_wait3A_367 : memref<10000x128xf32, #tpu.memory_space<hbm>>) dst(%dma_wait3A_361 : memref<128x128xf32, #tpu.memory_space<vmem>>)
        %scan3A_368 = arith.constant 0 : i32
        %scan3A_369 = arith.constant 0 : i32
        %scan3A_370 = arith.constant 8 : i32
        %scan3A_371 = arith.addi %scan3A_369, %scan3A_370 : i32
        %scan3A_372 = arith.constant 1 : i32
        scf.for %scan3A_409 = %scan3A_369 to %scan3A_371 step %scan3A_372  : i32 {
          %mul3A_410 = arith.constant 16 : i32
          %mul3A_411 = arith.muli %scan3A_409, %mul3A_410 : i32
          %get3A = arith.constant 0 : i32
          %get3A_412 = arith.constant 0 : i32
          %get3A_413 = arith.index_cast %get3A : i32 to index
          %get3A_414 = arith.index_cast %get3A_412 : i32 to index
          %get3A_415 = arith.index_cast %mul3A_411 : i32 to index
          %get3A_416 = tpu.vector_load %arg10[%get3A_413, %get3A_414, %get3A_415] {strides = array<i32>} : memref<3x2x128xi32, #tpu.memory_space<vmem>>, vector<16xi32>,
          %mul3A_417 = arith.constant 16 : i32
          %mul3A_418 = arith.muli %scan3A_409, %mul3A_417 : i32
          %get3A_419 = arith.constant 0 : i32
          %get3A_420 = arith.constant 1 : i32
          %get3A_421 = arith.index_cast %get3A_419 : i32 to index
          %get3A_422 = arith.index_cast %get3A_420 : i32 to index
          %get3A_423 = arith.index_cast %mul3A_418 : i32 to index
          %get3A_424 = tpu.vector_load %arg10[%get3A_421, %get3A_422, %get3A_423] {strides = array<i32>} : memref<3x2x128xi32, #tpu.memory_space<vmem>>, vector<16xi32>,
          %gather3A = tpu.vector_load_idx %arg14[%get3A_416] : memref<10000xf32, #tpu.memory_space<vmem>>[vector<16xi32>], vector<16xf32>,
          %gather3A_425 = tpu.vector_load_idx %arg14[%get3A_424] : memref<10000xf32, #tpu.memory_space<vmem>>[vector<16xi32>], vector<16xf32>,
          %sub3A = arith.subf %gather3A, %gather3A_425 : vector<16xf32>
          %gather3A_426 = tpu.vector_load_idx %arg15[%get3A_416] : memref<10000xf32, #tpu.memory_space<vmem>>[vector<16xi32>], vector<16xf32>,
          %gather3A_427 = tpu.vector_load_idx %arg15[%get3A_424] : memref<10000xf32, #tpu.memory_space<vmem>>[vector<16xi32>], vector<16xf32>,
          %sub3A_428 = arith.subf %gather3A_426, %gather3A_427 : vector<16xf32>
          %gather3A_429 = tpu.vector_load_idx %arg16[%get3A_416] : memref<10000xf32, #tpu.memory_space<vmem>>[vector<16xi32>], vector<16xf32>,
          %gather3A_430 = tpu.vector_load_idx %arg16[%get3A_424] : memref<10000xf32, #tpu.memory_space<vmem>>[vector<16xi32>], vector<16xf32>,
          %sub3A_431 = arith.subf %gather3A_429, %gather3A_430 : vector<16xf32>
          %mul3A_432 = arith.mulf %sub3A, %sub3A : vector<16xf32>
          %mul3A_433 = arith.mulf %sub3A_428, %sub3A_428 : vector<16xf32>
          %add3A_434 = arith.addf %mul3A_432, %mul3A_433 : vector<16xf32>
          %mul3A_435 = arith.mulf %sub3A_431, %sub3A_431 : vector<16xf32>
          %add3A_436 = arith.addf %add3A_434, %mul3A_435 : vector<16xf32>
          %mul3A_437 = arith.constant 16 : i32
          %mul3A_438 = arith.muli %scan3A_409, %mul3A_437 : i32
          %swap3A = arith.constant 0 : i32
          %swap3A_439 = arith.index_cast %swap3A : i32 to index
          %swap3A_440 = arith.index_cast %mul3A_438 : i32 to index
          %swap3A_441 = tpu.vector_load %arg13[%swap3A_439, %swap3A_440] {strides = array<i32>} : memref<3x128xf32, #tpu.memory_space<vmem>>, vector<16xf32>,
          tpu.vector_store %arg13[%swap3A_439, %swap3A_440], %add3A_436 {strides = array<i32>} : memref<3x128xf32, #tpu.memory_space<vmem>>, vector<16xf32>,
        }
        %scan3A_373 = arith.constant 8 : i32
        %scan3A_374 = arith.constant 0 : i32
        %scan3A_375 = arith.constant 0 : i32
        %scan3A_376 = arith.constant 128 : i32
        %scan3A_377 = arith.addi %scan3A_375, %scan3A_376 : i32
        %scan3A_378 = arith.constant 1 : i32
        scf.for %scan3A_409 = %scan3A_375 to %scan3A_377 step %scan3A_378  : i32 {
          %get3A = arith.constant 1 : i32
          %get3A_410 = arith.index_cast %get3A : i32 to index
          %get3A_411 = arith.index_cast %scan3A_409 : i32 to index
          %get3A_412 = arith.constant 0 : index
          %get3A_413 = tpu.vector_load %arg12[%get3A_410, %get3A_411, %get3A_412] {strides = array<i32>} : memref<2x128x128xf32, #tpu.memory_space<vmem>>, vector<16xf32>,
          %swap3A = arith.constant 0 : i32
          %swap3A_414 = arith.index_cast %swap3A : i32 to index
          %swap3A_415 = arith.index_cast %scan3A_409 : i32 to index
          %swap3A_416 = arith.constant 0 : index
          %swap3A_417 = tpu.vector_load %arg11[%swap3A_414, %swap3A_415, %swap3A_416] {strides = array<i32>} : memref<3x128x128xf32, #tpu.memory_space<vmem>>, vector<16xf32>,
          tpu.vector_store %arg11[%swap3A_414, %swap3A_415, %swap3A_416], %get3A_413 {add = true, strides = array<i32>} : memref<3x128x128xf32, #tpu.memory_space<vmem>>, vector<16xf32>,
          %get3A_418 = arith.constant 1 : i32
          %get3A_419 = arith.index_cast %get3A_418 : i32 to index
          %get3A_420 = arith.index_cast %scan3A_409 : i32 to index
          %get3A_421 = arith.constant 16 : index
          %get3A_422 = tpu.vector_load %arg12[%get3A_419, %get3A_420, %get3A_421] {strides = array<i32>} : memref<2x128x128xf32, #tpu.memory_space<vmem>>, vector<16xf32>,
          %swap3A_423 = arith.constant 0 : i32
          %swap3A_424 = arith.index_cast %swap3A_423 : i32 to index
          %swap3A_425 = arith.index_cast %scan3A_409 : i32 to index
          %swap3A_426 = arith.constant 16 : index
          %swap3A_427 = tpu.vector_load %arg11[%swap3A_424, %swap3A_425, %swap3A_426] {strides = array<i32>} : memref<3x128x128xf32, #tpu.memory_space<vmem>>, vector<16xf32>,
          tpu.vector_store %arg11[%swap3A_424, %swap3A_425, %swap3A_426], %get3A_422 {add = true, strides = array<i32>} : memref<3x128x128xf32, #tpu.memory_space<vmem>>, vector<16xf32>,
          %get3A_428 = arith.constant 1 : i32
          %get3A_429 = arith.index_cast %get3A_428 : i32 to index
          %get3A_430 = arith.index_cast %scan3A_409 : i32 to index
          %get3A_431 = arith.constant 32 : index
          %get3A_432 = tpu.vector_load %arg12[%get3A_429, %get3A_430, %get3A_431] {strides = array<i32>} : memref<2x128x128xf32, #tpu.memory_space<vmem>>, vector<16xf32>,
          %swap3A_433 = arith.constant 0 : i32
          %swap3A_434 = arith.index_cast %swap3A_433 : i32 to index
          %swap3A_435 = arith.index_cast %scan3A_409 : i32 to index
          %swap3A_436 = arith.constant 32 : index
          %swap3A_437 = tpu.vector_load %arg11[%swap3A_434, %swap3A_435, %swap3A_436] {strides = array<i32>} : memref<3x128x128xf32, #tpu.memory_space<vmem>>, vector<16xf32>,
          tpu.vector_store %arg11[%swap3A_434, %swap3A_435, %swap3A_436], %get3A_432 {add = true, strides = array<i32>} : memref<3x128x128xf32, #tpu.memory_space<vmem>>, vector<16xf32>,
          %get3A_438 = arith.constant 1 : i32
          %get3A_439 = arith.index_cast %get3A_438 : i32 to index
          %get3A_440 = arith.index_cast %scan3A_409 : i32 to index
          %get3A_441 = arith.constant 48 : index
          %get3A_442 = tpu.vector_load %arg12[%get3A_439, %get3A_440, %get3A_441] {strides = array<i32>} : memref<2x128x128xf32, #tpu.memory_space<vmem>>, vector<16xf32>,
          %swap3A_443 = arith.constant 0 : i32
          %swap3A_444 = arith.index_cast %swap3A_443 : i32 to index
          %swap3A_445 = arith.index_cast %scan3A_409 : i32 to index
          %swap3A_446 = arith.constant 48 : index
          %swap3A_447 = tpu.vector_load %arg11[%swap3A_444, %swap3A_445, %swap3A_446] {strides = array<i32>} : memref<3x128x128xf32, #tpu.memory_space<vmem>>, vector<16xf32>,
          tpu.vector_store %arg11[%swap3A_444, %swap3A_445, %swap3A_446], %get3A_442 {add = true, strides = array<i32>} : memref<3x128x128xf32, #tpu.memory_space<vmem>>, vector<16xf32>,
          %get3A_448 = arith.constant 1 : i32
          %get3A_449 = arith.index_cast %get3A_448 : i32 to index
          %get3A_450 = arith.index_cast %scan3A_409 : i32 to index
          %get3A_451 = arith.constant 64 : index
          %get3A_452 = tpu.vector_load %arg12[%get3A_449, %get3A_450, %get3A_451] {strides = array<i32>} : memref<2x128x128xf32, #tpu.memory_space<vmem>>, vector<16xf32>,
          %swap3A_453 = arith.constant 0 : i32
          %swap3A_454 = arith.index_cast %swap3A_453 : i32 to index
          %swap3A_455 = arith.index_cast %scan3A_409 : i32 to index
          %swap3A_456 = arith.constant 64 : index
          %swap3A_457 = tpu.vector_load %arg11[%swap3A_454, %swap3A_455, %swap3A_456] {strides = array<i32>} : memref<3x128x128xf32, #tpu.memory_space<vmem>>, vector<16xf32>,
          tpu.vector_store %arg11[%swap3A_454, %swap3A_455, %swap3A_456], %get3A_452 {add = true, strides = array<i32>} : memref<3x128x128xf32, #tpu.memory_space<vmem>>, vector<16xf32>,
          %get3A_458 = arith.constant 1 : i32
          %get3A_459 = arith.index_cast %get3A_458 : i32 to index
          %get3A_460 = arith.index_cast %scan3A_409 : i32 to index
          %get3A_461 = arith.constant 80 : index
          %get3A_462 = tpu.vector_load %arg12[%get3A_459, %get3A_460, %get3A_461] {strides = array<i32>} : memref<2x128x128xf32, #tpu.memory_space<vmem>>, vector<16xf32>,
          %swap3A_463 = arith.constant 0 : i32
          %swap3A_464 = arith.index_cast %swap3A_463 : i32 to index
          %swap3A_465 = arith.index_cast %scan3A_409 : i32 to index
          %swap3A_466 = arith.constant 80 : index
          %swap3A_467 = tpu.vector_load %arg11[%swap3A_464, %swap3A_465, %swap3A_466] {strides = array<i32>} : memref<3x128x128xf32, #tpu.memory_space<vmem>>, vector<16xf32>,
          tpu.vector_store %arg11[%swap3A_464, %swap3A_465, %swap3A_466], %get3A_462 {add = true, strides = array<i32>} : memref<3x128x128xf32, #tpu.memory_space<vmem>>, vector<16xf32>,
          %get3A_468 = arith.constant 1 : i32
          %get3A_469 = arith.index_cast %get3A_468 : i32 to index
          %get3A_470 = arith.index_cast %scan3A_409 : i32 to index
          %get3A_471 = arith.constant 96 : index
          %get3A_472 = tpu.vector_load %arg12[%get3A_469, %get3A_470, %get3A_471] {strides = array<i32>} : memref<2x128x128xf32, #tpu.memory_space<vmem>>, vector<16xf32>,
          %swap3A_473 = arith.constant 0 : i32
          %swap3A_474 = arith.index_cast %swap3A_473 : i32 to index
          %swap3A_475 = arith.index_cast %scan3A_409 : i32 to index
          %swap3A_476 = arith.constant 96 : index
          %swap3A_477 = tpu.vector_load %arg11[%swap3A_474, %swap3A_475, %swap3A_476] {strides = array<i32>} : memref<3x128x128xf32, #tpu.memory_space<vmem>>, vector<16xf32>,
          tpu.vector_store %arg11[%swap3A_474, %swap3A_475, %swap3A_476], %get3A_472 {add = true, strides = array<i32>} : memref<3x128x128xf32, #tpu.memory_space<vmem>>, vector<16xf32>,
          %get3A_478 = arith.constant 1 : i32
          %get3A_479 = arith.index_cast %get3A_478 : i32 to index
          %get3A_480 = arith.index_cast %scan3A_409 : i32 to index
          %get3A_481 = arith.constant 112 : index
          %get3A_482 = tpu.vector_load %arg12[%get3A_479, %get3A_480, %get3A_481] {strides = array<i32>} : memref<2x128x128xf32, #tpu.memory_space<vmem>>, vector<16xf32>,
          %swap3A_483 = arith.constant 0 : i32
          %swap3A_484 = arith.index_cast %swap3A_483 : i32 to index
          %swap3A_485 = arith.index_cast %scan3A_409 : i32 to index
          %swap3A_486 = arith.constant 112 : index
          %swap3A_487 = tpu.vector_load %arg11[%swap3A_484, %swap3A_485, %swap3A_486] {strides = array<i32>} : memref<3x128x128xf32, #tpu.memory_space<vmem>>, vector<16xf32>,
          tpu.vector_store %arg11[%swap3A_484, %swap3A_485, %swap3A_486], %get3A_482 {add = true, strides = array<i32>} : memref<3x128x128xf32, #tpu.memory_space<vmem>>, vector<16xf32>,
        }
        %scan3A_379 = arith.constant 128 : i32
        %mul3A_380 = arith.constant 32 : i32
        %mul3A_381 = arith.muli %add3A_249, %mul3A_380 : i32
        %add3A_382 = arith.addi %mul3A_381, %add3A : i32
        %mul3A_383 = arith.constant 128 : i32
        %mul3A_384 = arith.muli %add3A_382, %mul3A_383 : i32
        %dma_start3A_385 = arith.constant 0 : i32
        %dma_start3A_386 = arith.constant 0 : i32
        %dma_start3A_387 = arith.constant 0 : i32
        %dma_start3A_388 = tpu.memref_slice %arg11[%dma_start3A_385, %dma_start3A_386, %dma_start3A_387] : memref<3x128x128xf32, #tpu.memory_space<vmem>> -> memref<1x128x128xf32, #tpu.memory_space<vmem>>
        %dma_start3A_389 = tpu.memref_squeeze %dma_start3A_388 : memref<1x128x128xf32, #tpu.memory_space<vmem>> -> memref<128x128xf32, #tpu.memory_space<vmem>>
        %dma_start3A_390 = arith.constant 0 : i32
        %dma_start3A_391 = tpu.memref_slice %arg8[%mul3A_384, %dma_start3A_390] : memref<320000x128xf32, #tpu.memory_space<hbm>> -> memref<128x128xf32, #tpu.memory_space<hbm>>
        %dma_start3A_392 = arith.constant 0 : i32
        %dma_start3A_393 = tpu.memref_slice %arg8[%mul3A_384, %dma_start3A_392] : memref<320000x128xf32, #tpu.memory_space<hbm>> -> memref<128x128xf32, #tpu.memory_space<hbm>>
        %dma_start3A_394 = arith.constant 0 : i32
        %dma_start3A_395 = arith.constant 0 : i32
        %dma_start3A_396 = tpu.memref_slice %arg11[%dma_start3A_385, %dma_start3A_394, %dma_start3A_395] : memref<3x128x128xf32, #tpu.memory_space<vmem>> -> memref<1x128x128xf32, #tpu.memory_space<vmem>>
        %dma_start3A_397 = tpu.memref_squeeze %dma_start3A_396 : memref<1x128x128xf32, #tpu.memory_space<vmem>> -> memref<128x128xf32, #tpu.memory_space<vmem>>
        tpu.enqueue_dma source(%dma_start3A_397 : memref<128x128xf32, #tpu.memory_space<vmem>>) target(%dma_start3A_393 : memref<128x128xf32, #tpu.memory_space<hbm>>) target_semaphore(%arg19 : memref<!tpu.dma_semaphore, #tpu.memory_space<semaphore_mem>>)
        %mul3A_398 = arith.constant 128 : i32
        %mul3A_399 = arith.muli %add3A_382, %mul3A_398 : i32
        %dma_start3A_400 = arith.constant 0 : i32
        %dma_start3A_401 = arith.constant 0 : i32
        %dma_start3A_402 = tpu.memref_slice %arg13[%dma_start3A_400, %dma_start3A_401] : memref<3x128xf32, #tpu.memory_space<vmem>> -> memref<1x128xf32, #tpu.memory_space<vmem>>
        %dma_start3A_403 = tpu.memref_squeeze %dma_start3A_402 : memref<1x128xf32, #tpu.memory_space<vmem>> -> memref<128xf32, #tpu.memory_space<vmem>>
        %dma_start3A_404 = tpu.memref_slice %arg9[%mul3A_399] : memref<320000xf32, #tpu.memory_space<hbm>> -> memref<128xf32, #tpu.memory_space<hbm>>
        %dma_start3A_405 = tpu.memref_slice %arg9[%mul3A_399] : memref<320000xf32, #tpu.memory_space<hbm>> -> memref<128xf32, #tpu.memory_space<hbm>>
        %dma_start3A_406 = arith.constant 0 : i32
        %dma_start3A_407 = tpu.memref_slice %arg13[%dma_start3A_400, %dma_start3A_406] : memref<3x128xf32, #tpu.memory_space<vmem>> -> memref<1x128xf32, #tpu.memory_space<vmem>>
        %dma_start3A_408 = tpu.memref_squeeze %dma_start3A_407 : memref<1x128xf32, #tpu.memory_space<vmem>> -> memref<128xf32, #tpu.memory_space<vmem>>
        tpu.enqueue_dma source(%dma_start3A_408 : memref<128xf32, #tpu.memory_space<vmem>>) target(%dma_start3A_405 : memref<128xf32, #tpu.memory_space<hbm>>) target_semaphore(%arg19 : memref<!tpu.dma_semaphore, #tpu.memory_space<semaphore_mem>>)
      } else {
      }
      %mul3A_278 = arith.constant 6 : i32
      %mul3A_279 = arith.muli %scan3A_149, %mul3A_278 : i32
      %add3A_280 = arith.constant 4 : i32
      %add3A_281 = arith.addi %mul3A_279, %add3A_280 : i32
      %add3A_282 = arith.constant 2 : i32
      %add3A_283 = arith.addi %add3A_281, %add3A_282 : i32
      %mul3A_284 = arith.constant 32 : i32
      %mul3A_285 = arith.muli %add3A_283, %mul3A_284 : i32
      %add3A_286 = arith.addi %mul3A_285, %add3A : i32
      %lt3A_287 = arith.constant 2500 : i32
      %lt3A_288 = arith.cmpi slt, %add3A_286, %lt3A_287 : i32
      %convert_element_type3A_289 = arith.extui %lt3A_288 : i1 to i32
      %cond3A_290 = arith.constant 0 : i32
      %cond3A_291 = arith.cmpi ne, %convert_element_type3A_289, %cond3A_290 : i32
      scf.if %cond3A_291 {
        %add3A_342 = arith.constant 2 : i32
        %add3A_343 = arith.addi %add3A_281, %add3A_342 : i32
        %mul3A_344 = arith.constant 32 : i32
        %mul3A_345 = arith.muli %add3A_343, %mul3A_344 : i32
        %add3A_346 = arith.addi %mul3A_345, %add3A : i32
        %dma_start3A_347 = arith.constant 0 : i32
        %dma_start3A_348 = arith.constant 0 : i32
        %dma_start3A_349 = arith.constant 0 : i32
        %dma_start3A_350 = tpu.memref_slice %arg10[%dma_start3A_347, %dma_start3A_348, %dma_start3A_349] : memref<3x2x128xi32, #tpu.memory_space<vmem>> -> memref<1x2x128xi32, #tpu.memory_space<vmem>>
        %dma_start3A_351 = tpu.memref_squeeze %dma_start3A_350 : memref<1x2x128xi32, #tpu.memory_space<vmem>> -> memref<2x128xi32, #tpu.memory_space<vmem>>
        %dma_start3A_352 = arith.constant 0 : i32
        %dma_start3A_353 = arith.constant 0 : i32
        %dma_start3A_354 = tpu.memref_slice %arg7[%add3A_346, %dma_start3A_352, %dma_start3A_353] : memref<2500x2x128xi32, #tpu.memory_space<hbm>> -> memref<1x2x128xi32, #tpu.memory_space<hbm>>
        %dma_start3A_355 = tpu.memref_squeeze %dma_start3A_354 : memref<1x2x128xi32, #tpu.memory_space<hbm>> -> memref<2x128xi32, #tpu.memory_space<hbm>>
        %dma_start3A_356 = arith.constant 0 : i32
        %dma_start3A_357 = arith.constant 0 : i32
        %dma_start3A_358 = tpu.memref_slice %arg10[%dma_start3A_347, %dma_start3A_356, %dma_start3A_357] : memref<3x2x128xi32, #tpu.memory_space<vmem>> -> memref<1x2x128xi32, #tpu.memory_space<vmem>>
        %dma_start3A_359 = tpu.memref_squeeze %dma_start3A_358 : memref<1x2x128xi32, #tpu.memory_space<vmem>> -> memref<2x128xi32, #tpu.memory_space<vmem>>
        %dma_start3A_360 = arith.constant 0 : i32
        %dma_start3A_361 = arith.constant 0 : i32
        %dma_start3A_362 = tpu.memref_slice %arg7[%add3A_346, %dma_start3A_360, %dma_start3A_361] : memref<2500x2x128xi32, #tpu.memory_space<hbm>> -> memref<1x2x128xi32, #tpu.memory_space<hbm>>
        %dma_start3A_363 = tpu.memref_squeeze %dma_start3A_362 : memref<1x2x128xi32, #tpu.memory_space<hbm>> -> memref<2x128xi32, #tpu.memory_space<hbm>>
        tpu.enqueue_dma source(%dma_start3A_363 : memref<2x128xi32, #tpu.memory_space<hbm>>) target(%dma_start3A_359 : memref<2x128xi32, #tpu.memory_space<vmem>>) target_semaphore(%arg22 : memref<!tpu.dma_semaphore, #tpu.memory_space<semaphore_mem>>)
      } else {
      }
      %add3A_292 = arith.constant 1 : i32
      %add3A_293 = arith.addi %add3A_281, %add3A_292 : i32
      %mul3A_294 = arith.constant 32 : i32
      %mul3A_295 = arith.muli %add3A_293, %mul3A_294 : i32
      %add3A_296 = arith.addi %mul3A_295, %add3A : i32
      %lt3A_297 = arith.constant 2500 : i32
      %lt3A_298 = arith.cmpi slt, %add3A_296, %lt3A_297 : i32
      %convert_element_type3A_299 = arith.extui %lt3A_298 : i1 to i32
      %cond3A_300 = arith.constant 0 : i32
      %cond3A_301 = arith.cmpi ne, %convert_element_type3A_299, %cond3A_300 : i32
      scf.if %cond3A_301 {
        %ge3A = arith.constant 2 : i32
        %ge3A_342 = arith.cmpi sge, %add3A_281, %ge3A : i32
        %convert_element_type3A_343 = arith.extui %ge3A_342 : i1 to i32
        %cond3A_344 = arith.constant 0 : i32
        %cond3A_345 = arith.cmpi ne, %convert_element_type3A_343, %cond3A_344 : i32
        scf.if %cond3A_345 {
          %dma_wait3A_390 = arith.constant 2 : i32
          %dma_wait3A_391 = arith.constant 0 : i32
          %dma_wait3A_392 = arith.constant 0 : i32
          %dma_wait3A_393 = tpu.memref_slice %arg11[%dma_wait3A_390, %dma_wait3A_391, %dma_wait3A_392] : memref<3x128x128xf32, #tpu.memory_space<vmem>> -> memref<1x128x128xf32, #tpu.memory_space<vmem>>
          %dma_wait3A_394 = tpu.memref_squeeze %dma_wait3A_393 : memref<1x128x128xf32, #tpu.memory_space<vmem>> -> memref<128x128xf32, #tpu.memory_space<vmem>>
          %dma_wait3A_395 = arith.constant 0 : i32
          %dma_wait3A_396 = arith.constant 0 : i32
          %dma_wait3A_397 = tpu.memref_slice %arg8[%dma_wait3A_395, %dma_wait3A_396] : memref<320000x128xf32, #tpu.memory_space<hbm>> -> memref<128x128xf32, #tpu.memory_space<hbm>>
          %dma_wait3A_398 = arith.constant 0 : i32
          %dma_wait3A_399 = arith.constant 0 : i32
          %dma_wait3A_400 = tpu.memref_slice %arg8[%dma_wait3A_398, %dma_wait3A_399] : memref<320000x128xf32, #tpu.memory_space<hbm>> -> memref<128x128xf32, #tpu.memory_space<hbm>>
          %dma_wait3A_401 = arith.constant 0 : i32
          %dma_wait3A_402 = arith.constant 0 : i32
          %dma_wait3A_403 = tpu.memref_slice %arg11[%dma_wait3A_390, %dma_wait3A_401, %dma_wait3A_402] : memref<3x128x128xf32, #tpu.memory_space<vmem>> -> memref<1x128x128xf32, #tpu.memory_space<vmem>>
          %dma_wait3A_404 = tpu.memref_squeeze %dma_wait3A_403 : memref<1x128x128xf32, #tpu.memory_space<vmem>> -> memref<128x128xf32, #tpu.memory_space<vmem>>
          tpu.wait_dma2 semaphore(%arg21 : memref<!tpu.dma_semaphore, #tpu.memory_space<semaphore_mem>>) src(%dma_wait3A_404 : memref<128x128xf32, #tpu.memory_space<vmem>>) dst(%dma_wait3A_400 : memref<128x128xf32, #tpu.memory_space<hbm>>)
          %dma_wait3A_405 = arith.constant 2 : i32
          %dma_wait3A_406 = arith.constant 0 : i32
          %dma_wait3A_407 = tpu.memref_slice %arg13[%dma_wait3A_405, %dma_wait3A_406] : memref<3x128xf32, #tpu.memory_space<vmem>> -> memref<1x128xf32, #tpu.memory_space<vmem>>
          %dma_wait3A_408 = tpu.memref_squeeze %dma_wait3A_407 : memref<1x128xf32, #tpu.memory_space<vmem>> -> memref<128xf32, #tpu.memory_space<vmem>>
          %dma_wait3A_409 = arith.constant 0 : i32
          %dma_wait3A_410 = tpu.memref_slice %arg9[%dma_wait3A_409] : memref<320000xf32, #tpu.memory_space<hbm>> -> memref<128xf32, #tpu.memory_space<hbm>>
          %dma_wait3A_411 = arith.constant 0 : i32
          %dma_wait3A_412 = tpu.memref_slice %arg9[%dma_wait3A_411] : memref<320000xf32, #tpu.memory_space<hbm>> -> memref<128xf32, #tpu.memory_space<hbm>>
          %dma_wait3A_413 = arith.constant 0 : i32
          %dma_wait3A_414 = tpu.memref_slice %arg13[%dma_wait3A_405, %dma_wait3A_413] : memref<3x128xf32, #tpu.memory_space<vmem>> -> memref<1x128xf32, #tpu.memory_space<vmem>>
          %dma_wait3A_415 = tpu.memref_squeeze %dma_wait3A_414 : memref<1x128xf32, #tpu.memory_space<vmem>> -> memref<128xf32, #tpu.memory_space<vmem>>
          tpu.wait_dma2 semaphore(%arg21 : memref<!tpu.dma_semaphore, #tpu.memory_space<semaphore_mem>>) src(%dma_wait3A_415 : memref<128xf32, #tpu.memory_space<vmem>>) dst(%dma_wait3A_412 : memref<128xf32, #tpu.memory_space<hbm>>)
        } else {
        }
        %dma_wait3A_346 = arith.constant 0 : i32
        %dma_wait3A_347 = arith.constant 2 : i32
        %dma_wait3A_348 = arith.constant 0 : i32
        %dma_wait3A_349 = arith.constant 0 : i32
        %dma_wait3A_350 = tpu.memref_slice %arg10[%dma_wait3A_347, %dma_wait3A_348, %dma_wait3A_349] : memref<3x2x128xi32, #tpu.memory_space<vmem>> -> memref<1x2x128xi32, #tpu.memory_space<vmem>>
        %dma_wait3A_351 = tpu.memref_squeeze %dma_wait3A_350 : memref<1x2x128xi32, #tpu.memory_space<vmem>> -> memref<2x128xi32, #tpu.memory_space<vmem>>
        %dma_wait3A_352 = arith.constant 0 : i32
        %dma_wait3A_353 = arith.constant 0 : i32
        %dma_wait3A_354 = tpu.memref_slice %arg7[%dma_wait3A_346, %dma_wait3A_352, %dma_wait3A_353] : memref<2500x2x128xi32, #tpu.memory_space<hbm>> -> memref<1x2x128xi32, #tpu.memory_space<hbm>>
        %dma_wait3A_355 = tpu.memref_squeeze %dma_wait3A_354 : memref<1x2x128xi32, #tpu.memory_space<hbm>> -> memref<2x128xi32, #tpu.memory_space<hbm>>
        %dma_wait3A_356 = arith.constant 0 : i32
        %dma_wait3A_357 = arith.constant 0 : i32
        %dma_wait3A_358 = tpu.memref_slice %arg10[%dma_wait3A_347, %dma_wait3A_356, %dma_wait3A_357] : memref<3x2x128xi32, #tpu.memory_space<vmem>> -> memref<1x2x128xi32, #tpu.memory_space<vmem>>
        %dma_wait3A_359 = tpu.memref_squeeze %dma_wait3A_358 : memref<1x2x128xi32, #tpu.memory_space<vmem>> -> memref<2x128xi32, #tpu.memory_space<vmem>>
        %dma_wait3A_360 = arith.constant 0 : i32
        %dma_wait3A_361 = arith.constant 0 : i32
        %dma_wait3A_362 = tpu.memref_slice %arg7[%dma_wait3A_346, %dma_wait3A_360, %dma_wait3A_361] : memref<2500x2x128xi32, #tpu.memory_space<hbm>> -> memref<1x2x128xi32, #tpu.memory_space<hbm>>
        %dma_wait3A_363 = tpu.memref_squeeze %dma_wait3A_362 : memref<1x2x128xi32, #tpu.memory_space<hbm>> -> memref<2x128xi32, #tpu.memory_space<hbm>>
        tpu.wait_dma2 semaphore(%arg24 : memref<!tpu.dma_semaphore, #tpu.memory_space<semaphore_mem>>) src(%dma_wait3A_363 : memref<2x128xi32, #tpu.memory_space<hbm>>) dst(%dma_wait3A_359 : memref<2x128xi32, #tpu.memory_space<vmem>>)
        %dma_start3A_364 = arith.constant 2 : i32
        %dma_start3A_365 = arith.constant 0 : i32
        %dma_start3A_366 = arith.constant 2 : i32
        %dma_start3A_367 = arith.constant 0 : i32
        %dma_start3A_368 = arith.constant 0 : i32
        %dma_start3A_369 = tpu.memref_slice %arg11[%dma_start3A_366, %dma_start3A_367, %dma_start3A_368] : memref<3x128x128xf32, #tpu.memory_space<vmem>> -> memref<1x128x128xf32, #tpu.memory_space<vmem>>
        %dma_start3A_370 = tpu.memref_squeeze %dma_start3A_369 : memref<1x128x128xf32, #tpu.memory_space<vmem>> -> memref<128x128xf32, #tpu.memory_space<vmem>>
        %dma_start3A_371 = arith.constant 0 : i32
        %dma_start3A_372 = tpu.memref_slice %arg10[%dma_start3A_364, %dma_start3A_365, %dma_start3A_371] : memref<3x2x128xi32, #tpu.memory_space<vmem>> -> memref<1x1x128xi32, #tpu.memory_space<vmem>>
        %dma_start3A_373 = tpu.memref_squeeze %dma_start3A_372 : memref<1x1x128xi32, #tpu.memory_space<vmem>> -> memref<128xi32, #tpu.memory_space<vmem>>
        %dma_start3A_374 = arith.constant 0 : i32
        %dma_start3A_375 = arith.constant 0 : i32
        %dma_start3A_376 = tpu.memref_slice %arg2[%dma_start3A_374, %dma_start3A_375] : memref<10000x128xf32, #tpu.memory_space<hbm>> -> memref<10000x128xf32, #tpu.memory_space<hbm>>
        tpu.enqueue_indirect_dma source(%dma_start3A_376 : memref<10000x128xf32, #tpu.memory_space<hbm>>) target(%dma_start3A_370 : memref<128x128xf32, #tpu.memory_space<vmem>>) offsets(%dma_start3A_373 : memref<128xi32, #tpu.memory_space<vmem>>) semaphore(%arg18 : memref<!tpu.dma_semaphore, #tpu.memory_space<semaphore_mem>>)
        %dma_start3A_377 = arith.constant 2 : i32
        %dma_start3A_378 = arith.constant 1 : i32
        %dma_start3A_379 = arith.constant 1 : i32
        %dma_start3A_380 = arith.constant 0 : i32
        %dma_start3A_381 = arith.constant 0 : i32
        %dma_start3A_382 = tpu.memref_slice %arg12[%dma_start3A_379, %dma_start3A_380, %dma_start3A_381] : memref<2x128x128xf32, #tpu.memory_space<vmem>> -> memref<1x128x128xf32, #tpu.memory_space<vmem>>
        %dma_start3A_383 = tpu.memref_squeeze %dma_start3A_382 : memref<1x128x128xf32, #tpu.memory_space<vmem>> -> memref<128x128xf32, #tpu.memory_space<vmem>>
        %dma_start3A_384 = arith.constant 0 : i32
        %dma_start3A_385 = tpu.memref_slice %arg10[%dma_start3A_377, %dma_start3A_378, %dma_start3A_384] : memref<3x2x128xi32, #tpu.memory_space<vmem>> -> memref<1x1x128xi32, #tpu.memory_space<vmem>>
        %dma_start3A_386 = tpu.memref_squeeze %dma_start3A_385 : memref<1x1x128xi32, #tpu.memory_space<vmem>> -> memref<128xi32, #tpu.memory_space<vmem>>
        %dma_start3A_387 = arith.constant 0 : i32
        %dma_start3A_388 = arith.constant 0 : i32
        %dma_start3A_389 = tpu.memref_slice %arg3[%dma_start3A_387, %dma_start3A_388] : memref<10000x128xf32, #tpu.memory_space<hbm>> -> memref<10000x128xf32, #tpu.memory_space<hbm>>
        tpu.enqueue_indirect_dma source(%dma_start3A_389 : memref<10000x128xf32, #tpu.memory_space<hbm>>) target(%dma_start3A_383 : memref<128x128xf32, #tpu.memory_space<vmem>>) offsets(%dma_start3A_386 : memref<128xi32, #tpu.memory_space<vmem>>) semaphore(%arg18 : memref<!tpu.dma_semaphore, #tpu.memory_space<semaphore_mem>>)
      } else {
      }
      %mul3A_302 = arith.constant 32 : i32
      %mul3A_303 = arith.muli %add3A_281, %mul3A_302 : i32
      %add3A_304 = arith.addi %mul3A_303, %add3A : i32
      %lt3A_305 = arith.constant 2500 : i32
      %lt3A_306 = arith.cmpi slt, %add3A_304, %lt3A_305 : i32
      %convert_element_type3A_307 = arith.extui %lt3A_306 : i1 to i32
      %cond3A_308 = arith.constant 0 : i32
      %cond3A_309 = arith.cmpi ne, %convert_element_type3A_307, %cond3A_308 : i32
      scf.if %cond3A_309 {
        %dma_wait3A_342 = arith.constant 1 : i32
        %dma_wait3A_343 = arith.constant 0 : i32
        %dma_wait3A_344 = arith.constant 1 : i32
        %dma_wait3A_345 = arith.constant 0 : i32
        %dma_wait3A_346 = arith.constant 0 : i32
        %dma_wait3A_347 = tpu.memref_slice %arg11[%dma_wait3A_344, %dma_wait3A_345, %dma_wait3A_346] : memref<3x128x128xf32, #tpu.memory_space<vmem>> -> memref<1x128x128xf32, #tpu.memory_space<vmem>>
        %dma_wait3A_348 = tpu.memref_squeeze %dma_wait3A_347 : memref<1x128x128xf32, #tpu.memory_space<vmem>> -> memref<128x128xf32, #tpu.memory_space<vmem>>
        %dma_wait3A_349 = arith.constant 0 : i32
        %dma_wait3A_350 = tpu.memref_slice %arg10[%dma_wait3A_342, %dma_wait3A_343, %dma_wait3A_349] : memref<3x2x128xi32, #tpu.memory_space<vmem>> -> memref<1x1x128xi32, #tpu.memory_space<vmem>>
        %dma_wait3A_351 = tpu.memref_squeeze %dma_wait3A_350 : memref<1x1x128xi32, #tpu.memory_space<vmem>> -> memref<128xi32, #tpu.memory_space<vmem>>
        %dma_wait3A_352 = arith.constant 0 : i32
        %dma_wait3A_353 = arith.constant 0 : i32
        %dma_wait3A_354 = tpu.memref_slice %arg2[%dma_wait3A_352, %dma_wait3A_353] : memref<10000x128xf32, #tpu.memory_space<hbm>> -> memref<10000x128xf32, #tpu.memory_space<hbm>>
        tpu.wait_indirect_dma semaphore(%arg17 : memref<!tpu.dma_semaphore, #tpu.memory_space<semaphore_mem>>) src(%dma_wait3A_354 : memref<10000x128xf32, #tpu.memory_space<hbm>>) dst(%dma_wait3A_348 : memref<128x128xf32, #tpu.memory_space<vmem>>)
        %dma_wait3A_355 = arith.constant 1 : i32
        %dma_wait3A_356 = arith.constant 1 : i32
        %dma_wait3A_357 = arith.constant 0 : i32
        %dma_wait3A_358 = arith.constant 0 : i32
        %dma_wait3A_359 = arith.constant 0 : i32
        %dma_wait3A_360 = tpu.memref_slice %arg12[%dma_wait3A_357, %dma_wait3A_358, %dma_wait3A_359] : memref<2x128x128xf32, #tpu.memory_space<vmem>> -> memref<1x128x128xf32, #tpu.memory_space<vmem>>
        %dma_wait3A_361 = tpu.memref_squeeze %dma_wait3A_360 : memref<1x128x128xf32, #tpu.memory_space<vmem>> -> memref<128x128xf32, #tpu.memory_space<vmem>>
        %dma_wait3A_362 = arith.constant 0 : i32
        %dma_wait3A_363 = tpu.memref_slice %arg10[%dma_wait3A_355, %dma_wait3A_356, %dma_wait3A_362] : memref<3x2x128xi32, #tpu.memory_space<vmem>> -> memref<1x1x128xi32, #tpu.memory_space<vmem>>
        %dma_wait3A_364 = tpu.memref_squeeze %dma_wait3A_363 : memref<1x1x128xi32, #tpu.memory_space<vmem>> -> memref<128xi32, #tpu.memory_space<vmem>>
        %dma_wait3A_365 = arith.constant 0 : i32
        %dma_wait3A_366 = arith.constant 0 : i32
        %dma_wait3A_367 = tpu.memref_slice %arg3[%dma_wait3A_365, %dma_wait3A_366] : memref<10000x128xf32, #tpu.memory_space<hbm>> -> memref<10000x128xf32, #tpu.memory_space<hbm>>
        tpu.wait_indirect_dma semaphore(%arg17 : memref<!tpu.dma_semaphore, #tpu.memory_space<semaphore_mem>>) src(%dma_wait3A_367 : memref<10000x128xf32, #tpu.memory_space<hbm>>) dst(%dma_wait3A_361 : memref<128x128xf32, #tpu.memory_space<vmem>>)
        %scan3A_368 = arith.constant 0 : i32
        %scan3A_369 = arith.constant 0 : i32
        %scan3A_370 = arith.constant 8 : i32
        %scan3A_371 = arith.addi %scan3A_369, %scan3A_370 : i32
        %scan3A_372 = arith.constant 1 : i32
        scf.for %scan3A_409 = %scan3A_369 to %scan3A_371 step %scan3A_372  : i32 {
          %mul3A_410 = arith.constant 16 : i32
          %mul3A_411 = arith.muli %scan3A_409, %mul3A_410 : i32
          %get3A = arith.constant 1 : i32
          %get3A_412 = arith.constant 0 : i32
          %get3A_413 = arith.index_cast %get3A : i32 to index
          %get3A_414 = arith.index_cast %get3A_412 : i32 to index
          %get3A_415 = arith.index_cast %mul3A_411 : i32 to index
          %get3A_416 = tpu.vector_load %arg10[%get3A_413, %get3A_414, %get3A_415] {strides = array<i32>} : memref<3x2x128xi32, #tpu.memory_space<vmem>>, vector<16xi32>,
          %mul3A_417 = arith.constant 16 : i32
          %mul3A_418 = arith.muli %scan3A_409, %mul3A_417 : i32
          %get3A_419 = arith.constant 1 : i32
          %get3A_420 = arith.constant 1 : i32
          %get3A_421 = arith.index_cast %get3A_419 : i32 to index
          %get3A_422 = arith.index_cast %get3A_420 : i32 to index
          %get3A_423 = arith.index_cast %mul3A_418 : i32 to index
          %get3A_424 = tpu.vector_load %arg10[%get3A_421, %get3A_422, %get3A_423] {strides = array<i32>} : memref<3x2x128xi32, #tpu.memory_space<vmem>>, vector<16xi32>,
          %gather3A = tpu.vector_load_idx %arg14[%get3A_416] : memref<10000xf32, #tpu.memory_space<vmem>>[vector<16xi32>], vector<16xf32>,
          %gather3A_425 = tpu.vector_load_idx %arg14[%get3A_424] : memref<10000xf32, #tpu.memory_space<vmem>>[vector<16xi32>], vector<16xf32>,
          %sub3A = arith.subf %gather3A, %gather3A_425 : vector<16xf32>
          %gather3A_426 = tpu.vector_load_idx %arg15[%get3A_416] : memref<10000xf32, #tpu.memory_space<vmem>>[vector<16xi32>], vector<16xf32>,
          %gather3A_427 = tpu.vector_load_idx %arg15[%get3A_424] : memref<10000xf32, #tpu.memory_space<vmem>>[vector<16xi32>], vector<16xf32>,
          %sub3A_428 = arith.subf %gather3A_426, %gather3A_427 : vector<16xf32>
          %gather3A_429 = tpu.vector_load_idx %arg16[%get3A_416] : memref<10000xf32, #tpu.memory_space<vmem>>[vector<16xi32>], vector<16xf32>,
          %gather3A_430 = tpu.vector_load_idx %arg16[%get3A_424] : memref<10000xf32, #tpu.memory_space<vmem>>[vector<16xi32>], vector<16xf32>,
          %sub3A_431 = arith.subf %gather3A_429, %gather3A_430 : vector<16xf32>
          %mul3A_432 = arith.mulf %sub3A, %sub3A : vector<16xf32>
          %mul3A_433 = arith.mulf %sub3A_428, %sub3A_428 : vector<16xf32>
          %add3A_434 = arith.addf %mul3A_432, %mul3A_433 : vector<16xf32>
          %mul3A_435 = arith.mulf %sub3A_431, %sub3A_431 : vector<16xf32>
          %add3A_436 = arith.addf %add3A_434, %mul3A_435 : vector<16xf32>
          %mul3A_437 = arith.constant 16 : i32
          %mul3A_438 = arith.muli %scan3A_409, %mul3A_437 : i32
          %swap3A = arith.constant 1 : i32
          %swap3A_439 = arith.index_cast %swap3A : i32 to index
          %swap3A_440 = arith.index_cast %mul3A_438 : i32 to index
          %swap3A_441 = tpu.vector_load %arg13[%swap3A_439, %swap3A_440] {strides = array<i32>} : memref<3x128xf32, #tpu.memory_space<vmem>>, vector<16xf32>,
          tpu.vector_store %arg13[%swap3A_439, %swap3A_440], %add3A_436 {strides = array<i32>} : memref<3x128xf32, #tpu.memory_space<vmem>>, vector<16xf32>,
        }
        %scan3A_373 = arith.constant 8 : i32
        %scan3A_374 = arith.constant 0 : i32
        %scan3A_375 = arith.constant 0 : i32
        %scan3A_376 = arith.constant 128 : i32
        %scan3A_377 = arith.addi %scan3A_375, %scan3A_376 : i32
        %scan3A_378 = arith.constant 1 : i32
        scf.for %scan3A_409 = %scan3A_375 to %scan3A_377 step %scan3A_378  : i32 {
          %get3A = arith.constant 0 : i32
          %get3A_410 = arith.index_cast %get3A : i32 to index
          %get3A_411 = arith.index_cast %scan3A_409 : i32 to index
          %get3A_412 = arith.constant 0 : index
          %get3A_413 = tpu.vector_load %arg12[%get3A_410, %get3A_411, %get3A_412] {strides = array<i32>} : memref<2x128x128xf32, #tpu.memory_space<vmem>>, vector<16xf32>,
          %swap3A = arith.constant 1 : i32
          %swap3A_414 = arith.index_cast %swap3A : i32 to index
          %swap3A_415 = arith.index_cast %scan3A_409 : i32 to index
          %swap3A_416 = arith.constant 0 : index
          %swap3A_417 = tpu.vector_load %arg11[%swap3A_414, %swap3A_415, %swap3A_416] {strides = array<i32>} : memref<3x128x128xf32, #tpu.memory_space<vmem>>, vector<16xf32>,
          tpu.vector_store %arg11[%swap3A_414, %swap3A_415, %swap3A_416], %get3A_413 {add = true, strides = array<i32>} : memref<3x128x128xf32, #tpu.memory_space<vmem>>, vector<16xf32>,
          %get3A_418 = arith.constant 0 : i32
          %get3A_419 = arith.index_cast %get3A_418 : i32 to index
          %get3A_420 = arith.index_cast %scan3A_409 : i32 to index
          %get3A_421 = arith.constant 16 : index
          %get3A_422 = tpu.vector_load %arg12[%get3A_419, %get3A_420, %get3A_421] {strides = array<i32>} : memref<2x128x128xf32, #tpu.memory_space<vmem>>, vector<16xf32>,
          %swap3A_423 = arith.constant 1 : i32
          %swap3A_424 = arith.index_cast %swap3A_423 : i32 to index
          %swap3A_425 = arith.index_cast %scan3A_409 : i32 to index
          %swap3A_426 = arith.constant 16 : index
          %swap3A_427 = tpu.vector_load %arg11[%swap3A_424, %swap3A_425, %swap3A_426] {strides = array<i32>} : memref<3x128x128xf32, #tpu.memory_space<vmem>>, vector<16xf32>,
          tpu.vector_store %arg11[%swap3A_424, %swap3A_425, %swap3A_426], %get3A_422 {add = true, strides = array<i32>} : memref<3x128x128xf32, #tpu.memory_space<vmem>>, vector<16xf32>,
          %get3A_428 = arith.constant 0 : i32
          %get3A_429 = arith.index_cast %get3A_428 : i32 to index
          %get3A_430 = arith.index_cast %scan3A_409 : i32 to index
          %get3A_431 = arith.constant 32 : index
          %get3A_432 = tpu.vector_load %arg12[%get3A_429, %get3A_430, %get3A_431] {strides = array<i32>} : memref<2x128x128xf32, #tpu.memory_space<vmem>>, vector<16xf32>,
          %swap3A_433 = arith.constant 1 : i32
          %swap3A_434 = arith.index_cast %swap3A_433 : i32 to index
          %swap3A_435 = arith.index_cast %scan3A_409 : i32 to index
          %swap3A_436 = arith.constant 32 : index
          %swap3A_437 = tpu.vector_load %arg11[%swap3A_434, %swap3A_435, %swap3A_436] {strides = array<i32>} : memref<3x128x128xf32, #tpu.memory_space<vmem>>, vector<16xf32>,
          tpu.vector_store %arg11[%swap3A_434, %swap3A_435, %swap3A_436], %get3A_432 {add = true, strides = array<i32>} : memref<3x128x128xf32, #tpu.memory_space<vmem>>, vector<16xf32>,
          %get3A_438 = arith.constant 0 : i32
          %get3A_439 = arith.index_cast %get3A_438 : i32 to index
          %get3A_440 = arith.index_cast %scan3A_409 : i32 to index
          %get3A_441 = arith.constant 48 : index
          %get3A_442 = tpu.vector_load %arg12[%get3A_439, %get3A_440, %get3A_441] {strides = array<i32>} : memref<2x128x128xf32, #tpu.memory_space<vmem>>, vector<16xf32>,
          %swap3A_443 = arith.constant 1 : i32
          %swap3A_444 = arith.index_cast %swap3A_443 : i32 to index
          %swap3A_445 = arith.index_cast %scan3A_409 : i32 to index
          %swap3A_446 = arith.constant 48 : index
          %swap3A_447 = tpu.vector_load %arg11[%swap3A_444, %swap3A_445, %swap3A_446] {strides = array<i32>} : memref<3x128x128xf32, #tpu.memory_space<vmem>>, vector<16xf32>,
          tpu.vector_store %arg11[%swap3A_444, %swap3A_445, %swap3A_446], %get3A_442 {add = true, strides = array<i32>} : memref<3x128x128xf32, #tpu.memory_space<vmem>>, vector<16xf32>,
          %get3A_448 = arith.constant 0 : i32
          %get3A_449 = arith.index_cast %get3A_448 : i32 to index
          %get3A_450 = arith.index_cast %scan3A_409 : i32 to index
          %get3A_451 = arith.constant 64 : index
          %get3A_452 = tpu.vector_load %arg12[%get3A_449, %get3A_450, %get3A_451] {strides = array<i32>} : memref<2x128x128xf32, #tpu.memory_space<vmem>>, vector<16xf32>,
          %swap3A_453 = arith.constant 1 : i32
          %swap3A_454 = arith.index_cast %swap3A_453 : i32 to index
          %swap3A_455 = arith.index_cast %scan3A_409 : i32 to index
          %swap3A_456 = arith.constant 64 : index
          %swap3A_457 = tpu.vector_load %arg11[%swap3A_454, %swap3A_455, %swap3A_456] {strides = array<i32>} : memref<3x128x128xf32, #tpu.memory_space<vmem>>, vector<16xf32>,
          tpu.vector_store %arg11[%swap3A_454, %swap3A_455, %swap3A_456], %get3A_452 {add = true, strides = array<i32>} : memref<3x128x128xf32, #tpu.memory_space<vmem>>, vector<16xf32>,
          %get3A_458 = arith.constant 0 : i32
          %get3A_459 = arith.index_cast %get3A_458 : i32 to index
          %get3A_460 = arith.index_cast %scan3A_409 : i32 to index
          %get3A_461 = arith.constant 80 : index
          %get3A_462 = tpu.vector_load %arg12[%get3A_459, %get3A_460, %get3A_461] {strides = array<i32>} : memref<2x128x128xf32, #tpu.memory_space<vmem>>, vector<16xf32>,
          %swap3A_463 = arith.constant 1 : i32
          %swap3A_464 = arith.index_cast %swap3A_463 : i32 to index
          %swap3A_465 = arith.index_cast %scan3A_409 : i32 to index
          %swap3A_466 = arith.constant 80 : index
          %swap3A_467 = tpu.vector_load %arg11[%swap3A_464, %swap3A_465, %swap3A_466] {strides = array<i32>} : memref<3x128x128xf32, #tpu.memory_space<vmem>>, vector<16xf32>,
          tpu.vector_store %arg11[%swap3A_464, %swap3A_465, %swap3A_466], %get3A_462 {add = true, strides = array<i32>} : memref<3x128x128xf32, #tpu.memory_space<vmem>>, vector<16xf32>,
          %get3A_468 = arith.constant 0 : i32
          %get3A_469 = arith.index_cast %get3A_468 : i32 to index
          %get3A_470 = arith.index_cast %scan3A_409 : i32 to index
          %get3A_471 = arith.constant 96 : index
          %get3A_472 = tpu.vector_load %arg12[%get3A_469, %get3A_470, %get3A_471] {strides = array<i32>} : memref<2x128x128xf32, #tpu.memory_space<vmem>>, vector<16xf32>,
          %swap3A_473 = arith.constant 1 : i32
          %swap3A_474 = arith.index_cast %swap3A_473 : i32 to index
          %swap3A_475 = arith.index_cast %scan3A_409 : i32 to index
          %swap3A_476 = arith.constant 96 : index
          %swap3A_477 = tpu.vector_load %arg11[%swap3A_474, %swap3A_475, %swap3A_476] {strides = array<i32>} : memref<3x128x128xf32, #tpu.memory_space<vmem>>, vector<16xf32>,
          tpu.vector_store %arg11[%swap3A_474, %swap3A_475, %swap3A_476], %get3A_472 {add = true, strides = array<i32>} : memref<3x128x128xf32, #tpu.memory_space<vmem>>, vector<16xf32>,
          %get3A_478 = arith.constant 0 : i32
          %get3A_479 = arith.index_cast %get3A_478 : i32 to index
          %get3A_480 = arith.index_cast %scan3A_409 : i32 to index
          %get3A_481 = arith.constant 112 : index
          %get3A_482 = tpu.vector_load %arg12[%get3A_479, %get3A_480, %get3A_481] {strides = array<i32>} : memref<2x128x128xf32, #tpu.memory_space<vmem>>, vector<16xf32>,
          %swap3A_483 = arith.constant 1 : i32
          %swap3A_484 = arith.index_cast %swap3A_483 : i32 to index
          %swap3A_485 = arith.index_cast %scan3A_409 : i32 to index
          %swap3A_486 = arith.constant 112 : index
          %swap3A_487 = tpu.vector_load %arg11[%swap3A_484, %swap3A_485, %swap3A_486] {strides = array<i32>} : memref<3x128x128xf32, #tpu.memory_space<vmem>>, vector<16xf32>,
          tpu.vector_store %arg11[%swap3A_484, %swap3A_485, %swap3A_486], %get3A_482 {add = true, strides = array<i32>} : memref<3x128x128xf32, #tpu.memory_space<vmem>>, vector<16xf32>,
        }
        %scan3A_379 = arith.constant 128 : i32
        %mul3A_380 = arith.constant 32 : i32
        %mul3A_381 = arith.muli %add3A_281, %mul3A_380 : i32
        %add3A_382 = arith.addi %mul3A_381, %add3A : i32
        %mul3A_383 = arith.constant 128 : i32
        %mul3A_384 = arith.muli %add3A_382, %mul3A_383 : i32
        %dma_start3A_385 = arith.constant 1 : i32
        %dma_start3A_386 = arith.constant 0 : i32
        %dma_start3A_387 = arith.constant 0 : i32
        %dma_start3A_388 = tpu.memref_slice %arg11[%dma_start3A_385, %dma_start3A_386, %dma_start3A_387] : memref<3x128x128xf32, #tpu.memory_space<vmem>> -> memref<1x128x128xf32, #tpu.memory_space<vmem>>
        %dma_start3A_389 = tpu.memref_squeeze %dma_start3A_388 : memref<1x128x128xf32, #tpu.memory_space<vmem>> -> memref<128x128xf32, #tpu.memory_space<vmem>>
        %dma_start3A_390 = arith.constant 0 : i32
        %dma_start3A_391 = tpu.memref_slice %arg8[%mul3A_384, %dma_start3A_390] : memref<320000x128xf32, #tpu.memory_space<hbm>> -> memref<128x128xf32, #tpu.memory_space<hbm>>
        %dma_start3A_392 = arith.constant 0 : i32
        %dma_start3A_393 = tpu.memref_slice %arg8[%mul3A_384, %dma_start3A_392] : memref<320000x128xf32, #tpu.memory_space<hbm>> -> memref<128x128xf32, #tpu.memory_space<hbm>>
        %dma_start3A_394 = arith.constant 0 : i32
        %dma_start3A_395 = arith.constant 0 : i32
        %dma_start3A_396 = tpu.memref_slice %arg11[%dma_start3A_385, %dma_start3A_394, %dma_start3A_395] : memref<3x128x128xf32, #tpu.memory_space<vmem>> -> memref<1x128x128xf32, #tpu.memory_space<vmem>>
        %dma_start3A_397 = tpu.memref_squeeze %dma_start3A_396 : memref<1x128x128xf32, #tpu.memory_space<vmem>> -> memref<128x128xf32, #tpu.memory_space<vmem>>
        tpu.enqueue_dma source(%dma_start3A_397 : memref<128x128xf32, #tpu.memory_space<vmem>>) target(%dma_start3A_393 : memref<128x128xf32, #tpu.memory_space<hbm>>) target_semaphore(%arg20 : memref<!tpu.dma_semaphore, #tpu.memory_space<semaphore_mem>>)
        %mul3A_398 = arith.constant 128 : i32
        %mul3A_399 = arith.muli %add3A_382, %mul3A_398 : i32
        %dma_start3A_400 = arith.constant 1 : i32
        %dma_start3A_401 = arith.constant 0 : i32
        %dma_start3A_402 = tpu.memref_slice %arg13[%dma_start3A_400, %dma_start3A_401] : memref<3x128xf32, #tpu.memory_space<vmem>> -> memref<1x128xf32, #tpu.memory_space<vmem>>
        %dma_start3A_403 = tpu.memref_squeeze %dma_start3A_402 : memref<1x128xf32, #tpu.memory_space<vmem>> -> memref<128xf32, #tpu.memory_space<vmem>>
        %dma_start3A_404 = tpu.memref_slice %arg9[%mul3A_399] : memref<320000xf32, #tpu.memory_space<hbm>> -> memref<128xf32, #tpu.memory_space<hbm>>
        %dma_start3A_405 = tpu.memref_slice %arg9[%mul3A_399] : memref<320000xf32, #tpu.memory_space<hbm>> -> memref<128xf32, #tpu.memory_space<hbm>>
        %dma_start3A_406 = arith.constant 0 : i32
        %dma_start3A_407 = tpu.memref_slice %arg13[%dma_start3A_400, %dma_start3A_406] : memref<3x128xf32, #tpu.memory_space<vmem>> -> memref<1x128xf32, #tpu.memory_space<vmem>>
        %dma_start3A_408 = tpu.memref_squeeze %dma_start3A_407 : memref<1x128xf32, #tpu.memory_space<vmem>> -> memref<128xf32, #tpu.memory_space<vmem>>
        tpu.enqueue_dma source(%dma_start3A_408 : memref<128xf32, #tpu.memory_space<vmem>>) target(%dma_start3A_405 : memref<128xf32, #tpu.memory_space<hbm>>) target_semaphore(%arg20 : memref<!tpu.dma_semaphore, #tpu.memory_space<semaphore_mem>>)
      } else {
      }
      %mul3A_310 = arith.constant 6 : i32
      %mul3A_311 = arith.muli %scan3A_149, %mul3A_310 : i32
      %add3A_312 = arith.constant 5 : i32
      %add3A_313 = arith.addi %mul3A_311, %add3A_312 : i32
      %add3A_314 = arith.constant 2 : i32
      %add3A_315 = arith.addi %add3A_313, %add3A_314 : i32
      %mul3A_316 = arith.constant 32 : i32
      %mul3A_317 = arith.muli %add3A_315, %mul3A_316 : i32
      %add3A_318 = arith.addi %mul3A_317, %add3A : i32
      %lt3A_319 = arith.constant 2500 : i32
      %lt3A_320 = arith.cmpi slt, %add3A_318, %lt3A_319 : i32
      %convert_element_type3A_321 = arith.extui %lt3A_320 : i1 to i32
      %cond3A_322 = arith.constant 0 : i32
      %cond3A_323 = arith.cmpi ne, %convert_element_type3A_321, %cond3A_322 : i32
      scf.if %cond3A_323 {
        %add3A_342 = arith.constant 2 : i32
        %add3A_343 = arith.addi %add3A_313, %add3A_342 : i32
        %mul3A_344 = arith.constant 32 : i32
        %mul3A_345 = arith.muli %add3A_343, %mul3A_344 : i32
        %add3A_346 = arith.addi %mul3A_345, %add3A : i32
        %dma_start3A_347 = arith.constant 1 : i32
        %dma_start3A_348 = arith.constant 0 : i32
        %dma_start3A_349 = arith.constant 0 : i32
        %dma_start3A_350 = tpu.memref_slice %arg10[%dma_start3A_347, %dma_start3A_348, %dma_start3A_349] : memref<3x2x128xi32, #tpu.memory_space<vmem>> -> memref<1x2x128xi32, #tpu.memory_space<vmem>>
        %dma_start3A_351 = tpu.memref_squeeze %dma_start3A_350 : memref<1x2x128xi32, #tpu.memory_space<vmem>> -> memref<2x128xi32, #tpu.memory_space<vmem>>
        %dma_start3A_352 = arith.constant 0 : i32
        %dma_start3A_353 = arith.constant 0 : i32
        %dma_start3A_354 = tpu.memref_slice %arg7[%add3A_346, %dma_start3A_352, %dma_start3A_353] : memref<2500x2x128xi32, #tpu.memory_space<hbm>> -> memref<1x2x128xi32, #tpu.memory_space<hbm>>
        %dma_start3A_355 = tpu.memref_squeeze %dma_start3A_354 : memref<1x2x128xi32, #tpu.memory_space<hbm>> -> memref<2x128xi32, #tpu.memory_space<hbm>>
        %dma_start3A_356 = arith.constant 0 : i32
        %dma_start3A_357 = arith.constant 0 : i32
        %dma_start3A_358 = tpu.memref_slice %arg10[%dma_start3A_347, %dma_start3A_356, %dma_start3A_357] : memref<3x2x128xi32, #tpu.memory_space<vmem>> -> memref<1x2x128xi32, #tpu.memory_space<vmem>>
        %dma_start3A_359 = tpu.memref_squeeze %dma_start3A_358 : memref<1x2x128xi32, #tpu.memory_space<vmem>> -> memref<2x128xi32, #tpu.memory_space<vmem>>
        %dma_start3A_360 = arith.constant 0 : i32
        %dma_start3A_361 = arith.constant 0 : i32
        %dma_start3A_362 = tpu.memref_slice %arg7[%add3A_346, %dma_start3A_360, %dma_start3A_361] : memref<2500x2x128xi32, #tpu.memory_space<hbm>> -> memref<1x2x128xi32, #tpu.memory_space<hbm>>
        %dma_start3A_363 = tpu.memref_squeeze %dma_start3A_362 : memref<1x2x128xi32, #tpu.memory_space<hbm>> -> memref<2x128xi32, #tpu.memory_space<hbm>>
        tpu.enqueue_dma source(%dma_start3A_363 : memref<2x128xi32, #tpu.memory_space<hbm>>) target(%dma_start3A_359 : memref<2x128xi32, #tpu.memory_space<vmem>>) target_semaphore(%arg23 : memref<!tpu.dma_semaphore, #tpu.memory_space<semaphore_mem>>)
      } else {
      }
      %add3A_324 = arith.constant 1 : i32
      %add3A_325 = arith.addi %add3A_313, %add3A_324 : i32
      %mul3A_326 = arith.constant 32 : i32
      %mul3A_327 = arith.muli %add3A_325, %mul3A_326 : i32
      %add3A_328 = arith.addi %mul3A_327, %add3A : i32
      %lt3A_329 = arith.constant 2500 : i32
      %lt3A_330 = arith.cmpi slt, %add3A_328, %lt3A_329 : i32
      %convert_element_type3A_331 = arith.extui %lt3A_330 : i1 to i32
      %cond3A_332 = arith.constant 0 : i32
      %cond3A_333 = arith.cmpi ne, %convert_element_type3A_331, %cond3A_332 : i32
      scf.if %cond3A_333 {
        %ge3A = arith.constant 2 : i32
        %ge3A_342 = arith.cmpi sge, %add3A_313, %ge3A : i32
        %convert_element_type3A_343 = arith.extui %ge3A_342 : i1 to i32
        %cond3A_344 = arith.constant 0 : i32
        %cond3A_345 = arith.cmpi ne, %convert_element_type3A_343, %cond3A_344 : i32
        scf.if %cond3A_345 {
          %dma_wait3A_390 = arith.constant 0 : i32
          %dma_wait3A_391 = arith.constant 0 : i32
          %dma_wait3A_392 = arith.constant 0 : i32
          %dma_wait3A_393 = tpu.memref_slice %arg11[%dma_wait3A_390, %dma_wait3A_391, %dma_wait3A_392] : memref<3x128x128xf32, #tpu.memory_space<vmem>> -> memref<1x128x128xf32, #tpu.memory_space<vmem>>
          %dma_wait3A_394 = tpu.memref_squeeze %dma_wait3A_393 : memref<1x128x128xf32, #tpu.memory_space<vmem>> -> memref<128x128xf32, #tpu.memory_space<vmem>>
          %dma_wait3A_395 = arith.constant 0 : i32
          %dma_wait3A_396 = arith.constant 0 : i32
          %dma_wait3A_397 = tpu.memref_slice %arg8[%dma_wait3A_395, %dma_wait3A_396] : memref<320000x128xf32, #tpu.memory_space<hbm>> -> memref<128x128xf32, #tpu.memory_space<hbm>>
          %dma_wait3A_398 = arith.constant 0 : i32
          %dma_wait3A_399 = arith.constant 0 : i32
          %dma_wait3A_400 = tpu.memref_slice %arg8[%dma_wait3A_398, %dma_wait3A_399] : memref<320000x128xf32, #tpu.memory_space<hbm>> -> memref<128x128xf32, #tpu.memory_space<hbm>>
          %dma_wait3A_401 = arith.constant 0 : i32
          %dma_wait3A_402 = arith.constant 0 : i32
          %dma_wait3A_403 = tpu.memref_slice %arg11[%dma_wait3A_390, %dma_wait3A_401, %dma_wait3A_402] : memref<3x128x128xf32, #tpu.memory_space<vmem>> -> memref<1x128x128xf32, #tpu.memory_space<vmem>>
          %dma_wait3A_404 = tpu.memref_squeeze %dma_wait3A_403 : memref<1x128x128xf32, #tpu.memory_space<vmem>> -> memref<128x128xf32, #tpu.memory_space<vmem>>
          tpu.wait_dma2 semaphore(%arg19 : memref<!tpu.dma_semaphore, #tpu.memory_space<semaphore_mem>>) src(%dma_wait3A_404 : memref<128x128xf32, #tpu.memory_space<vmem>>) dst(%dma_wait3A_400 : memref<128x128xf32, #tpu.memory_space<hbm>>)
          %dma_wait3A_405 = arith.constant 0 : i32
          %dma_wait3A_406 = arith.constant 0 : i32
          %dma_wait3A_407 = tpu.memref_slice %arg13[%dma_wait3A_405, %dma_wait3A_406] : memref<3x128xf32, #tpu.memory_space<vmem>> -> memref<1x128xf32, #tpu.memory_space<vmem>>
          %dma_wait3A_408 = tpu.memref_squeeze %dma_wait3A_407 : memref<1x128xf32, #tpu.memory_space<vmem>> -> memref<128xf32, #tpu.memory_space<vmem>>
          %dma_wait3A_409 = arith.constant 0 : i32
          %dma_wait3A_410 = tpu.memref_slice %arg9[%dma_wait3A_409] : memref<320000xf32, #tpu.memory_space<hbm>> -> memref<128xf32, #tpu.memory_space<hbm>>
          %dma_wait3A_411 = arith.constant 0 : i32
          %dma_wait3A_412 = tpu.memref_slice %arg9[%dma_wait3A_411] : memref<320000xf32, #tpu.memory_space<hbm>> -> memref<128xf32, #tpu.memory_space<hbm>>
          %dma_wait3A_413 = arith.constant 0 : i32
          %dma_wait3A_414 = tpu.memref_slice %arg13[%dma_wait3A_405, %dma_wait3A_413] : memref<3x128xf32, #tpu.memory_space<vmem>> -> memref<1x128xf32, #tpu.memory_space<vmem>>
          %dma_wait3A_415 = tpu.memref_squeeze %dma_wait3A_414 : memref<1x128xf32, #tpu.memory_space<vmem>> -> memref<128xf32, #tpu.memory_space<vmem>>
          tpu.wait_dma2 semaphore(%arg19 : memref<!tpu.dma_semaphore, #tpu.memory_space<semaphore_mem>>) src(%dma_wait3A_415 : memref<128xf32, #tpu.memory_space<vmem>>) dst(%dma_wait3A_412 : memref<128xf32, #tpu.memory_space<hbm>>)
        } else {
        }
        %dma_wait3A_346 = arith.constant 0 : i32
        %dma_wait3A_347 = arith.constant 0 : i32
        %dma_wait3A_348 = arith.constant 0 : i32
        %dma_wait3A_349 = arith.constant 0 : i32
        %dma_wait3A_350 = tpu.memref_slice %arg10[%dma_wait3A_347, %dma_wait3A_348, %dma_wait3A_349] : memref<3x2x128xi32, #tpu.memory_space<vmem>> -> memref<1x2x128xi32, #tpu.memory_space<vmem>>
        %dma_wait3A_351 = tpu.memref_squeeze %dma_wait3A_350 : memref<1x2x128xi32, #tpu.memory_space<vmem>> -> memref<2x128xi32, #tpu.memory_space<vmem>>
        %dma_wait3A_352 = arith.constant 0 : i32
        %dma_wait3A_353 = arith.constant 0 : i32
        %dma_wait3A_354 = tpu.memref_slice %arg7[%dma_wait3A_346, %dma_wait3A_352, %dma_wait3A_353] : memref<2500x2x128xi32, #tpu.memory_space<hbm>> -> memref<1x2x128xi32, #tpu.memory_space<hbm>>
        %dma_wait3A_355 = tpu.memref_squeeze %dma_wait3A_354 : memref<1x2x128xi32, #tpu.memory_space<hbm>> -> memref<2x128xi32, #tpu.memory_space<hbm>>
        %dma_wait3A_356 = arith.constant 0 : i32
        %dma_wait3A_357 = arith.constant 0 : i32
        %dma_wait3A_358 = tpu.memref_slice %arg10[%dma_wait3A_347, %dma_wait3A_356, %dma_wait3A_357] : memref<3x2x128xi32, #tpu.memory_space<vmem>> -> memref<1x2x128xi32, #tpu.memory_space<vmem>>
        %dma_wait3A_359 = tpu.memref_squeeze %dma_wait3A_358 : memref<1x2x128xi32, #tpu.memory_space<vmem>> -> memref<2x128xi32, #tpu.memory_space<vmem>>
        %dma_wait3A_360 = arith.constant 0 : i32
        %dma_wait3A_361 = arith.constant 0 : i32
        %dma_wait3A_362 = tpu.memref_slice %arg7[%dma_wait3A_346, %dma_wait3A_360, %dma_wait3A_361] : memref<2500x2x128xi32, #tpu.memory_space<hbm>> -> memref<1x2x128xi32, #tpu.memory_space<hbm>>
        %dma_wait3A_363 = tpu.memref_squeeze %dma_wait3A_362 : memref<1x2x128xi32, #tpu.memory_space<hbm>> -> memref<2x128xi32, #tpu.memory_space<hbm>>
        tpu.wait_dma2 semaphore(%arg22 : memref<!tpu.dma_semaphore, #tpu.memory_space<semaphore_mem>>) src(%dma_wait3A_363 : memref<2x128xi32, #tpu.memory_space<hbm>>) dst(%dma_wait3A_359 : memref<2x128xi32, #tpu.memory_space<vmem>>)
        %dma_start3A_364 = arith.constant 0 : i32
        %dma_start3A_365 = arith.constant 0 : i32
        %dma_start3A_366 = arith.constant 0 : i32
        %dma_start3A_367 = arith.constant 0 : i32
        %dma_start3A_368 = arith.constant 0 : i32
        %dma_start3A_369 = tpu.memref_slice %arg11[%dma_start3A_366, %dma_start3A_367, %dma_start3A_368] : memref<3x128x128xf32, #tpu.memory_space<vmem>> -> memref<1x128x128xf32, #tpu.memory_space<vmem>>
        %dma_start3A_370 = tpu.memref_squeeze %dma_start3A_369 : memref<1x128x128xf32, #tpu.memory_space<vmem>> -> memref<128x128xf32, #tpu.memory_space<vmem>>
        %dma_start3A_371 = arith.constant 0 : i32
        %dma_start3A_372 = tpu.memref_slice %arg10[%dma_start3A_364, %dma_start3A_365, %dma_start3A_371] : memref<3x2x128xi32, #tpu.memory_space<vmem>> -> memref<1x1x128xi32, #tpu.memory_space<vmem>>
        %dma_start3A_373 = tpu.memref_squeeze %dma_start3A_372 : memref<1x1x128xi32, #tpu.memory_space<vmem>> -> memref<128xi32, #tpu.memory_space<vmem>>
        %dma_start3A_374 = arith.constant 0 : i32
        %dma_start3A_375 = arith.constant 0 : i32
        %dma_start3A_376 = tpu.memref_slice %arg2[%dma_start3A_374, %dma_start3A_375] : memref<10000x128xf32, #tpu.memory_space<hbm>> -> memref<10000x128xf32, #tpu.memory_space<hbm>>
        tpu.enqueue_indirect_dma source(%dma_start3A_376 : memref<10000x128xf32, #tpu.memory_space<hbm>>) target(%dma_start3A_370 : memref<128x128xf32, #tpu.memory_space<vmem>>) offsets(%dma_start3A_373 : memref<128xi32, #tpu.memory_space<vmem>>) semaphore(%arg17 : memref<!tpu.dma_semaphore, #tpu.memory_space<semaphore_mem>>)
        %dma_start3A_377 = arith.constant 0 : i32
        %dma_start3A_378 = arith.constant 1 : i32
        %dma_start3A_379 = arith.constant 0 : i32
        %dma_start3A_380 = arith.constant 0 : i32
        %dma_start3A_381 = arith.constant 0 : i32
        %dma_start3A_382 = tpu.memref_slice %arg12[%dma_start3A_379, %dma_start3A_380, %dma_start3A_381] : memref<2x128x128xf32, #tpu.memory_space<vmem>> -> memref<1x128x128xf32, #tpu.memory_space<vmem>>
        %dma_start3A_383 = tpu.memref_squeeze %dma_start3A_382 : memref<1x128x128xf32, #tpu.memory_space<vmem>> -> memref<128x128xf32, #tpu.memory_space<vmem>>
        %dma_start3A_384 = arith.constant 0 : i32
        %dma_start3A_385 = tpu.memref_slice %arg10[%dma_start3A_377, %dma_start3A_378, %dma_start3A_384] : memref<3x2x128xi32, #tpu.memory_space<vmem>> -> memref<1x1x128xi32, #tpu.memory_space<vmem>>
        %dma_start3A_386 = tpu.memref_squeeze %dma_start3A_385 : memref<1x1x128xi32, #tpu.memory_space<vmem>> -> memref<128xi32, #tpu.memory_space<vmem>>
        %dma_start3A_387 = arith.constant 0 : i32
        %dma_start3A_388 = arith.constant 0 : i32
        %dma_start3A_389 = tpu.memref_slice %arg3[%dma_start3A_387, %dma_start3A_388] : memref<10000x128xf32, #tpu.memory_space<hbm>> -> memref<10000x128xf32, #tpu.memory_space<hbm>>
        tpu.enqueue_indirect_dma source(%dma_start3A_389 : memref<10000x128xf32, #tpu.memory_space<hbm>>) target(%dma_start3A_383 : memref<128x128xf32, #tpu.memory_space<vmem>>) offsets(%dma_start3A_386 : memref<128xi32, #tpu.memory_space<vmem>>) semaphore(%arg17 : memref<!tpu.dma_semaphore, #tpu.memory_space<semaphore_mem>>)
      } else {
      }
      %mul3A_334 = arith.constant 32 : i32
      %mul3A_335 = arith.muli %add3A_313, %mul3A_334 : i32
      %add3A_336 = arith.addi %mul3A_335, %add3A : i32
      %lt3A_337 = arith.constant 2500 : i32
      %lt3A_338 = arith.cmpi slt, %add3A_336, %lt3A_337 : i32
      %convert_element_type3A_339 = arith.extui %lt3A_338 : i1 to i32
      %cond3A_340 = arith.constant 0 : i32
      %cond3A_341 = arith.cmpi ne, %convert_element_type3A_339, %cond3A_340 : i32
      scf.if %cond3A_341 {
        %dma_wait3A_342 = arith.constant 2 : i32
        %dma_wait3A_343 = arith.constant 0 : i32
        %dma_wait3A_344 = arith.constant 2 : i32
        %dma_wait3A_345 = arith.constant 0 : i32
        %dma_wait3A_346 = arith.constant 0 : i32
        %dma_wait3A_347 = tpu.memref_slice %arg11[%dma_wait3A_344, %dma_wait3A_345, %dma_wait3A_346] : memref<3x128x128xf32, #tpu.memory_space<vmem>> -> memref<1x128x128xf32, #tpu.memory_space<vmem>>
        %dma_wait3A_348 = tpu.memref_squeeze %dma_wait3A_347 : memref<1x128x128xf32, #tpu.memory_space<vmem>> -> memref<128x128xf32, #tpu.memory_space<vmem>>
        %dma_wait3A_349 = arith.constant 0 : i32
        %dma_wait3A_350 = tpu.memref_slice %arg10[%dma_wait3A_342, %dma_wait3A_343, %dma_wait3A_349] : memref<3x2x128xi32, #tpu.memory_space<vmem>> -> memref<1x1x128xi32, #tpu.memory_space<vmem>>
        %dma_wait3A_351 = tpu.memref_squeeze %dma_wait3A_350 : memref<1x1x128xi32, #tpu.memory_space<vmem>> -> memref<128xi32, #tpu.memory_space<vmem>>
        %dma_wait3A_352 = arith.constant 0 : i32
        %dma_wait3A_353 = arith.constant 0 : i32
        %dma_wait3A_354 = tpu.memref_slice %arg2[%dma_wait3A_352, %dma_wait3A_353] : memref<10000x128xf32, #tpu.memory_space<hbm>> -> memref<10000x128xf32, #tpu.memory_space<hbm>>
        tpu.wait_indirect_dma semaphore(%arg18 : memref<!tpu.dma_semaphore, #tpu.memory_space<semaphore_mem>>) src(%dma_wait3A_354 : memref<10000x128xf32, #tpu.memory_space<hbm>>) dst(%dma_wait3A_348 : memref<128x128xf32, #tpu.memory_space<vmem>>)
        %dma_wait3A_355 = arith.constant 2 : i32
        %dma_wait3A_356 = arith.constant 1 : i32
        %dma_wait3A_357 = arith.constant 1 : i32
        %dma_wait3A_358 = arith.constant 0 : i32
        %dma_wait3A_359 = arith.constant 0 : i32
        %dma_wait3A_360 = tpu.memref_slice %arg12[%dma_wait3A_357, %dma_wait3A_358, %dma_wait3A_359] : memref<2x128x128xf32, #tpu.memory_space<vmem>> -> memref<1x128x128xf32, #tpu.memory_space<vmem>>
        %dma_wait3A_361 = tpu.memref_squeeze %dma_wait3A_360 : memref<1x128x128xf32, #tpu.memory_space<vmem>> -> memref<128x128xf32, #tpu.memory_space<vmem>>
        %dma_wait3A_362 = arith.constant 0 : i32
        %dma_wait3A_363 = tpu.memref_slice %arg10[%dma_wait3A_355, %dma_wait3A_356, %dma_wait3A_362] : memref<3x2x128xi32, #tpu.memory_space<vmem>> -> memref<1x1x128xi32, #tpu.memory_space<vmem>>
        %dma_wait3A_364 = tpu.memref_squeeze %dma_wait3A_363 : memref<1x1x128xi32, #tpu.memory_space<vmem>> -> memref<128xi32, #tpu.memory_space<vmem>>
        %dma_wait3A_365 = arith.constant 0 : i32
        %dma_wait3A_366 = arith.constant 0 : i32
        %dma_wait3A_367 = tpu.memref_slice %arg3[%dma_wait3A_365, %dma_wait3A_366] : memref<10000x128xf32, #tpu.memory_space<hbm>> -> memref<10000x128xf32, #tpu.memory_space<hbm>>
        tpu.wait_indirect_dma semaphore(%arg18 : memref<!tpu.dma_semaphore, #tpu.memory_space<semaphore_mem>>) src(%dma_wait3A_367 : memref<10000x128xf32, #tpu.memory_space<hbm>>) dst(%dma_wait3A_361 : memref<128x128xf32, #tpu.memory_space<vmem>>)
        %scan3A_368 = arith.constant 0 : i32
        %scan3A_369 = arith.constant 0 : i32
        %scan3A_370 = arith.constant 8 : i32
        %scan3A_371 = arith.addi %scan3A_369, %scan3A_370 : i32
        %scan3A_372 = arith.constant 1 : i32
        scf.for %scan3A_409 = %scan3A_369 to %scan3A_371 step %scan3A_372  : i32 {
          %mul3A_410 = arith.constant 16 : i32
          %mul3A_411 = arith.muli %scan3A_409, %mul3A_410 : i32
          %get3A = arith.constant 2 : i32
          %get3A_412 = arith.constant 0 : i32
          %get3A_413 = arith.index_cast %get3A : i32 to index
          %get3A_414 = arith.index_cast %get3A_412 : i32 to index
          %get3A_415 = arith.index_cast %mul3A_411 : i32 to index
          %get3A_416 = tpu.vector_load %arg10[%get3A_413, %get3A_414, %get3A_415] {strides = array<i32>} : memref<3x2x128xi32, #tpu.memory_space<vmem>>, vector<16xi32>,
          %mul3A_417 = arith.constant 16 : i32
          %mul3A_418 = arith.muli %scan3A_409, %mul3A_417 : i32
          %get3A_419 = arith.constant 2 : i32
          %get3A_420 = arith.constant 1 : i32
          %get3A_421 = arith.index_cast %get3A_419 : i32 to index
          %get3A_422 = arith.index_cast %get3A_420 : i32 to index
          %get3A_423 = arith.index_cast %mul3A_418 : i32 to index
          %get3A_424 = tpu.vector_load %arg10[%get3A_421, %get3A_422, %get3A_423] {strides = array<i32>} : memref<3x2x128xi32, #tpu.memory_space<vmem>>, vector<16xi32>,
          %gather3A = tpu.vector_load_idx %arg14[%get3A_416] : memref<10000xf32, #tpu.memory_space<vmem>>[vector<16xi32>], vector<16xf32>,
          %gather3A_425 = tpu.vector_load_idx %arg14[%get3A_424] : memref<10000xf32, #tpu.memory_space<vmem>>[vector<16xi32>], vector<16xf32>,
          %sub3A = arith.subf %gather3A, %gather3A_425 : vector<16xf32>
          %gather3A_426 = tpu.vector_load_idx %arg15[%get3A_416] : memref<10000xf32, #tpu.memory_space<vmem>>[vector<16xi32>], vector<16xf32>,
          %gather3A_427 = tpu.vector_load_idx %arg15[%get3A_424] : memref<10000xf32, #tpu.memory_space<vmem>>[vector<16xi32>], vector<16xf32>,
          %sub3A_428 = arith.subf %gather3A_426, %gather3A_427 : vector<16xf32>
          %gather3A_429 = tpu.vector_load_idx %arg16[%get3A_416] : memref<10000xf32, #tpu.memory_space<vmem>>[vector<16xi32>], vector<16xf32>,
          %gather3A_430 = tpu.vector_load_idx %arg16[%get3A_424] : memref<10000xf32, #tpu.memory_space<vmem>>[vector<16xi32>], vector<16xf32>,
          %sub3A_431 = arith.subf %gather3A_429, %gather3A_430 : vector<16xf32>
          %mul3A_432 = arith.mulf %sub3A, %sub3A : vector<16xf32>
          %mul3A_433 = arith.mulf %sub3A_428, %sub3A_428 : vector<16xf32>
          %add3A_434 = arith.addf %mul3A_432, %mul3A_433 : vector<16xf32>
          %mul3A_435 = arith.mulf %sub3A_431, %sub3A_431 : vector<16xf32>
          %add3A_436 = arith.addf %add3A_434, %mul3A_435 : vector<16xf32>
          %mul3A_437 = arith.constant 16 : i32
          %mul3A_438 = arith.muli %scan3A_409, %mul3A_437 : i32
          %swap3A = arith.constant 2 : i32
          %swap3A_439 = arith.index_cast %swap3A : i32 to index
          %swap3A_440 = arith.index_cast %mul3A_438 : i32 to index
          %swap3A_441 = tpu.vector_load %arg13[%swap3A_439, %swap3A_440] {strides = array<i32>} : memref<3x128xf32, #tpu.memory_space<vmem>>, vector<16xf32>,
          tpu.vector_store %arg13[%swap3A_439, %swap3A_440], %add3A_436 {strides = array<i32>} : memref<3x128xf32, #tpu.memory_space<vmem>>, vector<16xf32>,
        }
        %scan3A_373 = arith.constant 8 : i32
        %scan3A_374 = arith.constant 0 : i32
        %scan3A_375 = arith.constant 0 : i32
        %scan3A_376 = arith.constant 128 : i32
        %scan3A_377 = arith.addi %scan3A_375, %scan3A_376 : i32
        %scan3A_378 = arith.constant 1 : i32
        scf.for %scan3A_409 = %scan3A_375 to %scan3A_377 step %scan3A_378  : i32 {
          %get3A = arith.constant 1 : i32
          %get3A_410 = arith.index_cast %get3A : i32 to index
          %get3A_411 = arith.index_cast %scan3A_409 : i32 to index
          %get3A_412 = arith.constant 0 : index
          %get3A_413 = tpu.vector_load %arg12[%get3A_410, %get3A_411, %get3A_412] {strides = array<i32>} : memref<2x128x128xf32, #tpu.memory_space<vmem>>, vector<16xf32>,
          %swap3A = arith.constant 2 : i32
          %swap3A_414 = arith.index_cast %swap3A : i32 to index
          %swap3A_415 = arith.index_cast %scan3A_409 : i32 to index
          %swap3A_416 = arith.constant 0 : index
          %swap3A_417 = tpu.vector_load %arg11[%swap3A_414, %swap3A_415, %swap3A_416] {strides = array<i32>} : memref<3x128x128xf32, #tpu.memory_space<vmem>>, vector<16xf32>,
          tpu.vector_store %arg11[%swap3A_414, %swap3A_415, %swap3A_416], %get3A_413 {add = true, strides = array<i32>} : memref<3x128x128xf32, #tpu.memory_space<vmem>>, vector<16xf32>,
          %get3A_418 = arith.constant 1 : i32
          %get3A_419 = arith.index_cast %get3A_418 : i32 to index
          %get3A_420 = arith.index_cast %scan3A_409 : i32 to index
          %get3A_421 = arith.constant 16 : index
          %get3A_422 = tpu.vector_load %arg12[%get3A_419, %get3A_420, %get3A_421] {strides = array<i32>} : memref<2x128x128xf32, #tpu.memory_space<vmem>>, vector<16xf32>,
          %swap3A_423 = arith.constant 2 : i32
          %swap3A_424 = arith.index_cast %swap3A_423 : i32 to index
          %swap3A_425 = arith.index_cast %scan3A_409 : i32 to index
          %swap3A_426 = arith.constant 16 : index
          %swap3A_427 = tpu.vector_load %arg11[%swap3A_424, %swap3A_425, %swap3A_426] {strides = array<i32>} : memref<3x128x128xf32, #tpu.memory_space<vmem>>, vector<16xf32>,
          tpu.vector_store %arg11[%swap3A_424, %swap3A_425, %swap3A_426], %get3A_422 {add = true, strides = array<i32>} : memref<3x128x128xf32, #tpu.memory_space<vmem>>, vector<16xf32>,
          %get3A_428 = arith.constant 1 : i32
          %get3A_429 = arith.index_cast %get3A_428 : i32 to index
          %get3A_430 = arith.index_cast %scan3A_409 : i32 to index
          %get3A_431 = arith.constant 32 : index
          %get3A_432 = tpu.vector_load %arg12[%get3A_429, %get3A_430, %get3A_431] {strides = array<i32>} : memref<2x128x128xf32, #tpu.memory_space<vmem>>, vector<16xf32>,
          %swap3A_433 = arith.constant 2 : i32
          %swap3A_434 = arith.index_cast %swap3A_433 : i32 to index
          %swap3A_435 = arith.index_cast %scan3A_409 : i32 to index
          %swap3A_436 = arith.constant 32 : index
          %swap3A_437 = tpu.vector_load %arg11[%swap3A_434, %swap3A_435, %swap3A_436] {strides = array<i32>} : memref<3x128x128xf32, #tpu.memory_space<vmem>>, vector<16xf32>,
          tpu.vector_store %arg11[%swap3A_434, %swap3A_435, %swap3A_436], %get3A_432 {add = true, strides = array<i32>} : memref<3x128x128xf32, #tpu.memory_space<vmem>>, vector<16xf32>,
          %get3A_438 = arith.constant 1 : i32
          %get3A_439 = arith.index_cast %get3A_438 : i32 to index
          %get3A_440 = arith.index_cast %scan3A_409 : i32 to index
          %get3A_441 = arith.constant 48 : index
          %get3A_442 = tpu.vector_load %arg12[%get3A_439, %get3A_440, %get3A_441] {strides = array<i32>} : memref<2x128x128xf32, #tpu.memory_space<vmem>>, vector<16xf32>,
          %swap3A_443 = arith.constant 2 : i32
          %swap3A_444 = arith.index_cast %swap3A_443 : i32 to index
          %swap3A_445 = arith.index_cast %scan3A_409 : i32 to index
          %swap3A_446 = arith.constant 48 : index
          %swap3A_447 = tpu.vector_load %arg11[%swap3A_444, %swap3A_445, %swap3A_446] {strides = array<i32>} : memref<3x128x128xf32, #tpu.memory_space<vmem>>, vector<16xf32>,
          tpu.vector_store %arg11[%swap3A_444, %swap3A_445, %swap3A_446], %get3A_442 {add = true, strides = array<i32>} : memref<3x128x128xf32, #tpu.memory_space<vmem>>, vector<16xf32>,
          %get3A_448 = arith.constant 1 : i32
          %get3A_449 = arith.index_cast %get3A_448 : i32 to index
          %get3A_450 = arith.index_cast %scan3A_409 : i32 to index
          %get3A_451 = arith.constant 64 : index
          %get3A_452 = tpu.vector_load %arg12[%get3A_449, %get3A_450, %get3A_451] {strides = array<i32>} : memref<2x128x128xf32, #tpu.memory_space<vmem>>, vector<16xf32>,
          %swap3A_453 = arith.constant 2 : i32
          %swap3A_454 = arith.index_cast %swap3A_453 : i32 to index
          %swap3A_455 = arith.index_cast %scan3A_409 : i32 to index
          %swap3A_456 = arith.constant 64 : index
          %swap3A_457 = tpu.vector_load %arg11[%swap3A_454, %swap3A_455, %swap3A_456] {strides = array<i32>} : memref<3x128x128xf32, #tpu.memory_space<vmem>>, vector<16xf32>,
          tpu.vector_store %arg11[%swap3A_454, %swap3A_455, %swap3A_456], %get3A_452 {add = true, strides = array<i32>} : memref<3x128x128xf32, #tpu.memory_space<vmem>>, vector<16xf32>,
          %get3A_458 = arith.constant 1 : i32
          %get3A_459 = arith.index_cast %get3A_458 : i32 to index
          %get3A_460 = arith.index_cast %scan3A_409 : i32 to index
          %get3A_461 = arith.constant 80 : index
          %get3A_462 = tpu.vector_load %arg12[%get3A_459, %get3A_460, %get3A_461] {strides = array<i32>} : memref<2x128x128xf32, #tpu.memory_space<vmem>>, vector<16xf32>,
          %swap3A_463 = arith.constant 2 : i32
          %swap3A_464 = arith.index_cast %swap3A_463 : i32 to index
          %swap3A_465 = arith.index_cast %scan3A_409 : i32 to index
          %swap3A_466 = arith.constant 80 : index
          %swap3A_467 = tpu.vector_load %arg11[%swap3A_464, %swap3A_465, %swap3A_466] {strides = array<i32>} : memref<3x128x128xf32, #tpu.memory_space<vmem>>, vector<16xf32>,
          tpu.vector_store %arg11[%swap3A_464, %swap3A_465, %swap3A_466], %get3A_462 {add = true, strides = array<i32>} : memref<3x128x128xf32, #tpu.memory_space<vmem>>, vector<16xf32>,
          %get3A_468 = arith.constant 1 : i32
          %get3A_469 = arith.index_cast %get3A_468 : i32 to index
          %get3A_470 = arith.index_cast %scan3A_409 : i32 to index
          %get3A_471 = arith.constant 96 : index
          %get3A_472 = tpu.vector_load %arg12[%get3A_469, %get3A_470, %get3A_471] {strides = array<i32>} : memref<2x128x128xf32, #tpu.memory_space<vmem>>, vector<16xf32>,
          %swap3A_473 = arith.constant 2 : i32
          %swap3A_474 = arith.index_cast %swap3A_473 : i32 to index
          %swap3A_475 = arith.index_cast %scan3A_409 : i32 to index
          %swap3A_476 = arith.constant 96 : index
          %swap3A_477 = tpu.vector_load %arg11[%swap3A_474, %swap3A_475, %swap3A_476] {strides = array<i32>} : memref<3x128x128xf32, #tpu.memory_space<vmem>>, vector<16xf32>,
          tpu.vector_store %arg11[%swap3A_474, %swap3A_475, %swap3A_476], %get3A_472 {add = true, strides = array<i32>} : memref<3x128x128xf32, #tpu.memory_space<vmem>>, vector<16xf32>,
          %get3A_478 = arith.constant 1 : i32
          %get3A_479 = arith.index_cast %get3A_478 : i32 to index
          %get3A_480 = arith.index_cast %scan3A_409 : i32 to index
          %get3A_481 = arith.constant 112 : index
          %get3A_482 = tpu.vector_load %arg12[%get3A_479, %get3A_480, %get3A_481] {strides = array<i32>} : memref<2x128x128xf32, #tpu.memory_space<vmem>>, vector<16xf32>,
          %swap3A_483 = arith.constant 2 : i32
          %swap3A_484 = arith.index_cast %swap3A_483 : i32 to index
          %swap3A_485 = arith.index_cast %scan3A_409 : i32 to index
          %swap3A_486 = arith.constant 112 : index
          %swap3A_487 = tpu.vector_load %arg11[%swap3A_484, %swap3A_485, %swap3A_486] {strides = array<i32>} : memref<3x128x128xf32, #tpu.memory_space<vmem>>, vector<16xf32>,
          tpu.vector_store %arg11[%swap3A_484, %swap3A_485, %swap3A_486], %get3A_482 {add = true, strides = array<i32>} : memref<3x128x128xf32, #tpu.memory_space<vmem>>, vector<16xf32>,
        }
        %scan3A_379 = arith.constant 128 : i32
        %mul3A_380 = arith.constant 32 : i32
        %mul3A_381 = arith.muli %add3A_313, %mul3A_380 : i32
        %add3A_382 = arith.addi %mul3A_381, %add3A : i32
        %mul3A_383 = arith.constant 128 : i32
        %mul3A_384 = arith.muli %add3A_382, %mul3A_383 : i32
        %dma_start3A_385 = arith.constant 2 : i32
        %dma_start3A_386 = arith.constant 0 : i32
        %dma_start3A_387 = arith.constant 0 : i32
        %dma_start3A_388 = tpu.memref_slice %arg11[%dma_start3A_385, %dma_start3A_386, %dma_start3A_387] : memref<3x128x128xf32, #tpu.memory_space<vmem>> -> memref<1x128x128xf32, #tpu.memory_space<vmem>>
        %dma_start3A_389 = tpu.memref_squeeze %dma_start3A_388 : memref<1x128x128xf32, #tpu.memory_space<vmem>> -> memref<128x128xf32, #tpu.memory_space<vmem>>
        %dma_start3A_390 = arith.constant 0 : i32
        %dma_start3A_391 = tpu.memref_slice %arg8[%mul3A_384, %dma_start3A_390] : memref<320000x128xf32, #tpu.memory_space<hbm>> -> memref<128x128xf32, #tpu.memory_space<hbm>>
        %dma_start3A_392 = arith.constant 0 : i32
        %dma_start3A_393 = tpu.memref_slice %arg8[%mul3A_384, %dma_start3A_392] : memref<320000x128xf32, #tpu.memory_space<hbm>> -> memref<128x128xf32, #tpu.memory_space<hbm>>
        %dma_start3A_394 = arith.constant 0 : i32
        %dma_start3A_395 = arith.constant 0 : i32
        %dma_start3A_396 = tpu.memref_slice %arg11[%dma_start3A_385, %dma_start3A_394, %dma_start3A_395] : memref<3x128x128xf32, #tpu.memory_space<vmem>> -> memref<1x128x128xf32, #tpu.memory_space<vmem>>
        %dma_start3A_397 = tpu.memref_squeeze %dma_start3A_396 : memref<1x128x128xf32, #tpu.memory_space<vmem>> -> memref<128x128xf32, #tpu.memory_space<vmem>>
        tpu.enqueue_dma source(%dma_start3A_397 : memref<128x128xf32, #tpu.memory_space<vmem>>) target(%dma_start3A_393 : memref<128x128xf32, #tpu.memory_space<hbm>>) target_semaphore(%arg21 : memref<!tpu.dma_semaphore, #tpu.memory_space<semaphore_mem>>)
        %mul3A_398 = arith.constant 128 : i32
        %mul3A_399 = arith.muli %add3A_382, %mul3A_398 : i32
        %dma_start3A_400 = arith.constant 2 : i32
        %dma_start3A_401 = arith.constant 0 : i32
        %dma_start3A_402 = tpu.memref_slice %arg13[%dma_start3A_400, %dma_start3A_401] : memref<3x128xf32, #tpu.memory_space<vmem>> -> memref<1x128xf32, #tpu.memory_space<vmem>>
        %dma_start3A_403 = tpu.memref_squeeze %dma_start3A_402 : memref<1x128xf32, #tpu.memory_space<vmem>> -> memref<128xf32, #tpu.memory_space<vmem>>
        %dma_start3A_404 = tpu.memref_slice %arg9[%mul3A_399] : memref<320000xf32, #tpu.memory_space<hbm>> -> memref<128xf32, #tpu.memory_space<hbm>>
        %dma_start3A_405 = tpu.memref_slice %arg9[%mul3A_399] : memref<320000xf32, #tpu.memory_space<hbm>> -> memref<128xf32, #tpu.memory_space<hbm>>
        %dma_start3A_406 = arith.constant 0 : i32
        %dma_start3A_407 = tpu.memref_slice %arg13[%dma_start3A_400, %dma_start3A_406] : memref<3x128xf32, #tpu.memory_space<vmem>> -> memref<1x128xf32, #tpu.memory_space<vmem>>
        %dma_start3A_408 = tpu.memref_squeeze %dma_start3A_407 : memref<1x128xf32, #tpu.memory_space<vmem>> -> memref<128xf32, #tpu.memory_space<vmem>>
        tpu.enqueue_dma source(%dma_start3A_408 : memref<128xf32, #tpu.memory_space<vmem>>) target(%dma_start3A_405 : memref<128xf32, #tpu.memory_space<hbm>>) target_semaphore(%arg21 : memref<!tpu.dma_semaphore, #tpu.memory_space<semaphore_mem>>)
      } else {
      }
    }
    %scan3A_70 = arith.constant 14 : i32
    %dma_wait3A_71 = arith.constant 0 : i32
    %dma_wait3A_72 = arith.constant 0 : i32
    %dma_wait3A_73 = arith.constant 0 : i32
    %dma_wait3A_74 = tpu.memref_slice %arg11[%dma_wait3A_71, %dma_wait3A_72, %dma_wait3A_73] : memref<3x128x128xf32, #tpu.memory_space<vmem>> -> memref<1x128x128xf32, #tpu.memory_space<vmem>>
    %dma_wait3A_75 = tpu.memref_squeeze %dma_wait3A_74 : memref<1x128x128xf32, #tpu.memory_space<vmem>> -> memref<128x128xf32, #tpu.memory_space<vmem>>
    %dma_wait3A_76 = arith.constant 0 : i32
    %dma_wait3A_77 = arith.constant 0 : i32
    %dma_wait3A_78 = tpu.memref_slice %arg8[%dma_wait3A_76, %dma_wait3A_77] : memref<320000x128xf32, #tpu.memory_space<hbm>> -> memref<128x128xf32, #tpu.memory_space<hbm>>
    %dma_wait3A_79 = arith.constant 0 : i32
    %dma_wait3A_80 = arith.constant 0 : i32
    %dma_wait3A_81 = tpu.memref_slice %arg8[%dma_wait3A_79, %dma_wait3A_80] : memref<320000x128xf32, #tpu.memory_space<hbm>> -> memref<128x128xf32, #tpu.memory_space<hbm>>
    %dma_wait3A_82 = arith.constant 0 : i32
    %dma_wait3A_83 = arith.constant 0 : i32
    %dma_wait3A_84 = tpu.memref_slice %arg11[%dma_wait3A_71, %dma_wait3A_82, %dma_wait3A_83] : memref<3x128x128xf32, #tpu.memory_space<vmem>> -> memref<1x128x128xf32, #tpu.memory_space<vmem>>
    %dma_wait3A_85 = tpu.memref_squeeze %dma_wait3A_84 : memref<1x128x128xf32, #tpu.memory_space<vmem>> -> memref<128x128xf32, #tpu.memory_space<vmem>>
    tpu.wait_dma2 semaphore(%arg19 : memref<!tpu.dma_semaphore, #tpu.memory_space<semaphore_mem>>) src(%dma_wait3A_85 : memref<128x128xf32, #tpu.memory_space<vmem>>) dst(%dma_wait3A_81 : memref<128x128xf32, #tpu.memory_space<hbm>>)
    %dma_wait3A_86 = arith.constant 0 : i32
    %dma_wait3A_87 = arith.constant 0 : i32
    %dma_wait3A_88 = tpu.memref_slice %arg13[%dma_wait3A_86, %dma_wait3A_87] : memref<3x128xf32, #tpu.memory_space<vmem>> -> memref<1x128xf32, #tpu.memory_space<vmem>>
    %dma_wait3A_89 = tpu.memref_squeeze %dma_wait3A_88 : memref<1x128xf32, #tpu.memory_space<vmem>> -> memref<128xf32, #tpu.memory_space<vmem>>
    %dma_wait3A_90 = arith.constant 0 : i32
    %dma_wait3A_91 = tpu.memref_slice %arg9[%dma_wait3A_90] : memref<320000xf32, #tpu.memory_space<hbm>> -> memref<128xf32, #tpu.memory_space<hbm>>
    %dma_wait3A_92 = arith.constant 0 : i32
    %dma_wait3A_93 = tpu.memref_slice %arg9[%dma_wait3A_92] : memref<320000xf32, #tpu.memory_space<hbm>> -> memref<128xf32, #tpu.memory_space<hbm>>
    %dma_wait3A_94 = arith.constant 0 : i32
    %dma_wait3A_95 = tpu.memref_slice %arg13[%dma_wait3A_86, %dma_wait3A_94] : memref<3x128xf32, #tpu.memory_space<vmem>> -> memref<1x128xf32, #tpu.memory_space<vmem>>
    %dma_wait3A_96 = tpu.memref_squeeze %dma_wait3A_95 : memref<1x128xf32, #tpu.memory_space<vmem>> -> memref<128xf32, #tpu.memory_space<vmem>>
    tpu.wait_dma2 semaphore(%arg19 : memref<!tpu.dma_semaphore, #tpu.memory_space<semaphore_mem>>) src(%dma_wait3A_96 : memref<128xf32, #tpu.memory_space<vmem>>) dst(%dma_wait3A_93 : memref<128xf32, #tpu.memory_space<hbm>>)
    %dma_wait3A_97 = arith.constant 1 : i32
    %dma_wait3A_98 = arith.constant 0 : i32
    %dma_wait3A_99 = arith.constant 0 : i32
    %dma_wait3A_100 = tpu.memref_slice %arg11[%dma_wait3A_97, %dma_wait3A_98, %dma_wait3A_99] : memref<3x128x128xf32, #tpu.memory_space<vmem>> -> memref<1x128x128xf32, #tpu.memory_space<vmem>>
    %dma_wait3A_101 = tpu.memref_squeeze %dma_wait3A_100 : memref<1x128x128xf32, #tpu.memory_space<vmem>> -> memref<128x128xf32, #tpu.memory_space<vmem>>
    %dma_wait3A_102 = arith.constant 0 : i32
    %dma_wait3A_103 = arith.constant 0 : i32
    %dma_wait3A_104 = tpu.memref_slice %arg8[%dma_wait3A_102, %dma_wait3A_103] : memref<320000x128xf32, #tpu.memory_space<hbm>> -> memref<128x128xf32, #tpu.memory_space<hbm>>
    %dma_wait3A_105 = arith.constant 0 : i32
    %dma_wait3A_106 = arith.constant 0 : i32
    %dma_wait3A_107 = tpu.memref_slice %arg8[%dma_wait3A_105, %dma_wait3A_106] : memref<320000x128xf32, #tpu.memory_space<hbm>> -> memref<128x128xf32, #tpu.memory_space<hbm>>
    %dma_wait3A_108 = arith.constant 0 : i32
    %dma_wait3A_109 = arith.constant 0 : i32
    %dma_wait3A_110 = tpu.memref_slice %arg11[%dma_wait3A_97, %dma_wait3A_108, %dma_wait3A_109] : memref<3x128x128xf32, #tpu.memory_space<vmem>> -> memref<1x128x128xf32, #tpu.memory_space<vmem>>
    %dma_wait3A_111 = tpu.memref_squeeze %dma_wait3A_110 : memref<1x128x128xf32, #tpu.memory_space<vmem>> -> memref<128x128xf32, #tpu.memory_space<vmem>>
    tpu.wait_dma2 semaphore(%arg20 : memref<!tpu.dma_semaphore, #tpu.memory_space<semaphore_mem>>) src(%dma_wait3A_111 : memref<128x128xf32, #tpu.memory_space<vmem>>) dst(%dma_wait3A_107 : memref<128x128xf32, #tpu.memory_space<hbm>>)
    %dma_wait3A_112 = arith.constant 1 : i32
    %dma_wait3A_113 = arith.constant 0 : i32
    %dma_wait3A_114 = tpu.memref_slice %arg13[%dma_wait3A_112, %dma_wait3A_113] : memref<3x128xf32, #tpu.memory_space<vmem>> -> memref<1x128xf32, #tpu.memory_space<vmem>>
    %dma_wait3A_115 = tpu.memref_squeeze %dma_wait3A_114 : memref<1x128xf32, #tpu.memory_space<vmem>> -> memref<128xf32, #tpu.memory_space<vmem>>
    %dma_wait3A_116 = arith.constant 0 : i32
    %dma_wait3A_117 = tpu.memref_slice %arg9[%dma_wait3A_116] : memref<320000xf32, #tpu.memory_space<hbm>> -> memref<128xf32, #tpu.memory_space<hbm>>
    %dma_wait3A_118 = arith.constant 0 : i32
    %dma_wait3A_119 = tpu.memref_slice %arg9[%dma_wait3A_118] : memref<320000xf32, #tpu.memory_space<hbm>> -> memref<128xf32, #tpu.memory_space<hbm>>
    %dma_wait3A_120 = arith.constant 0 : i32
    %dma_wait3A_121 = tpu.memref_slice %arg13[%dma_wait3A_112, %dma_wait3A_120] : memref<3x128xf32, #tpu.memory_space<vmem>> -> memref<1x128xf32, #tpu.memory_space<vmem>>
    %dma_wait3A_122 = tpu.memref_squeeze %dma_wait3A_121 : memref<1x128xf32, #tpu.memory_space<vmem>> -> memref<128xf32, #tpu.memory_space<vmem>>
    tpu.wait_dma2 semaphore(%arg20 : memref<!tpu.dma_semaphore, #tpu.memory_space<semaphore_mem>>) src(%dma_wait3A_122 : memref<128xf32, #tpu.memory_space<vmem>>) dst(%dma_wait3A_119 : memref<128xf32, #tpu.memory_space<hbm>>)
    %dma_wait3A_123 = arith.constant 2 : i32
    %dma_wait3A_124 = arith.constant 0 : i32
    %dma_wait3A_125 = arith.constant 0 : i32
    %dma_wait3A_126 = tpu.memref_slice %arg11[%dma_wait3A_123, %dma_wait3A_124, %dma_wait3A_125] : memref<3x128x128xf32, #tpu.memory_space<vmem>> -> memref<1x128x128xf32, #tpu.memory_space<vmem>>
    %dma_wait3A_127 = tpu.memref_squeeze %dma_wait3A_126 : memref<1x128x128xf32, #tpu.memory_space<vmem>> -> memref<128x128xf32, #tpu.memory_space<vmem>>
    %dma_wait3A_128 = arith.constant 0 : i32
    %dma_wait3A_129 = arith.constant 0 : i32
    %dma_wait3A_130 = tpu.memref_slice %arg8[%dma_wait3A_128, %dma_wait3A_129] : memref<320000x128xf32, #tpu.memory_space<hbm>> -> memref<128x128xf32, #tpu.memory_space<hbm>>
    %dma_wait3A_131 = arith.constant 0 : i32
    %dma_wait3A_132 = arith.constant 0 : i32
    %dma_wait3A_133 = tpu.memref_slice %arg8[%dma_wait3A_131, %dma_wait3A_132] : memref<320000x128xf32, #tpu.memory_space<hbm>> -> memref<128x128xf32, #tpu.memory_space<hbm>>
    %dma_wait3A_134 = arith.constant 0 : i32
    %dma_wait3A_135 = arith.constant 0 : i32
    %dma_wait3A_136 = tpu.memref_slice %arg11[%dma_wait3A_123, %dma_wait3A_134, %dma_wait3A_135] : memref<3x128x128xf32, #tpu.memory_space<vmem>> -> memref<1x128x128xf32, #tpu.memory_space<vmem>>
    %dma_wait3A_137 = tpu.memref_squeeze %dma_wait3A_136 : memref<1x128x128xf32, #tpu.memory_space<vmem>> -> memref<128x128xf32, #tpu.memory_space<vmem>>
    tpu.wait_dma2 semaphore(%arg21 : memref<!tpu.dma_semaphore, #tpu.memory_space<semaphore_mem>>) src(%dma_wait3A_137 : memref<128x128xf32, #tpu.memory_space<vmem>>) dst(%dma_wait3A_133 : memref<128x128xf32, #tpu.memory_space<hbm>>)
    %dma_wait3A_138 = arith.constant 2 : i32
    %dma_wait3A_139 = arith.constant 0 : i32
    %dma_wait3A_140 = tpu.memref_slice %arg13[%dma_wait3A_138, %dma_wait3A_139] : memref<3x128xf32, #tpu.memory_space<vmem>> -> memref<1x128xf32, #tpu.memory_space<vmem>>
    %dma_wait3A_141 = tpu.memref_squeeze %dma_wait3A_140 : memref<1x128xf32, #tpu.memory_space<vmem>> -> memref<128xf32, #tpu.memory_space<vmem>>
    %dma_wait3A_142 = arith.constant 0 : i32
    %dma_wait3A_143 = tpu.memref_slice %arg9[%dma_wait3A_142] : memref<320000xf32, #tpu.memory_space<hbm>> -> memref<128xf32, #tpu.memory_space<hbm>>
    %dma_wait3A_144 = arith.constant 0 : i32
    %dma_wait3A_145 = tpu.memref_slice %arg9[%dma_wait3A_144] : memref<320000xf32, #tpu.memory_space<hbm>> -> memref<128xf32, #tpu.memory_space<hbm>>
    %dma_wait3A_146 = arith.constant 0 : i32
    %dma_wait3A_147 = tpu.memref_slice %arg13[%dma_wait3A_138, %dma_wait3A_146] : memref<3x128xf32, #tpu.memory_space<vmem>> -> memref<1x128xf32, #tpu.memory_space<vmem>>
    %dma_wait3A_148 = tpu.memref_squeeze %dma_wait3A_147 : memref<1x128xf32, #tpu.memory_space<vmem>> -> memref<128xf32, #tpu.memory_space<vmem>>
    tpu.wait_dma2 semaphore(%arg21 : memref<!tpu.dma_semaphore, #tpu.memory_space<semaphore_mem>>) src(%dma_wait3A_148 : memref<128xf32, #tpu.memory_space<vmem>>) dst(%dma_wait3A_145 : memref<128xf32, #tpu.memory_space<hbm>>)
    return
  }
}

#map = affine_map<(d0, d1) -> (0, 0)>
#map1 = affine_map<(d0, d1) -> (0, 0, 0)>
module attributes {stable_mosaic.version = 14 : i64} {
  func.func @_sc_scatter_body(%arg0: i32, %arg1: i32, %arg2: memref<320000x128xf32, #tpu.memory_space<hbm>>, %arg3: memref<2500x2x128xi32, #tpu.memory_space<hbm>>, %arg4: memref<80x128xf32, #tpu.memory_space<hbm>>, %arg5: memref<2x10000x128xf32, #tpu.memory_space<hbm>>, %arg6: memref<2x2x128xi32, #tpu.memory_space<vmem>>, %arg7: memref<2x128x128xf32, #tpu.memory_space<vmem>>, %arg8: memref<10000x128xf32, #tpu.memory_space<vmem_shared>>, %arg9: memref<!tpu.dma_semaphore, #tpu.memory_space<semaphore_mem>>, %arg10: memref<!tpu.dma_semaphore, #tpu.memory_space<semaphore_mem>>, %arg11: memref<!tpu.dma_semaphore, #tpu.memory_space<semaphore_mem>>, %arg12: memref<!tpu.dma_semaphore, #tpu.memory_space<semaphore_mem>>) attributes {dimension_semantics = [#tpu.dimension_semantics<core_parallel>, #tpu.dimension_semantics<subcore_parallel>], iteration_bounds = array<i64: 2, 16>, scalar_prefetch = 0 : i64, scratch_operands = 7 : i64, tpu.core_type = #tpu.core_type<sc_vector_subcore>, window_params = [{transform_indices = #map}, {transform_indices = #map1}, {transform_indices = #map}, {transform_indices = #map1}]} {
    %run_scoped3A = arith.constant 0 : i32
    "tpu.region"() ({
      %run_scoped3A_190 = tpu.sem_alloc : memref<!tpu.dma_semaphore, #tpu.memory_space<semaphore_mem>>
      %dma_start3A_191 = arith.constant 0 : i32
      %dma_start3A_192 = arith.constant 0 : i32
      %dma_start3A_193 = tpu.memref_slice %arg7[%run_scoped3A, %dma_start3A_191, %dma_start3A_192] : memref<2x128x128xf32, #tpu.memory_space<vmem>> -> memref<1x80x128xf32, #tpu.memory_space<vmem>>
      %dma_start3A_194 = tpu.memref_squeeze %dma_start3A_193 : memref<1x80x128xf32, #tpu.memory_space<vmem>> -> memref<80x128xf32, #tpu.memory_space<vmem>>
      %dma_start3A_195 = arith.constant 0 : i32
      %dma_start3A_196 = arith.constant 0 : i32
      %dma_start3A_197 = tpu.memref_slice %arg7[%run_scoped3A, %dma_start3A_195, %dma_start3A_196] : memref<2x128x128xf32, #tpu.memory_space<vmem>> -> memref<1x80x128xf32, #tpu.memory_space<vmem>>
      %dma_start3A_198 = tpu.memref_squeeze %dma_start3A_197 : memref<1x80x128xf32, #tpu.memory_space<vmem>> -> memref<80x128xf32, #tpu.memory_space<vmem>>
      tpu.enqueue_dma source(%arg4 : memref<80x128xf32, #tpu.memory_space<hbm>>) target(%dma_start3A_198 : memref<80x128xf32, #tpu.memory_space<vmem>>) target_semaphore(%run_scoped3A_190 : memref<!tpu.dma_semaphore, #tpu.memory_space<semaphore_mem>>)
      %dma_wait3A_199 = arith.constant 0 : i32
      %dma_wait3A_200 = arith.constant 0 : i32
      %dma_wait3A_201 = tpu.memref_slice %arg7[%run_scoped3A, %dma_wait3A_199, %dma_wait3A_200] : memref<2x128x128xf32, #tpu.memory_space<vmem>> -> memref<1x80x128xf32, #tpu.memory_space<vmem>>
      %dma_wait3A_202 = tpu.memref_squeeze %dma_wait3A_201 : memref<1x80x128xf32, #tpu.memory_space<vmem>> -> memref<80x128xf32, #tpu.memory_space<vmem>>
      %dma_wait3A_203 = arith.constant 0 : i32
      %dma_wait3A_204 = arith.constant 0 : i32
      %dma_wait3A_205 = tpu.memref_slice %arg7[%run_scoped3A, %dma_wait3A_203, %dma_wait3A_204] : memref<2x128x128xf32, #tpu.memory_space<vmem>> -> memref<1x80x128xf32, #tpu.memory_space<vmem>>
      %dma_wait3A_206 = tpu.memref_squeeze %dma_wait3A_205 : memref<1x80x128xf32, #tpu.memory_space<vmem>> -> memref<80x128xf32, #tpu.memory_space<vmem>>
      tpu.wait_dma2 semaphore(%run_scoped3A_190 : memref<!tpu.dma_semaphore, #tpu.memory_space<semaphore_mem>>) src(%arg4 : memref<80x128xf32, #tpu.memory_space<hbm>>) dst(%dma_wait3A_206 : memref<80x128xf32, #tpu.memory_space<vmem>>)
      tpu.yield
    }) : () -> ()
    %add3A = arith.constant 0 : i32
    %add3A_0 = arith.addi %add3A, %arg1 : i32
    %lt3A = arith.constant 125 : i32
    %lt3A_1 = arith.cmpi slt, %add3A_0, %lt3A : i32
    %convert_element_type3A = arith.extui %lt3A_1 : i1 to i32
    %cond3A = arith.constant 0 : i32
    %cond3A_2 = arith.constant 0 : i32
    %cond3A_3 = arith.cmpi ne, %convert_element_type3A, %cond3A_2 : i32
    scf.if %cond3A_3 {
      %mul3A_190 = arith.constant 80 : i32
      %mul3A_191 = arith.muli %add3A_0, %mul3A_190 : i32
      "tpu.region"() ({
        %run_scoped3A_192 = tpu.sem_alloc : memref<!tpu.dma_semaphore, #tpu.memory_space<semaphore_mem>>
        %dma_start3A_193 = arith.constant 0 : i32
        %dma_start3A_194 = arith.constant 0 : i32
        %dma_start3A_195 = tpu.memref_slice %arg7[%cond3A, %dma_start3A_193, %dma_start3A_194] : memref<2x128x128xf32, #tpu.memory_space<vmem>> -> memref<1x80x128xf32, #tpu.memory_space<vmem>>
        %dma_start3A_196 = tpu.memref_squeeze %dma_start3A_195 : memref<1x80x128xf32, #tpu.memory_space<vmem>> -> memref<80x128xf32, #tpu.memory_space<vmem>>
        %dma_start3A_197 = arith.constant 0 : i32
        %dma_start3A_198 = tpu.memref_slice %arg8[%mul3A_191, %dma_start3A_197] : memref<10000x128xf32, #tpu.memory_space<vmem_shared>> -> memref<80x128xf32, #tpu.memory_space<vmem_shared>>
        %dma_start3A_199 = arith.constant 0 : i32
        %dma_start3A_200 = tpu.memref_slice %arg8[%mul3A_191, %dma_start3A_199] : memref<10000x128xf32, #tpu.memory_space<vmem_shared>> -> memref<80x128xf32, #tpu.memory_space<vmem_shared>>
        %dma_start3A_201 = arith.constant 0 : i32
        %dma_start3A_202 = arith.constant 0 : i32
        %dma_start3A_203 = tpu.memref_slice %arg7[%cond3A, %dma_start3A_201, %dma_start3A_202] : memref<2x128x128xf32, #tpu.memory_space<vmem>> -> memref<1x80x128xf32, #tpu.memory_space<vmem>>
        %dma_start3A_204 = tpu.memref_squeeze %dma_start3A_203 : memref<1x80x128xf32, #tpu.memory_space<vmem>> -> memref<80x128xf32, #tpu.memory_space<vmem>>
        tpu.enqueue_dma source(%dma_start3A_204 : memref<80x128xf32, #tpu.memory_space<vmem>>) target(%dma_start3A_200 : memref<80x128xf32, #tpu.memory_space<vmem_shared>>) target_semaphore(%run_scoped3A_192 : memref<!tpu.dma_semaphore, #tpu.memory_space<semaphore_mem>>)
        %dma_wait3A_205 = arith.constant 0 : i32
        %dma_wait3A_206 = arith.constant 0 : i32
        %dma_wait3A_207 = tpu.memref_slice %arg7[%cond3A, %dma_wait3A_205, %dma_wait3A_206] : memref<2x128x128xf32, #tpu.memory_space<vmem>> -> memref<1x80x128xf32, #tpu.memory_space<vmem>>
        %dma_wait3A_208 = tpu.memref_squeeze %dma_wait3A_207 : memref<1x80x128xf32, #tpu.memory_space<vmem>> -> memref<80x128xf32, #tpu.memory_space<vmem>>
        %dma_wait3A_209 = arith.constant 0 : i32
        %dma_wait3A_210 = tpu.memref_slice %arg8[%mul3A_191, %dma_wait3A_209] : memref<10000x128xf32, #tpu.memory_space<vmem_shared>> -> memref<80x128xf32, #tpu.memory_space<vmem_shared>>
        %dma_wait3A_211 = arith.constant 0 : i32
        %dma_wait3A_212 = tpu.memref_slice %arg8[%mul3A_191, %dma_wait3A_211] : memref<10000x128xf32, #tpu.memory_space<vmem_shared>> -> memref<80x128xf32, #tpu.memory_space<vmem_shared>>
        %dma_wait3A_213 = arith.constant 0 : i32
        %dma_wait3A_214 = arith.constant 0 : i32
        %dma_wait3A_215 = tpu.memref_slice %arg7[%cond3A, %dma_wait3A_213, %dma_wait3A_214] : memref<2x128x128xf32, #tpu.memory_space<vmem>> -> memref<1x80x128xf32, #tpu.memory_space<vmem>>
        %dma_wait3A_216 = tpu.memref_squeeze %dma_wait3A_215 : memref<1x80x128xf32, #tpu.memory_space<vmem>> -> memref<80x128xf32, #tpu.memory_space<vmem>>
        tpu.wait_dma2 semaphore(%run_scoped3A_192 : memref<!tpu.dma_semaphore, #tpu.memory_space<semaphore_mem>>) src(%dma_wait3A_216 : memref<80x128xf32, #tpu.memory_space<vmem>>) dst(%dma_wait3A_212 : memref<80x128xf32, #tpu.memory_space<vmem_shared>>)
        tpu.yield
      }) : () -> ()
    } else {
    }
    %add3A_4 = arith.constant 16 : i32
    %add3A_5 = arith.addi %add3A_4, %arg1 : i32
    %lt3A_6 = arith.constant 125 : i32
    %lt3A_7 = arith.cmpi slt, %add3A_5, %lt3A_6 : i32
    %convert_element_type3A_8 = arith.extui %lt3A_7 : i1 to i32
    %cond3A_9 = arith.constant 0 : i32
    %cond3A_10 = arith.constant 0 : i32
    %cond3A_11 = arith.cmpi ne, %convert_element_type3A_8, %cond3A_10 : i32
    scf.if %cond3A_11 {
      %mul3A_190 = arith.constant 80 : i32
      %mul3A_191 = arith.muli %add3A_5, %mul3A_190 : i32
      "tpu.region"() ({
        %run_scoped3A_192 = tpu.sem_alloc : memref<!tpu.dma_semaphore, #tpu.memory_space<semaphore_mem>>
        %dma_start3A_193 = arith.constant 0 : i32
        %dma_start3A_194 = arith.constant 0 : i32
        %dma_start3A_195 = tpu.memref_slice %arg7[%cond3A_9, %dma_start3A_193, %dma_start3A_194] : memref<2x128x128xf32, #tpu.memory_space<vmem>> -> memref<1x80x128xf32, #tpu.memory_space<vmem>>
        %dma_start3A_196 = tpu.memref_squeeze %dma_start3A_195 : memref<1x80x128xf32, #tpu.memory_space<vmem>> -> memref<80x128xf32, #tpu.memory_space<vmem>>
        %dma_start3A_197 = arith.constant 0 : i32
        %dma_start3A_198 = tpu.memref_slice %arg8[%mul3A_191, %dma_start3A_197] : memref<10000x128xf32, #tpu.memory_space<vmem_shared>> -> memref<80x128xf32, #tpu.memory_space<vmem_shared>>
        %dma_start3A_199 = arith.constant 0 : i32
        %dma_start3A_200 = tpu.memref_slice %arg8[%mul3A_191, %dma_start3A_199] : memref<10000x128xf32, #tpu.memory_space<vmem_shared>> -> memref<80x128xf32, #tpu.memory_space<vmem_shared>>
        %dma_start3A_201 = arith.constant 0 : i32
        %dma_start3A_202 = arith.constant 0 : i32
        %dma_start3A_203 = tpu.memref_slice %arg7[%cond3A_9, %dma_start3A_201, %dma_start3A_202] : memref<2x128x128xf32, #tpu.memory_space<vmem>> -> memref<1x80x128xf32, #tpu.memory_space<vmem>>
        %dma_start3A_204 = tpu.memref_squeeze %dma_start3A_203 : memref<1x80x128xf32, #tpu.memory_space<vmem>> -> memref<80x128xf32, #tpu.memory_space<vmem>>
        tpu.enqueue_dma source(%dma_start3A_204 : memref<80x128xf32, #tpu.memory_space<vmem>>) target(%dma_start3A_200 : memref<80x128xf32, #tpu.memory_space<vmem_shared>>) target_semaphore(%run_scoped3A_192 : memref<!tpu.dma_semaphore, #tpu.memory_space<semaphore_mem>>)
        %dma_wait3A_205 = arith.constant 0 : i32
        %dma_wait3A_206 = arith.constant 0 : i32
        %dma_wait3A_207 = tpu.memref_slice %arg7[%cond3A_9, %dma_wait3A_205, %dma_wait3A_206] : memref<2x128x128xf32, #tpu.memory_space<vmem>> -> memref<1x80x128xf32, #tpu.memory_space<vmem>>
        %dma_wait3A_208 = tpu.memref_squeeze %dma_wait3A_207 : memref<1x80x128xf32, #tpu.memory_space<vmem>> -> memref<80x128xf32, #tpu.memory_space<vmem>>
        %dma_wait3A_209 = arith.constant 0 : i32
        %dma_wait3A_210 = tpu.memref_slice %arg8[%mul3A_191, %dma_wait3A_209] : memref<10000x128xf32, #tpu.memory_space<vmem_shared>> -> memref<80x128xf32, #tpu.memory_space<vmem_shared>>
        %dma_wait3A_211 = arith.constant 0 : i32
        %dma_wait3A_212 = tpu.memref_slice %arg8[%mul3A_191, %dma_wait3A_211] : memref<10000x128xf32, #tpu.memory_space<vmem_shared>> -> memref<80x128xf32, #tpu.memory_space<vmem_shared>>
        %dma_wait3A_213 = arith.constant 0 : i32
        %dma_wait3A_214 = arith.constant 0 : i32
        %dma_wait3A_215 = tpu.memref_slice %arg7[%cond3A_9, %dma_wait3A_213, %dma_wait3A_214] : memref<2x128x128xf32, #tpu.memory_space<vmem>> -> memref<1x80x128xf32, #tpu.memory_space<vmem>>
        %dma_wait3A_216 = tpu.memref_squeeze %dma_wait3A_215 : memref<1x80x128xf32, #tpu.memory_space<vmem>> -> memref<80x128xf32, #tpu.memory_space<vmem>>
        tpu.wait_dma2 semaphore(%run_scoped3A_192 : memref<!tpu.dma_semaphore, #tpu.memory_space<semaphore_mem>>) src(%dma_wait3A_216 : memref<80x128xf32, #tpu.memory_space<vmem>>) dst(%dma_wait3A_212 : memref<80x128xf32, #tpu.memory_space<vmem_shared>>)
        tpu.yield
      }) : () -> ()
    } else {
    }
    %add3A_12 = arith.constant 32 : i32
    %add3A_13 = arith.addi %add3A_12, %arg1 : i32
    %lt3A_14 = arith.constant 125 : i32
    %lt3A_15 = arith.cmpi slt, %add3A_13, %lt3A_14 : i32
    %convert_element_type3A_16 = arith.extui %lt3A_15 : i1 to i32
    %cond3A_17 = arith.constant 0 : i32
    %cond3A_18 = arith.constant 0 : i32
    %cond3A_19 = arith.cmpi ne, %convert_element_type3A_16, %cond3A_18 : i32
    scf.if %cond3A_19 {
      %mul3A_190 = arith.constant 80 : i32
      %mul3A_191 = arith.muli %add3A_13, %mul3A_190 : i32
      "tpu.region"() ({
        %run_scoped3A_192 = tpu.sem_alloc : memref<!tpu.dma_semaphore, #tpu.memory_space<semaphore_mem>>
        %dma_start3A_193 = arith.constant 0 : i32
        %dma_start3A_194 = arith.constant 0 : i32
        %dma_start3A_195 = tpu.memref_slice %arg7[%cond3A_17, %dma_start3A_193, %dma_start3A_194] : memref<2x128x128xf32, #tpu.memory_space<vmem>> -> memref<1x80x128xf32, #tpu.memory_space<vmem>>
        %dma_start3A_196 = tpu.memref_squeeze %dma_start3A_195 : memref<1x80x128xf32, #tpu.memory_space<vmem>> -> memref<80x128xf32, #tpu.memory_space<vmem>>
        %dma_start3A_197 = arith.constant 0 : i32
        %dma_start3A_198 = tpu.memref_slice %arg8[%mul3A_191, %dma_start3A_197] : memref<10000x128xf32, #tpu.memory_space<vmem_shared>> -> memref<80x128xf32, #tpu.memory_space<vmem_shared>>
        %dma_start3A_199 = arith.constant 0 : i32
        %dma_start3A_200 = tpu.memref_slice %arg8[%mul3A_191, %dma_start3A_199] : memref<10000x128xf32, #tpu.memory_space<vmem_shared>> -> memref<80x128xf32, #tpu.memory_space<vmem_shared>>
        %dma_start3A_201 = arith.constant 0 : i32
        %dma_start3A_202 = arith.constant 0 : i32
        %dma_start3A_203 = tpu.memref_slice %arg7[%cond3A_17, %dma_start3A_201, %dma_start3A_202] : memref<2x128x128xf32, #tpu.memory_space<vmem>> -> memref<1x80x128xf32, #tpu.memory_space<vmem>>
        %dma_start3A_204 = tpu.memref_squeeze %dma_start3A_203 : memref<1x80x128xf32, #tpu.memory_space<vmem>> -> memref<80x128xf32, #tpu.memory_space<vmem>>
        tpu.enqueue_dma source(%dma_start3A_204 : memref<80x128xf32, #tpu.memory_space<vmem>>) target(%dma_start3A_200 : memref<80x128xf32, #tpu.memory_space<vmem_shared>>) target_semaphore(%run_scoped3A_192 : memref<!tpu.dma_semaphore, #tpu.memory_space<semaphore_mem>>)
        %dma_wait3A_205 = arith.constant 0 : i32
        %dma_wait3A_206 = arith.constant 0 : i32
        %dma_wait3A_207 = tpu.memref_slice %arg7[%cond3A_17, %dma_wait3A_205, %dma_wait3A_206] : memref<2x128x128xf32, #tpu.memory_space<vmem>> -> memref<1x80x128xf32, #tpu.memory_space<vmem>>
        %dma_wait3A_208 = tpu.memref_squeeze %dma_wait3A_207 : memref<1x80x128xf32, #tpu.memory_space<vmem>> -> memref<80x128xf32, #tpu.memory_space<vmem>>
        %dma_wait3A_209 = arith.constant 0 : i32
        %dma_wait3A_210 = tpu.memref_slice %arg8[%mul3A_191, %dma_wait3A_209] : memref<10000x128xf32, #tpu.memory_space<vmem_shared>> -> memref<80x128xf32, #tpu.memory_space<vmem_shared>>
        %dma_wait3A_211 = arith.constant 0 : i32
        %dma_wait3A_212 = tpu.memref_slice %arg8[%mul3A_191, %dma_wait3A_211] : memref<10000x128xf32, #tpu.memory_space<vmem_shared>> -> memref<80x128xf32, #tpu.memory_space<vmem_shared>>
        %dma_wait3A_213 = arith.constant 0 : i32
        %dma_wait3A_214 = arith.constant 0 : i32
        %dma_wait3A_215 = tpu.memref_slice %arg7[%cond3A_17, %dma_wait3A_213, %dma_wait3A_214] : memref<2x128x128xf32, #tpu.memory_space<vmem>> -> memref<1x80x128xf32, #tpu.memory_space<vmem>>
        %dma_wait3A_216 = tpu.memref_squeeze %dma_wait3A_215 : memref<1x80x128xf32, #tpu.memory_space<vmem>> -> memref<80x128xf32, #tpu.memory_space<vmem>>
        tpu.wait_dma2 semaphore(%run_scoped3A_192 : memref<!tpu.dma_semaphore, #tpu.memory_space<semaphore_mem>>) src(%dma_wait3A_216 : memref<80x128xf32, #tpu.memory_space<vmem>>) dst(%dma_wait3A_212 : memref<80x128xf32, #tpu.memory_space<vmem_shared>>)
        tpu.yield
      }) : () -> ()
    } else {
    }
    %add3A_20 = arith.constant 48 : i32
    %add3A_21 = arith.addi %add3A_20, %arg1 : i32
    %lt3A_22 = arith.constant 125 : i32
    %lt3A_23 = arith.cmpi slt, %add3A_21, %lt3A_22 : i32
    %convert_element_type3A_24 = arith.extui %lt3A_23 : i1 to i32
    %cond3A_25 = arith.constant 0 : i32
    %cond3A_26 = arith.constant 0 : i32
    %cond3A_27 = arith.cmpi ne, %convert_element_type3A_24, %cond3A_26 : i32
    scf.if %cond3A_27 {
      %mul3A_190 = arith.constant 80 : i32
      %mul3A_191 = arith.muli %add3A_21, %mul3A_190 : i32
      "tpu.region"() ({
        %run_scoped3A_192 = tpu.sem_alloc : memref<!tpu.dma_semaphore, #tpu.memory_space<semaphore_mem>>
        %dma_start3A_193 = arith.constant 0 : i32
        %dma_start3A_194 = arith.constant 0 : i32
        %dma_start3A_195 = tpu.memref_slice %arg7[%cond3A_25, %dma_start3A_193, %dma_start3A_194] : memref<2x128x128xf32, #tpu.memory_space<vmem>> -> memref<1x80x128xf32, #tpu.memory_space<vmem>>
        %dma_start3A_196 = tpu.memref_squeeze %dma_start3A_195 : memref<1x80x128xf32, #tpu.memory_space<vmem>> -> memref<80x128xf32, #tpu.memory_space<vmem>>
        %dma_start3A_197 = arith.constant 0 : i32
        %dma_start3A_198 = tpu.memref_slice %arg8[%mul3A_191, %dma_start3A_197] : memref<10000x128xf32, #tpu.memory_space<vmem_shared>> -> memref<80x128xf32, #tpu.memory_space<vmem_shared>>
        %dma_start3A_199 = arith.constant 0 : i32
        %dma_start3A_200 = tpu.memref_slice %arg8[%mul3A_191, %dma_start3A_199] : memref<10000x128xf32, #tpu.memory_space<vmem_shared>> -> memref<80x128xf32, #tpu.memory_space<vmem_shared>>
        %dma_start3A_201 = arith.constant 0 : i32
        %dma_start3A_202 = arith.constant 0 : i32
        %dma_start3A_203 = tpu.memref_slice %arg7[%cond3A_25, %dma_start3A_201, %dma_start3A_202] : memref<2x128x128xf32, #tpu.memory_space<vmem>> -> memref<1x80x128xf32, #tpu.memory_space<vmem>>
        %dma_start3A_204 = tpu.memref_squeeze %dma_start3A_203 : memref<1x80x128xf32, #tpu.memory_space<vmem>> -> memref<80x128xf32, #tpu.memory_space<vmem>>
        tpu.enqueue_dma source(%dma_start3A_204 : memref<80x128xf32, #tpu.memory_space<vmem>>) target(%dma_start3A_200 : memref<80x128xf32, #tpu.memory_space<vmem_shared>>) target_semaphore(%run_scoped3A_192 : memref<!tpu.dma_semaphore, #tpu.memory_space<semaphore_mem>>)
        %dma_wait3A_205 = arith.constant 0 : i32
        %dma_wait3A_206 = arith.constant 0 : i32
        %dma_wait3A_207 = tpu.memref_slice %arg7[%cond3A_25, %dma_wait3A_205, %dma_wait3A_206] : memref<2x128x128xf32, #tpu.memory_space<vmem>> -> memref<1x80x128xf32, #tpu.memory_space<vmem>>
        %dma_wait3A_208 = tpu.memref_squeeze %dma_wait3A_207 : memref<1x80x128xf32, #tpu.memory_space<vmem>> -> memref<80x128xf32, #tpu.memory_space<vmem>>
        %dma_wait3A_209 = arith.constant 0 : i32
        %dma_wait3A_210 = tpu.memref_slice %arg8[%mul3A_191, %dma_wait3A_209] : memref<10000x128xf32, #tpu.memory_space<vmem_shared>> -> memref<80x128xf32, #tpu.memory_space<vmem_shared>>
        %dma_wait3A_211 = arith.constant 0 : i32
        %dma_wait3A_212 = tpu.memref_slice %arg8[%mul3A_191, %dma_wait3A_211] : memref<10000x128xf32, #tpu.memory_space<vmem_shared>> -> memref<80x128xf32, #tpu.memory_space<vmem_shared>>
        %dma_wait3A_213 = arith.constant 0 : i32
        %dma_wait3A_214 = arith.constant 0 : i32
        %dma_wait3A_215 = tpu.memref_slice %arg7[%cond3A_25, %dma_wait3A_213, %dma_wait3A_214] : memref<2x128x128xf32, #tpu.memory_space<vmem>> -> memref<1x80x128xf32, #tpu.memory_space<vmem>>
        %dma_wait3A_216 = tpu.memref_squeeze %dma_wait3A_215 : memref<1x80x128xf32, #tpu.memory_space<vmem>> -> memref<80x128xf32, #tpu.memory_space<vmem>>
        tpu.wait_dma2 semaphore(%run_scoped3A_192 : memref<!tpu.dma_semaphore, #tpu.memory_space<semaphore_mem>>) src(%dma_wait3A_216 : memref<80x128xf32, #tpu.memory_space<vmem>>) dst(%dma_wait3A_212 : memref<80x128xf32, #tpu.memory_space<vmem_shared>>)
        tpu.yield
      }) : () -> ()
    } else {
    }
    %add3A_28 = arith.constant 64 : i32
    %add3A_29 = arith.addi %add3A_28, %arg1 : i32
    %lt3A_30 = arith.constant 125 : i32
    %lt3A_31 = arith.cmpi slt, %add3A_29, %lt3A_30 : i32
    %convert_element_type3A_32 = arith.extui %lt3A_31 : i1 to i32
    %cond3A_33 = arith.constant 0 : i32
    %cond3A_34 = arith.constant 0 : i32
    %cond3A_35 = arith.cmpi ne, %convert_element_type3A_32, %cond3A_34 : i32
    scf.if %cond3A_35 {
      %mul3A_190 = arith.constant 80 : i32
      %mul3A_191 = arith.muli %add3A_29, %mul3A_190 : i32
      "tpu.region"() ({
        %run_scoped3A_192 = tpu.sem_alloc : memref<!tpu.dma_semaphore, #tpu.memory_space<semaphore_mem>>
        %dma_start3A_193 = arith.constant 0 : i32
        %dma_start3A_194 = arith.constant 0 : i32
        %dma_start3A_195 = tpu.memref_slice %arg7[%cond3A_33, %dma_start3A_193, %dma_start3A_194] : memref<2x128x128xf32, #tpu.memory_space<vmem>> -> memref<1x80x128xf32, #tpu.memory_space<vmem>>
        %dma_start3A_196 = tpu.memref_squeeze %dma_start3A_195 : memref<1x80x128xf32, #tpu.memory_space<vmem>> -> memref<80x128xf32, #tpu.memory_space<vmem>>
        %dma_start3A_197 = arith.constant 0 : i32
        %dma_start3A_198 = tpu.memref_slice %arg8[%mul3A_191, %dma_start3A_197] : memref<10000x128xf32, #tpu.memory_space<vmem_shared>> -> memref<80x128xf32, #tpu.memory_space<vmem_shared>>
        %dma_start3A_199 = arith.constant 0 : i32
        %dma_start3A_200 = tpu.memref_slice %arg8[%mul3A_191, %dma_start3A_199] : memref<10000x128xf32, #tpu.memory_space<vmem_shared>> -> memref<80x128xf32, #tpu.memory_space<vmem_shared>>
        %dma_start3A_201 = arith.constant 0 : i32
        %dma_start3A_202 = arith.constant 0 : i32
        %dma_start3A_203 = tpu.memref_slice %arg7[%cond3A_33, %dma_start3A_201, %dma_start3A_202] : memref<2x128x128xf32, #tpu.memory_space<vmem>> -> memref<1x80x128xf32, #tpu.memory_space<vmem>>
        %dma_start3A_204 = tpu.memref_squeeze %dma_start3A_203 : memref<1x80x128xf32, #tpu.memory_space<vmem>> -> memref<80x128xf32, #tpu.memory_space<vmem>>
        tpu.enqueue_dma source(%dma_start3A_204 : memref<80x128xf32, #tpu.memory_space<vmem>>) target(%dma_start3A_200 : memref<80x128xf32, #tpu.memory_space<vmem_shared>>) target_semaphore(%run_scoped3A_192 : memref<!tpu.dma_semaphore, #tpu.memory_space<semaphore_mem>>)
        %dma_wait3A_205 = arith.constant 0 : i32
        %dma_wait3A_206 = arith.constant 0 : i32
        %dma_wait3A_207 = tpu.memref_slice %arg7[%cond3A_33, %dma_wait3A_205, %dma_wait3A_206] : memref<2x128x128xf32, #tpu.memory_space<vmem>> -> memref<1x80x128xf32, #tpu.memory_space<vmem>>
        %dma_wait3A_208 = tpu.memref_squeeze %dma_wait3A_207 : memref<1x80x128xf32, #tpu.memory_space<vmem>> -> memref<80x128xf32, #tpu.memory_space<vmem>>
        %dma_wait3A_209 = arith.constant 0 : i32
        %dma_wait3A_210 = tpu.memref_slice %arg8[%mul3A_191, %dma_wait3A_209] : memref<10000x128xf32, #tpu.memory_space<vmem_shared>> -> memref<80x128xf32, #tpu.memory_space<vmem_shared>>
        %dma_wait3A_211 = arith.constant 0 : i32
        %dma_wait3A_212 = tpu.memref_slice %arg8[%mul3A_191, %dma_wait3A_211] : memref<10000x128xf32, #tpu.memory_space<vmem_shared>> -> memref<80x128xf32, #tpu.memory_space<vmem_shared>>
        %dma_wait3A_213 = arith.constant 0 : i32
        %dma_wait3A_214 = arith.constant 0 : i32
        %dma_wait3A_215 = tpu.memref_slice %arg7[%cond3A_33, %dma_wait3A_213, %dma_wait3A_214] : memref<2x128x128xf32, #tpu.memory_space<vmem>> -> memref<1x80x128xf32, #tpu.memory_space<vmem>>
        %dma_wait3A_216 = tpu.memref_squeeze %dma_wait3A_215 : memref<1x80x128xf32, #tpu.memory_space<vmem>> -> memref<80x128xf32, #tpu.memory_space<vmem>>
        tpu.wait_dma2 semaphore(%run_scoped3A_192 : memref<!tpu.dma_semaphore, #tpu.memory_space<semaphore_mem>>) src(%dma_wait3A_216 : memref<80x128xf32, #tpu.memory_space<vmem>>) dst(%dma_wait3A_212 : memref<80x128xf32, #tpu.memory_space<vmem_shared>>)
        tpu.yield
      }) : () -> ()
    } else {
    }
    %add3A_36 = arith.constant 80 : i32
    %add3A_37 = arith.addi %add3A_36, %arg1 : i32
    %lt3A_38 = arith.constant 125 : i32
    %lt3A_39 = arith.cmpi slt, %add3A_37, %lt3A_38 : i32
    %convert_element_type3A_40 = arith.extui %lt3A_39 : i1 to i32
    %cond3A_41 = arith.constant 0 : i32
    %cond3A_42 = arith.constant 0 : i32
    %cond3A_43 = arith.cmpi ne, %convert_element_type3A_40, %cond3A_42 : i32
    scf.if %cond3A_43 {
      %mul3A_190 = arith.constant 80 : i32
      %mul3A_191 = arith.muli %add3A_37, %mul3A_190 : i32
      "tpu.region"() ({
        %run_scoped3A_192 = tpu.sem_alloc : memref<!tpu.dma_semaphore, #tpu.memory_space<semaphore_mem>>
        %dma_start3A_193 = arith.constant 0 : i32
        %dma_start3A_194 = arith.constant 0 : i32
        %dma_start3A_195 = tpu.memref_slice %arg7[%cond3A_41, %dma_start3A_193, %dma_start3A_194] : memref<2x128x128xf32, #tpu.memory_space<vmem>> -> memref<1x80x128xf32, #tpu.memory_space<vmem>>
        %dma_start3A_196 = tpu.memref_squeeze %dma_start3A_195 : memref<1x80x128xf32, #tpu.memory_space<vmem>> -> memref<80x128xf32, #tpu.memory_space<vmem>>
        %dma_start3A_197 = arith.constant 0 : i32
        %dma_start3A_198 = tpu.memref_slice %arg8[%mul3A_191, %dma_start3A_197] : memref<10000x128xf32, #tpu.memory_space<vmem_shared>> -> memref<80x128xf32, #tpu.memory_space<vmem_shared>>
        %dma_start3A_199 = arith.constant 0 : i32
        %dma_start3A_200 = tpu.memref_slice %arg8[%mul3A_191, %dma_start3A_199] : memref<10000x128xf32, #tpu.memory_space<vmem_shared>> -> memref<80x128xf32, #tpu.memory_space<vmem_shared>>
        %dma_start3A_201 = arith.constant 0 : i32
        %dma_start3A_202 = arith.constant 0 : i32
        %dma_start3A_203 = tpu.memref_slice %arg7[%cond3A_41, %dma_start3A_201, %dma_start3A_202] : memref<2x128x128xf32, #tpu.memory_space<vmem>> -> memref<1x80x128xf32, #tpu.memory_space<vmem>>
        %dma_start3A_204 = tpu.memref_squeeze %dma_start3A_203 : memref<1x80x128xf32, #tpu.memory_space<vmem>> -> memref<80x128xf32, #tpu.memory_space<vmem>>
        tpu.enqueue_dma source(%dma_start3A_204 : memref<80x128xf32, #tpu.memory_space<vmem>>) target(%dma_start3A_200 : memref<80x128xf32, #tpu.memory_space<vmem_shared>>) target_semaphore(%run_scoped3A_192 : memref<!tpu.dma_semaphore, #tpu.memory_space<semaphore_mem>>)
        %dma_wait3A_205 = arith.constant 0 : i32
        %dma_wait3A_206 = arith.constant 0 : i32
        %dma_wait3A_207 = tpu.memref_slice %arg7[%cond3A_41, %dma_wait3A_205, %dma_wait3A_206] : memref<2x128x128xf32, #tpu.memory_space<vmem>> -> memref<1x80x128xf32, #tpu.memory_space<vmem>>
        %dma_wait3A_208 = tpu.memref_squeeze %dma_wait3A_207 : memref<1x80x128xf32, #tpu.memory_space<vmem>> -> memref<80x128xf32, #tpu.memory_space<vmem>>
        %dma_wait3A_209 = arith.constant 0 : i32
        %dma_wait3A_210 = tpu.memref_slice %arg8[%mul3A_191, %dma_wait3A_209] : memref<10000x128xf32, #tpu.memory_space<vmem_shared>> -> memref<80x128xf32, #tpu.memory_space<vmem_shared>>
        %dma_wait3A_211 = arith.constant 0 : i32
        %dma_wait3A_212 = tpu.memref_slice %arg8[%mul3A_191, %dma_wait3A_211] : memref<10000x128xf32, #tpu.memory_space<vmem_shared>> -> memref<80x128xf32, #tpu.memory_space<vmem_shared>>
        %dma_wait3A_213 = arith.constant 0 : i32
        %dma_wait3A_214 = arith.constant 0 : i32
        %dma_wait3A_215 = tpu.memref_slice %arg7[%cond3A_41, %dma_wait3A_213, %dma_wait3A_214] : memref<2x128x128xf32, #tpu.memory_space<vmem>> -> memref<1x80x128xf32, #tpu.memory_space<vmem>>
        %dma_wait3A_216 = tpu.memref_squeeze %dma_wait3A_215 : memref<1x80x128xf32, #tpu.memory_space<vmem>> -> memref<80x128xf32, #tpu.memory_space<vmem>>
        tpu.wait_dma2 semaphore(%run_scoped3A_192 : memref<!tpu.dma_semaphore, #tpu.memory_space<semaphore_mem>>) src(%dma_wait3A_216 : memref<80x128xf32, #tpu.memory_space<vmem>>) dst(%dma_wait3A_212 : memref<80x128xf32, #tpu.memory_space<vmem_shared>>)
        tpu.yield
      }) : () -> ()
    } else {
    }
    %add3A_44 = arith.constant 96 : i32
    %add3A_45 = arith.addi %add3A_44, %arg1 : i32
    %lt3A_46 = arith.constant 125 : i32
    %lt3A_47 = arith.cmpi slt, %add3A_45, %lt3A_46 : i32
    %convert_element_type3A_48 = arith.extui %lt3A_47 : i1 to i32
    %cond3A_49 = arith.constant 0 : i32
    %cond3A_50 = arith.constant 0 : i32
    %cond3A_51 = arith.cmpi ne, %convert_element_type3A_48, %cond3A_50 : i32
    scf.if %cond3A_51 {
      %mul3A_190 = arith.constant 80 : i32
      %mul3A_191 = arith.muli %add3A_45, %mul3A_190 : i32
      "tpu.region"() ({
        %run_scoped3A_192 = tpu.sem_alloc : memref<!tpu.dma_semaphore, #tpu.memory_space<semaphore_mem>>
        %dma_start3A_193 = arith.constant 0 : i32
        %dma_start3A_194 = arith.constant 0 : i32
        %dma_start3A_195 = tpu.memref_slice %arg7[%cond3A_49, %dma_start3A_193, %dma_start3A_194] : memref<2x128x128xf32, #tpu.memory_space<vmem>> -> memref<1x80x128xf32, #tpu.memory_space<vmem>>
        %dma_start3A_196 = tpu.memref_squeeze %dma_start3A_195 : memref<1x80x128xf32, #tpu.memory_space<vmem>> -> memref<80x128xf32, #tpu.memory_space<vmem>>
        %dma_start3A_197 = arith.constant 0 : i32
        %dma_start3A_198 = tpu.memref_slice %arg8[%mul3A_191, %dma_start3A_197] : memref<10000x128xf32, #tpu.memory_space<vmem_shared>> -> memref<80x128xf32, #tpu.memory_space<vmem_shared>>
        %dma_start3A_199 = arith.constant 0 : i32
        %dma_start3A_200 = tpu.memref_slice %arg8[%mul3A_191, %dma_start3A_199] : memref<10000x128xf32, #tpu.memory_space<vmem_shared>> -> memref<80x128xf32, #tpu.memory_space<vmem_shared>>
        %dma_start3A_201 = arith.constant 0 : i32
        %dma_start3A_202 = arith.constant 0 : i32
        %dma_start3A_203 = tpu.memref_slice %arg7[%cond3A_49, %dma_start3A_201, %dma_start3A_202] : memref<2x128x128xf32, #tpu.memory_space<vmem>> -> memref<1x80x128xf32, #tpu.memory_space<vmem>>
        %dma_start3A_204 = tpu.memref_squeeze %dma_start3A_203 : memref<1x80x128xf32, #tpu.memory_space<vmem>> -> memref<80x128xf32, #tpu.memory_space<vmem>>
        tpu.enqueue_dma source(%dma_start3A_204 : memref<80x128xf32, #tpu.memory_space<vmem>>) target(%dma_start3A_200 : memref<80x128xf32, #tpu.memory_space<vmem_shared>>) target_semaphore(%run_scoped3A_192 : memref<!tpu.dma_semaphore, #tpu.memory_space<semaphore_mem>>)
        %dma_wait3A_205 = arith.constant 0 : i32
        %dma_wait3A_206 = arith.constant 0 : i32
        %dma_wait3A_207 = tpu.memref_slice %arg7[%cond3A_49, %dma_wait3A_205, %dma_wait3A_206] : memref<2x128x128xf32, #tpu.memory_space<vmem>> -> memref<1x80x128xf32, #tpu.memory_space<vmem>>
        %dma_wait3A_208 = tpu.memref_squeeze %dma_wait3A_207 : memref<1x80x128xf32, #tpu.memory_space<vmem>> -> memref<80x128xf32, #tpu.memory_space<vmem>>
        %dma_wait3A_209 = arith.constant 0 : i32
        %dma_wait3A_210 = tpu.memref_slice %arg8[%mul3A_191, %dma_wait3A_209] : memref<10000x128xf32, #tpu.memory_space<vmem_shared>> -> memref<80x128xf32, #tpu.memory_space<vmem_shared>>
        %dma_wait3A_211 = arith.constant 0 : i32
        %dma_wait3A_212 = tpu.memref_slice %arg8[%mul3A_191, %dma_wait3A_211] : memref<10000x128xf32, #tpu.memory_space<vmem_shared>> -> memref<80x128xf32, #tpu.memory_space<vmem_shared>>
        %dma_wait3A_213 = arith.constant 0 : i32
        %dma_wait3A_214 = arith.constant 0 : i32
        %dma_wait3A_215 = tpu.memref_slice %arg7[%cond3A_49, %dma_wait3A_213, %dma_wait3A_214] : memref<2x128x128xf32, #tpu.memory_space<vmem>> -> memref<1x80x128xf32, #tpu.memory_space<vmem>>
        %dma_wait3A_216 = tpu.memref_squeeze %dma_wait3A_215 : memref<1x80x128xf32, #tpu.memory_space<vmem>> -> memref<80x128xf32, #tpu.memory_space<vmem>>
        tpu.wait_dma2 semaphore(%run_scoped3A_192 : memref<!tpu.dma_semaphore, #tpu.memory_space<semaphore_mem>>) src(%dma_wait3A_216 : memref<80x128xf32, #tpu.memory_space<vmem>>) dst(%dma_wait3A_212 : memref<80x128xf32, #tpu.memory_space<vmem_shared>>)
        tpu.yield
      }) : () -> ()
    } else {
    }
    %add3A_52 = arith.constant 112 : i32
    %add3A_53 = arith.addi %add3A_52, %arg1 : i32
    %lt3A_54 = arith.constant 125 : i32
    %lt3A_55 = arith.cmpi slt, %add3A_53, %lt3A_54 : i32
    %convert_element_type3A_56 = arith.extui %lt3A_55 : i1 to i32
    %cond3A_57 = arith.constant 0 : i32
    %cond3A_58 = arith.constant 0 : i32
    %cond3A_59 = arith.cmpi ne, %convert_element_type3A_56, %cond3A_58 : i32
    scf.if %cond3A_59 {
      %mul3A_190 = arith.constant 80 : i32
      %mul3A_191 = arith.muli %add3A_53, %mul3A_190 : i32
      "tpu.region"() ({
        %run_scoped3A_192 = tpu.sem_alloc : memref<!tpu.dma_semaphore, #tpu.memory_space<semaphore_mem>>
        %dma_start3A_193 = arith.constant 0 : i32
        %dma_start3A_194 = arith.constant 0 : i32
        %dma_start3A_195 = tpu.memref_slice %arg7[%cond3A_57, %dma_start3A_193, %dma_start3A_194] : memref<2x128x128xf32, #tpu.memory_space<vmem>> -> memref<1x80x128xf32, #tpu.memory_space<vmem>>
        %dma_start3A_196 = tpu.memref_squeeze %dma_start3A_195 : memref<1x80x128xf32, #tpu.memory_space<vmem>> -> memref<80x128xf32, #tpu.memory_space<vmem>>
        %dma_start3A_197 = arith.constant 0 : i32
        %dma_start3A_198 = tpu.memref_slice %arg8[%mul3A_191, %dma_start3A_197] : memref<10000x128xf32, #tpu.memory_space<vmem_shared>> -> memref<80x128xf32, #tpu.memory_space<vmem_shared>>
        %dma_start3A_199 = arith.constant 0 : i32
        %dma_start3A_200 = tpu.memref_slice %arg8[%mul3A_191, %dma_start3A_199] : memref<10000x128xf32, #tpu.memory_space<vmem_shared>> -> memref<80x128xf32, #tpu.memory_space<vmem_shared>>
        %dma_start3A_201 = arith.constant 0 : i32
        %dma_start3A_202 = arith.constant 0 : i32
        %dma_start3A_203 = tpu.memref_slice %arg7[%cond3A_57, %dma_start3A_201, %dma_start3A_202] : memref<2x128x128xf32, #tpu.memory_space<vmem>> -> memref<1x80x128xf32, #tpu.memory_space<vmem>>
        %dma_start3A_204 = tpu.memref_squeeze %dma_start3A_203 : memref<1x80x128xf32, #tpu.memory_space<vmem>> -> memref<80x128xf32, #tpu.memory_space<vmem>>
        tpu.enqueue_dma source(%dma_start3A_204 : memref<80x128xf32, #tpu.memory_space<vmem>>) target(%dma_start3A_200 : memref<80x128xf32, #tpu.memory_space<vmem_shared>>) target_semaphore(%run_scoped3A_192 : memref<!tpu.dma_semaphore, #tpu.memory_space<semaphore_mem>>)
        %dma_wait3A_205 = arith.constant 0 : i32
        %dma_wait3A_206 = arith.constant 0 : i32
        %dma_wait3A_207 = tpu.memref_slice %arg7[%cond3A_57, %dma_wait3A_205, %dma_wait3A_206] : memref<2x128x128xf32, #tpu.memory_space<vmem>> -> memref<1x80x128xf32, #tpu.memory_space<vmem>>
        %dma_wait3A_208 = tpu.memref_squeeze %dma_wait3A_207 : memref<1x80x128xf32, #tpu.memory_space<vmem>> -> memref<80x128xf32, #tpu.memory_space<vmem>>
        %dma_wait3A_209 = arith.constant 0 : i32
        %dma_wait3A_210 = tpu.memref_slice %arg8[%mul3A_191, %dma_wait3A_209] : memref<10000x128xf32, #tpu.memory_space<vmem_shared>> -> memref<80x128xf32, #tpu.memory_space<vmem_shared>>
        %dma_wait3A_211 = arith.constant 0 : i32
        %dma_wait3A_212 = tpu.memref_slice %arg8[%mul3A_191, %dma_wait3A_211] : memref<10000x128xf32, #tpu.memory_space<vmem_shared>> -> memref<80x128xf32, #tpu.memory_space<vmem_shared>>
        %dma_wait3A_213 = arith.constant 0 : i32
        %dma_wait3A_214 = arith.constant 0 : i32
        %dma_wait3A_215 = tpu.memref_slice %arg7[%cond3A_57, %dma_wait3A_213, %dma_wait3A_214] : memref<2x128x128xf32, #tpu.memory_space<vmem>> -> memref<1x80x128xf32, #tpu.memory_space<vmem>>
        %dma_wait3A_216 = tpu.memref_squeeze %dma_wait3A_215 : memref<1x80x128xf32, #tpu.memory_space<vmem>> -> memref<80x128xf32, #tpu.memory_space<vmem>>
        tpu.wait_dma2 semaphore(%run_scoped3A_192 : memref<!tpu.dma_semaphore, #tpu.memory_space<semaphore_mem>>) src(%dma_wait3A_216 : memref<80x128xf32, #tpu.memory_space<vmem>>) dst(%dma_wait3A_212 : memref<80x128xf32, #tpu.memory_space<vmem_shared>>)
        tpu.yield
      }) : () -> ()
    } else {
    }
    %barrier3A = arith.constant 0 : index
    tpu.barrier barrier_id(%barrier3A)
    %add3A_60 = arith.constant 0 : i32
    %add3A_61 = arith.addi %add3A_60, %arg1 : i32
    %mul3A = arith.constant 2 : i32
    %mul3A_62 = arith.muli %add3A_61, %mul3A : i32
    %add3A_63 = arith.addi %mul3A_62, %arg0 : i32
    %dma_start3A = arith.constant 0 : i32
    %dma_start3A_64 = arith.constant 0 : i32
    %dma_start3A_65 = arith.constant 0 : i32
    %dma_start3A_66 = tpu.memref_slice %arg6[%dma_start3A, %dma_start3A_64, %dma_start3A_65] : memref<2x2x128xi32, #tpu.memory_space<vmem>> -> memref<1x2x128xi32, #tpu.memory_space<vmem>>
    %dma_start3A_67 = tpu.memref_squeeze %dma_start3A_66 : memref<1x2x128xi32, #tpu.memory_space<vmem>> -> memref<2x128xi32, #tpu.memory_space<vmem>>
    %dma_start3A_68 = arith.constant 0 : i32
    %dma_start3A_69 = arith.constant 0 : i32
    %dma_start3A_70 = tpu.memref_slice %arg3[%add3A_63, %dma_start3A_68, %dma_start3A_69] : memref<2500x2x128xi32, #tpu.memory_space<hbm>> -> memref<1x2x128xi32, #tpu.memory_space<hbm>>
    %dma_start3A_71 = tpu.memref_squeeze %dma_start3A_70 : memref<1x2x128xi32, #tpu.memory_space<hbm>> -> memref<2x128xi32, #tpu.memory_space<hbm>>
    %dma_start3A_72 = arith.constant 0 : i32
    %dma_start3A_73 = arith.constant 0 : i32
    %dma_start3A_74 = tpu.memref_slice %arg6[%dma_start3A, %dma_start3A_72, %dma_start3A_73] : memref<2x2x128xi32, #tpu.memory_space<vmem>> -> memref<1x2x128xi32, #tpu.memory_space<vmem>>
    %dma_start3A_75 = tpu.memref_squeeze %dma_start3A_74 : memref<1x2x128xi32, #tpu.memory_space<vmem>> -> memref<2x128xi32, #tpu.memory_space<vmem>>
    %dma_start3A_76 = arith.constant 0 : i32
    %dma_start3A_77 = arith.constant 0 : i32
    %dma_start3A_78 = tpu.memref_slice %arg3[%add3A_63, %dma_start3A_76, %dma_start3A_77] : memref<2500x2x128xi32, #tpu.memory_space<hbm>> -> memref<1x2x128xi32, #tpu.memory_space<hbm>>
    %dma_start3A_79 = tpu.memref_squeeze %dma_start3A_78 : memref<1x2x128xi32, #tpu.memory_space<hbm>> -> memref<2x128xi32, #tpu.memory_space<hbm>>
    tpu.enqueue_dma source(%dma_start3A_79 : memref<2x128xi32, #tpu.memory_space<hbm>>) target(%dma_start3A_75 : memref<2x128xi32, #tpu.memory_space<vmem>>) target_semaphore(%arg9 : memref<!tpu.dma_semaphore, #tpu.memory_space<semaphore_mem>>)
    %mul3A_80 = arith.constant 128 : i32
    %mul3A_81 = arith.muli %add3A_63, %mul3A_80 : i32
    %dma_start3A_82 = arith.constant 0 : i32
    %dma_start3A_83 = arith.constant 0 : i32
    %dma_start3A_84 = arith.constant 0 : i32
    %dma_start3A_85 = tpu.memref_slice %arg7[%dma_start3A_82, %dma_start3A_83, %dma_start3A_84] : memref<2x128x128xf32, #tpu.memory_space<vmem>> -> memref<1x128x128xf32, #tpu.memory_space<vmem>>
    %dma_start3A_86 = tpu.memref_squeeze %dma_start3A_85 : memref<1x128x128xf32, #tpu.memory_space<vmem>> -> memref<128x128xf32, #tpu.memory_space<vmem>>
    %dma_start3A_87 = arith.constant 0 : i32
    %dma_start3A_88 = tpu.memref_slice %arg2[%mul3A_81, %dma_start3A_87] : memref<320000x128xf32, #tpu.memory_space<hbm>> -> memref<128x128xf32, #tpu.memory_space<hbm>>
    %dma_start3A_89 = arith.constant 0 : i32
    %dma_start3A_90 = arith.constant 0 : i32
    %dma_start3A_91 = tpu.memref_slice %arg7[%dma_start3A_82, %dma_start3A_89, %dma_start3A_90] : memref<2x128x128xf32, #tpu.memory_space<vmem>> -> memref<1x128x128xf32, #tpu.memory_space<vmem>>
    %dma_start3A_92 = tpu.memref_squeeze %dma_start3A_91 : memref<1x128x128xf32, #tpu.memory_space<vmem>> -> memref<128x128xf32, #tpu.memory_space<vmem>>
    %dma_start3A_93 = arith.constant 0 : i32
    %dma_start3A_94 = tpu.memref_slice %arg2[%mul3A_81, %dma_start3A_93] : memref<320000x128xf32, #tpu.memory_space<hbm>> -> memref<128x128xf32, #tpu.memory_space<hbm>>
    tpu.enqueue_dma source(%dma_start3A_94 : memref<128x128xf32, #tpu.memory_space<hbm>>) target(%dma_start3A_92 : memref<128x128xf32, #tpu.memory_space<vmem>>) target_semaphore(%arg9 : memref<!tpu.dma_semaphore, #tpu.memory_space<semaphore_mem>>)
    %scan3A = arith.constant 0 : i32
    %scan3A_95 = arith.constant 0 : i32
    %scan3A_96 = arith.constant 40 : i32
    %scan3A_97 = arith.addi %scan3A_95, %scan3A_96 : i32
    %scan3A_98 = arith.constant 1 : i32
    scf.for %scan3A_190 = %scan3A_95 to %scan3A_97 step %scan3A_98  : i32 {
      %mul3A_191 = arith.constant 2 : i32
      %mul3A_192 = arith.muli %scan3A_190, %mul3A_191 : i32
      %add3A_193 = arith.constant 0 : i32
      %add3A_194 = arith.addi %mul3A_192, %add3A_193 : i32
      %add3A_195 = arith.constant 1 : i32
      %add3A_196 = arith.addi %add3A_194, %add3A_195 : i32
      %mul3A_197 = arith.constant 16 : i32
      %mul3A_198 = arith.muli %add3A_196, %mul3A_197 : i32
      %add3A_199 = arith.addi %mul3A_198, %arg1 : i32
      %mul3A_200 = arith.constant 2 : i32
      %mul3A_201 = arith.muli %add3A_199, %mul3A_200 : i32
      %add3A_202 = arith.addi %mul3A_201, %arg0 : i32
      %lt3A_203 = arith.constant 2500 : i32
      %lt3A_204 = arith.cmpi slt, %add3A_202, %lt3A_203 : i32
      %convert_element_type3A_205 = arith.extui %lt3A_204 : i1 to i32
      %cond3A_206 = arith.constant 0 : i32
      %cond3A_207 = arith.cmpi ne, %convert_element_type3A_205, %cond3A_206 : i32
      scf.if %cond3A_207 {
        %ge3A = arith.constant 1 : i32
        %ge3A_247 = arith.cmpi sge, %add3A_194, %ge3A : i32
        %convert_element_type3A_248 = arith.extui %ge3A_247 : i1 to i32
        %cond3A_249 = arith.constant 0 : i32
        %cond3A_250 = arith.cmpi ne, %convert_element_type3A_248, %cond3A_249 : i32
        scf.if %cond3A_250 {
          %dma_wait3A_291 = arith.constant 1 : i32
          %dma_wait3A_292 = arith.constant 1 : i32
          %dma_wait3A_293 = arith.constant 0 : i32
          %dma_wait3A_294 = arith.constant 0 : i32
          %dma_wait3A_295 = arith.constant 0 : i32
          %dma_wait3A_296 = tpu.memref_slice %arg7[%dma_wait3A_291, %dma_wait3A_294, %dma_wait3A_295] : memref<2x128x128xf32, #tpu.memory_space<vmem>> -> memref<1x128x128xf32, #tpu.memory_space<vmem>>
          %dma_wait3A_297 = tpu.memref_squeeze %dma_wait3A_296 : memref<1x128x128xf32, #tpu.memory_space<vmem>> -> memref<128x128xf32, #tpu.memory_space<vmem>>
          %dma_wait3A_298 = arith.constant 0 : i32
          %dma_wait3A_299 = tpu.memref_slice %arg6[%dma_wait3A_292, %dma_wait3A_293, %dma_wait3A_298] : memref<2x2x128xi32, #tpu.memory_space<vmem>> -> memref<1x1x128xi32, #tpu.memory_space<vmem>>
          %dma_wait3A_300 = tpu.memref_squeeze %dma_wait3A_299 : memref<1x1x128xi32, #tpu.memory_space<vmem>> -> memref<128xi32, #tpu.memory_space<vmem>>
          %dma_wait3A_301 = arith.constant 0 : i32
          %dma_wait3A_302 = arith.constant 0 : i32
          %dma_wait3A_303 = tpu.memref_slice %arg8[%dma_wait3A_301, %dma_wait3A_302] : memref<10000x128xf32, #tpu.memory_space<vmem_shared>> -> memref<10000x128xf32, #tpu.memory_space<vmem_shared>>
          tpu.wait_indirect_dma semaphore(%arg12 : memref<!tpu.dma_semaphore, #tpu.memory_space<semaphore_mem>>) src(%dma_wait3A_297 : memref<128x128xf32, #tpu.memory_space<vmem>>) dst(%dma_wait3A_303 : memref<10000x128xf32, #tpu.memory_space<vmem_shared>>)
        } else {
        }
        %add3A_251 = arith.constant 1 : i32
        %add3A_252 = arith.addi %add3A_194, %add3A_251 : i32
        %mul3A_253 = arith.constant 16 : i32
        %mul3A_254 = arith.muli %add3A_252, %mul3A_253 : i32
        %add3A_255 = arith.addi %mul3A_254, %arg1 : i32
        %mul3A_256 = arith.constant 2 : i32
        %mul3A_257 = arith.muli %add3A_255, %mul3A_256 : i32
        %add3A_258 = arith.addi %mul3A_257, %arg0 : i32
        %dma_start3A_259 = arith.constant 1 : i32
        %dma_start3A_260 = arith.constant 0 : i32
        %dma_start3A_261 = arith.constant 0 : i32
        %dma_start3A_262 = tpu.memref_slice %arg6[%dma_start3A_259, %dma_start3A_260, %dma_start3A_261] : memref<2x2x128xi32, #tpu.memory_space<vmem>> -> memref<1x2x128xi32, #tpu.memory_space<vmem>>
        %dma_start3A_263 = tpu.memref_squeeze %dma_start3A_262 : memref<1x2x128xi32, #tpu.memory_space<vmem>> -> memref<2x128xi32, #tpu.memory_space<vmem>>
        %dma_start3A_264 = arith.constant 0 : i32
        %dma_start3A_265 = arith.constant 0 : i32
        %dma_start3A_266 = tpu.memref_slice %arg3[%add3A_258, %dma_start3A_264, %dma_start3A_265] : memref<2500x2x128xi32, #tpu.memory_space<hbm>> -> memref<1x2x128xi32, #tpu.memory_space<hbm>>
        %dma_start3A_267 = tpu.memref_squeeze %dma_start3A_266 : memref<1x2x128xi32, #tpu.memory_space<hbm>> -> memref<2x128xi32, #tpu.memory_space<hbm>>
        %dma_start3A_268 = arith.constant 0 : i32
        %dma_start3A_269 = arith.constant 0 : i32
        %dma_start3A_270 = tpu.memref_slice %arg6[%dma_start3A_259, %dma_start3A_268, %dma_start3A_269] : memref<2x2x128xi32, #tpu.memory_space<vmem>> -> memref<1x2x128xi32, #tpu.memory_space<vmem>>
        %dma_start3A_271 = tpu.memref_squeeze %dma_start3A_270 : memref<1x2x128xi32, #tpu.memory_space<vmem>> -> memref<2x128xi32, #tpu.memory_space<vmem>>
        %dma_start3A_272 = arith.constant 0 : i32
        %dma_start3A_273 = arith.constant 0 : i32
        %dma_start3A_274 = tpu.memref_slice %arg3[%add3A_258, %dma_start3A_272, %dma_start3A_273] : memref<2500x2x128xi32, #tpu.memory_space<hbm>> -> memref<1x2x128xi32, #tpu.memory_space<hbm>>
        %dma_start3A_275 = tpu.memref_squeeze %dma_start3A_274 : memref<1x2x128xi32, #tpu.memory_space<hbm>> -> memref<2x128xi32, #tpu.memory_space<hbm>>
        tpu.enqueue_dma source(%dma_start3A_275 : memref<2x128xi32, #tpu.memory_space<hbm>>) target(%dma_start3A_271 : memref<2x128xi32, #tpu.memory_space<vmem>>) target_semaphore(%arg10 : memref<!tpu.dma_semaphore, #tpu.memory_space<semaphore_mem>>)
        %mul3A_276 = arith.constant 128 : i32
        %mul3A_277 = arith.muli %add3A_258, %mul3A_276 : i32
        %dma_start3A_278 = arith.constant 1 : i32
        %dma_start3A_279 = arith.constant 0 : i32
        %dma_start3A_280 = arith.constant 0 : i32
        %dma_start3A_281 = tpu.memref_slice %arg7[%dma_start3A_278, %dma_start3A_279, %dma_start3A_280] : memref<2x128x128xf32, #tpu.memory_space<vmem>> -> memref<1x128x128xf32, #tpu.memory_space<vmem>>
        %dma_start3A_282 = tpu.memref_squeeze %dma_start3A_281 : memref<1x128x128xf32, #tpu.memory_space<vmem>> -> memref<128x128xf32, #tpu.memory_space<vmem>>
        %dma_start3A_283 = arith.constant 0 : i32
        %dma_start3A_284 = tpu.memref_slice %arg2[%mul3A_277, %dma_start3A_283] : memref<320000x128xf32, #tpu.memory_space<hbm>> -> memref<128x128xf32, #tpu.memory_space<hbm>>
        %dma_start3A_285 = arith.constant 0 : i32
        %dma_start3A_286 = arith.constant 0 : i32
        %dma_start3A_287 = tpu.memref_slice %arg7[%dma_start3A_278, %dma_start3A_285, %dma_start3A_286] : memref<2x128x128xf32, #tpu.memory_space<vmem>> -> memref<1x128x128xf32, #tpu.memory_space<vmem>>
        %dma_start3A_288 = tpu.memref_squeeze %dma_start3A_287 : memref<1x128x128xf32, #tpu.memory_space<vmem>> -> memref<128x128xf32, #tpu.memory_space<vmem>>
        %dma_start3A_289 = arith.constant 0 : i32
        %dma_start3A_290 = tpu.memref_slice %arg2[%mul3A_277, %dma_start3A_289] : memref<320000x128xf32, #tpu.memory_space<hbm>> -> memref<128x128xf32, #tpu.memory_space<hbm>>
        tpu.enqueue_dma source(%dma_start3A_290 : memref<128x128xf32, #tpu.memory_space<hbm>>) target(%dma_start3A_288 : memref<128x128xf32, #tpu.memory_space<vmem>>) target_semaphore(%arg10 : memref<!tpu.dma_semaphore, #tpu.memory_space<semaphore_mem>>)
      } else {
      }
      %mul3A_208 = arith.constant 16 : i32
      %mul3A_209 = arith.muli %add3A_194, %mul3A_208 : i32
      %add3A_210 = arith.addi %mul3A_209, %arg1 : i32
      %mul3A_211 = arith.constant 2 : i32
      %mul3A_212 = arith.muli %add3A_210, %mul3A_211 : i32
      %add3A_213 = arith.addi %mul3A_212, %arg0 : i32
      %lt3A_214 = arith.constant 2500 : i32
      %lt3A_215 = arith.cmpi slt, %add3A_213, %lt3A_214 : i32
      %convert_element_type3A_216 = arith.extui %lt3A_215 : i1 to i32
      %cond3A_217 = arith.constant 0 : i32
      %cond3A_218 = arith.cmpi ne, %convert_element_type3A_216, %cond3A_217 : i32
      scf.if %cond3A_218 {
        %dma_wait3A_247 = arith.constant 0 : i32
        %dma_wait3A_248 = arith.constant 0 : i32
        %dma_wait3A_249 = arith.constant 0 : i32
        %dma_wait3A_250 = arith.constant 0 : i32
        %dma_wait3A_251 = tpu.memref_slice %arg6[%dma_wait3A_248, %dma_wait3A_249, %dma_wait3A_250] : memref<2x2x128xi32, #tpu.memory_space<vmem>> -> memref<1x2x128xi32, #tpu.memory_space<vmem>>
        %dma_wait3A_252 = tpu.memref_squeeze %dma_wait3A_251 : memref<1x2x128xi32, #tpu.memory_space<vmem>> -> memref<2x128xi32, #tpu.memory_space<vmem>>
        %dma_wait3A_253 = arith.constant 0 : i32
        %dma_wait3A_254 = arith.constant 0 : i32
        %dma_wait3A_255 = tpu.memref_slice %arg3[%dma_wait3A_247, %dma_wait3A_253, %dma_wait3A_254] : memref<2500x2x128xi32, #tpu.memory_space<hbm>> -> memref<1x2x128xi32, #tpu.memory_space<hbm>>
        %dma_wait3A_256 = tpu.memref_squeeze %dma_wait3A_255 : memref<1x2x128xi32, #tpu.memory_space<hbm>> -> memref<2x128xi32, #tpu.memory_space<hbm>>
        %dma_wait3A_257 = arith.constant 0 : i32
        %dma_wait3A_258 = arith.constant 0 : i32
        %dma_wait3A_259 = tpu.memref_slice %arg6[%dma_wait3A_248, %dma_wait3A_257, %dma_wait3A_258] : memref<2x2x128xi32, #tpu.memory_space<vmem>> -> memref<1x2x128xi32, #tpu.memory_space<vmem>>
        %dma_wait3A_260 = tpu.memref_squeeze %dma_wait3A_259 : memref<1x2x128xi32, #tpu.memory_space<vmem>> -> memref<2x128xi32, #tpu.memory_space<vmem>>
        %dma_wait3A_261 = arith.constant 0 : i32
        %dma_wait3A_262 = arith.constant 0 : i32
        %dma_wait3A_263 = tpu.memref_slice %arg3[%dma_wait3A_247, %dma_wait3A_261, %dma_wait3A_262] : memref<2500x2x128xi32, #tpu.memory_space<hbm>> -> memref<1x2x128xi32, #tpu.memory_space<hbm>>
        %dma_wait3A_264 = tpu.memref_squeeze %dma_wait3A_263 : memref<1x2x128xi32, #tpu.memory_space<hbm>> -> memref<2x128xi32, #tpu.memory_space<hbm>>
        tpu.wait_dma2 semaphore(%arg9 : memref<!tpu.dma_semaphore, #tpu.memory_space<semaphore_mem>>) src(%dma_wait3A_264 : memref<2x128xi32, #tpu.memory_space<hbm>>) dst(%dma_wait3A_260 : memref<2x128xi32, #tpu.memory_space<vmem>>)
        %dma_wait3A_265 = arith.constant 0 : i32
        %dma_wait3A_266 = arith.constant 0 : i32
        %dma_wait3A_267 = arith.constant 0 : i32
        %dma_wait3A_268 = tpu.memref_slice %arg7[%dma_wait3A_265, %dma_wait3A_266, %dma_wait3A_267] : memref<2x128x128xf32, #tpu.memory_space<vmem>> -> memref<1x128x128xf32, #tpu.memory_space<vmem>>
        %dma_wait3A_269 = tpu.memref_squeeze %dma_wait3A_268 : memref<1x128x128xf32, #tpu.memory_space<vmem>> -> memref<128x128xf32, #tpu.memory_space<vmem>>
        %dma_wait3A_270 = arith.constant 0 : i32
        %dma_wait3A_271 = arith.constant 0 : i32
        %dma_wait3A_272 = tpu.memref_slice %arg2[%dma_wait3A_270, %dma_wait3A_271] : memref<320000x128xf32, #tpu.memory_space<hbm>> -> memref<128x128xf32, #tpu.memory_space<hbm>>
        %dma_wait3A_273 = arith.constant 0 : i32
        %dma_wait3A_274 = arith.constant 0 : i32
        %dma_wait3A_275 = tpu.memref_slice %arg7[%dma_wait3A_265, %dma_wait3A_273, %dma_wait3A_274] : memref<2x128x128xf32, #tpu.memory_space<vmem>> -> memref<1x128x128xf32, #tpu.memory_space<vmem>>
        %dma_wait3A_276 = tpu.memref_squeeze %dma_wait3A_275 : memref<1x128x128xf32, #tpu.memory_space<vmem>> -> memref<128x128xf32, #tpu.memory_space<vmem>>
        %dma_wait3A_277 = arith.constant 0 : i32
        %dma_wait3A_278 = arith.constant 0 : i32
        %dma_wait3A_279 = tpu.memref_slice %arg2[%dma_wait3A_277, %dma_wait3A_278] : memref<320000x128xf32, #tpu.memory_space<hbm>> -> memref<128x128xf32, #tpu.memory_space<hbm>>
        tpu.wait_dma2 semaphore(%arg9 : memref<!tpu.dma_semaphore, #tpu.memory_space<semaphore_mem>>) src(%dma_wait3A_279 : memref<128x128xf32, #tpu.memory_space<hbm>>) dst(%dma_wait3A_276 : memref<128x128xf32, #tpu.memory_space<vmem>>)
        %dma_start3A_280 = arith.constant 0 : i32
        %dma_start3A_281 = arith.constant 0 : i32
        %dma_start3A_282 = arith.constant 0 : i32
        %dma_start3A_283 = arith.constant 0 : i32
        %dma_start3A_284 = arith.constant 0 : i32
        %dma_start3A_285 = tpu.memref_slice %arg7[%dma_start3A_280, %dma_start3A_283, %dma_start3A_284] : memref<2x128x128xf32, #tpu.memory_space<vmem>> -> memref<1x128x128xf32, #tpu.memory_space<vmem>>
        %dma_start3A_286 = tpu.memref_squeeze %dma_start3A_285 : memref<1x128x128xf32, #tpu.memory_space<vmem>> -> memref<128x128xf32, #tpu.memory_space<vmem>>
        %dma_start3A_287 = arith.constant 0 : i32
        %dma_start3A_288 = tpu.memref_slice %arg6[%dma_start3A_281, %dma_start3A_282, %dma_start3A_287] : memref<2x2x128xi32, #tpu.memory_space<vmem>> -> memref<1x1x128xi32, #tpu.memory_space<vmem>>
        %dma_start3A_289 = tpu.memref_squeeze %dma_start3A_288 : memref<1x1x128xi32, #tpu.memory_space<vmem>> -> memref<128xi32, #tpu.memory_space<vmem>>
        %dma_start3A_290 = arith.constant 0 : i32
        %dma_start3A_291 = arith.constant 0 : i32
        %dma_start3A_292 = tpu.memref_slice %arg8[%dma_start3A_290, %dma_start3A_291] : memref<10000x128xf32, #tpu.memory_space<vmem_shared>> -> memref<10000x128xf32, #tpu.memory_space<vmem_shared>>
        tpu.enqueue_indirect_dma source(%dma_start3A_286 : memref<128x128xf32, #tpu.memory_space<vmem>>) target(%dma_start3A_292 : memref<10000x128xf32, #tpu.memory_space<vmem_shared>>) offsets(%dma_start3A_289 : memref<128xi32, #tpu.memory_space<vmem>>) semaphore(%arg11 : memref<!tpu.dma_semaphore, #tpu.memory_space<semaphore_mem>>) {add = true}
      } else {
      }
      %mul3A_219 = arith.constant 2 : i32
      %mul3A_220 = arith.muli %scan3A_190, %mul3A_219 : i32
      %add3A_221 = arith.constant 1 : i32
      %add3A_222 = arith.addi %mul3A_220, %add3A_221 : i32
      %add3A_223 = arith.constant 1 : i32
      %add3A_224 = arith.addi %add3A_222, %add3A_223 : i32
      %mul3A_225 = arith.constant 16 : i32
      %mul3A_226 = arith.muli %add3A_224, %mul3A_225 : i32
      %add3A_227 = arith.addi %mul3A_226, %arg1 : i32
      %mul3A_228 = arith.constant 2 : i32
      %mul3A_229 = arith.muli %add3A_227, %mul3A_228 : i32
      %add3A_230 = arith.addi %mul3A_229, %arg0 : i32
      %lt3A_231 = arith.constant 2500 : i32
      %lt3A_232 = arith.cmpi slt, %add3A_230, %lt3A_231 : i32
      %convert_element_type3A_233 = arith.extui %lt3A_232 : i1 to i32
      %cond3A_234 = arith.constant 0 : i32
      %cond3A_235 = arith.cmpi ne, %convert_element_type3A_233, %cond3A_234 : i32
      scf.if %cond3A_235 {
        %ge3A = arith.constant 1 : i32
        %ge3A_247 = arith.cmpi sge, %add3A_222, %ge3A : i32
        %convert_element_type3A_248 = arith.extui %ge3A_247 : i1 to i32
        %cond3A_249 = arith.constant 0 : i32
        %cond3A_250 = arith.cmpi ne, %convert_element_type3A_248, %cond3A_249 : i32
        scf.if %cond3A_250 {
          %dma_wait3A_291 = arith.constant 0 : i32
          %dma_wait3A_292 = arith.constant 0 : i32
          %dma_wait3A_293 = arith.constant 0 : i32
          %dma_wait3A_294 = arith.constant 0 : i32
          %dma_wait3A_295 = arith.constant 0 : i32
          %dma_wait3A_296 = tpu.memref_slice %arg7[%dma_wait3A_291, %dma_wait3A_294, %dma_wait3A_295] : memref<2x128x128xf32, #tpu.memory_space<vmem>> -> memref<1x128x128xf32, #tpu.memory_space<vmem>>
          %dma_wait3A_297 = tpu.memref_squeeze %dma_wait3A_296 : memref<1x128x128xf32, #tpu.memory_space<vmem>> -> memref<128x128xf32, #tpu.memory_space<vmem>>
          %dma_wait3A_298 = arith.constant 0 : i32
          %dma_wait3A_299 = tpu.memref_slice %arg6[%dma_wait3A_292, %dma_wait3A_293, %dma_wait3A_298] : memref<2x2x128xi32, #tpu.memory_space<vmem>> -> memref<1x1x128xi32, #tpu.memory_space<vmem>>
          %dma_wait3A_300 = tpu.memref_squeeze %dma_wait3A_299 : memref<1x1x128xi32, #tpu.memory_space<vmem>> -> memref<128xi32, #tpu.memory_space<vmem>>
          %dma_wait3A_301 = arith.constant 0 : i32
          %dma_wait3A_302 = arith.constant 0 : i32
          %dma_wait3A_303 = tpu.memref_slice %arg8[%dma_wait3A_301, %dma_wait3A_302] : memref<10000x128xf32, #tpu.memory_space<vmem_shared>> -> memref<10000x128xf32, #tpu.memory_space<vmem_shared>>
          tpu.wait_indirect_dma semaphore(%arg11 : memref<!tpu.dma_semaphore, #tpu.memory_space<semaphore_mem>>) src(%dma_wait3A_297 : memref<128x128xf32, #tpu.memory_space<vmem>>) dst(%dma_wait3A_303 : memref<10000x128xf32, #tpu.memory_space<vmem_shared>>)
        } else {
        }
        %add3A_251 = arith.constant 1 : i32
        %add3A_252 = arith.addi %add3A_222, %add3A_251 : i32
        %mul3A_253 = arith.constant 16 : i32
        %mul3A_254 = arith.muli %add3A_252, %mul3A_253 : i32
        %add3A_255 = arith.addi %mul3A_254, %arg1 : i32
        %mul3A_256 = arith.constant 2 : i32
        %mul3A_257 = arith.muli %add3A_255, %mul3A_256 : i32
        %add3A_258 = arith.addi %mul3A_257, %arg0 : i32
        %dma_start3A_259 = arith.constant 0 : i32
        %dma_start3A_260 = arith.constant 0 : i32
        %dma_start3A_261 = arith.constant 0 : i32
        %dma_start3A_262 = tpu.memref_slice %arg6[%dma_start3A_259, %dma_start3A_260, %dma_start3A_261] : memref<2x2x128xi32, #tpu.memory_space<vmem>> -> memref<1x2x128xi32, #tpu.memory_space<vmem>>
        %dma_start3A_263 = tpu.memref_squeeze %dma_start3A_262 : memref<1x2x128xi32, #tpu.memory_space<vmem>> -> memref<2x128xi32, #tpu.memory_space<vmem>>
        %dma_start3A_264 = arith.constant 0 : i32
        %dma_start3A_265 = arith.constant 0 : i32
        %dma_start3A_266 = tpu.memref_slice %arg3[%add3A_258, %dma_start3A_264, %dma_start3A_265] : memref<2500x2x128xi32, #tpu.memory_space<hbm>> -> memref<1x2x128xi32, #tpu.memory_space<hbm>>
        %dma_start3A_267 = tpu.memref_squeeze %dma_start3A_266 : memref<1x2x128xi32, #tpu.memory_space<hbm>> -> memref<2x128xi32, #tpu.memory_space<hbm>>
        %dma_start3A_268 = arith.constant 0 : i32
        %dma_start3A_269 = arith.constant 0 : i32
        %dma_start3A_270 = tpu.memref_slice %arg6[%dma_start3A_259, %dma_start3A_268, %dma_start3A_269] : memref<2x2x128xi32, #tpu.memory_space<vmem>> -> memref<1x2x128xi32, #tpu.memory_space<vmem>>
        %dma_start3A_271 = tpu.memref_squeeze %dma_start3A_270 : memref<1x2x128xi32, #tpu.memory_space<vmem>> -> memref<2x128xi32, #tpu.memory_space<vmem>>
        %dma_start3A_272 = arith.constant 0 : i32
        %dma_start3A_273 = arith.constant 0 : i32
        %dma_start3A_274 = tpu.memref_slice %arg3[%add3A_258, %dma_start3A_272, %dma_start3A_273] : memref<2500x2x128xi32, #tpu.memory_space<hbm>> -> memref<1x2x128xi32, #tpu.memory_space<hbm>>
        %dma_start3A_275 = tpu.memref_squeeze %dma_start3A_274 : memref<1x2x128xi32, #tpu.memory_space<hbm>> -> memref<2x128xi32, #tpu.memory_space<hbm>>
        tpu.enqueue_dma source(%dma_start3A_275 : memref<2x128xi32, #tpu.memory_space<hbm>>) target(%dma_start3A_271 : memref<2x128xi32, #tpu.memory_space<vmem>>) target_semaphore(%arg9 : memref<!tpu.dma_semaphore, #tpu.memory_space<semaphore_mem>>)
        %mul3A_276 = arith.constant 128 : i32
        %mul3A_277 = arith.muli %add3A_258, %mul3A_276 : i32
        %dma_start3A_278 = arith.constant 0 : i32
        %dma_start3A_279 = arith.constant 0 : i32
        %dma_start3A_280 = arith.constant 0 : i32
        %dma_start3A_281 = tpu.memref_slice %arg7[%dma_start3A_278, %dma_start3A_279, %dma_start3A_280] : memref<2x128x128xf32, #tpu.memory_space<vmem>> -> memref<1x128x128xf32, #tpu.memory_space<vmem>>
        %dma_start3A_282 = tpu.memref_squeeze %dma_start3A_281 : memref<1x128x128xf32, #tpu.memory_space<vmem>> -> memref<128x128xf32, #tpu.memory_space<vmem>>
        %dma_start3A_283 = arith.constant 0 : i32
        %dma_start3A_284 = tpu.memref_slice %arg2[%mul3A_277, %dma_start3A_283] : memref<320000x128xf32, #tpu.memory_space<hbm>> -> memref<128x128xf32, #tpu.memory_space<hbm>>
        %dma_start3A_285 = arith.constant 0 : i32
        %dma_start3A_286 = arith.constant 0 : i32
        %dma_start3A_287 = tpu.memref_slice %arg7[%dma_start3A_278, %dma_start3A_285, %dma_start3A_286] : memref<2x128x128xf32, #tpu.memory_space<vmem>> -> memref<1x128x128xf32, #tpu.memory_space<vmem>>
        %dma_start3A_288 = tpu.memref_squeeze %dma_start3A_287 : memref<1x128x128xf32, #tpu.memory_space<vmem>> -> memref<128x128xf32, #tpu.memory_space<vmem>>
        %dma_start3A_289 = arith.constant 0 : i32
        %dma_start3A_290 = tpu.memref_slice %arg2[%mul3A_277, %dma_start3A_289] : memref<320000x128xf32, #tpu.memory_space<hbm>> -> memref<128x128xf32, #tpu.memory_space<hbm>>
        tpu.enqueue_dma source(%dma_start3A_290 : memref<128x128xf32, #tpu.memory_space<hbm>>) target(%dma_start3A_288 : memref<128x128xf32, #tpu.memory_space<vmem>>) target_semaphore(%arg9 : memref<!tpu.dma_semaphore, #tpu.memory_space<semaphore_mem>>)
      } else {
      }
      %mul3A_236 = arith.constant 16 : i32
      %mul3A_237 = arith.muli %add3A_222, %mul3A_236 : i32
      %add3A_238 = arith.addi %mul3A_237, %arg1 : i32
      %mul3A_239 = arith.constant 2 : i32
      %mul3A_240 = arith.muli %add3A_238, %mul3A_239 : i32
      %add3A_241 = arith.addi %mul3A_240, %arg0 : i32
      %lt3A_242 = arith.constant 2500 : i32
      %lt3A_243 = arith.cmpi slt, %add3A_241, %lt3A_242 : i32
      %convert_element_type3A_244 = arith.extui %lt3A_243 : i1 to i32
      %cond3A_245 = arith.constant 0 : i32
      %cond3A_246 = arith.cmpi ne, %convert_element_type3A_244, %cond3A_245 : i32
      scf.if %cond3A_246 {
        %dma_wait3A_247 = arith.constant 0 : i32
        %dma_wait3A_248 = arith.constant 1 : i32
        %dma_wait3A_249 = arith.constant 0 : i32
        %dma_wait3A_250 = arith.constant 0 : i32
        %dma_wait3A_251 = tpu.memref_slice %arg6[%dma_wait3A_248, %dma_wait3A_249, %dma_wait3A_250] : memref<2x2x128xi32, #tpu.memory_space<vmem>> -> memref<1x2x128xi32, #tpu.memory_space<vmem>>
        %dma_wait3A_252 = tpu.memref_squeeze %dma_wait3A_251 : memref<1x2x128xi32, #tpu.memory_space<vmem>> -> memref<2x128xi32, #tpu.memory_space<vmem>>
        %dma_wait3A_253 = arith.constant 0 : i32
        %dma_wait3A_254 = arith.constant 0 : i32
        %dma_wait3A_255 = tpu.memref_slice %arg3[%dma_wait3A_247, %dma_wait3A_253, %dma_wait3A_254] : memref<2500x2x128xi32, #tpu.memory_space<hbm>> -> memref<1x2x128xi32, #tpu.memory_space<hbm>>
        %dma_wait3A_256 = tpu.memref_squeeze %dma_wait3A_255 : memref<1x2x128xi32, #tpu.memory_space<hbm>> -> memref<2x128xi32, #tpu.memory_space<hbm>>
        %dma_wait3A_257 = arith.constant 0 : i32
        %dma_wait3A_258 = arith.constant 0 : i32
        %dma_wait3A_259 = tpu.memref_slice %arg6[%dma_wait3A_248, %dma_wait3A_257, %dma_wait3A_258] : memref<2x2x128xi32, #tpu.memory_space<vmem>> -> memref<1x2x128xi32, #tpu.memory_space<vmem>>
        %dma_wait3A_260 = tpu.memref_squeeze %dma_wait3A_259 : memref<1x2x128xi32, #tpu.memory_space<vmem>> -> memref<2x128xi32, #tpu.memory_space<vmem>>
        %dma_wait3A_261 = arith.constant 0 : i32
        %dma_wait3A_262 = arith.constant 0 : i32
        %dma_wait3A_263 = tpu.memref_slice %arg3[%dma_wait3A_247, %dma_wait3A_261, %dma_wait3A_262] : memref<2500x2x128xi32, #tpu.memory_space<hbm>> -> memref<1x2x128xi32, #tpu.memory_space<hbm>>
        %dma_wait3A_264 = tpu.memref_squeeze %dma_wait3A_263 : memref<1x2x128xi32, #tpu.memory_space<hbm>> -> memref<2x128xi32, #tpu.memory_space<hbm>>
        tpu.wait_dma2 semaphore(%arg10 : memref<!tpu.dma_semaphore, #tpu.memory_space<semaphore_mem>>) src(%dma_wait3A_264 : memref<2x128xi32, #tpu.memory_space<hbm>>) dst(%dma_wait3A_260 : memref<2x128xi32, #tpu.memory_space<vmem>>)
        %dma_wait3A_265 = arith.constant 1 : i32
        %dma_wait3A_266 = arith.constant 0 : i32
        %dma_wait3A_267 = arith.constant 0 : i32
        %dma_wait3A_268 = tpu.memref_slice %arg7[%dma_wait3A_265, %dma_wait3A_266, %dma_wait3A_267] : memref<2x128x128xf32, #tpu.memory_space<vmem>> -> memref<1x128x128xf32, #tpu.memory_space<vmem>>
        %dma_wait3A_269 = tpu.memref_squeeze %dma_wait3A_268 : memref<1x128x128xf32, #tpu.memory_space<vmem>> -> memref<128x128xf32, #tpu.memory_space<vmem>>
        %dma_wait3A_270 = arith.constant 0 : i32
        %dma_wait3A_271 = arith.constant 0 : i32
        %dma_wait3A_272 = tpu.memref_slice %arg2[%dma_wait3A_270, %dma_wait3A_271] : memref<320000x128xf32, #tpu.memory_space<hbm>> -> memref<128x128xf32, #tpu.memory_space<hbm>>
        %dma_wait3A_273 = arith.constant 0 : i32
        %dma_wait3A_274 = arith.constant 0 : i32
        %dma_wait3A_275 = tpu.memref_slice %arg7[%dma_wait3A_265, %dma_wait3A_273, %dma_wait3A_274] : memref<2x128x128xf32, #tpu.memory_space<vmem>> -> memref<1x128x128xf32, #tpu.memory_space<vmem>>
        %dma_wait3A_276 = tpu.memref_squeeze %dma_wait3A_275 : memref<1x128x128xf32, #tpu.memory_space<vmem>> -> memref<128x128xf32, #tpu.memory_space<vmem>>
        %dma_wait3A_277 = arith.constant 0 : i32
        %dma_wait3A_278 = arith.constant 0 : i32
        %dma_wait3A_279 = tpu.memref_slice %arg2[%dma_wait3A_277, %dma_wait3A_278] : memref<320000x128xf32, #tpu.memory_space<hbm>> -> memref<128x128xf32, #tpu.memory_space<hbm>>
        tpu.wait_dma2 semaphore(%arg10 : memref<!tpu.dma_semaphore, #tpu.memory_space<semaphore_mem>>) src(%dma_wait3A_279 : memref<128x128xf32, #tpu.memory_space<hbm>>) dst(%dma_wait3A_276 : memref<128x128xf32, #tpu.memory_space<vmem>>)
        %dma_start3A_280 = arith.constant 1 : i32
        %dma_start3A_281 = arith.constant 1 : i32
        %dma_start3A_282 = arith.constant 0 : i32
        %dma_start3A_283 = arith.constant 0 : i32
        %dma_start3A_284 = arith.constant 0 : i32
        %dma_start3A_285 = tpu.memref_slice %arg7[%dma_start3A_280, %dma_start3A_283, %dma_start3A_284] : memref<2x128x128xf32, #tpu.memory_space<vmem>> -> memref<1x128x128xf32, #tpu.memory_space<vmem>>
        %dma_start3A_286 = tpu.memref_squeeze %dma_start3A_285 : memref<1x128x128xf32, #tpu.memory_space<vmem>> -> memref<128x128xf32, #tpu.memory_space<vmem>>
        %dma_start3A_287 = arith.constant 0 : i32
        %dma_start3A_288 = tpu.memref_slice %arg6[%dma_start3A_281, %dma_start3A_282, %dma_start3A_287] : memref<2x2x128xi32, #tpu.memory_space<vmem>> -> memref<1x1x128xi32, #tpu.memory_space<vmem>>
        %dma_start3A_289 = tpu.memref_squeeze %dma_start3A_288 : memref<1x1x128xi32, #tpu.memory_space<vmem>> -> memref<128xi32, #tpu.memory_space<vmem>>
        %dma_start3A_290 = arith.constant 0 : i32
        %dma_start3A_291 = arith.constant 0 : i32
        %dma_start3A_292 = tpu.memref_slice %arg8[%dma_start3A_290, %dma_start3A_291] : memref<10000x128xf32, #tpu.memory_space<vmem_shared>> -> memref<10000x128xf32, #tpu.memory_space<vmem_shared>>
        tpu.enqueue_indirect_dma source(%dma_start3A_286 : memref<128x128xf32, #tpu.memory_space<vmem>>) target(%dma_start3A_292 : memref<10000x128xf32, #tpu.memory_space<vmem_shared>>) offsets(%dma_start3A_289 : memref<128xi32, #tpu.memory_space<vmem>>) semaphore(%arg12 : memref<!tpu.dma_semaphore, #tpu.memory_space<semaphore_mem>>) {add = true}
      } else {
      }
    }
    %scan3A_99 = arith.constant 40 : i32
    %dma_wait3A = arith.constant 0 : i32
    %dma_wait3A_100 = arith.constant 0 : i32
    %dma_wait3A_101 = arith.constant 0 : i32
    %dma_wait3A_102 = arith.constant 0 : i32
    %dma_wait3A_103 = arith.constant 0 : i32
    %dma_wait3A_104 = tpu.memref_slice %arg7[%dma_wait3A, %dma_wait3A_102, %dma_wait3A_103] : memref<2x128x128xf32, #tpu.memory_space<vmem>> -> memref<1x128x128xf32, #tpu.memory_space<vmem>>
    %dma_wait3A_105 = tpu.memref_squeeze %dma_wait3A_104 : memref<1x128x128xf32, #tpu.memory_space<vmem>> -> memref<128x128xf32, #tpu.memory_space<vmem>>
    %dma_wait3A_106 = arith.constant 0 : i32
    %dma_wait3A_107 = tpu.memref_slice %arg6[%dma_wait3A_100, %dma_wait3A_101, %dma_wait3A_106] : memref<2x2x128xi32, #tpu.memory_space<vmem>> -> memref<1x1x128xi32, #tpu.memory_space<vmem>>
    %dma_wait3A_108 = tpu.memref_squeeze %dma_wait3A_107 : memref<1x1x128xi32, #tpu.memory_space<vmem>> -> memref<128xi32, #tpu.memory_space<vmem>>
    %dma_wait3A_109 = arith.constant 0 : i32
    %dma_wait3A_110 = arith.constant 0 : i32
    %dma_wait3A_111 = tpu.memref_slice %arg8[%dma_wait3A_109, %dma_wait3A_110] : memref<10000x128xf32, #tpu.memory_space<vmem_shared>> -> memref<10000x128xf32, #tpu.memory_space<vmem_shared>>
    tpu.wait_indirect_dma semaphore(%arg11 : memref<!tpu.dma_semaphore, #tpu.memory_space<semaphore_mem>>) src(%dma_wait3A_105 : memref<128x128xf32, #tpu.memory_space<vmem>>) dst(%dma_wait3A_111 : memref<10000x128xf32, #tpu.memory_space<vmem_shared>>)
    %dma_wait3A_112 = arith.constant 1 : i32
    %dma_wait3A_113 = arith.constant 1 : i32
    %dma_wait3A_114 = arith.constant 0 : i32
    %dma_wait3A_115 = arith.constant 0 : i32
    %dma_wait3A_116 = arith.constant 0 : i32
    %dma_wait3A_117 = tpu.memref_slice %arg7[%dma_wait3A_112, %dma_wait3A_115, %dma_wait3A_116] : memref<2x128x128xf32, #tpu.memory_space<vmem>> -> memref<1x128x128xf32, #tpu.memory_space<vmem>>
    %dma_wait3A_118 = tpu.memref_squeeze %dma_wait3A_117 : memref<1x128x128xf32, #tpu.memory_space<vmem>> -> memref<128x128xf32, #tpu.memory_space<vmem>>
    %dma_wait3A_119 = arith.constant 0 : i32
    %dma_wait3A_120 = tpu.memref_slice %arg6[%dma_wait3A_113, %dma_wait3A_114, %dma_wait3A_119] : memref<2x2x128xi32, #tpu.memory_space<vmem>> -> memref<1x1x128xi32, #tpu.memory_space<vmem>>
    %dma_wait3A_121 = tpu.memref_squeeze %dma_wait3A_120 : memref<1x1x128xi32, #tpu.memory_space<vmem>> -> memref<128xi32, #tpu.memory_space<vmem>>
    %dma_wait3A_122 = arith.constant 0 : i32
    %dma_wait3A_123 = arith.constant 0 : i32
    %dma_wait3A_124 = tpu.memref_slice %arg8[%dma_wait3A_122, %dma_wait3A_123] : memref<10000x128xf32, #tpu.memory_space<vmem_shared>> -> memref<10000x128xf32, #tpu.memory_space<vmem_shared>>
    tpu.wait_indirect_dma semaphore(%arg12 : memref<!tpu.dma_semaphore, #tpu.memory_space<semaphore_mem>>) src(%dma_wait3A_118 : memref<128x128xf32, #tpu.memory_space<vmem>>) dst(%dma_wait3A_124 : memref<10000x128xf32, #tpu.memory_space<vmem_shared>>)
    %barrier3A_125 = arith.constant 0 : index
    tpu.barrier barrier_id(%barrier3A_125)
    %add3A_126 = arith.constant 0 : i32
    %add3A_127 = arith.addi %add3A_126, %arg1 : i32
    %lt3A_128 = arith.constant 125 : i32
    %lt3A_129 = arith.cmpi slt, %add3A_127, %lt3A_128 : i32
    %convert_element_type3A_130 = arith.extui %lt3A_129 : i1 to i32
    %cond3A_131 = arith.constant 0 : i32
    %cond3A_132 = arith.constant 0 : i32
    %cond3A_133 = arith.cmpi ne, %convert_element_type3A_130, %cond3A_132 : i32
    scf.if %cond3A_133 {
      %mul3A_190 = arith.constant 80 : i32
      %mul3A_191 = arith.muli %add3A_127, %mul3A_190 : i32
      "tpu.region"() ({
        %run_scoped3A_192 = tpu.sem_alloc : memref<!tpu.dma_semaphore, #tpu.memory_space<semaphore_mem>>
        %dma_start3A_193 = arith.constant 0 : i32
        %dma_start3A_194 = arith.constant 0 : i32
        %dma_start3A_195 = tpu.memref_slice %arg7[%cond3A_131, %dma_start3A_193, %dma_start3A_194] : memref<2x128x128xf32, #tpu.memory_space<vmem>> -> memref<1x80x128xf32, #tpu.memory_space<vmem>>
        %dma_start3A_196 = tpu.memref_squeeze %dma_start3A_195 : memref<1x80x128xf32, #tpu.memory_space<vmem>> -> memref<80x128xf32, #tpu.memory_space<vmem>>
        %dma_start3A_197 = arith.constant 0 : i32
        %dma_start3A_198 = tpu.memref_slice %arg8[%mul3A_191, %dma_start3A_197] : memref<10000x128xf32, #tpu.memory_space<vmem_shared>> -> memref<80x128xf32, #tpu.memory_space<vmem_shared>>
        %dma_start3A_199 = arith.constant 0 : i32
        %dma_start3A_200 = arith.constant 0 : i32
        %dma_start3A_201 = tpu.memref_slice %arg7[%cond3A_131, %dma_start3A_199, %dma_start3A_200] : memref<2x128x128xf32, #tpu.memory_space<vmem>> -> memref<1x80x128xf32, #tpu.memory_space<vmem>>
        %dma_start3A_202 = tpu.memref_squeeze %dma_start3A_201 : memref<1x80x128xf32, #tpu.memory_space<vmem>> -> memref<80x128xf32, #tpu.memory_space<vmem>>
        %dma_start3A_203 = arith.constant 0 : i32
        %dma_start3A_204 = tpu.memref_slice %arg8[%mul3A_191, %dma_start3A_203] : memref<10000x128xf32, #tpu.memory_space<vmem_shared>> -> memref<80x128xf32, #tpu.memory_space<vmem_shared>>
        tpu.enqueue_dma source(%dma_start3A_204 : memref<80x128xf32, #tpu.memory_space<vmem_shared>>) target(%dma_start3A_202 : memref<80x128xf32, #tpu.memory_space<vmem>>) target_semaphore(%run_scoped3A_192 : memref<!tpu.dma_semaphore, #tpu.memory_space<semaphore_mem>>)
        %dma_wait3A_205 = arith.constant 0 : i32
        %dma_wait3A_206 = arith.constant 0 : i32
        %dma_wait3A_207 = tpu.memref_slice %arg7[%cond3A_131, %dma_wait3A_205, %dma_wait3A_206] : memref<2x128x128xf32, #tpu.memory_space<vmem>> -> memref<1x80x128xf32, #tpu.memory_space<vmem>>
        %dma_wait3A_208 = tpu.memref_squeeze %dma_wait3A_207 : memref<1x80x128xf32, #tpu.memory_space<vmem>> -> memref<80x128xf32, #tpu.memory_space<vmem>>
        %dma_wait3A_209 = arith.constant 0 : i32
        %dma_wait3A_210 = tpu.memref_slice %arg8[%mul3A_191, %dma_wait3A_209] : memref<10000x128xf32, #tpu.memory_space<vmem_shared>> -> memref<80x128xf32, #tpu.memory_space<vmem_shared>>
        %dma_wait3A_211 = arith.constant 0 : i32
        %dma_wait3A_212 = arith.constant 0 : i32
        %dma_wait3A_213 = tpu.memref_slice %arg7[%cond3A_131, %dma_wait3A_211, %dma_wait3A_212] : memref<2x128x128xf32, #tpu.memory_space<vmem>> -> memref<1x80x128xf32, #tpu.memory_space<vmem>>
        %dma_wait3A_214 = tpu.memref_squeeze %dma_wait3A_213 : memref<1x80x128xf32, #tpu.memory_space<vmem>> -> memref<80x128xf32, #tpu.memory_space<vmem>>
        %dma_wait3A_215 = arith.constant 0 : i32
        %dma_wait3A_216 = tpu.memref_slice %arg8[%mul3A_191, %dma_wait3A_215] : memref<10000x128xf32, #tpu.memory_space<vmem_shared>> -> memref<80x128xf32, #tpu.memory_space<vmem_shared>>
        tpu.wait_dma2 semaphore(%run_scoped3A_192 : memref<!tpu.dma_semaphore, #tpu.memory_space<semaphore_mem>>) src(%dma_wait3A_216 : memref<80x128xf32, #tpu.memory_space<vmem_shared>>) dst(%dma_wait3A_214 : memref<80x128xf32, #tpu.memory_space<vmem>>)
        tpu.yield
      }) : () -> ()
      "tpu.region"() ({
        %run_scoped3A_192 = tpu.sem_alloc : memref<!tpu.dma_semaphore, #tpu.memory_space<semaphore_mem>>
        %dma_start3A_193 = arith.constant 0 : i32
        %dma_start3A_194 = arith.constant 0 : i32
        %dma_start3A_195 = tpu.memref_slice %arg7[%cond3A_131, %dma_start3A_193, %dma_start3A_194] : memref<2x128x128xf32, #tpu.memory_space<vmem>> -> memref<1x80x128xf32, #tpu.memory_space<vmem>>
        %dma_start3A_196 = tpu.memref_squeeze %dma_start3A_195 : memref<1x80x128xf32, #tpu.memory_space<vmem>> -> memref<80x128xf32, #tpu.memory_space<vmem>>
        %dma_start3A_197 = arith.constant 0 : i32
        %dma_start3A_198 = tpu.memref_slice %arg5[%arg0, %mul3A_191, %dma_start3A_197] : memref<2x10000x128xf32, #tpu.memory_space<hbm>> -> memref<1x80x128xf32, #tpu.memory_space<hbm>>
        %dma_start3A_199 = tpu.memref_squeeze %dma_start3A_198 : memref<1x80x128xf32, #tpu.memory_space<hbm>> -> memref<80x128xf32, #tpu.memory_space<hbm>>
        %dma_start3A_200 = arith.constant 0 : i32
        %dma_start3A_201 = tpu.memref_slice %arg5[%arg0, %mul3A_191, %dma_start3A_200] : memref<2x10000x128xf32, #tpu.memory_space<hbm>> -> memref<1x80x128xf32, #tpu.memory_space<hbm>>
        %dma_start3A_202 = tpu.memref_squeeze %dma_start3A_201 : memref<1x80x128xf32, #tpu.memory_space<hbm>> -> memref<80x128xf32, #tpu.memory_space<hbm>>
        %dma_start3A_203 = arith.constant 0 : i32
        %dma_start3A_204 = arith.constant 0 : i32
        %dma_start3A_205 = tpu.memref_slice %arg7[%cond3A_131, %dma_start3A_203, %dma_start3A_204] : memref<2x128x128xf32, #tpu.memory_space<vmem>> -> memref<1x80x128xf32, #tpu.memory_space<vmem>>
        %dma_start3A_206 = tpu.memref_squeeze %dma_start3A_205 : memref<1x80x128xf32, #tpu.memory_space<vmem>> -> memref<80x128xf32, #tpu.memory_space<vmem>>
        tpu.enqueue_dma source(%dma_start3A_206 : memref<80x128xf32, #tpu.memory_space<vmem>>) target(%dma_start3A_202 : memref<80x128xf32, #tpu.memory_space<hbm>>) target_semaphore(%run_scoped3A_192 : memref<!tpu.dma_semaphore, #tpu.memory_space<semaphore_mem>>)
        %dma_wait3A_207 = arith.constant 0 : i32
        %dma_wait3A_208 = arith.constant 0 : i32
        %dma_wait3A_209 = tpu.memref_slice %arg7[%cond3A_131, %dma_wait3A_207, %dma_wait3A_208] : memref<2x128x128xf32, #tpu.memory_space<vmem>> -> memref<1x80x128xf32, #tpu.memory_space<vmem>>
        %dma_wait3A_210 = tpu.memref_squeeze %dma_wait3A_209 : memref<1x80x128xf32, #tpu.memory_space<vmem>> -> memref<80x128xf32, #tpu.memory_space<vmem>>
        %dma_wait3A_211 = arith.constant 0 : i32
        %dma_wait3A_212 = tpu.memref_slice %arg5[%arg0, %mul3A_191, %dma_wait3A_211] : memref<2x10000x128xf32, #tpu.memory_space<hbm>> -> memref<1x80x128xf32, #tpu.memory_space<hbm>>
        %dma_wait3A_213 = tpu.memref_squeeze %dma_wait3A_212 : memref<1x80x128xf32, #tpu.memory_space<hbm>> -> memref<80x128xf32, #tpu.memory_space<hbm>>
        %dma_wait3A_214 = arith.constant 0 : i32
        %dma_wait3A_215 = tpu.memref_slice %arg5[%arg0, %mul3A_191, %dma_wait3A_214] : memref<2x10000x128xf32, #tpu.memory_space<hbm>> -> memref<1x80x128xf32, #tpu.memory_space<hbm>>
        %dma_wait3A_216 = tpu.memref_squeeze %dma_wait3A_215 : memref<1x80x128xf32, #tpu.memory_space<hbm>> -> memref<80x128xf32, #tpu.memory_space<hbm>>
        %dma_wait3A_217 = arith.constant 0 : i32
        %dma_wait3A_218 = arith.constant 0 : i32
        %dma_wait3A_219 = tpu.memref_slice %arg7[%cond3A_131, %dma_wait3A_217, %dma_wait3A_218] : memref<2x128x128xf32, #tpu.memory_space<vmem>> -> memref<1x80x128xf32, #tpu.memory_space<vmem>>
        %dma_wait3A_220 = tpu.memref_squeeze %dma_wait3A_219 : memref<1x80x128xf32, #tpu.memory_space<vmem>> -> memref<80x128xf32, #tpu.memory_space<vmem>>
        tpu.wait_dma2 semaphore(%run_scoped3A_192 : memref<!tpu.dma_semaphore, #tpu.memory_space<semaphore_mem>>) src(%dma_wait3A_220 : memref<80x128xf32, #tpu.memory_space<vmem>>) dst(%dma_wait3A_216 : memref<80x128xf32, #tpu.memory_space<hbm>>)
        tpu.yield
      }) : () -> ()
    } else {
    }
    %add3A_134 = arith.constant 16 : i32
    %add3A_135 = arith.addi %add3A_134, %arg1 : i32
    %lt3A_136 = arith.constant 125 : i32
    %lt3A_137 = arith.cmpi slt, %add3A_135, %lt3A_136 : i32
    %convert_element_type3A_138 = arith.extui %lt3A_137 : i1 to i32
    %cond3A_139 = arith.constant 0 : i32
    %cond3A_140 = arith.constant 0 : i32
    %cond3A_141 = arith.cmpi ne, %convert_element_type3A_138, %cond3A_140 : i32
    scf.if %cond3A_141 {
      %mul3A_190 = arith.constant 80 : i32
      %mul3A_191 = arith.muli %add3A_135, %mul3A_190 : i32
      "tpu.region"() ({
        %run_scoped3A_192 = tpu.sem_alloc : memref<!tpu.dma_semaphore, #tpu.memory_space<semaphore_mem>>
        %dma_start3A_193 = arith.constant 0 : i32
        %dma_start3A_194 = arith.constant 0 : i32
        %dma_start3A_195 = tpu.memref_slice %arg7[%cond3A_139, %dma_start3A_193, %dma_start3A_194] : memref<2x128x128xf32, #tpu.memory_space<vmem>> -> memref<1x80x128xf32, #tpu.memory_space<vmem>>
        %dma_start3A_196 = tpu.memref_squeeze %dma_start3A_195 : memref<1x80x128xf32, #tpu.memory_space<vmem>> -> memref<80x128xf32, #tpu.memory_space<vmem>>
        %dma_start3A_197 = arith.constant 0 : i32
        %dma_start3A_198 = tpu.memref_slice %arg8[%mul3A_191, %dma_start3A_197] : memref<10000x128xf32, #tpu.memory_space<vmem_shared>> -> memref<80x128xf32, #tpu.memory_space<vmem_shared>>
        %dma_start3A_199 = arith.constant 0 : i32
        %dma_start3A_200 = arith.constant 0 : i32
        %dma_start3A_201 = tpu.memref_slice %arg7[%cond3A_139, %dma_start3A_199, %dma_start3A_200] : memref<2x128x128xf32, #tpu.memory_space<vmem>> -> memref<1x80x128xf32, #tpu.memory_space<vmem>>
        %dma_start3A_202 = tpu.memref_squeeze %dma_start3A_201 : memref<1x80x128xf32, #tpu.memory_space<vmem>> -> memref<80x128xf32, #tpu.memory_space<vmem>>
        %dma_start3A_203 = arith.constant 0 : i32
        %dma_start3A_204 = tpu.memref_slice %arg8[%mul3A_191, %dma_start3A_203] : memref<10000x128xf32, #tpu.memory_space<vmem_shared>> -> memref<80x128xf32, #tpu.memory_space<vmem_shared>>
        tpu.enqueue_dma source(%dma_start3A_204 : memref<80x128xf32, #tpu.memory_space<vmem_shared>>) target(%dma_start3A_202 : memref<80x128xf32, #tpu.memory_space<vmem>>) target_semaphore(%run_scoped3A_192 : memref<!tpu.dma_semaphore, #tpu.memory_space<semaphore_mem>>)
        %dma_wait3A_205 = arith.constant 0 : i32
        %dma_wait3A_206 = arith.constant 0 : i32
        %dma_wait3A_207 = tpu.memref_slice %arg7[%cond3A_139, %dma_wait3A_205, %dma_wait3A_206] : memref<2x128x128xf32, #tpu.memory_space<vmem>> -> memref<1x80x128xf32, #tpu.memory_space<vmem>>
        %dma_wait3A_208 = tpu.memref_squeeze %dma_wait3A_207 : memref<1x80x128xf32, #tpu.memory_space<vmem>> -> memref<80x128xf32, #tpu.memory_space<vmem>>
        %dma_wait3A_209 = arith.constant 0 : i32
        %dma_wait3A_210 = tpu.memref_slice %arg8[%mul3A_191, %dma_wait3A_209] : memref<10000x128xf32, #tpu.memory_space<vmem_shared>> -> memref<80x128xf32, #tpu.memory_space<vmem_shared>>
        %dma_wait3A_211 = arith.constant 0 : i32
        %dma_wait3A_212 = arith.constant 0 : i32
        %dma_wait3A_213 = tpu.memref_slice %arg7[%cond3A_139, %dma_wait3A_211, %dma_wait3A_212] : memref<2x128x128xf32, #tpu.memory_space<vmem>> -> memref<1x80x128xf32, #tpu.memory_space<vmem>>
        %dma_wait3A_214 = tpu.memref_squeeze %dma_wait3A_213 : memref<1x80x128xf32, #tpu.memory_space<vmem>> -> memref<80x128xf32, #tpu.memory_space<vmem>>
        %dma_wait3A_215 = arith.constant 0 : i32
        %dma_wait3A_216 = tpu.memref_slice %arg8[%mul3A_191, %dma_wait3A_215] : memref<10000x128xf32, #tpu.memory_space<vmem_shared>> -> memref<80x128xf32, #tpu.memory_space<vmem_shared>>
        tpu.wait_dma2 semaphore(%run_scoped3A_192 : memref<!tpu.dma_semaphore, #tpu.memory_space<semaphore_mem>>) src(%dma_wait3A_216 : memref<80x128xf32, #tpu.memory_space<vmem_shared>>) dst(%dma_wait3A_214 : memref<80x128xf32, #tpu.memory_space<vmem>>)
        tpu.yield
      }) : () -> ()
      "tpu.region"() ({
        %run_scoped3A_192 = tpu.sem_alloc : memref<!tpu.dma_semaphore, #tpu.memory_space<semaphore_mem>>
        %dma_start3A_193 = arith.constant 0 : i32
        %dma_start3A_194 = arith.constant 0 : i32
        %dma_start3A_195 = tpu.memref_slice %arg7[%cond3A_139, %dma_start3A_193, %dma_start3A_194] : memref<2x128x128xf32, #tpu.memory_space<vmem>> -> memref<1x80x128xf32, #tpu.memory_space<vmem>>
        %dma_start3A_196 = tpu.memref_squeeze %dma_start3A_195 : memref<1x80x128xf32, #tpu.memory_space<vmem>> -> memref<80x128xf32, #tpu.memory_space<vmem>>
        %dma_start3A_197 = arith.constant 0 : i32
        %dma_start3A_198 = tpu.memref_slice %arg5[%arg0, %mul3A_191, %dma_start3A_197] : memref<2x10000x128xf32, #tpu.memory_space<hbm>> -> memref<1x80x128xf32, #tpu.memory_space<hbm>>
        %dma_start3A_199 = tpu.memref_squeeze %dma_start3A_198 : memref<1x80x128xf32, #tpu.memory_space<hbm>> -> memref<80x128xf32, #tpu.memory_space<hbm>>
        %dma_start3A_200 = arith.constant 0 : i32
        %dma_start3A_201 = tpu.memref_slice %arg5[%arg0, %mul3A_191, %dma_start3A_200] : memref<2x10000x128xf32, #tpu.memory_space<hbm>> -> memref<1x80x128xf32, #tpu.memory_space<hbm>>
        %dma_start3A_202 = tpu.memref_squeeze %dma_start3A_201 : memref<1x80x128xf32, #tpu.memory_space<hbm>> -> memref<80x128xf32, #tpu.memory_space<hbm>>
        %dma_start3A_203 = arith.constant 0 : i32
        %dma_start3A_204 = arith.constant 0 : i32
        %dma_start3A_205 = tpu.memref_slice %arg7[%cond3A_139, %dma_start3A_203, %dma_start3A_204] : memref<2x128x128xf32, #tpu.memory_space<vmem>> -> memref<1x80x128xf32, #tpu.memory_space<vmem>>
        %dma_start3A_206 = tpu.memref_squeeze %dma_start3A_205 : memref<1x80x128xf32, #tpu.memory_space<vmem>> -> memref<80x128xf32, #tpu.memory_space<vmem>>
        tpu.enqueue_dma source(%dma_start3A_206 : memref<80x128xf32, #tpu.memory_space<vmem>>) target(%dma_start3A_202 : memref<80x128xf32, #tpu.memory_space<hbm>>) target_semaphore(%run_scoped3A_192 : memref<!tpu.dma_semaphore, #tpu.memory_space<semaphore_mem>>)
        %dma_wait3A_207 = arith.constant 0 : i32
        %dma_wait3A_208 = arith.constant 0 : i32
        %dma_wait3A_209 = tpu.memref_slice %arg7[%cond3A_139, %dma_wait3A_207, %dma_wait3A_208] : memref<2x128x128xf32, #tpu.memory_space<vmem>> -> memref<1x80x128xf32, #tpu.memory_space<vmem>>
        %dma_wait3A_210 = tpu.memref_squeeze %dma_wait3A_209 : memref<1x80x128xf32, #tpu.memory_space<vmem>> -> memref<80x128xf32, #tpu.memory_space<vmem>>
        %dma_wait3A_211 = arith.constant 0 : i32
        %dma_wait3A_212 = tpu.memref_slice %arg5[%arg0, %mul3A_191, %dma_wait3A_211] : memref<2x10000x128xf32, #tpu.memory_space<hbm>> -> memref<1x80x128xf32, #tpu.memory_space<hbm>>
        %dma_wait3A_213 = tpu.memref_squeeze %dma_wait3A_212 : memref<1x80x128xf32, #tpu.memory_space<hbm>> -> memref<80x128xf32, #tpu.memory_space<hbm>>
        %dma_wait3A_214 = arith.constant 0 : i32
        %dma_wait3A_215 = tpu.memref_slice %arg5[%arg0, %mul3A_191, %dma_wait3A_214] : memref<2x10000x128xf32, #tpu.memory_space<hbm>> -> memref<1x80x128xf32, #tpu.memory_space<hbm>>
        %dma_wait3A_216 = tpu.memref_squeeze %dma_wait3A_215 : memref<1x80x128xf32, #tpu.memory_space<hbm>> -> memref<80x128xf32, #tpu.memory_space<hbm>>
        %dma_wait3A_217 = arith.constant 0 : i32
        %dma_wait3A_218 = arith.constant 0 : i32
        %dma_wait3A_219 = tpu.memref_slice %arg7[%cond3A_139, %dma_wait3A_217, %dma_wait3A_218] : memref<2x128x128xf32, #tpu.memory_space<vmem>> -> memref<1x80x128xf32, #tpu.memory_space<vmem>>
        %dma_wait3A_220 = tpu.memref_squeeze %dma_wait3A_219 : memref<1x80x128xf32, #tpu.memory_space<vmem>> -> memref<80x128xf32, #tpu.memory_space<vmem>>
        tpu.wait_dma2 semaphore(%run_scoped3A_192 : memref<!tpu.dma_semaphore, #tpu.memory_space<semaphore_mem>>) src(%dma_wait3A_220 : memref<80x128xf32, #tpu.memory_space<vmem>>) dst(%dma_wait3A_216 : memref<80x128xf32, #tpu.memory_space<hbm>>)
        tpu.yield
      }) : () -> ()
    } else {
    }
    %add3A_142 = arith.constant 32 : i32
    %add3A_143 = arith.addi %add3A_142, %arg1 : i32
    %lt3A_144 = arith.constant 125 : i32
    %lt3A_145 = arith.cmpi slt, %add3A_143, %lt3A_144 : i32
    %convert_element_type3A_146 = arith.extui %lt3A_145 : i1 to i32
    %cond3A_147 = arith.constant 0 : i32
    %cond3A_148 = arith.constant 0 : i32
    %cond3A_149 = arith.cmpi ne, %convert_element_type3A_146, %cond3A_148 : i32
    scf.if %cond3A_149 {
      %mul3A_190 = arith.constant 80 : i32
      %mul3A_191 = arith.muli %add3A_143, %mul3A_190 : i32
      "tpu.region"() ({
        %run_scoped3A_192 = tpu.sem_alloc : memref<!tpu.dma_semaphore, #tpu.memory_space<semaphore_mem>>
        %dma_start3A_193 = arith.constant 0 : i32
        %dma_start3A_194 = arith.constant 0 : i32
        %dma_start3A_195 = tpu.memref_slice %arg7[%cond3A_147, %dma_start3A_193, %dma_start3A_194] : memref<2x128x128xf32, #tpu.memory_space<vmem>> -> memref<1x80x128xf32, #tpu.memory_space<vmem>>
        %dma_start3A_196 = tpu.memref_squeeze %dma_start3A_195 : memref<1x80x128xf32, #tpu.memory_space<vmem>> -> memref<80x128xf32, #tpu.memory_space<vmem>>
        %dma_start3A_197 = arith.constant 0 : i32
        %dma_start3A_198 = tpu.memref_slice %arg8[%mul3A_191, %dma_start3A_197] : memref<10000x128xf32, #tpu.memory_space<vmem_shared>> -> memref<80x128xf32, #tpu.memory_space<vmem_shared>>
        %dma_start3A_199 = arith.constant 0 : i32
        %dma_start3A_200 = arith.constant 0 : i32
        %dma_start3A_201 = tpu.memref_slice %arg7[%cond3A_147, %dma_start3A_199, %dma_start3A_200] : memref<2x128x128xf32, #tpu.memory_space<vmem>> -> memref<1x80x128xf32, #tpu.memory_space<vmem>>
        %dma_start3A_202 = tpu.memref_squeeze %dma_start3A_201 : memref<1x80x128xf32, #tpu.memory_space<vmem>> -> memref<80x128xf32, #tpu.memory_space<vmem>>
        %dma_start3A_203 = arith.constant 0 : i32
        %dma_start3A_204 = tpu.memref_slice %arg8[%mul3A_191, %dma_start3A_203] : memref<10000x128xf32, #tpu.memory_space<vmem_shared>> -> memref<80x128xf32, #tpu.memory_space<vmem_shared>>
        tpu.enqueue_dma source(%dma_start3A_204 : memref<80x128xf32, #tpu.memory_space<vmem_shared>>) target(%dma_start3A_202 : memref<80x128xf32, #tpu.memory_space<vmem>>) target_semaphore(%run_scoped3A_192 : memref<!tpu.dma_semaphore, #tpu.memory_space<semaphore_mem>>)
        %dma_wait3A_205 = arith.constant 0 : i32
        %dma_wait3A_206 = arith.constant 0 : i32
        %dma_wait3A_207 = tpu.memref_slice %arg7[%cond3A_147, %dma_wait3A_205, %dma_wait3A_206] : memref<2x128x128xf32, #tpu.memory_space<vmem>> -> memref<1x80x128xf32, #tpu.memory_space<vmem>>
        %dma_wait3A_208 = tpu.memref_squeeze %dma_wait3A_207 : memref<1x80x128xf32, #tpu.memory_space<vmem>> -> memref<80x128xf32, #tpu.memory_space<vmem>>
        %dma_wait3A_209 = arith.constant 0 : i32
        %dma_wait3A_210 = tpu.memref_slice %arg8[%mul3A_191, %dma_wait3A_209] : memref<10000x128xf32, #tpu.memory_space<vmem_shared>> -> memref<80x128xf32, #tpu.memory_space<vmem_shared>>
        %dma_wait3A_211 = arith.constant 0 : i32
        %dma_wait3A_212 = arith.constant 0 : i32
        %dma_wait3A_213 = tpu.memref_slice %arg7[%cond3A_147, %dma_wait3A_211, %dma_wait3A_212] : memref<2x128x128xf32, #tpu.memory_space<vmem>> -> memref<1x80x128xf32, #tpu.memory_space<vmem>>
        %dma_wait3A_214 = tpu.memref_squeeze %dma_wait3A_213 : memref<1x80x128xf32, #tpu.memory_space<vmem>> -> memref<80x128xf32, #tpu.memory_space<vmem>>
        %dma_wait3A_215 = arith.constant 0 : i32
        %dma_wait3A_216 = tpu.memref_slice %arg8[%mul3A_191, %dma_wait3A_215] : memref<10000x128xf32, #tpu.memory_space<vmem_shared>> -> memref<80x128xf32, #tpu.memory_space<vmem_shared>>
        tpu.wait_dma2 semaphore(%run_scoped3A_192 : memref<!tpu.dma_semaphore, #tpu.memory_space<semaphore_mem>>) src(%dma_wait3A_216 : memref<80x128xf32, #tpu.memory_space<vmem_shared>>) dst(%dma_wait3A_214 : memref<80x128xf32, #tpu.memory_space<vmem>>)
        tpu.yield
      }) : () -> ()
      "tpu.region"() ({
        %run_scoped3A_192 = tpu.sem_alloc : memref<!tpu.dma_semaphore, #tpu.memory_space<semaphore_mem>>
        %dma_start3A_193 = arith.constant 0 : i32
        %dma_start3A_194 = arith.constant 0 : i32
        %dma_start3A_195 = tpu.memref_slice %arg7[%cond3A_147, %dma_start3A_193, %dma_start3A_194] : memref<2x128x128xf32, #tpu.memory_space<vmem>> -> memref<1x80x128xf32, #tpu.memory_space<vmem>>
        %dma_start3A_196 = tpu.memref_squeeze %dma_start3A_195 : memref<1x80x128xf32, #tpu.memory_space<vmem>> -> memref<80x128xf32, #tpu.memory_space<vmem>>
        %dma_start3A_197 = arith.constant 0 : i32
        %dma_start3A_198 = tpu.memref_slice %arg5[%arg0, %mul3A_191, %dma_start3A_197] : memref<2x10000x128xf32, #tpu.memory_space<hbm>> -> memref<1x80x128xf32, #tpu.memory_space<hbm>>
        %dma_start3A_199 = tpu.memref_squeeze %dma_start3A_198 : memref<1x80x128xf32, #tpu.memory_space<hbm>> -> memref<80x128xf32, #tpu.memory_space<hbm>>
        %dma_start3A_200 = arith.constant 0 : i32
        %dma_start3A_201 = tpu.memref_slice %arg5[%arg0, %mul3A_191, %dma_start3A_200] : memref<2x10000x128xf32, #tpu.memory_space<hbm>> -> memref<1x80x128xf32, #tpu.memory_space<hbm>>
        %dma_start3A_202 = tpu.memref_squeeze %dma_start3A_201 : memref<1x80x128xf32, #tpu.memory_space<hbm>> -> memref<80x128xf32, #tpu.memory_space<hbm>>
        %dma_start3A_203 = arith.constant 0 : i32
        %dma_start3A_204 = arith.constant 0 : i32
        %dma_start3A_205 = tpu.memref_slice %arg7[%cond3A_147, %dma_start3A_203, %dma_start3A_204] : memref<2x128x128xf32, #tpu.memory_space<vmem>> -> memref<1x80x128xf32, #tpu.memory_space<vmem>>
        %dma_start3A_206 = tpu.memref_squeeze %dma_start3A_205 : memref<1x80x128xf32, #tpu.memory_space<vmem>> -> memref<80x128xf32, #tpu.memory_space<vmem>>
        tpu.enqueue_dma source(%dma_start3A_206 : memref<80x128xf32, #tpu.memory_space<vmem>>) target(%dma_start3A_202 : memref<80x128xf32, #tpu.memory_space<hbm>>) target_semaphore(%run_scoped3A_192 : memref<!tpu.dma_semaphore, #tpu.memory_space<semaphore_mem>>)
        %dma_wait3A_207 = arith.constant 0 : i32
        %dma_wait3A_208 = arith.constant 0 : i32
        %dma_wait3A_209 = tpu.memref_slice %arg7[%cond3A_147, %dma_wait3A_207, %dma_wait3A_208] : memref<2x128x128xf32, #tpu.memory_space<vmem>> -> memref<1x80x128xf32, #tpu.memory_space<vmem>>
        %dma_wait3A_210 = tpu.memref_squeeze %dma_wait3A_209 : memref<1x80x128xf32, #tpu.memory_space<vmem>> -> memref<80x128xf32, #tpu.memory_space<vmem>>
        %dma_wait3A_211 = arith.constant 0 : i32
        %dma_wait3A_212 = tpu.memref_slice %arg5[%arg0, %mul3A_191, %dma_wait3A_211] : memref<2x10000x128xf32, #tpu.memory_space<hbm>> -> memref<1x80x128xf32, #tpu.memory_space<hbm>>
        %dma_wait3A_213 = tpu.memref_squeeze %dma_wait3A_212 : memref<1x80x128xf32, #tpu.memory_space<hbm>> -> memref<80x128xf32, #tpu.memory_space<hbm>>
        %dma_wait3A_214 = arith.constant 0 : i32
        %dma_wait3A_215 = tpu.memref_slice %arg5[%arg0, %mul3A_191, %dma_wait3A_214] : memref<2x10000x128xf32, #tpu.memory_space<hbm>> -> memref<1x80x128xf32, #tpu.memory_space<hbm>>
        %dma_wait3A_216 = tpu.memref_squeeze %dma_wait3A_215 : memref<1x80x128xf32, #tpu.memory_space<hbm>> -> memref<80x128xf32, #tpu.memory_space<hbm>>
        %dma_wait3A_217 = arith.constant 0 : i32
        %dma_wait3A_218 = arith.constant 0 : i32
        %dma_wait3A_219 = tpu.memref_slice %arg7[%cond3A_147, %dma_wait3A_217, %dma_wait3A_218] : memref<2x128x128xf32, #tpu.memory_space<vmem>> -> memref<1x80x128xf32, #tpu.memory_space<vmem>>
        %dma_wait3A_220 = tpu.memref_squeeze %dma_wait3A_219 : memref<1x80x128xf32, #tpu.memory_space<vmem>> -> memref<80x128xf32, #tpu.memory_space<vmem>>
        tpu.wait_dma2 semaphore(%run_scoped3A_192 : memref<!tpu.dma_semaphore, #tpu.memory_space<semaphore_mem>>) src(%dma_wait3A_220 : memref<80x128xf32, #tpu.memory_space<vmem>>) dst(%dma_wait3A_216 : memref<80x128xf32, #tpu.memory_space<hbm>>)
        tpu.yield
      }) : () -> ()
    } else {
    }
    %add3A_150 = arith.constant 48 : i32
    %add3A_151 = arith.addi %add3A_150, %arg1 : i32
    %lt3A_152 = arith.constant 125 : i32
    %lt3A_153 = arith.cmpi slt, %add3A_151, %lt3A_152 : i32
    %convert_element_type3A_154 = arith.extui %lt3A_153 : i1 to i32
    %cond3A_155 = arith.constant 0 : i32
    %cond3A_156 = arith.constant 0 : i32
    %cond3A_157 = arith.cmpi ne, %convert_element_type3A_154, %cond3A_156 : i32
    scf.if %cond3A_157 {
      %mul3A_190 = arith.constant 80 : i32
      %mul3A_191 = arith.muli %add3A_151, %mul3A_190 : i32
      "tpu.region"() ({
        %run_scoped3A_192 = tpu.sem_alloc : memref<!tpu.dma_semaphore, #tpu.memory_space<semaphore_mem>>
        %dma_start3A_193 = arith.constant 0 : i32
        %dma_start3A_194 = arith.constant 0 : i32
        %dma_start3A_195 = tpu.memref_slice %arg7[%cond3A_155, %dma_start3A_193, %dma_start3A_194] : memref<2x128x128xf32, #tpu.memory_space<vmem>> -> memref<1x80x128xf32, #tpu.memory_space<vmem>>
        %dma_start3A_196 = tpu.memref_squeeze %dma_start3A_195 : memref<1x80x128xf32, #tpu.memory_space<vmem>> -> memref<80x128xf32, #tpu.memory_space<vmem>>
        %dma_start3A_197 = arith.constant 0 : i32
        %dma_start3A_198 = tpu.memref_slice %arg8[%mul3A_191, %dma_start3A_197] : memref<10000x128xf32, #tpu.memory_space<vmem_shared>> -> memref<80x128xf32, #tpu.memory_space<vmem_shared>>
        %dma_start3A_199 = arith.constant 0 : i32
        %dma_start3A_200 = arith.constant 0 : i32
        %dma_start3A_201 = tpu.memref_slice %arg7[%cond3A_155, %dma_start3A_199, %dma_start3A_200] : memref<2x128x128xf32, #tpu.memory_space<vmem>> -> memref<1x80x128xf32, #tpu.memory_space<vmem>>
        %dma_start3A_202 = tpu.memref_squeeze %dma_start3A_201 : memref<1x80x128xf32, #tpu.memory_space<vmem>> -> memref<80x128xf32, #tpu.memory_space<vmem>>
        %dma_start3A_203 = arith.constant 0 : i32
        %dma_start3A_204 = tpu.memref_slice %arg8[%mul3A_191, %dma_start3A_203] : memref<10000x128xf32, #tpu.memory_space<vmem_shared>> -> memref<80x128xf32, #tpu.memory_space<vmem_shared>>
        tpu.enqueue_dma source(%dma_start3A_204 : memref<80x128xf32, #tpu.memory_space<vmem_shared>>) target(%dma_start3A_202 : memref<80x128xf32, #tpu.memory_space<vmem>>) target_semaphore(%run_scoped3A_192 : memref<!tpu.dma_semaphore, #tpu.memory_space<semaphore_mem>>)
        %dma_wait3A_205 = arith.constant 0 : i32
        %dma_wait3A_206 = arith.constant 0 : i32
        %dma_wait3A_207 = tpu.memref_slice %arg7[%cond3A_155, %dma_wait3A_205, %dma_wait3A_206] : memref<2x128x128xf32, #tpu.memory_space<vmem>> -> memref<1x80x128xf32, #tpu.memory_space<vmem>>
        %dma_wait3A_208 = tpu.memref_squeeze %dma_wait3A_207 : memref<1x80x128xf32, #tpu.memory_space<vmem>> -> memref<80x128xf32, #tpu.memory_space<vmem>>
        %dma_wait3A_209 = arith.constant 0 : i32
        %dma_wait3A_210 = tpu.memref_slice %arg8[%mul3A_191, %dma_wait3A_209] : memref<10000x128xf32, #tpu.memory_space<vmem_shared>> -> memref<80x128xf32, #tpu.memory_space<vmem_shared>>
        %dma_wait3A_211 = arith.constant 0 : i32
        %dma_wait3A_212 = arith.constant 0 : i32
        %dma_wait3A_213 = tpu.memref_slice %arg7[%cond3A_155, %dma_wait3A_211, %dma_wait3A_212] : memref<2x128x128xf32, #tpu.memory_space<vmem>> -> memref<1x80x128xf32, #tpu.memory_space<vmem>>
        %dma_wait3A_214 = tpu.memref_squeeze %dma_wait3A_213 : memref<1x80x128xf32, #tpu.memory_space<vmem>> -> memref<80x128xf32, #tpu.memory_space<vmem>>
        %dma_wait3A_215 = arith.constant 0 : i32
        %dma_wait3A_216 = tpu.memref_slice %arg8[%mul3A_191, %dma_wait3A_215] : memref<10000x128xf32, #tpu.memory_space<vmem_shared>> -> memref<80x128xf32, #tpu.memory_space<vmem_shared>>
        tpu.wait_dma2 semaphore(%run_scoped3A_192 : memref<!tpu.dma_semaphore, #tpu.memory_space<semaphore_mem>>) src(%dma_wait3A_216 : memref<80x128xf32, #tpu.memory_space<vmem_shared>>) dst(%dma_wait3A_214 : memref<80x128xf32, #tpu.memory_space<vmem>>)
        tpu.yield
      }) : () -> ()
      "tpu.region"() ({
        %run_scoped3A_192 = tpu.sem_alloc : memref<!tpu.dma_semaphore, #tpu.memory_space<semaphore_mem>>
        %dma_start3A_193 = arith.constant 0 : i32
        %dma_start3A_194 = arith.constant 0 : i32
        %dma_start3A_195 = tpu.memref_slice %arg7[%cond3A_155, %dma_start3A_193, %dma_start3A_194] : memref<2x128x128xf32, #tpu.memory_space<vmem>> -> memref<1x80x128xf32, #tpu.memory_space<vmem>>
        %dma_start3A_196 = tpu.memref_squeeze %dma_start3A_195 : memref<1x80x128xf32, #tpu.memory_space<vmem>> -> memref<80x128xf32, #tpu.memory_space<vmem>>
        %dma_start3A_197 = arith.constant 0 : i32
        %dma_start3A_198 = tpu.memref_slice %arg5[%arg0, %mul3A_191, %dma_start3A_197] : memref<2x10000x128xf32, #tpu.memory_space<hbm>> -> memref<1x80x128xf32, #tpu.memory_space<hbm>>
        %dma_start3A_199 = tpu.memref_squeeze %dma_start3A_198 : memref<1x80x128xf32, #tpu.memory_space<hbm>> -> memref<80x128xf32, #tpu.memory_space<hbm>>
        %dma_start3A_200 = arith.constant 0 : i32
        %dma_start3A_201 = tpu.memref_slice %arg5[%arg0, %mul3A_191, %dma_start3A_200] : memref<2x10000x128xf32, #tpu.memory_space<hbm>> -> memref<1x80x128xf32, #tpu.memory_space<hbm>>
        %dma_start3A_202 = tpu.memref_squeeze %dma_start3A_201 : memref<1x80x128xf32, #tpu.memory_space<hbm>> -> memref<80x128xf32, #tpu.memory_space<hbm>>
        %dma_start3A_203 = arith.constant 0 : i32
        %dma_start3A_204 = arith.constant 0 : i32
        %dma_start3A_205 = tpu.memref_slice %arg7[%cond3A_155, %dma_start3A_203, %dma_start3A_204] : memref<2x128x128xf32, #tpu.memory_space<vmem>> -> memref<1x80x128xf32, #tpu.memory_space<vmem>>
        %dma_start3A_206 = tpu.memref_squeeze %dma_start3A_205 : memref<1x80x128xf32, #tpu.memory_space<vmem>> -> memref<80x128xf32, #tpu.memory_space<vmem>>
        tpu.enqueue_dma source(%dma_start3A_206 : memref<80x128xf32, #tpu.memory_space<vmem>>) target(%dma_start3A_202 : memref<80x128xf32, #tpu.memory_space<hbm>>) target_semaphore(%run_scoped3A_192 : memref<!tpu.dma_semaphore, #tpu.memory_space<semaphore_mem>>)
        %dma_wait3A_207 = arith.constant 0 : i32
        %dma_wait3A_208 = arith.constant 0 : i32
        %dma_wait3A_209 = tpu.memref_slice %arg7[%cond3A_155, %dma_wait3A_207, %dma_wait3A_208] : memref<2x128x128xf32, #tpu.memory_space<vmem>> -> memref<1x80x128xf32, #tpu.memory_space<vmem>>
        %dma_wait3A_210 = tpu.memref_squeeze %dma_wait3A_209 : memref<1x80x128xf32, #tpu.memory_space<vmem>> -> memref<80x128xf32, #tpu.memory_space<vmem>>
        %dma_wait3A_211 = arith.constant 0 : i32
        %dma_wait3A_212 = tpu.memref_slice %arg5[%arg0, %mul3A_191, %dma_wait3A_211] : memref<2x10000x128xf32, #tpu.memory_space<hbm>> -> memref<1x80x128xf32, #tpu.memory_space<hbm>>
        %dma_wait3A_213 = tpu.memref_squeeze %dma_wait3A_212 : memref<1x80x128xf32, #tpu.memory_space<hbm>> -> memref<80x128xf32, #tpu.memory_space<hbm>>
        %dma_wait3A_214 = arith.constant 0 : i32
        %dma_wait3A_215 = tpu.memref_slice %arg5[%arg0, %mul3A_191, %dma_wait3A_214] : memref<2x10000x128xf32, #tpu.memory_space<hbm>> -> memref<1x80x128xf32, #tpu.memory_space<hbm>>
        %dma_wait3A_216 = tpu.memref_squeeze %dma_wait3A_215 : memref<1x80x128xf32, #tpu.memory_space<hbm>> -> memref<80x128xf32, #tpu.memory_space<hbm>>
        %dma_wait3A_217 = arith.constant 0 : i32
        %dma_wait3A_218 = arith.constant 0 : i32
        %dma_wait3A_219 = tpu.memref_slice %arg7[%cond3A_155, %dma_wait3A_217, %dma_wait3A_218] : memref<2x128x128xf32, #tpu.memory_space<vmem>> -> memref<1x80x128xf32, #tpu.memory_space<vmem>>
        %dma_wait3A_220 = tpu.memref_squeeze %dma_wait3A_219 : memref<1x80x128xf32, #tpu.memory_space<vmem>> -> memref<80x128xf32, #tpu.memory_space<vmem>>
        tpu.wait_dma2 semaphore(%run_scoped3A_192 : memref<!tpu.dma_semaphore, #tpu.memory_space<semaphore_mem>>) src(%dma_wait3A_220 : memref<80x128xf32, #tpu.memory_space<vmem>>) dst(%dma_wait3A_216 : memref<80x128xf32, #tpu.memory_space<hbm>>)
        tpu.yield
      }) : () -> ()
    } else {
    }
    %add3A_158 = arith.constant 64 : i32
    %add3A_159 = arith.addi %add3A_158, %arg1 : i32
    %lt3A_160 = arith.constant 125 : i32
    %lt3A_161 = arith.cmpi slt, %add3A_159, %lt3A_160 : i32
    %convert_element_type3A_162 = arith.extui %lt3A_161 : i1 to i32
    %cond3A_163 = arith.constant 0 : i32
    %cond3A_164 = arith.constant 0 : i32
    %cond3A_165 = arith.cmpi ne, %convert_element_type3A_162, %cond3A_164 : i32
    scf.if %cond3A_165 {
      %mul3A_190 = arith.constant 80 : i32
      %mul3A_191 = arith.muli %add3A_159, %mul3A_190 : i32
      "tpu.region"() ({
        %run_scoped3A_192 = tpu.sem_alloc : memref<!tpu.dma_semaphore, #tpu.memory_space<semaphore_mem>>
        %dma_start3A_193 = arith.constant 0 : i32
        %dma_start3A_194 = arith.constant 0 : i32
        %dma_start3A_195 = tpu.memref_slice %arg7[%cond3A_163, %dma_start3A_193, %dma_start3A_194] : memref<2x128x128xf32, #tpu.memory_space<vmem>> -> memref<1x80x128xf32, #tpu.memory_space<vmem>>
        %dma_start3A_196 = tpu.memref_squeeze %dma_start3A_195 : memref<1x80x128xf32, #tpu.memory_space<vmem>> -> memref<80x128xf32, #tpu.memory_space<vmem>>
        %dma_start3A_197 = arith.constant 0 : i32
        %dma_start3A_198 = tpu.memref_slice %arg8[%mul3A_191, %dma_start3A_197] : memref<10000x128xf32, #tpu.memory_space<vmem_shared>> -> memref<80x128xf32, #tpu.memory_space<vmem_shared>>
        %dma_start3A_199 = arith.constant 0 : i32
        %dma_start3A_200 = arith.constant 0 : i32
        %dma_start3A_201 = tpu.memref_slice %arg7[%cond3A_163, %dma_start3A_199, %dma_start3A_200] : memref<2x128x128xf32, #tpu.memory_space<vmem>> -> memref<1x80x128xf32, #tpu.memory_space<vmem>>
        %dma_start3A_202 = tpu.memref_squeeze %dma_start3A_201 : memref<1x80x128xf32, #tpu.memory_space<vmem>> -> memref<80x128xf32, #tpu.memory_space<vmem>>
        %dma_start3A_203 = arith.constant 0 : i32
        %dma_start3A_204 = tpu.memref_slice %arg8[%mul3A_191, %dma_start3A_203] : memref<10000x128xf32, #tpu.memory_space<vmem_shared>> -> memref<80x128xf32, #tpu.memory_space<vmem_shared>>
        tpu.enqueue_dma source(%dma_start3A_204 : memref<80x128xf32, #tpu.memory_space<vmem_shared>>) target(%dma_start3A_202 : memref<80x128xf32, #tpu.memory_space<vmem>>) target_semaphore(%run_scoped3A_192 : memref<!tpu.dma_semaphore, #tpu.memory_space<semaphore_mem>>)
        %dma_wait3A_205 = arith.constant 0 : i32
        %dma_wait3A_206 = arith.constant 0 : i32
        %dma_wait3A_207 = tpu.memref_slice %arg7[%cond3A_163, %dma_wait3A_205, %dma_wait3A_206] : memref<2x128x128xf32, #tpu.memory_space<vmem>> -> memref<1x80x128xf32, #tpu.memory_space<vmem>>
        %dma_wait3A_208 = tpu.memref_squeeze %dma_wait3A_207 : memref<1x80x128xf32, #tpu.memory_space<vmem>> -> memref<80x128xf32, #tpu.memory_space<vmem>>
        %dma_wait3A_209 = arith.constant 0 : i32
        %dma_wait3A_210 = tpu.memref_slice %arg8[%mul3A_191, %dma_wait3A_209] : memref<10000x128xf32, #tpu.memory_space<vmem_shared>> -> memref<80x128xf32, #tpu.memory_space<vmem_shared>>
        %dma_wait3A_211 = arith.constant 0 : i32
        %dma_wait3A_212 = arith.constant 0 : i32
        %dma_wait3A_213 = tpu.memref_slice %arg7[%cond3A_163, %dma_wait3A_211, %dma_wait3A_212] : memref<2x128x128xf32, #tpu.memory_space<vmem>> -> memref<1x80x128xf32, #tpu.memory_space<vmem>>
        %dma_wait3A_214 = tpu.memref_squeeze %dma_wait3A_213 : memref<1x80x128xf32, #tpu.memory_space<vmem>> -> memref<80x128xf32, #tpu.memory_space<vmem>>
        %dma_wait3A_215 = arith.constant 0 : i32
        %dma_wait3A_216 = tpu.memref_slice %arg8[%mul3A_191, %dma_wait3A_215] : memref<10000x128xf32, #tpu.memory_space<vmem_shared>> -> memref<80x128xf32, #tpu.memory_space<vmem_shared>>
        tpu.wait_dma2 semaphore(%run_scoped3A_192 : memref<!tpu.dma_semaphore, #tpu.memory_space<semaphore_mem>>) src(%dma_wait3A_216 : memref<80x128xf32, #tpu.memory_space<vmem_shared>>) dst(%dma_wait3A_214 : memref<80x128xf32, #tpu.memory_space<vmem>>)
        tpu.yield
      }) : () -> ()
      "tpu.region"() ({
        %run_scoped3A_192 = tpu.sem_alloc : memref<!tpu.dma_semaphore, #tpu.memory_space<semaphore_mem>>
        %dma_start3A_193 = arith.constant 0 : i32
        %dma_start3A_194 = arith.constant 0 : i32
        %dma_start3A_195 = tpu.memref_slice %arg7[%cond3A_163, %dma_start3A_193, %dma_start3A_194] : memref<2x128x128xf32, #tpu.memory_space<vmem>> -> memref<1x80x128xf32, #tpu.memory_space<vmem>>
        %dma_start3A_196 = tpu.memref_squeeze %dma_start3A_195 : memref<1x80x128xf32, #tpu.memory_space<vmem>> -> memref<80x128xf32, #tpu.memory_space<vmem>>
        %dma_start3A_197 = arith.constant 0 : i32
        %dma_start3A_198 = tpu.memref_slice %arg5[%arg0, %mul3A_191, %dma_start3A_197] : memref<2x10000x128xf32, #tpu.memory_space<hbm>> -> memref<1x80x128xf32, #tpu.memory_space<hbm>>
        %dma_start3A_199 = tpu.memref_squeeze %dma_start3A_198 : memref<1x80x128xf32, #tpu.memory_space<hbm>> -> memref<80x128xf32, #tpu.memory_space<hbm>>
        %dma_start3A_200 = arith.constant 0 : i32
        %dma_start3A_201 = tpu.memref_slice %arg5[%arg0, %mul3A_191, %dma_start3A_200] : memref<2x10000x128xf32, #tpu.memory_space<hbm>> -> memref<1x80x128xf32, #tpu.memory_space<hbm>>
        %dma_start3A_202 = tpu.memref_squeeze %dma_start3A_201 : memref<1x80x128xf32, #tpu.memory_space<hbm>> -> memref<80x128xf32, #tpu.memory_space<hbm>>
        %dma_start3A_203 = arith.constant 0 : i32
        %dma_start3A_204 = arith.constant 0 : i32
        %dma_start3A_205 = tpu.memref_slice %arg7[%cond3A_163, %dma_start3A_203, %dma_start3A_204] : memref<2x128x128xf32, #tpu.memory_space<vmem>> -> memref<1x80x128xf32, #tpu.memory_space<vmem>>
        %dma_start3A_206 = tpu.memref_squeeze %dma_start3A_205 : memref<1x80x128xf32, #tpu.memory_space<vmem>> -> memref<80x128xf32, #tpu.memory_space<vmem>>
        tpu.enqueue_dma source(%dma_start3A_206 : memref<80x128xf32, #tpu.memory_space<vmem>>) target(%dma_start3A_202 : memref<80x128xf32, #tpu.memory_space<hbm>>) target_semaphore(%run_scoped3A_192 : memref<!tpu.dma_semaphore, #tpu.memory_space<semaphore_mem>>)
        %dma_wait3A_207 = arith.constant 0 : i32
        %dma_wait3A_208 = arith.constant 0 : i32
        %dma_wait3A_209 = tpu.memref_slice %arg7[%cond3A_163, %dma_wait3A_207, %dma_wait3A_208] : memref<2x128x128xf32, #tpu.memory_space<vmem>> -> memref<1x80x128xf32, #tpu.memory_space<vmem>>
        %dma_wait3A_210 = tpu.memref_squeeze %dma_wait3A_209 : memref<1x80x128xf32, #tpu.memory_space<vmem>> -> memref<80x128xf32, #tpu.memory_space<vmem>>
        %dma_wait3A_211 = arith.constant 0 : i32
        %dma_wait3A_212 = tpu.memref_slice %arg5[%arg0, %mul3A_191, %dma_wait3A_211] : memref<2x10000x128xf32, #tpu.memory_space<hbm>> -> memref<1x80x128xf32, #tpu.memory_space<hbm>>
        %dma_wait3A_213 = tpu.memref_squeeze %dma_wait3A_212 : memref<1x80x128xf32, #tpu.memory_space<hbm>> -> memref<80x128xf32, #tpu.memory_space<hbm>>
        %dma_wait3A_214 = arith.constant 0 : i32
        %dma_wait3A_215 = tpu.memref_slice %arg5[%arg0, %mul3A_191, %dma_wait3A_214] : memref<2x10000x128xf32, #tpu.memory_space<hbm>> -> memref<1x80x128xf32, #tpu.memory_space<hbm>>
        %dma_wait3A_216 = tpu.memref_squeeze %dma_wait3A_215 : memref<1x80x128xf32, #tpu.memory_space<hbm>> -> memref<80x128xf32, #tpu.memory_space<hbm>>
        %dma_wait3A_217 = arith.constant 0 : i32
        %dma_wait3A_218 = arith.constant 0 : i32
        %dma_wait3A_219 = tpu.memref_slice %arg7[%cond3A_163, %dma_wait3A_217, %dma_wait3A_218] : memref<2x128x128xf32, #tpu.memory_space<vmem>> -> memref<1x80x128xf32, #tpu.memory_space<vmem>>
        %dma_wait3A_220 = tpu.memref_squeeze %dma_wait3A_219 : memref<1x80x128xf32, #tpu.memory_space<vmem>> -> memref<80x128xf32, #tpu.memory_space<vmem>>
        tpu.wait_dma2 semaphore(%run_scoped3A_192 : memref<!tpu.dma_semaphore, #tpu.memory_space<semaphore_mem>>) src(%dma_wait3A_220 : memref<80x128xf32, #tpu.memory_space<vmem>>) dst(%dma_wait3A_216 : memref<80x128xf32, #tpu.memory_space<hbm>>)
        tpu.yield
      }) : () -> ()
    } else {
    }
    %add3A_166 = arith.constant 80 : i32
    %add3A_167 = arith.addi %add3A_166, %arg1 : i32
    %lt3A_168 = arith.constant 125 : i32
    %lt3A_169 = arith.cmpi slt, %add3A_167, %lt3A_168 : i32
    %convert_element_type3A_170 = arith.extui %lt3A_169 : i1 to i32
    %cond3A_171 = arith.constant 0 : i32
    %cond3A_172 = arith.constant 0 : i32
    %cond3A_173 = arith.cmpi ne, %convert_element_type3A_170, %cond3A_172 : i32
    scf.if %cond3A_173 {
      %mul3A_190 = arith.constant 80 : i32
      %mul3A_191 = arith.muli %add3A_167, %mul3A_190 : i32
      "tpu.region"() ({
        %run_scoped3A_192 = tpu.sem_alloc : memref<!tpu.dma_semaphore, #tpu.memory_space<semaphore_mem>>
        %dma_start3A_193 = arith.constant 0 : i32
        %dma_start3A_194 = arith.constant 0 : i32
        %dma_start3A_195 = tpu.memref_slice %arg7[%cond3A_171, %dma_start3A_193, %dma_start3A_194] : memref<2x128x128xf32, #tpu.memory_space<vmem>> -> memref<1x80x128xf32, #tpu.memory_space<vmem>>
        %dma_start3A_196 = tpu.memref_squeeze %dma_start3A_195 : memref<1x80x128xf32, #tpu.memory_space<vmem>> -> memref<80x128xf32, #tpu.memory_space<vmem>>
        %dma_start3A_197 = arith.constant 0 : i32
        %dma_start3A_198 = tpu.memref_slice %arg8[%mul3A_191, %dma_start3A_197] : memref<10000x128xf32, #tpu.memory_space<vmem_shared>> -> memref<80x128xf32, #tpu.memory_space<vmem_shared>>
        %dma_start3A_199 = arith.constant 0 : i32
        %dma_start3A_200 = arith.constant 0 : i32
        %dma_start3A_201 = tpu.memref_slice %arg7[%cond3A_171, %dma_start3A_199, %dma_start3A_200] : memref<2x128x128xf32, #tpu.memory_space<vmem>> -> memref<1x80x128xf32, #tpu.memory_space<vmem>>
        %dma_start3A_202 = tpu.memref_squeeze %dma_start3A_201 : memref<1x80x128xf32, #tpu.memory_space<vmem>> -> memref<80x128xf32, #tpu.memory_space<vmem>>
        %dma_start3A_203 = arith.constant 0 : i32
        %dma_start3A_204 = tpu.memref_slice %arg8[%mul3A_191, %dma_start3A_203] : memref<10000x128xf32, #tpu.memory_space<vmem_shared>> -> memref<80x128xf32, #tpu.memory_space<vmem_shared>>
        tpu.enqueue_dma source(%dma_start3A_204 : memref<80x128xf32, #tpu.memory_space<vmem_shared>>) target(%dma_start3A_202 : memref<80x128xf32, #tpu.memory_space<vmem>>) target_semaphore(%run_scoped3A_192 : memref<!tpu.dma_semaphore, #tpu.memory_space<semaphore_mem>>)
        %dma_wait3A_205 = arith.constant 0 : i32
        %dma_wait3A_206 = arith.constant 0 : i32
        %dma_wait3A_207 = tpu.memref_slice %arg7[%cond3A_171, %dma_wait3A_205, %dma_wait3A_206] : memref<2x128x128xf32, #tpu.memory_space<vmem>> -> memref<1x80x128xf32, #tpu.memory_space<vmem>>
        %dma_wait3A_208 = tpu.memref_squeeze %dma_wait3A_207 : memref<1x80x128xf32, #tpu.memory_space<vmem>> -> memref<80x128xf32, #tpu.memory_space<vmem>>
        %dma_wait3A_209 = arith.constant 0 : i32
        %dma_wait3A_210 = tpu.memref_slice %arg8[%mul3A_191, %dma_wait3A_209] : memref<10000x128xf32, #tpu.memory_space<vmem_shared>> -> memref<80x128xf32, #tpu.memory_space<vmem_shared>>
        %dma_wait3A_211 = arith.constant 0 : i32
        %dma_wait3A_212 = arith.constant 0 : i32
        %dma_wait3A_213 = tpu.memref_slice %arg7[%cond3A_171, %dma_wait3A_211, %dma_wait3A_212] : memref<2x128x128xf32, #tpu.memory_space<vmem>> -> memref<1x80x128xf32, #tpu.memory_space<vmem>>
        %dma_wait3A_214 = tpu.memref_squeeze %dma_wait3A_213 : memref<1x80x128xf32, #tpu.memory_space<vmem>> -> memref<80x128xf32, #tpu.memory_space<vmem>>
        %dma_wait3A_215 = arith.constant 0 : i32
        %dma_wait3A_216 = tpu.memref_slice %arg8[%mul3A_191, %dma_wait3A_215] : memref<10000x128xf32, #tpu.memory_space<vmem_shared>> -> memref<80x128xf32, #tpu.memory_space<vmem_shared>>
        tpu.wait_dma2 semaphore(%run_scoped3A_192 : memref<!tpu.dma_semaphore, #tpu.memory_space<semaphore_mem>>) src(%dma_wait3A_216 : memref<80x128xf32, #tpu.memory_space<vmem_shared>>) dst(%dma_wait3A_214 : memref<80x128xf32, #tpu.memory_space<vmem>>)
        tpu.yield
      }) : () -> ()
      "tpu.region"() ({
        %run_scoped3A_192 = tpu.sem_alloc : memref<!tpu.dma_semaphore, #tpu.memory_space<semaphore_mem>>
        %dma_start3A_193 = arith.constant 0 : i32
        %dma_start3A_194 = arith.constant 0 : i32
        %dma_start3A_195 = tpu.memref_slice %arg7[%cond3A_171, %dma_start3A_193, %dma_start3A_194] : memref<2x128x128xf32, #tpu.memory_space<vmem>> -> memref<1x80x128xf32, #tpu.memory_space<vmem>>
        %dma_start3A_196 = tpu.memref_squeeze %dma_start3A_195 : memref<1x80x128xf32, #tpu.memory_space<vmem>> -> memref<80x128xf32, #tpu.memory_space<vmem>>
        %dma_start3A_197 = arith.constant 0 : i32
        %dma_start3A_198 = tpu.memref_slice %arg5[%arg0, %mul3A_191, %dma_start3A_197] : memref<2x10000x128xf32, #tpu.memory_space<hbm>> -> memref<1x80x128xf32, #tpu.memory_space<hbm>>
        %dma_start3A_199 = tpu.memref_squeeze %dma_start3A_198 : memref<1x80x128xf32, #tpu.memory_space<hbm>> -> memref<80x128xf32, #tpu.memory_space<hbm>>
        %dma_start3A_200 = arith.constant 0 : i32
        %dma_start3A_201 = tpu.memref_slice %arg5[%arg0, %mul3A_191, %dma_start3A_200] : memref<2x10000x128xf32, #tpu.memory_space<hbm>> -> memref<1x80x128xf32, #tpu.memory_space<hbm>>
        %dma_start3A_202 = tpu.memref_squeeze %dma_start3A_201 : memref<1x80x128xf32, #tpu.memory_space<hbm>> -> memref<80x128xf32, #tpu.memory_space<hbm>>
        %dma_start3A_203 = arith.constant 0 : i32
        %dma_start3A_204 = arith.constant 0 : i32
        %dma_start3A_205 = tpu.memref_slice %arg7[%cond3A_171, %dma_start3A_203, %dma_start3A_204] : memref<2x128x128xf32, #tpu.memory_space<vmem>> -> memref<1x80x128xf32, #tpu.memory_space<vmem>>
        %dma_start3A_206 = tpu.memref_squeeze %dma_start3A_205 : memref<1x80x128xf32, #tpu.memory_space<vmem>> -> memref<80x128xf32, #tpu.memory_space<vmem>>
        tpu.enqueue_dma source(%dma_start3A_206 : memref<80x128xf32, #tpu.memory_space<vmem>>) target(%dma_start3A_202 : memref<80x128xf32, #tpu.memory_space<hbm>>) target_semaphore(%run_scoped3A_192 : memref<!tpu.dma_semaphore, #tpu.memory_space<semaphore_mem>>)
        %dma_wait3A_207 = arith.constant 0 : i32
        %dma_wait3A_208 = arith.constant 0 : i32
        %dma_wait3A_209 = tpu.memref_slice %arg7[%cond3A_171, %dma_wait3A_207, %dma_wait3A_208] : memref<2x128x128xf32, #tpu.memory_space<vmem>> -> memref<1x80x128xf32, #tpu.memory_space<vmem>>
        %dma_wait3A_210 = tpu.memref_squeeze %dma_wait3A_209 : memref<1x80x128xf32, #tpu.memory_space<vmem>> -> memref<80x128xf32, #tpu.memory_space<vmem>>
        %dma_wait3A_211 = arith.constant 0 : i32
        %dma_wait3A_212 = tpu.memref_slice %arg5[%arg0, %mul3A_191, %dma_wait3A_211] : memref<2x10000x128xf32, #tpu.memory_space<hbm>> -> memref<1x80x128xf32, #tpu.memory_space<hbm>>
        %dma_wait3A_213 = tpu.memref_squeeze %dma_wait3A_212 : memref<1x80x128xf32, #tpu.memory_space<hbm>> -> memref<80x128xf32, #tpu.memory_space<hbm>>
        %dma_wait3A_214 = arith.constant 0 : i32
        %dma_wait3A_215 = tpu.memref_slice %arg5[%arg0, %mul3A_191, %dma_wait3A_214] : memref<2x10000x128xf32, #tpu.memory_space<hbm>> -> memref<1x80x128xf32, #tpu.memory_space<hbm>>
        %dma_wait3A_216 = tpu.memref_squeeze %dma_wait3A_215 : memref<1x80x128xf32, #tpu.memory_space<hbm>> -> memref<80x128xf32, #tpu.memory_space<hbm>>
        %dma_wait3A_217 = arith.constant 0 : i32
        %dma_wait3A_218 = arith.constant 0 : i32
        %dma_wait3A_219 = tpu.memref_slice %arg7[%cond3A_171, %dma_wait3A_217, %dma_wait3A_218] : memref<2x128x128xf32, #tpu.memory_space<vmem>> -> memref<1x80x128xf32, #tpu.memory_space<vmem>>
        %dma_wait3A_220 = tpu.memref_squeeze %dma_wait3A_219 : memref<1x80x128xf32, #tpu.memory_space<vmem>> -> memref<80x128xf32, #tpu.memory_space<vmem>>
        tpu.wait_dma2 semaphore(%run_scoped3A_192 : memref<!tpu.dma_semaphore, #tpu.memory_space<semaphore_mem>>) src(%dma_wait3A_220 : memref<80x128xf32, #tpu.memory_space<vmem>>) dst(%dma_wait3A_216 : memref<80x128xf32, #tpu.memory_space<hbm>>)
        tpu.yield
      }) : () -> ()
    } else {
    }
    %add3A_174 = arith.constant 96 : i32
    %add3A_175 = arith.addi %add3A_174, %arg1 : i32
    %lt3A_176 = arith.constant 125 : i32
    %lt3A_177 = arith.cmpi slt, %add3A_175, %lt3A_176 : i32
    %convert_element_type3A_178 = arith.extui %lt3A_177 : i1 to i32
    %cond3A_179 = arith.constant 0 : i32
    %cond3A_180 = arith.constant 0 : i32
    %cond3A_181 = arith.cmpi ne, %convert_element_type3A_178, %cond3A_180 : i32
    scf.if %cond3A_181 {
      %mul3A_190 = arith.constant 80 : i32
      %mul3A_191 = arith.muli %add3A_175, %mul3A_190 : i32
      "tpu.region"() ({
        %run_scoped3A_192 = tpu.sem_alloc : memref<!tpu.dma_semaphore, #tpu.memory_space<semaphore_mem>>
        %dma_start3A_193 = arith.constant 0 : i32
        %dma_start3A_194 = arith.constant 0 : i32
        %dma_start3A_195 = tpu.memref_slice %arg7[%cond3A_179, %dma_start3A_193, %dma_start3A_194] : memref<2x128x128xf32, #tpu.memory_space<vmem>> -> memref<1x80x128xf32, #tpu.memory_space<vmem>>
        %dma_start3A_196 = tpu.memref_squeeze %dma_start3A_195 : memref<1x80x128xf32, #tpu.memory_space<vmem>> -> memref<80x128xf32, #tpu.memory_space<vmem>>
        %dma_start3A_197 = arith.constant 0 : i32
        %dma_start3A_198 = tpu.memref_slice %arg8[%mul3A_191, %dma_start3A_197] : memref<10000x128xf32, #tpu.memory_space<vmem_shared>> -> memref<80x128xf32, #tpu.memory_space<vmem_shared>>
        %dma_start3A_199 = arith.constant 0 : i32
        %dma_start3A_200 = arith.constant 0 : i32
        %dma_start3A_201 = tpu.memref_slice %arg7[%cond3A_179, %dma_start3A_199, %dma_start3A_200] : memref<2x128x128xf32, #tpu.memory_space<vmem>> -> memref<1x80x128xf32, #tpu.memory_space<vmem>>
        %dma_start3A_202 = tpu.memref_squeeze %dma_start3A_201 : memref<1x80x128xf32, #tpu.memory_space<vmem>> -> memref<80x128xf32, #tpu.memory_space<vmem>>
        %dma_start3A_203 = arith.constant 0 : i32
        %dma_start3A_204 = tpu.memref_slice %arg8[%mul3A_191, %dma_start3A_203] : memref<10000x128xf32, #tpu.memory_space<vmem_shared>> -> memref<80x128xf32, #tpu.memory_space<vmem_shared>>
        tpu.enqueue_dma source(%dma_start3A_204 : memref<80x128xf32, #tpu.memory_space<vmem_shared>>) target(%dma_start3A_202 : memref<80x128xf32, #tpu.memory_space<vmem>>) target_semaphore(%run_scoped3A_192 : memref<!tpu.dma_semaphore, #tpu.memory_space<semaphore_mem>>)
        %dma_wait3A_205 = arith.constant 0 : i32
        %dma_wait3A_206 = arith.constant 0 : i32
        %dma_wait3A_207 = tpu.memref_slice %arg7[%cond3A_179, %dma_wait3A_205, %dma_wait3A_206] : memref<2x128x128xf32, #tpu.memory_space<vmem>> -> memref<1x80x128xf32, #tpu.memory_space<vmem>>
        %dma_wait3A_208 = tpu.memref_squeeze %dma_wait3A_207 : memref<1x80x128xf32, #tpu.memory_space<vmem>> -> memref<80x128xf32, #tpu.memory_space<vmem>>
        %dma_wait3A_209 = arith.constant 0 : i32
        %dma_wait3A_210 = tpu.memref_slice %arg8[%mul3A_191, %dma_wait3A_209] : memref<10000x128xf32, #tpu.memory_space<vmem_shared>> -> memref<80x128xf32, #tpu.memory_space<vmem_shared>>
        %dma_wait3A_211 = arith.constant 0 : i32
        %dma_wait3A_212 = arith.constant 0 : i32
        %dma_wait3A_213 = tpu.memref_slice %arg7[%cond3A_179, %dma_wait3A_211, %dma_wait3A_212] : memref<2x128x128xf32, #tpu.memory_space<vmem>> -> memref<1x80x128xf32, #tpu.memory_space<vmem>>
        %dma_wait3A_214 = tpu.memref_squeeze %dma_wait3A_213 : memref<1x80x128xf32, #tpu.memory_space<vmem>> -> memref<80x128xf32, #tpu.memory_space<vmem>>
        %dma_wait3A_215 = arith.constant 0 : i32
        %dma_wait3A_216 = tpu.memref_slice %arg8[%mul3A_191, %dma_wait3A_215] : memref<10000x128xf32, #tpu.memory_space<vmem_shared>> -> memref<80x128xf32, #tpu.memory_space<vmem_shared>>
        tpu.wait_dma2 semaphore(%run_scoped3A_192 : memref<!tpu.dma_semaphore, #tpu.memory_space<semaphore_mem>>) src(%dma_wait3A_216 : memref<80x128xf32, #tpu.memory_space<vmem_shared>>) dst(%dma_wait3A_214 : memref<80x128xf32, #tpu.memory_space<vmem>>)
        tpu.yield
      }) : () -> ()
      "tpu.region"() ({
        %run_scoped3A_192 = tpu.sem_alloc : memref<!tpu.dma_semaphore, #tpu.memory_space<semaphore_mem>>
        %dma_start3A_193 = arith.constant 0 : i32
        %dma_start3A_194 = arith.constant 0 : i32
        %dma_start3A_195 = tpu.memref_slice %arg7[%cond3A_179, %dma_start3A_193, %dma_start3A_194] : memref<2x128x128xf32, #tpu.memory_space<vmem>> -> memref<1x80x128xf32, #tpu.memory_space<vmem>>
        %dma_start3A_196 = tpu.memref_squeeze %dma_start3A_195 : memref<1x80x128xf32, #tpu.memory_space<vmem>> -> memref<80x128xf32, #tpu.memory_space<vmem>>
        %dma_start3A_197 = arith.constant 0 : i32
        %dma_start3A_198 = tpu.memref_slice %arg5[%arg0, %mul3A_191, %dma_start3A_197] : memref<2x10000x128xf32, #tpu.memory_space<hbm>> -> memref<1x80x128xf32, #tpu.memory_space<hbm>>
        %dma_start3A_199 = tpu.memref_squeeze %dma_start3A_198 : memref<1x80x128xf32, #tpu.memory_space<hbm>> -> memref<80x128xf32, #tpu.memory_space<hbm>>
        %dma_start3A_200 = arith.constant 0 : i32
        %dma_start3A_201 = tpu.memref_slice %arg5[%arg0, %mul3A_191, %dma_start3A_200] : memref<2x10000x128xf32, #tpu.memory_space<hbm>> -> memref<1x80x128xf32, #tpu.memory_space<hbm>>
        %dma_start3A_202 = tpu.memref_squeeze %dma_start3A_201 : memref<1x80x128xf32, #tpu.memory_space<hbm>> -> memref<80x128xf32, #tpu.memory_space<hbm>>
        %dma_start3A_203 = arith.constant 0 : i32
        %dma_start3A_204 = arith.constant 0 : i32
        %dma_start3A_205 = tpu.memref_slice %arg7[%cond3A_179, %dma_start3A_203, %dma_start3A_204] : memref<2x128x128xf32, #tpu.memory_space<vmem>> -> memref<1x80x128xf32, #tpu.memory_space<vmem>>
        %dma_start3A_206 = tpu.memref_squeeze %dma_start3A_205 : memref<1x80x128xf32, #tpu.memory_space<vmem>> -> memref<80x128xf32, #tpu.memory_space<vmem>>
        tpu.enqueue_dma source(%dma_start3A_206 : memref<80x128xf32, #tpu.memory_space<vmem>>) target(%dma_start3A_202 : memref<80x128xf32, #tpu.memory_space<hbm>>) target_semaphore(%run_scoped3A_192 : memref<!tpu.dma_semaphore, #tpu.memory_space<semaphore_mem>>)
        %dma_wait3A_207 = arith.constant 0 : i32
        %dma_wait3A_208 = arith.constant 0 : i32
        %dma_wait3A_209 = tpu.memref_slice %arg7[%cond3A_179, %dma_wait3A_207, %dma_wait3A_208] : memref<2x128x128xf32, #tpu.memory_space<vmem>> -> memref<1x80x128xf32, #tpu.memory_space<vmem>>
        %dma_wait3A_210 = tpu.memref_squeeze %dma_wait3A_209 : memref<1x80x128xf32, #tpu.memory_space<vmem>> -> memref<80x128xf32, #tpu.memory_space<vmem>>
        %dma_wait3A_211 = arith.constant 0 : i32
        %dma_wait3A_212 = tpu.memref_slice %arg5[%arg0, %mul3A_191, %dma_wait3A_211] : memref<2x10000x128xf32, #tpu.memory_space<hbm>> -> memref<1x80x128xf32, #tpu.memory_space<hbm>>
        %dma_wait3A_213 = tpu.memref_squeeze %dma_wait3A_212 : memref<1x80x128xf32, #tpu.memory_space<hbm>> -> memref<80x128xf32, #tpu.memory_space<hbm>>
        %dma_wait3A_214 = arith.constant 0 : i32
        %dma_wait3A_215 = tpu.memref_slice %arg5[%arg0, %mul3A_191, %dma_wait3A_214] : memref<2x10000x128xf32, #tpu.memory_space<hbm>> -> memref<1x80x128xf32, #tpu.memory_space<hbm>>
        %dma_wait3A_216 = tpu.memref_squeeze %dma_wait3A_215 : memref<1x80x128xf32, #tpu.memory_space<hbm>> -> memref<80x128xf32, #tpu.memory_space<hbm>>
        %dma_wait3A_217 = arith.constant 0 : i32
        %dma_wait3A_218 = arith.constant 0 : i32
        %dma_wait3A_219 = tpu.memref_slice %arg7[%cond3A_179, %dma_wait3A_217, %dma_wait3A_218] : memref<2x128x128xf32, #tpu.memory_space<vmem>> -> memref<1x80x128xf32, #tpu.memory_space<vmem>>
        %dma_wait3A_220 = tpu.memref_squeeze %dma_wait3A_219 : memref<1x80x128xf32, #tpu.memory_space<vmem>> -> memref<80x128xf32, #tpu.memory_space<vmem>>
        tpu.wait_dma2 semaphore(%run_scoped3A_192 : memref<!tpu.dma_semaphore, #tpu.memory_space<semaphore_mem>>) src(%dma_wait3A_220 : memref<80x128xf32, #tpu.memory_space<vmem>>) dst(%dma_wait3A_216 : memref<80x128xf32, #tpu.memory_space<hbm>>)
        tpu.yield
      }) : () -> ()
    } else {
    }
    %add3A_182 = arith.constant 112 : i32
    %add3A_183 = arith.addi %add3A_182, %arg1 : i32
    %lt3A_184 = arith.constant 125 : i32
    %lt3A_185 = arith.cmpi slt, %add3A_183, %lt3A_184 : i32
    %convert_element_type3A_186 = arith.extui %lt3A_185 : i1 to i32
    %cond3A_187 = arith.constant 0 : i32
    %cond3A_188 = arith.constant 0 : i32
    %cond3A_189 = arith.cmpi ne, %convert_element_type3A_186, %cond3A_188 : i32
    scf.if %cond3A_189 {
      %mul3A_190 = arith.constant 80 : i32
      %mul3A_191 = arith.muli %add3A_183, %mul3A_190 : i32
      "tpu.region"() ({
        %run_scoped3A_192 = tpu.sem_alloc : memref<!tpu.dma_semaphore, #tpu.memory_space<semaphore_mem>>
        %dma_start3A_193 = arith.constant 0 : i32
        %dma_start3A_194 = arith.constant 0 : i32
        %dma_start3A_195 = tpu.memref_slice %arg7[%cond3A_187, %dma_start3A_193, %dma_start3A_194] : memref<2x128x128xf32, #tpu.memory_space<vmem>> -> memref<1x80x128xf32, #tpu.memory_space<vmem>>
        %dma_start3A_196 = tpu.memref_squeeze %dma_start3A_195 : memref<1x80x128xf32, #tpu.memory_space<vmem>> -> memref<80x128xf32, #tpu.memory_space<vmem>>
        %dma_start3A_197 = arith.constant 0 : i32
        %dma_start3A_198 = tpu.memref_slice %arg8[%mul3A_191, %dma_start3A_197] : memref<10000x128xf32, #tpu.memory_space<vmem_shared>> -> memref<80x128xf32, #tpu.memory_space<vmem_shared>>
        %dma_start3A_199 = arith.constant 0 : i32
        %dma_start3A_200 = arith.constant 0 : i32
        %dma_start3A_201 = tpu.memref_slice %arg7[%cond3A_187, %dma_start3A_199, %dma_start3A_200] : memref<2x128x128xf32, #tpu.memory_space<vmem>> -> memref<1x80x128xf32, #tpu.memory_space<vmem>>
        %dma_start3A_202 = tpu.memref_squeeze %dma_start3A_201 : memref<1x80x128xf32, #tpu.memory_space<vmem>> -> memref<80x128xf32, #tpu.memory_space<vmem>>
        %dma_start3A_203 = arith.constant 0 : i32
        %dma_start3A_204 = tpu.memref_slice %arg8[%mul3A_191, %dma_start3A_203] : memref<10000x128xf32, #tpu.memory_space<vmem_shared>> -> memref<80x128xf32, #tpu.memory_space<vmem_shared>>
        tpu.enqueue_dma source(%dma_start3A_204 : memref<80x128xf32, #tpu.memory_space<vmem_shared>>) target(%dma_start3A_202 : memref<80x128xf32, #tpu.memory_space<vmem>>) target_semaphore(%run_scoped3A_192 : memref<!tpu.dma_semaphore, #tpu.memory_space<semaphore_mem>>)
        %dma_wait3A_205 = arith.constant 0 : i32
        %dma_wait3A_206 = arith.constant 0 : i32
        %dma_wait3A_207 = tpu.memref_slice %arg7[%cond3A_187, %dma_wait3A_205, %dma_wait3A_206] : memref<2x128x128xf32, #tpu.memory_space<vmem>> -> memref<1x80x128xf32, #tpu.memory_space<vmem>>
        %dma_wait3A_208 = tpu.memref_squeeze %dma_wait3A_207 : memref<1x80x128xf32, #tpu.memory_space<vmem>> -> memref<80x128xf32, #tpu.memory_space<vmem>>
        %dma_wait3A_209 = arith.constant 0 : i32
        %dma_wait3A_210 = tpu.memref_slice %arg8[%mul3A_191, %dma_wait3A_209] : memref<10000x128xf32, #tpu.memory_space<vmem_shared>> -> memref<80x128xf32, #tpu.memory_space<vmem_shared>>
        %dma_wait3A_211 = arith.constant 0 : i32
        %dma_wait3A_212 = arith.constant 0 : i32
        %dma_wait3A_213 = tpu.memref_slice %arg7[%cond3A_187, %dma_wait3A_211, %dma_wait3A_212] : memref<2x128x128xf32, #tpu.memory_space<vmem>> -> memref<1x80x128xf32, #tpu.memory_space<vmem>>
        %dma_wait3A_214 = tpu.memref_squeeze %dma_wait3A_213 : memref<1x80x128xf32, #tpu.memory_space<vmem>> -> memref<80x128xf32, #tpu.memory_space<vmem>>
        %dma_wait3A_215 = arith.constant 0 : i32
        %dma_wait3A_216 = tpu.memref_slice %arg8[%mul3A_191, %dma_wait3A_215] : memref<10000x128xf32, #tpu.memory_space<vmem_shared>> -> memref<80x128xf32, #tpu.memory_space<vmem_shared>>
        tpu.wait_dma2 semaphore(%run_scoped3A_192 : memref<!tpu.dma_semaphore, #tpu.memory_space<semaphore_mem>>) src(%dma_wait3A_216 : memref<80x128xf32, #tpu.memory_space<vmem_shared>>) dst(%dma_wait3A_214 : memref<80x128xf32, #tpu.memory_space<vmem>>)
        tpu.yield
      }) : () -> ()
      "tpu.region"() ({
        %run_scoped3A_192 = tpu.sem_alloc : memref<!tpu.dma_semaphore, #tpu.memory_space<semaphore_mem>>
        %dma_start3A_193 = arith.constant 0 : i32
        %dma_start3A_194 = arith.constant 0 : i32
        %dma_start3A_195 = tpu.memref_slice %arg7[%cond3A_187, %dma_start3A_193, %dma_start3A_194] : memref<2x128x128xf32, #tpu.memory_space<vmem>> -> memref<1x80x128xf32, #tpu.memory_space<vmem>>
        %dma_start3A_196 = tpu.memref_squeeze %dma_start3A_195 : memref<1x80x128xf32, #tpu.memory_space<vmem>> -> memref<80x128xf32, #tpu.memory_space<vmem>>
        %dma_start3A_197 = arith.constant 0 : i32
        %dma_start3A_198 = tpu.memref_slice %arg5[%arg0, %mul3A_191, %dma_start3A_197] : memref<2x10000x128xf32, #tpu.memory_space<hbm>> -> memref<1x80x128xf32, #tpu.memory_space<hbm>>
        %dma_start3A_199 = tpu.memref_squeeze %dma_start3A_198 : memref<1x80x128xf32, #tpu.memory_space<hbm>> -> memref<80x128xf32, #tpu.memory_space<hbm>>
        %dma_start3A_200 = arith.constant 0 : i32
        %dma_start3A_201 = tpu.memref_slice %arg5[%arg0, %mul3A_191, %dma_start3A_200] : memref<2x10000x128xf32, #tpu.memory_space<hbm>> -> memref<1x80x128xf32, #tpu.memory_space<hbm>>
        %dma_start3A_202 = tpu.memref_squeeze %dma_start3A_201 : memref<1x80x128xf32, #tpu.memory_space<hbm>> -> memref<80x128xf32, #tpu.memory_space<hbm>>
        %dma_start3A_203 = arith.constant 0 : i32
        %dma_start3A_204 = arith.constant 0 : i32
        %dma_start3A_205 = tpu.memref_slice %arg7[%cond3A_187, %dma_start3A_203, %dma_start3A_204] : memref<2x128x128xf32, #tpu.memory_space<vmem>> -> memref<1x80x128xf32, #tpu.memory_space<vmem>>
        %dma_start3A_206 = tpu.memref_squeeze %dma_start3A_205 : memref<1x80x128xf32, #tpu.memory_space<vmem>> -> memref<80x128xf32, #tpu.memory_space<vmem>>
        tpu.enqueue_dma source(%dma_start3A_206 : memref<80x128xf32, #tpu.memory_space<vmem>>) target(%dma_start3A_202 : memref<80x128xf32, #tpu.memory_space<hbm>>) target_semaphore(%run_scoped3A_192 : memref<!tpu.dma_semaphore, #tpu.memory_space<semaphore_mem>>)
        %dma_wait3A_207 = arith.constant 0 : i32
        %dma_wait3A_208 = arith.constant 0 : i32
        %dma_wait3A_209 = tpu.memref_slice %arg7[%cond3A_187, %dma_wait3A_207, %dma_wait3A_208] : memref<2x128x128xf32, #tpu.memory_space<vmem>> -> memref<1x80x128xf32, #tpu.memory_space<vmem>>
        %dma_wait3A_210 = tpu.memref_squeeze %dma_wait3A_209 : memref<1x80x128xf32, #tpu.memory_space<vmem>> -> memref<80x128xf32, #tpu.memory_space<vmem>>
        %dma_wait3A_211 = arith.constant 0 : i32
        %dma_wait3A_212 = tpu.memref_slice %arg5[%arg0, %mul3A_191, %dma_wait3A_211] : memref<2x10000x128xf32, #tpu.memory_space<hbm>> -> memref<1x80x128xf32, #tpu.memory_space<hbm>>
        %dma_wait3A_213 = tpu.memref_squeeze %dma_wait3A_212 : memref<1x80x128xf32, #tpu.memory_space<hbm>> -> memref<80x128xf32, #tpu.memory_space<hbm>>
        %dma_wait3A_214 = arith.constant 0 : i32
        %dma_wait3A_215 = tpu.memref_slice %arg5[%arg0, %mul3A_191, %dma_wait3A_214] : memref<2x10000x128xf32, #tpu.memory_space<hbm>> -> memref<1x80x128xf32, #tpu.memory_space<hbm>>
        %dma_wait3A_216 = tpu.memref_squeeze %dma_wait3A_215 : memref<1x80x128xf32, #tpu.memory_space<hbm>> -> memref<80x128xf32, #tpu.memory_space<hbm>>
        %dma_wait3A_217 = arith.constant 0 : i32
        %dma_wait3A_218 = arith.constant 0 : i32
        %dma_wait3A_219 = tpu.memref_slice %arg7[%cond3A_187, %dma_wait3A_217, %dma_wait3A_218] : memref<2x128x128xf32, #tpu.memory_space<vmem>> -> memref<1x80x128xf32, #tpu.memory_space<vmem>>
        %dma_wait3A_220 = tpu.memref_squeeze %dma_wait3A_219 : memref<1x80x128xf32, #tpu.memory_space<vmem>> -> memref<80x128xf32, #tpu.memory_space<vmem>>
        tpu.wait_dma2 semaphore(%run_scoped3A_192 : memref<!tpu.dma_semaphore, #tpu.memory_space<semaphore_mem>>) src(%dma_wait3A_220 : memref<80x128xf32, #tpu.memory_space<vmem>>) dst(%dma_wait3A_216 : memref<80x128xf32, #tpu.memory_space<hbm>>)
        tpu.yield
      }) : () -> ()
    } else {
    }
    return
  }
}

module attributes {stable_mosaic.version = 14 : i64} {
  func.func @_tc_prep_body(%arg0: memref<10000x128xf32, #tpu.memory_space<vmem>>, %arg1: memref<128x128xf32, #tpu.memory_space<vmem>>, %arg2: memref<128x128xf32, #tpu.memory_space<vmem>>, %arg3: memref<10000x128xf32, #tpu.memory_space<vmem>>, %arg4: memref<10000x128xf32, #tpu.memory_space<vmem>>) attributes {dimension_semantics = [], scalar_prefetch = 0 : i64, scratch_operands = 0 : i64, tpu.core_type = #tpu.core_type<tc>} {
    %get3A = arith.constant 0 : index
    %get3A_0 = arith.constant 0 : index
    %get3A_1 = vector.load %arg0[%get3A, %get3A_0] : memref<10000x128xf32, #tpu.memory_space<vmem>>, vector<10000x128xf32>
    %get3A_2 = arith.constant 0 : index
    %get3A_3 = arith.constant 0 : index
    %get3A_4 = vector.load %arg1[%get3A_2, %get3A_3] : memref<128x128xf32, #tpu.memory_space<vmem>>, vector<128x128xf32>
    %dot_general3A = arith.constant dense<0.000000e+00> : vector<10000x128xf32>
    %dot_general3A_5 = tpu.matmul %get3A_1, %get3A_4, %dot_general3A {dimension_numbers = #tpu.dot_dimension_numbers<[1], [0], [0], [1], [0, 0, 1, 1], [], []>, transpose_lhs_hint = false} : vector<10000x128xf32>, vector<128x128xf32>, vector<10000x128xf32> -> vector<10000x128xf32>
    %swap3A = arith.constant 0 : index
    %swap3A_6 = arith.constant 0 : index
    %swap3A_7 = vector.load %arg3[%swap3A, %swap3A_6] : memref<10000x128xf32, #tpu.memory_space<vmem>>, vector<10000x128xf32>
    tpu.vector_store %arg3[%swap3A, %swap3A_6], %dot_general3A_5 {strides = array<i32>} : memref<10000x128xf32, #tpu.memory_space<vmem>>, vector<10000x128xf32>,
    %get3A_8 = arith.constant 0 : index
    %get3A_9 = arith.constant 0 : index
    %get3A_10 = vector.load %arg2[%get3A_8, %get3A_9] : memref<128x128xf32, #tpu.memory_space<vmem>>, vector<128x128xf32>
    %dot_general3A_11 = arith.constant dense<0.000000e+00> : vector<10000x128xf32>
    %dot_general3A_12 = tpu.matmul %get3A_1, %get3A_10, %dot_general3A_11 {dimension_numbers = #tpu.dot_dimension_numbers<[1], [0], [0], [1], [0, 0, 1, 1], [], []>, transpose_lhs_hint = false} : vector<10000x128xf32>, vector<128x128xf32>, vector<10000x128xf32> -> vector<10000x128xf32>
    %swap3A_13 = arith.constant 0 : index
    %swap3A_14 = arith.constant 0 : index
    %swap3A_15 = vector.load %arg4[%swap3A_13, %swap3A_14] : memref<10000x128xf32, #tpu.memory_space<vmem>>, vector<10000x128xf32>
    tpu.vector_store %arg4[%swap3A_13, %swap3A_14], %dot_general3A_12 {strides = array<i32>} : memref<10000x128xf32, #tpu.memory_space<vmem>>, vector<10000x128xf32>,
    return
  }
}

module attributes {stable_mosaic.version = 14 : i64} {
  func.func @_tc_edge_body(%arg0: i32, %arg1: memref<3200x128xf32, #tpu.memory_space<vmem>>, %arg2: memref<1x25x128xf32, #tpu.memory_space<vmem>>, %arg3: memref<3200x128xf32, #tpu.memory_space<vmem>>, %arg4: memref<128x1xf32, #tpu.memory_space<vmem>>, %arg5: memref<1x128xf32, #tpu.memory_space<vmem>>, %arg6: memref<1x128xf32, #tpu.memory_space<vmem>>, %arg7: memref<128x128xf32, #tpu.memory_space<vmem>>, %arg8: memref<1x128xf32, #tpu.memory_space<vmem>>, %arg9: memref<3200x128xf32, #tpu.memory_space<vmem>>) attributes {dimension_semantics = [#tpu.dimension_semantics<arbitrary>], iteration_bounds = array<i64: 100>, scalar_prefetch = 0 : i64, scratch_operands = 0 : i64, tpu.core_type = #tpu.core_type<tc>, window_params = [{transform_indices = @transform_0, window_bounds = array<i64: 3200, 128>}, {transform_indices = @transform_1, window_bounds = array<i64: 1, 25, 128>}, {pipeline_mode = #tpu.pipeline_mode<synchronous>, transform_indices = @transform_2, window_bounds = array<i64: 3200, 128>}, {pipeline_mode = #tpu.pipeline_mode<synchronous>, transform_indices = @transform_3, window_bounds = array<i64: 128, 1>}, {pipeline_mode = #tpu.pipeline_mode<synchronous>, transform_indices = @transform_4, window_bounds = array<i64: 1, 128>}, {pipeline_mode = #tpu.pipeline_mode<synchronous>, transform_indices = @transform_5, window_bounds = array<i64: 1, 128>}, {pipeline_mode = #tpu.pipeline_mode<synchronous>, transform_indices = @transform_6, window_bounds = array<i64: 128, 128>}, {pipeline_mode = #tpu.pipeline_mode<synchronous>, transform_indices = @transform_7, window_bounds = array<i64: 1, 128>}, {transform_indices = @transform_8, window_bounds = array<i64: 3200, 128>}]} {
    %get3A = arith.constant 0 : index
    %get3A_0 = arith.constant 0 : index
    %get3A_1 = arith.constant 0 : index
    %get3A_2 = vector.load %arg2[%get3A, %get3A_0, %get3A_1] : memref<1x25x128xf32, #tpu.memory_space<vmem>>, vector<1x25x128xf32>
    %get3A_3 = vector.shape_cast %get3A_2 : vector<1x25x128xf32> to vector<25x128xf32>
    %broadcast_in_dim3A = vector.shape_cast %get3A_3 : vector<25x128xf32> to vector<25x1x128xf32>
    %broadcast_in_dim3A_4 = vector.shape_cast %broadcast_in_dim3A : vector<25x1x128xf32> to vector<25x1x128xf32>
    %broadcast_in_dim3A_5 = vector.broadcast %broadcast_in_dim3A_4 : vector<25x1x128xf32> to vector<25x128x128xf32>
    %reshape3A = vector.shape_cast %broadcast_in_dim3A_5 : vector<25x128x128xf32> to vector<3200x128xf32>
    %get3A_6 = arith.constant 0 : index
    %get3A_7 = arith.constant 0 : index
    %get3A_8 = vector.load %arg3[%get3A_6, %get3A_7] : memref<3200x128xf32, #tpu.memory_space<vmem>>, vector<3200x128xf32>
    %mul3A = arith.mulf %reshape3A, %get3A_8 : vector<3200x128xf32>
    %get3A_9 = arith.constant 0 : index
    %get3A_10 = arith.constant 0 : index
    %get3A_11 = vector.load %arg4[%get3A_9, %get3A_10] : memref<128x1xf32, #tpu.memory_space<vmem>>, vector<128x1xf32>
    %dot_general3A = arith.constant dense<0.000000e+00> : vector<3200x1xf32>
    %dot_general3A_12 = tpu.matmul %mul3A, %get3A_11, %dot_general3A {dimension_numbers = #tpu.dot_dimension_numbers<[1], [0], [0], [1], [0, 0, 1, 1], [], []>, transpose_lhs_hint = false} : vector<3200x128xf32>, vector<128x1xf32>, vector<3200x1xf32> -> vector<3200x1xf32>
    %get3A_13 = arith.constant 0 : index
    %get3A_14 = arith.constant 0 : index
    %get3A_15 = vector.load %arg1[%get3A_13, %get3A_14] : memref<3200x128xf32, #tpu.memory_space<vmem>>, vector<3200x128xf32>
    %get3A_16 = arith.constant 0 : index
    %get3A_17 = arith.constant 0 : index
    %get3A_18 = vector.load %arg5[%get3A_16, %get3A_17] : memref<1x128xf32, #tpu.memory_space<vmem>>, vector<1x128xf32>
    %mul3A_19 = vector.broadcast %dot_general3A_12 : vector<3200x1xf32> to vector<3200x128xf32>
    %mul3A_20 = vector.broadcast %get3A_18 : vector<1x128xf32> to vector<3200x128xf32>
    %mul3A_21 = arith.mulf %mul3A_19, %mul3A_20 : vector<3200x128xf32>
    %add3A = arith.addf %get3A_15, %mul3A_21 : vector<3200x128xf32>
    %get3A_22 = arith.constant 0 : index
    %get3A_23 = arith.constant 0 : index
    %get3A_24 = vector.load %arg6[%get3A_22, %get3A_23] : memref<1x128xf32, #tpu.memory_space<vmem>>, vector<1x128xf32>
    %add3A_25 = vector.broadcast %get3A_24 : vector<1x128xf32> to vector<3200x128xf32>
    %add3A_26 = arith.addf %add3A, %add3A_25 : vector<3200x128xf32>
    %gt3A = arith.constant 0.000000e+00 : f32
    %gt3A_27 = vector.broadcast %gt3A : f32 to vector<3200x128xf32>
    %gt3A_28 = arith.cmpf ogt, %add3A_26, %gt3A_27 : vector<3200x128xf32>
    %mul3A_29 = arith.constant 2.000000e-01 : f32
    %mul3A_30 = vector.broadcast %mul3A_29 : f32 to vector<3200x128xf32>
    %mul3A_31 = arith.mulf %mul3A_30, %add3A_26 : vector<3200x128xf32>
    %select_n3A = arith.select %gt3A_28, %add3A_26, %mul3A_31 : vector<3200x128xi1>, vector<3200x128xf32>
    %get3A_32 = arith.constant 0 : index
    %get3A_33 = arith.constant 0 : index
    %get3A_34 = vector.load %arg7[%get3A_32, %get3A_33] : memref<128x128xf32, #tpu.memory_space<vmem>>, vector<128x128xf32>
    %dot_general3A_35 = arith.constant dense<0.000000e+00> : vector<3200x128xf32>
    %dot_general3A_36 = tpu.matmul %select_n3A, %get3A_34, %dot_general3A_35 {dimension_numbers = #tpu.dot_dimension_numbers<[1], [0], [0], [1], [0, 0, 1, 1], [], []>, transpose_lhs_hint = false} : vector<3200x128xf32>, vector<128x128xf32>, vector<3200x128xf32> -> vector<3200x128xf32>
    %get3A_37 = arith.constant 0 : index
    %get3A_38 = arith.constant 0 : index
    %get3A_39 = vector.load %arg8[%get3A_37, %get3A_38] : memref<1x128xf32, #tpu.memory_space<vmem>>, vector<1x128xf32>
    %add3A_40 = vector.broadcast %get3A_39 : vector<1x128xf32> to vector<3200x128xf32>
    %add3A_41 = arith.addf %dot_general3A_36, %add3A_40 : vector<3200x128xf32>
    %gt3A_42 = arith.constant 0.000000e+00 : f32
    %gt3A_43 = vector.broadcast %gt3A_42 : f32 to vector<3200x128xf32>
    %gt3A_44 = arith.cmpf ogt, %add3A_41, %gt3A_43 : vector<3200x128xf32>
    %mul3A_45 = arith.constant 2.000000e-01 : f32
    %mul3A_46 = vector.broadcast %mul3A_45 : f32 to vector<3200x128xf32>
    %mul3A_47 = arith.mulf %mul3A_46, %add3A_41 : vector<3200x128xf32>
    %select_n3A_48 = arith.select %gt3A_44, %add3A_41, %mul3A_47 : vector<3200x128xi1>, vector<3200x128xf32>
    %swap3A = arith.constant 0 : index
    %swap3A_49 = arith.constant 0 : index
    %swap3A_50 = vector.load %arg9[%swap3A, %swap3A_49] : memref<3200x128xf32, #tpu.memory_space<vmem>>, vector<3200x128xf32>
    tpu.vector_store %arg9[%swap3A, %swap3A_49], %select_n3A_48 {strides = array<i32>} : memref<3200x128xf32, #tpu.memory_space<vmem>>, vector<3200x128xf32>,
    return
  }
  func.func @transform_0(%arg0: i32) -> (i32, i32) {
    %c0_i32 = arith.constant 0 : i32
    %c0_i32_0 = arith.constant 0 : i32
    return %arg0, %c0_i32 : i32, i32
  }
  func.func @transform_1(%arg0: i32) -> (i32, i32, i32) {
    %c0_i32 = arith.constant 0 : i32
    %c0_i32_0 = arith.constant 0 : i32
    %c0_i32_1 = arith.constant 0 : i32
    return %arg0, %c0_i32, %c0_i32_0 : i32, i32, i32
  }
  func.func @transform_2(%arg0: i32) -> (i32, i32) {
    %c0_i32 = arith.constant 0 : i32
    %c0_i32_0 = arith.constant 0 : i32
    %c0_i32_1 = arith.constant 0 : i32
    return %c0_i32, %c0_i32_0 : i32, i32
  }
  func.func @transform_3(%arg0: i32) -> (i32, i32) {
    %c0_i32 = arith.constant 0 : i32
    %c0_i32_0 = arith.constant 0 : i32
    %c0_i32_1 = arith.constant 0 : i32
    return %c0_i32, %c0_i32_0 : i32, i32
  }
  func.func @transform_4(%arg0: i32) -> (i32, i32) {
    %c0_i32 = arith.constant 0 : i32
    %c0_i32_0 = arith.constant 0 : i32
    %c0_i32_1 = arith.constant 0 : i32
    return %c0_i32, %c0_i32_0 : i32, i32
  }
  func.func @transform_5(%arg0: i32) -> (i32, i32) {
    %c0_i32 = arith.constant 0 : i32
    %c0_i32_0 = arith.constant 0 : i32
    %c0_i32_1 = arith.constant 0 : i32
    return %c0_i32, %c0_i32_0 : i32, i32
  }
  func.func @transform_6(%arg0: i32) -> (i32, i32) {
    %c0_i32 = arith.constant 0 : i32
    %c0_i32_0 = arith.constant 0 : i32
    %c0_i32_1 = arith.constant 0 : i32
    return %c0_i32, %c0_i32_0 : i32, i32
  }
  func.func @transform_7(%arg0: i32) -> (i32, i32) {
    %c0_i32 = arith.constant 0 : i32
    %c0_i32_0 = arith.constant 0 : i32
    %c0_i32_1 = arith.constant 0 : i32
    return %c0_i32, %c0_i32_0 : i32, i32
  }
  func.func @transform_8(%arg0: i32) -> (i32, i32) {
    %c0_i32 = arith.constant 0 : i32
    %c0_i32_0 = arith.constant 0 : i32
    return %arg0, %c0_i32 : i32, i32
  }
}

module attributes {stable_mosaic.version = 14 : i64} {
  func.func @_tc_node_body(%arg0: memref<10000x128xf32, #tpu.memory_space<vmem>>, %arg1: memref<2x10000x128xf32, #tpu.memory_space<vmem>>, %arg2: memref<128x128xf32, #tpu.memory_space<vmem>>, %arg3: memref<128x128xf32, #tpu.memory_space<vmem>>, %arg4: memref<1x128xf32, #tpu.memory_space<vmem>>, %arg5: memref<128x128xf32, #tpu.memory_space<vmem>>, %arg6: memref<1x128xf32, #tpu.memory_space<vmem>>, %arg7: memref<10000x128xf32, #tpu.memory_space<vmem>>) attributes {dimension_semantics = [], scalar_prefetch = 0 : i64, scratch_operands = 0 : i64, tpu.core_type = #tpu.core_type<tc>} {
    %get3A = arith.constant 0 : index
    %get3A_0 = arith.constant 0 : index
    %get3A_1 = vector.load %arg0[%get3A, %get3A_0] : memref<10000x128xf32, #tpu.memory_space<vmem>>, vector<10000x128xf32>
    %get3A_2 = arith.constant 0 : index
    %get3A_3 = arith.constant 0 : index
    %get3A_4 = arith.constant 0 : index
    %get3A_5 = vector.load %arg1[%get3A_2, %get3A_3, %get3A_4] : memref<2x10000x128xf32, #tpu.memory_space<vmem>>, vector<1x10000x128xf32>
    %get3A_6 = vector.shape_cast %get3A_5 : vector<1x10000x128xf32> to vector<10000x128xf32>
    %get3A_7 = arith.constant 1 : index
    %get3A_8 = arith.constant 0 : index
    %get3A_9 = arith.constant 0 : index
    %get3A_10 = vector.load %arg1[%get3A_7, %get3A_8, %get3A_9] : memref<2x10000x128xf32, #tpu.memory_space<vmem>>, vector<1x10000x128xf32>
    %get3A_11 = vector.shape_cast %get3A_10 : vector<1x10000x128xf32> to vector<10000x128xf32>
    %add3A = arith.addf %get3A_6, %get3A_11 : vector<10000x128xf32>
    %get3A_12 = arith.constant 0 : index
    %get3A_13 = arith.constant 0 : index
    %get3A_14 = vector.load %arg2[%get3A_12, %get3A_13] : memref<128x128xf32, #tpu.memory_space<vmem>>, vector<128x128xf32>
    %dot_general3A = arith.constant dense<0.000000e+00> : vector<10000x128xf32>
    %dot_general3A_15 = tpu.matmul %get3A_1, %get3A_14, %dot_general3A {dimension_numbers = #tpu.dot_dimension_numbers<[1], [0], [0], [1], [0, 0, 1, 1], [], []>, transpose_lhs_hint = false} : vector<10000x128xf32>, vector<128x128xf32>, vector<10000x128xf32> -> vector<10000x128xf32>
    %get3A_16 = arith.constant 0 : index
    %get3A_17 = arith.constant 0 : index
    %get3A_18 = vector.load %arg3[%get3A_16, %get3A_17] : memref<128x128xf32, #tpu.memory_space<vmem>>, vector<128x128xf32>
    %dot_general3A_19 = arith.constant dense<0.000000e+00> : vector<10000x128xf32>
    %dot_general3A_20 = tpu.matmul %add3A, %get3A_18, %dot_general3A_19 {dimension_numbers = #tpu.dot_dimension_numbers<[1], [0], [0], [1], [0, 0, 1, 1], [], []>, transpose_lhs_hint = false} : vector<10000x128xf32>, vector<128x128xf32>, vector<10000x128xf32> -> vector<10000x128xf32>
    %add3A_21 = arith.addf %dot_general3A_15, %dot_general3A_20 : vector<10000x128xf32>
    %get3A_22 = arith.constant 0 : index
    %get3A_23 = arith.constant 0 : index
    %get3A_24 = vector.load %arg4[%get3A_22, %get3A_23] : memref<1x128xf32, #tpu.memory_space<vmem>>, vector<1x128xf32>
    %add3A_25 = vector.broadcast %get3A_24 : vector<1x128xf32> to vector<10000x128xf32>
    %add3A_26 = arith.addf %add3A_21, %add3A_25 : vector<10000x128xf32>
    %gt3A = arith.constant 0.000000e+00 : f32
    %gt3A_27 = vector.broadcast %gt3A : f32 to vector<10000x128xf32>
    %gt3A_28 = arith.cmpf ogt, %add3A_26, %gt3A_27 : vector<10000x128xf32>
    %mul3A = arith.constant 2.000000e-01 : f32
    %mul3A_29 = vector.broadcast %mul3A : f32 to vector<10000x128xf32>
    %mul3A_30 = arith.mulf %mul3A_29, %add3A_26 : vector<10000x128xf32>
    %select_n3A = arith.select %gt3A_28, %add3A_26, %mul3A_30 : vector<10000x128xi1>, vector<10000x128xf32>
    %get3A_31 = arith.constant 0 : index
    %get3A_32 = arith.constant 0 : index
    %get3A_33 = vector.load %arg5[%get3A_31, %get3A_32] : memref<128x128xf32, #tpu.memory_space<vmem>>, vector<128x128xf32>
    %dot_general3A_34 = arith.constant dense<0.000000e+00> : vector<10000x128xf32>
    %dot_general3A_35 = tpu.matmul %select_n3A, %get3A_33, %dot_general3A_34 {dimension_numbers = #tpu.dot_dimension_numbers<[1], [0], [0], [1], [0, 0, 1, 1], [], []>, transpose_lhs_hint = false} : vector<10000x128xf32>, vector<128x128xf32>, vector<10000x128xf32> -> vector<10000x128xf32>
    %get3A_36 = arith.constant 0 : index
    %get3A_37 = arith.constant 0 : index
    %get3A_38 = vector.load %arg6[%get3A_36, %get3A_37] : memref<1x128xf32, #tpu.memory_space<vmem>>, vector<1x128xf32>
    %add3A_39 = vector.broadcast %get3A_38 : vector<1x128xf32> to vector<10000x128xf32>
    %add3A_40 = arith.addf %dot_general3A_35, %add3A_39 : vector<10000x128xf32>
    %add3A_41 = arith.addf %get3A_1, %add3A_40 : vector<10000x128xf32>
    %swap3A = arith.constant 0 : index
    %swap3A_42 = arith.constant 0 : index
    %swap3A_43 = vector.load %arg7[%swap3A, %swap3A_42] : memref<10000x128xf32, #tpu.memory_space<vmem>>, vector<10000x128xf32>
    tpu.vector_store %arg7[%swap3A, %swap3A_42], %add3A_41 {strides = array<i32>} : memref<10000x128xf32, #tpu.memory_space<vmem>>, vector<10000x128xf32>,
    return
  }
}

</mosaic_0001>

<sc_bundles>
// kernel: kernel.10.cloned.1.call-start
scs
__scs_entry_jumppad:
0x0: {  	(pc) =	sbr.rel $0x88, $3  }
0x1: {  	(tag) =	ssettag $0x0;
	lr =	simm.s32 $0x1  }
0x2: {  	[smem:$0x3F96] =	sst lr;
	_ =	strace $0xD0000000  }
0x3: {  	_ = 	snop  }
0x4: {  	_ = 	snop  }
0x5: {  	_ = 	snop  }
0x6: {  	_ = 	snop  }
0x7: {  	_ = 	snop  }
__scs_overlays_trampoline_lowered:
0x8: {  	[smem:$0x3FA5] =	sst s0  }
0x9: {  	[smem:$0x3FA6] =	sst s1  }
0xa: {  	[smem:$0x3FA7] =	sst s2  }
0xb: {  	[smem:$0x3FA8] =	sst s3  }
0xc: {  	[smem:$0x3FA9] =	sst s4  }
0xd: {  	[smem:$0x3FAA] =	sst s5  }
0xe: {  	[smem:$0x3FAB] =	sst s6  }
0xf: {  	[smem:$0x3FAC] =	sst s7  }
0x10: {  	[smem:$0x3FAD] =	sst s8  }
0x11: {  	[smem:$0x3FAE] =	sst s9;
	s0 =	simm.s32 @!p0 $0x0  }
0x12: {  	s1 =	sld [smem:$0x3F94];
	s0 =	simm.s32 @p0 $0x1  }
0x13: {  	[smem:$0x3FAF] =	sst s0;
	s0 =	simm.s32 @!p1 $0x0  }
0x14: {  	s2 =	sld [smem:$0x3F93];
	s0 =	simm.s32 @p1 $0x1  }
0x15: {  	[smem:$0x3FB0] =	sst s0;
	s0 =	simm.s32 @!p2 $0x0  }
0x16: {  	s3 =	sld [smem:$0x3FDB];
	s0 =	simm.s32 @p2 $0x1  }
0x17: {  	s4 =	simm.s32 $0x1BF5;
	[smem:$0x3FB2] =	sst s0  }
0x18: {  	s0 =	sld [smem:$0x3F95];
	_ =	swait.ge [sflag:s4], $0x0  }
0x19: {  	s7 =	sld [smem:$0x3F96]  }
0x1a: {  	s8 =	sadd.s32 $0xFFFFE003, lr  }
0x1b: {  	s9 =	sadd.s32 $0xFFFFFEF7, lr;
	s5 =	simm.s32 $0xFFFFFFFF;
	p2 =	slt.u32 s8, $0xFFFFF086  }
0x1c: {  	p1 =	slt.u32 s9, $0xF7A;
	s5 =	simm.s32 @!p2 $0x0  }
0x1d: {  	s5 =	simm.s32 @p1 $0x1;
	p0 =	seq.s32 s7, s2  }
0x1e: {  	s7 =	smul.u32 @!p0 $0xF7A, s2;
	p2 =	seq.s32 @!p0 s5, $0x0  }
0x1f: {  	s9 =	smul.u32 $0xF7A, s1;
	s8 =	simm.s32 @!p0 $0x1BF5;
	p2 =	por !p2, p0  }
0x20: {  	[sflag:s8] =	ssyncset.s32 @!p0 $0xFFFFF086;
	s6 =	sadd.s32 @!p0 s3, s7;
	s7 =	simm.s32 @!p0 $0x108  }
0x21: {  	s3 =	sadd.s32 s3, s9;
	s6 =	sadd.s32 @!p0 $0x88, s6;
	s7 =	simm.s32 @p2 $0x1082  }
0x22: {  	[simem:s7], [sflag:s8] =	dma.local @!p0 [hbm:s6], $0xF7A  }
0x23: {  	s9 =	sor.u32 $0xD0000000, s2;
	s6 =	simm.s32 $0x108;
	_ =	swait.ge @!p0 [sflag:s8], $0x0  }
0x24: {  	s3 =	sadd.s32 $0x88, s3;
	s6 =	simm.s32 @!p1 $0x1082;
	[sflag:s4] =	ssyncset.s32 $0xFFFFF086  }
0x25: {  	[simem:s6], [sflag:s4] =	dma.local [hbm:s3], $0xF7A  }
0x26: {  	[smem:$0x3F96] =	sst s1;
	(tag) =	ssettag s2;
	_ =	strace s9  }
0x27: {  	s1 =	sld [smem:$0x3FA6]  }
0x28: {  	s2 =	sld [smem:$0x3FA7]  }
0x29: {  	s4 =	sld [smem:$0x3FA9]  }
0x2a: {  	p0 =	seq.s32 s5, $0x0;
	s5 =	sld [smem:$0x3FAA]  }
0x2b: {  	s6 =	sld [smem:$0x3FAB]  }
0x2c: {  	s7 =	sld [smem:$0x3FAC]  }
0x2d: {  	s3 =	simm.s32 $0x108;
	s8 =	sld [smem:$0x3FAD]  }
0x2e: {  	s3 =	simm.s32 @!p0 $0x1082;
	s9 =	sld [smem:$0x3FAE]  }
0x2f: {  	lr =	sadd.s32 s0, s3;
	s0 =	sld [smem:$0x3FA5]  }
0x30: {  	s3 =	sld [smem:$0x3FA8]  }
0x31: {  	[smem:$0x3FB1] =	sst s10  }
0x32: {  	s10 =	sld [smem:$0x3FAF];
	_ =	sdelay $0x3  }
0x33: {  	p0 =	seq.s32 s10, $0x1;
	s10 =	sld [smem:$0x3FB1];
	_ =	sdelay $0x3  }
0x34: {  	[smem:$0x3FB1] =	sst s10  }
0x35: {  	s10 =	sld [smem:$0x3FB0];
	_ =	sdelay $0x3  }
0x36: {  	p1 =	seq.s32 s10, $0x1;
	s10 =	sld [smem:$0x3FB1];
	_ =	sdelay $0x3  }
0x37: {  	[smem:$0x3FB1] =	sst s10  }
0x38: {  	s10 =	sld [smem:$0x3FB2]  }
0x39: {  	_ = 	snop;
	(pc) =	sbr.ind lr, $3  }
0x3a: {  	_ = 	snop  }
0x3b: {  	_ = 	snop  }
0x3c: {  	p2 =	seq.s32 s10, $0x1;
	s10 =	sld [smem:$0x3FB1]  }
0x3d: {  	_ =	shalt  }
0x3e: {  	_ =	shalt  }
0x3f: {  	_ =	shalt  }
0x40: {  	_ =	shalt  }
0x41: {  	_ =	shalt  }
0x42: {  	_ =	shalt  }
0x43: {  	_ =	shalt  }
0x44: {  	_ =	shalt  }
0x45: {  	_ =	shalt  }
0x46: {  	_ =	shalt  }
0x47: {  	_ =	shalt  }
0x48: {  	_ =	shalt  }
0x49: {  	_ =	shalt  }
0x4a: {  	_ =	shalt  }
0x4b: {  	_ =	shalt  }
0x4c: {  	_ =	shalt  }
0x4d: {  	_ =	shalt  }
0x4e: {  	_ =	shalt  }
0x4f: {  	_ =	shalt  }
0x50: {  	_ =	shalt  }
0x51: {  	_ =	shalt  }
0x52: {  	_ =	shalt  }
0x53: {  	_ =	shalt  }
0x54: {  	_ =	shalt  }
0x55: {  	_ =	shalt  }
0x56: {  	_ =	shalt  }
0x57: {  	_ =	shalt  }
0x58: {  	_ =	shalt  }
0x59: {  	_ =	shalt  }
0x5a: {  	_ =	shalt  }
0x5b: {  	_ =	shalt  }
0x5c: {  	_ =	shalt  }
0x5d: {  	_ =	shalt  }
0x5e: {  	_ =	shalt  }
0x5f: {  	_ =	shalt  }
0x60: {  	_ =	shalt  }
0x61: {  	_ =	shalt  }
0x62: {  	_ =	shalt  }
0x63: {  	_ =	shalt  }
0x64: {  	_ =	shalt  }
0x65: {  	_ =	shalt  }
0x66: {  	_ =	shalt  }
0x67: {  	_ =	shalt  }
0x68: {  	_ =	shalt  }
0x69: {  	_ =	shalt  }
0x6a: {  	_ =	shalt  }
0x6b: {  	_ =	shalt  }
0x6c: {  	_ =	shalt  }
0x6d: {  	_ =	shalt  }
0x6e: {  	_ =	shalt  }
0x6f: {  	_ =	shalt  }
0x70: {  	_ =	shalt  }
0x71: {  	_ =	shalt  }
0x72: {  	_ =	shalt  }
0x73: {  	_ =	shalt  }
0x74: {  	_ =	shalt  }
0x75: {  	_ =	shalt  }
0x76: {  	_ =	shalt  }
0x77: {  	_ =	shalt  }
0x78: {  	_ =	shalt  }
0x79: {  	_ =	shalt  }
0x7a: {  	_ =	shalt  }
0x7b: {  	_ =	shalt  }
0x7c: {  	_ =	shalt  }
0x7d: {  	_ =	shalt  }
0x7e: {  	_ =	shalt  }
0x7f: {  	_ =	shalt  }
0x80: {  	_ =	shalt  }
0x81: {  	_ =	shalt  }
0x82: {  	_ =	shalt  }
0x83: {  	_ =	shalt  }
0x84: {  	_ =	shalt  }
0x85: {  	_ =	shalt  }
0x86: {  	_ =	shalt  }
0x87: {  	_ =	shalt  }
.Lfunc_end0:
.L_simem_size_0:
called_computation.1_lowered:
.L_overlay_start_0:
0x88: {  	s2 =	sld [smem:$0x3FD9]  }
0x89: {  	s3 =	sld [smem:$0x3FFE];
	_ =	sdelay $0x1  }
0x8a: {  	s1 =	srdreg.scid  }
0x8b: {  	s0 =	sand.u32 $0x1, s1  }
0x8c: {  	s14 =	sshll.u32 s0, $0xA;
	s2 =	sadd.s32 s3, s2  }
0x8d: {  	s2 =	sadd.s32 s2, s14  }
0x8e: {  	[smem:$0x3FBD] =	sst s2  }
0x8f: {  	_ = 	snop  }
0x90: {  	s2 =	sld [smem:$0x3FD0];
	_ =	sdelay $0x2  }
0x91: {  	s15 =	simm.s32 $0xA;
	s4 =	simm.s32 $0x10  }
0x92: {  	[smem:s4], [sflag:s15] =	dma.local [hbm:s2], $0x1  }
0x93: {  	_ =	swait.eq [sflag:s15], $0x1  }
0x94: {  	[sflag:s15] =	ssyncset.done $0x0  }
0x95: {  	s16 =	sld [smem:$0x11];
	[sflag:s15] =	ssyncadd.s32 $0xFFFFFFFF  }
0x96: {  	s17 =	sld [smem:$0x12];
	(tm) =	ssettm $0x1  }
0x97: {  	s18 =	sld [smem:$0x3FFB];
	_ =	sdelay $0x3  }
0x98: {  	_ =	strace s18  }
0x99: {  	s4 =	sld [smem:$0x3FFC];
	_ =	sdelay $0x3  }
0x9a: {  	_ =	strace s4  }
0x9b: {  	s4 =	sld [smem:$0x3FFD];
	_ =	sdelay $0x3  }
0x9c: {  	_ =	strace s4  }
0x9d: {  	_ =	strace $0x8FFFFFFF  }
0x9e: {  	s19 =	sld [smem:$0x3FDB];
	_ =	sdelay $0x1  }
0x9f: {  	s5 =	simm.s32 $_scs_section_size  }
0xa0: {  	s6 =	simm.s32 $_size__tile_overlayer_lowered;
	s7 =	simm.s32 $_tile_overlayer_lowered  }
0xa1: {  	s22 =	simm.s32 $0x1BFF;
	s21 =	sshll.u32 s7, $0x1;
	s4 =	sadd.s32 s5, s19  }
0xa2: {  	s8 =	simm.s32 $0x0;
	s20 =	sshll.u32 s6, $0x1;
	s6 =	sadd.s32 s21, s4  }
0xa3: {  	[timem:s8], [sflag:s22] =	dma.local [hbm:s6], s20  }
0xa4: {  	_ =	swait.ge [sflag:s22], s20  }
0xa5: {  	s5 =	ssub.s32 $0x0, s20;
	[sflag:s22] =	ssyncset.done $0x0  }
0xa6: {  	[sflag:s22] =	ssyncadd.s32 s5;
	_ =	sdelay $0x1  }
0xa7: {  	s23 =	simm.s32 $0x1B8B  }
0xa8: {  	_ =	swait.ge [sflag:s23], $0x1  }
0xa9: {  	[sflag:s23] =	ssyncset.done $0x0  }
0xaa: {  	s25 =	simm.s32 $0x1B8E;
	s24 =	sld [smem:$0x3FFE];
	[sflag:s23] =	ssyncadd.s32 $0xFFFFFFFF  }
0xab: {  	s26 =	simm.s32 $execute0_lowered;
	[smem:$0x3FD2] =	sst s25  }
0xac: {  	s6 =	sshll.u32 s26, $0x1;
	_ =	strace $0x80000049;
	[dreg:$0x1] =	wrdreg $0xFFFFFFFF  }
0xad: {  	s28 =	simm.s32 $_size_execute0_lowered;
	s4 =	sadd.s32 s4, s6;
	[dreg:$0x0] =	wrdreg $0x0  }
0xae: {  	s6 =	sshll.u32 s28, $0x1;
	[dreg:$0x2] =	wrdreg s4  }
0xaf: {  	[dreg:$0x3] =	wrdreg s6  }
0xb0: {  	[dreg:$0x4] =	wrdreg $0xC0  }
0xb1: {  	_ =	task [dreg:s8], $0x5FFFF  }
0xb2: {  	[dreg:$0x1] =	wrdreg $0xFFFFFFFF  }
0xb3: {  	[dreg:$0x0] =	wrdreg $0x60  }
0xb4: {  	[dreg:$0x2] =	wrdreg s17  }
0xb5: {  	[dreg:$0x3] =	wrdreg s24  }
0xb6: {  	[dreg:$0x4] =	wrdreg s16  }
0xb7: {  	[dreg:$0x5] =	wrdreg $0x82000  }
0xb8: {  	[dreg:$0x6] =	wrdreg $0x9  }
0xb9: {  	_ =	task.clear_ibuf [dreg:s8], $0x7FFFF;
	_ =	strace $0x90000049  }
0xba: {  	s29 =	simm.s32 $0x9;
	_ =	strace $0x8000004B  }
0xbb: {  	_ =	swait.ge [sflag:s29], $0x1  }
0xbc: {  	[sflag:s29] =	ssyncadd.s32 $0xFFFFFFFF  }
0xbd: {  	_ =	strace $0x9000004B  }
0xbe: {  	_ =	sfence  }
0xbf: {  	s30 =	sld [smem:$0x0];
	_ =	sdelay $0x2  }
0xc0: {  	s31 =	sshll.u32 s1, $0xD;
	s1 =	sshrl.u32 s1, $0x2  }
0xc1: {  	s3 =	sand.u32 $0x4000, s31;
	s1 =	sadd.s32 s1, s30  }
0xc2: {  	s0 =	sor.u32 s3, s0;
	s1 =	sshll.u32 s1, $0x11  }
0xc3: {  	s0 =	sor.u32 s1, s0  }
0xc4: {  	s0 =	sadd.s32 $0x8F2B, s0  }
0xc5: {  	[sflag:s0] =	ssyncadd.remote.s32 $0x1  }
0xc6: {  	_ =	sfence.sel $0xFFFF  }
0xc7: {  	[dreg:$0x0] =	wrdreg $0xFFFFFFFF;
	(pc) =	sbr.abs _section_cstart, $3  }
0xc8: {  	[dreg:$0x1] =	wrdreg $0xFFFFFFFF  }
0xc9: {  	_ =	task.clear_ibuf [dreg:s8], $0x2FFFF;
	_ =	strace $0x9FFFFFFF  }
0xca: {  	(tm) =	ssettm $0x7FFFFFFF  }
0xcb: {  	_ =	shalt  }
tec
execute0_lowered:
.L_overlay_start_1:
0x0: {  	(tag) =	ssettag $0x1  }
0x1: {  	s0 =	srdreg.scid;
	s10 =	rddreg [dreg:$0x0]  }
0x2: {  	s11 =	rddreg [dreg:$0x1];
	s31 =	stileid.u32;
	s6 =	sand.u32 $0x1, s0  }
0x3: {  	s12 =	sadd.s32 $0x16E00, s11;
	s8 =	sor.u32 $0x10, s31;
	s15 =	smul.u32 $0x2800, s31  }
0x4: {  	s7 =	sor.u32 $0x20, s31;
	s4 =	sor.u32 $0x30, s31;
	s13 =	smul.u32 $0x138800, s6  }
0x5: {  	s9 =	sshll.u32 s31, $0x1;
	s5 =	sor.u32 $0x50, s31;
	s17 =	smul.u32 $0x2800, s8  }
0x6: {  	s2 =	sor.u32 $0x60, s31;
	s3 =	sor.u32 $0x70, s31;
	s26 =	smul.u32 $0x2800, s7  }
0x7: {  	p1 =	sgt.u32 s31, $0xC;
	s0 =	ssub.s32 $0x2, s6;
	s19 =	smul.u32 $0x2800, s4  }
0x8: {  	s14 =	sor.u32 s6, s9;
	s8 =	smul.u32 $0xA000, s8;
	s9 =	sor.u32 $0x9C0, s9  }
0x9: {  	s4 =	smul.u32 $0xA000, s4;
	s1 =	sshrl.u32 s0, $0x1;
	s16 =	sshll.u32 s14, $0xB  }
0xa: {  	p0 =	sgt.u32 s9, $0x9C3;
	s0 =	ssub.s32 s0, s1;
	s1 =	sor.u32 $0x40, s31  }
0xb: {  	s16 =	sadd.s32 s10, s16;
	s20 =	sadd.s32 s13, s26;
	s26 =	smul.u32 $0x2800, s3  }
0xc: {  	s15 =	sadd.s32 s15, s13;
	s25 =	sadd.s32 s13, s17;
	s3 =	smul.u32 $0xA000, s3  }
0xd: {  	s8 =	sshrl.u32 s8, $0x2;
	s4 =	sshrl.u32 s4, $0x2;
	s21 =	smul.u32 $0x2800, s1  }
0xe: {  	[dreg:$0x5] =	wrdreg s16;
	s16 =	sadd.s32 s13, s19;
	s19 =	smul.u32 $0x2800, s2  }
0xf: {  	s15 =	sshrl.u32 s15, $0x3;
	s18 =	sshrl.u32 s25, $0x3;
	s2 =	smul.u32 $0xA000, s2  }
0x10: {  	s30 =	smax.u32 s0, $0x1;
	s0 =	simm.s32 $0x5;
	s15 =	sadd.s32 s12, s15  }
0x11: {  	s16 =	sshrl.u32 s16, $0x3;
	s3 =	sshrl.u32 s3, $0x2;
	[dreg:$0x6] =	wrdreg s15  }
0x12: {  	s15 =	sadd.s32 s12, s18;
	s18 =	smul.u32 $0x2800, s5;
	s17 =	sadd.s32 s13, s21  }
0x13: {  	s22 =	sadd.s32 s12, s16;
	s25 =	sadd.s32 s13, s19;
	s5 =	smul.u32 $0xA000, s5  }
0x14: {  	s2 =	sshrl.u32 s2, $0x2;
	[dreg:$0x7] =	wrdreg s15;
	s15 =	sshrl.u32 s20, $0x3  }
0x15: {  	[dreg:$0x9] =	wrdreg s22;
	s23 =	sshrl.u32 s17, $0x3;
	s20 =	sshrl.u32 s25, $0x3  }
0x16: {  	s22 =	sor.u32 $0x20, s14;
	s17 =	sshll.u32 s6, $0xB;
	s15 =	sadd.s32 s12, s15  }
0x17: {  	s24 =	sadd.s32 s13, s18;
	s21 =	sadd.s32 s12, s20;
	s13 =	sadd.s32 s13, s26  }
0x18: {  	s26 =	sshll.u32 s31, $0xC;
	s18 =	sadd.s32 $0x3400, s11;
	s20 =	sshll.u32 s22, $0x5  }
0x19: {  	[dreg:$0x8] =	wrdreg s15;
	s15 =	sadd.s32 s12, s23;
	s19 =	sshrl.u32 s24, $0x3  }
0x1a: {  	[dreg:$0xc] =	wrdreg s21;
	s13 =	sshrl.u32 s13, $0x3;
	s23 =	sshll.u32 s7, $0x1  }
0x1b: {  	s24 =	sshll.u32 s22, $0xB;
	s21 =	sshll.u32 s31, $0x6;
	s22 =	smul.u32 $0xA000, s31  }
0x1c: {  	s7 =	smul.u32 $0xA000, s7;
	[dreg:$0xa] =	wrdreg s15;
	s15 =	sadd.s32 s12, s19  }
0x1d: {  	s12 =	sadd.s32 s12, s13;
	s16 =	sor.u32 s6, s23;
	[dreg:$0xb] =	wrdreg s15  }
0x1e: {  	s19 =	sshll.u32 s14, $0x5;
	s6 =	sshll.u32 s6, $0x5;
	[dreg:$0xd] =	wrdreg s12  }
0x1f: {  	s12 =	sadd.s32 s10, s24;
	s25 =	sshll.u32 s16, $0xB;
	s11 =	sadd.s32 s18, s19  }
0x20: {  	s16 =	sshll.u32 s16, $0x5;
	s23 =	sshrl.u32 s22, $0x2;
	s7 =	sshrl.u32 s7, $0x2  }
0x21: {  	s24 =	smul.u32 $0xA000, s1;
	s19 =	simm.s32 $0x200;
	[dreg:$0xe] =	wrdreg s12  }
0x22: {  	s12 =	sadd.s32 s10, s25;
	s10 =	sadd.s32 s26, s10;
	[dreg:$0x10] =	wrdreg s11  }
0x23: {  	s11 =	sadd.s32 s18, s20;
	s16 =	sadd.s32 s18, s16;
	s20 =	rddreg [dreg:$0x3]  }
0x24: {  	s26 =	sshrl.u32 s5, $0x2;
	s5 =	simm.s32 $0x3;
	[dreg:$0xf] =	wrdreg s12  }
0x25: {  	s13 =	sadd.s32 s17, s10;
	[dreg:$0x11] =	wrdreg s11;
	s10 =	sadd.s32 s21, s18  }
0x26: {  	s17 =	simm.s32 $0x0;
	s21 =	sadd.s32 s23, s20;
	s22 =	sadd.s32 s8, s20  }
0x27: {  	s23 =	sadd.s32 s7, s20;
	s25 =	sshrl.u32 s24, $0x2;
	s24 =	sadd.s32 s4, s20  }
0x28: {  	s26 =	sadd.s32 s26, s20;
	s28 =	sadd.s32 s2, s20;
	s29 =	sadd.s32 s3, s20  }
0x29: {  	s18 =	simm.s32 $0x100;
	s2 =	simm.s32 $0x4200;
	s3 =	simm.s32 $0x1  }
0x2a: {  	s4 =	simm.s32 $0x80;
	s7 =	simm.s32 $0x4;
	s8 =	simm.s32 $0x0  }
0x2b: {  	s6 =	sadd.s32 s6, s10;
	[smem:$0x7FF] =	sst s17;
	s25 =	sadd.s32 s25, s20  }
0x2c: {  	_ =	strace $0x8000004A;
	s11 =	sadd.s32 $0x1000, s6;
	s6 =	simm.s32 $0x2  }
.LBB2_1:
0x2d: {  	s9 =	rddreg [dreg:$0x2]  }
0x2e: {  	[tilespmem:s19], [sflag:$0x5] =	stream.linear.gather [hbm4b:s9+s17], $0x2800, $0x38;
	[tilespmem:$0x1BA80] =	vst v63  }
0x2f: {  	_ =	swait.ge [sflag:s0], $0x2800  }
0x30: {  	[sflag:s0] =	ssyncset.done $0x0  }
0x31: {  	[sflag:s0] =	ssyncadd.s32 $0xFFFFD800  }
0x32: {  	[spmem:s21] =	stream.linear.scatter [tilespmem:s19], [sflag:$0x5], $0x2800, $0x38;
	[tilespmem:$0x1BA80] =	vst v63  }
0x33: {  	_ =	swait.ge [sflag:s0], $0x2800  }
0x34: {  	[sflag:s0] =	ssyncset.done $0x0  }
0x35: {  	[sflag:s0] =	ssyncadd.s32 $0xFFFFD800  }
0x36: {  	[spmem:s22] =	stream.linear.scatter [tilespmem:s19], [sflag:$0x5], $0x2800, $0x38;
	[tilespmem:$0x1BA80] =	vst v63  }
0x37: {  	_ =	swait.ge [sflag:s0], $0x2800  }
0x38: {  	[sflag:s0] =	ssyncset.done $0x0  }
0x39: {  	[sflag:s0] =	ssyncadd.s32 $0xFFFFD800  }
0x3a: {  	[spmem:s23] =	stream.linear.scatter [tilespmem:s19], [sflag:$0x5], $0x2800, $0x38;
	[tilespmem:$0x1BA80] =	vst v63  }
0x3b: {  	_ =	swait.ge [sflag:s0], $0x2800  }
0x3c: {  	[sflag:s0] =	ssyncset.done $0x0  }
0x3d: {  	[sflag:s0] =	ssyncadd.s32 $0xFFFFD800  }
0x3e: {  	[spmem:s24] =	stream.linear.scatter [tilespmem:s19], [sflag:$0x5], $0x2800, $0x38;
	[tilespmem:$0x1BA80] =	vst v63  }
0x3f: {  	_ =	swait.ge [sflag:s0], $0x2800  }
0x40: {  	[sflag:s0] =	ssyncset.done $0x0  }
0x41: {  	[sflag:s0] =	ssyncadd.s32 $0xFFFFD800  }
0x42: {  	[spmem:s25] =	stream.linear.scatter [tilespmem:s19], [sflag:$0x5], $0x2800, $0x38;
	[tilespmem:$0x1BA80] =	vst v63  }
0x43: {  	_ =	swait.ge [sflag:s0], $0x2800  }
0x44: {  	[sflag:s0] =	ssyncset.done $0x0  }
0x45: {  	[sflag:s0] =	ssyncadd.s32 $0xFFFFD800  }
0x46: {  	[spmem:s26] =	stream.linear.scatter [tilespmem:s19], [sflag:$0x5], $0x2800, $0x38;
	[tilespmem:$0x1BA80] =	vst v63  }
0x47: {  	_ =	swait.ge [sflag:s0], $0x2800  }
0x48: {  	[sflag:s0] =	ssyncset.done $0x0  }
0x49: {  	[sflag:s0] =	ssyncadd.s32 $0xFFFFD800  }
0x4a: {  	[spmem:s28] =	stream.linear.scatter [tilespmem:s19], [sflag:$0x5], $0x2800, $0x38;
	[tilespmem:$0x1BA80] =	vst v63  }
0x4b: {  	_ =	swait.ge [sflag:s0], $0x2800  }
0x4c: {  	[sflag:s0] =	ssyncset.done $0x0  }
0x4d: {  	s9 =	simm.s32 @!p1 $0x200;
	[sflag:s0] =	ssyncadd.s32 $0xFFFFD800  }
0x4e: {  	[spmem:s29] =	stream.linear.scatter @!p1 [tilespmem:s9], [sflag:$0x5], $0x2800, $0x38;
	[tilespmem:$0x1BA80] =	vst v63  }
0x4f: {  	s9 =	simm.s32 @!p1 $0x5  }
0x50: {  	_ =	swait.ge @!p1 [sflag:s9], $0x2800  }
0x51: {  	[sflag:s9] =	ssyncset.done @!p1 $0x0  }
0x52: {  	[sflag:s9] =	ssyncadd.s32 @!p1 $0xFFFFD800  }
0x53: {  	[bflag:$0x0] =	sbarrier.arrive $0xFFFF  }
0x54: {  	s12 =	rddreg [dreg:$0x10]  }
0x55: {  	[tilespmem:s17], [sflag:$0x1] =	stream.linear.gather [hbm4b:s12+s17], $0x100, $0x38;
	[tilespmem:$0x1BA80] =	vst v63  }
0x56: {  	s14 =	rddreg [dreg:$0x5]  }
0x57: {  	[tilespmem:s19], [sflag:$0x1] =	stream.linear.gather [hbm4b:s14+s17], $0x4000, $0x38;
	[tilespmem:$0x1BA80] =	vst v63  }
0x58: {  	s15 =	rddreg [dreg:$0x11]  }
0x59: {  	[tilespmem:s18], [sflag:$0x2] =	stream.linear.gather [hbm4b:s15+s17], $0x100, $0x38;
	[tilespmem:$0x1BA80] =	vst v63  }
0x5a: {  	s10 =	rddreg [dreg:$0xe]  }
0x5b: {  	[tilespmem:s2], [sflag:$0x2] =	stream.linear.gather [hbm4b:s10+s17], $0x4000, $0x38;
	[tilespmem:$0x1BA80] =	vst v63  }
0x5c: {  	_ =	swait.ge [sflag:s3], $0x100  }
0x5d: {  	[sflag:s3] =	ssyncset.done $0x0  }
0x5e: {  	[sflag:s3] =	ssyncadd.s32 $0xFFFFFF00  }
0x5f: {  	_ =	swait.ge [sflag:s3], $0x4000  }
0x60: {  	[sflag:s3] =	ssyncset.done $0x0  }
0x61: {  	[sflag:s3] =	ssyncadd.s32 $0xFFFFC000  }
0x62: {  	[spmem:s20] =	stream.indirect.scatter.add.f32 [tilespmem:s19], [sflag:$0x3], $0x80, s17, s4, $0xb8;
	[tilespmem:$0x1BA80] =	vst v63  }
0x63: {  	_ =	swait.ge [sflag:s5], $0x4000  }
0x64: {  	[sflag:s5] =	ssyncset.done $0x0  }
0x65: {  	[sflag:s5] =	ssyncadd.s32 $0xFFFFC000  }
0x66: {  	[tilespmem:s17], [sflag:$0x1] =	stream.linear.gather [hbm4b:s16+s17], $0x100, $0x38;
	[tilespmem:$0x1BA80] =	vst v63  }
0x67: {  	s12 =	rddreg [dreg:$0xf]  }
0x68: {  	[tilespmem:s19], [sflag:$0x1] =	stream.linear.gather [hbm4b:s12+s17], $0x4000, $0x38;
	[tilespmem:$0x1BA80] =	vst v63  }
0x69: {  	_ =	swait.ge [sflag:s6], $0x100  }
0x6a: {  	[sflag:s6] =	ssyncset.done $0x0  }
0x6b: {  	[sflag:s6] =	ssyncadd.s32 $0xFFFFFF00  }
0x6c: {  	_ =	swait.ge [sflag:s6], $0x4000  }
0x6d: {  	[sflag:s6] =	ssyncset.done $0x0  }
0x6e: {  	[sflag:s6] =	ssyncadd.s32 $0xFFFFC000  }
0x6f: {  	[spmem:s20] =	stream.indirect.scatter.add.f32 [tilespmem:s2], [sflag:$0x4], $0x80, s18, s4, $0xb8;
	[tilespmem:$0x1BA80] =	vst v63  }
0x70: {  	_ =	swait.ge [sflag:s7], $0x4000  }
0x71: {  	[sflag:s7] =	ssyncset.done $0x0  }
0x72: {  	s14 =	sadd.s32 $0xFFFFFC00, s11;
	s10 =	sadd.s32 $0x0, s13;
	[sflag:s7] =	ssyncadd.s32 $0xFFFFC000  }
0x73: {  	[tilespmem:s18], [sflag:$0x2] =	stream.linear.gather [hbm4b:s14+s17], $0x100, $0x38;
	[tilespmem:$0x1BA80] =	vst v63  }
0x74: {  	s15 =	sadd.s32 $0x30000, s10  }
0x75: {  	[tilespmem:s2], [sflag:$0x2] =	stream.linear.gather [hbm4b:s15+s17], $0x4000, $0x38;
	[tilespmem:$0x1BA80] =	vst v63  }
0x76: {  	_ =	swait.ge [sflag:s3], $0x100  }
0x77: {  	[sflag:s3] =	ssyncset.done $0x0  }
0x78: {  	[sflag:s3] =	ssyncadd.s32 $0xFFFFFF00  }
0x79: {  	_ =	swait.ge [sflag:s3], $0x4000  }
0x7a: {  	p2 =	sgt.u32 s1, $0x4E1;
	[sflag:s3] =	ssyncset.done $0x0  }
0x7b: {  	s9 =	simm.s32 @!p2 $0x3;
	[sflag:s3] =	ssyncadd.s32 $0xFFFFC000  }
0x7c: {  	[spmem:s20] =	stream.indirect.scatter.add.f32 [tilespmem:s19], [sflag:$0x3], $0x80, s17, s4, $0xb8;
	[tilespmem:$0x1BA80] =	vst v63  }
0x7d: {  	_ =	swait.ge @!p2 [sflag:s9], $0x4000  }
0x7e: {  	[sflag:s9] =	ssyncset.done @!p2 $0x0  }
0x7f: {  	s31 =	simm.s32 @!p2 $0x0;
	s10 =	sadd.s32 @!p2 $0x0, s13;
	[sflag:s9] =	ssyncadd.s32 @!p2 $0xFFFFC000  }
0x80: {  	[tilespmem:s31], [sflag:$0x1] =	stream.linear.gather @!p2 [hbm4b:s11+s31], $0x100, $0x38;
	[tilespmem:$0x1BA80] =	vst v63  }
0x81: {  	s9 =	sadd.s32 @!p2 $0x40000, s10;
	s10 =	simm.s32 @!p2 $0x200  }
0x82: {  	[tilespmem:s10], [sflag:$0x1] =	stream.linear.gather @!p2 [hbm4b:s9+s31], $0x4000, $0x38;
	[tilespmem:$0x1BA80] =	vst v63  }
0x83: {  	_ =	swait.ge [sflag:s6], $0x100  }
0x84: {  	[sflag:s6] =	ssyncset.done $0x0  }
0x85: {  	[sflag:s6] =	ssyncadd.s32 $0xFFFFFF00  }
0x86: {  	s9 =	simm.s32 $0x20000;
	_ =	swait.ge [sflag:s6], $0x4000  }
0x87: {  	s10 =	sadd.s32 $0x20, s1;
	s31 =	smov.u32 s11;
	[sflag:s6] =	ssyncset.done $0x0  }
.LBB2_2:
0x88: {  	[sflag:s6] =	ssyncadd.s32 $0xFFFFC000  }
0x89: {  	s31 =	sadd.s32 $0x800, s31;
	s12 =	smov.u32 s9;
	s9 =	sadd.s32 $0x20000, s9  }
0x8a: {  	[spmem:s20] =	stream.indirect.scatter.add.f32 [tilespmem:s2], [sflag:$0x4], $0x80, s18, s4, $0xb8;
	[tilespmem:$0x1BA80] =	vst v63  }
0x8b: {  	p2 =	sne.s32 s9, $0x4C0000;
	_ =	swait.ge [sflag:s7], $0x4000  }
0x8c: {  	s14 =	sadd.s32 $0xFFFFFC00, s31;
	s15 =	sadd.s32 s12, s13;
	[sflag:s7] =	ssyncset.done $0x0  }
0x8d: {  	[sflag:s7] =	ssyncadd.s32 $0xFFFFC000  }
0x8e: {  	[tilespmem:s18], [sflag:$0x2] =	stream.linear.gather [hbm4b:s14+s17], $0x100, $0x38;
	[tilespmem:$0x1BA80] =	vst v63  }
0x8f: {  	s14 =	sadd.s32 $0x30000, s15  }
0x90: {  	[tilespmem:s2], [sflag:$0x2] =	stream.linear.gather [hbm4b:s14+s17], $0x4000, $0x38;
	[tilespmem:$0x1BA80] =	vst v63  }
0x91: {  	_ =	swait.ge [sflag:s3], $0x100  }
0x92: {  	[sflag:s3] =	ssyncset.done $0x0  }
0x93: {  	[sflag:s3] =	ssyncadd.s32 $0xFFFFFF00  }
0x94: {  	_ =	swait.ge [sflag:s3], $0x4000  }
0x95: {  	p3 =	sgt.u32 s10, $0x4E1;
	[sflag:s3] =	ssyncset.done $0x0  }
0x96: {  	s12 =	sadd.s32 @!p3 s12, s13;
	s14 =	simm.s32 @!p3 $0x3;
	[sflag:s3] =	ssyncadd.s32 $0xFFFFC000  }
0x97: {  	[spmem:s20] =	stream.indirect.scatter.add.f32 [tilespmem:s19], [sflag:$0x3], $0x80, s17, s4, $0xb8;
	[tilespmem:$0x1BA80] =	vst v63  }
0x98: {  	s12 =	sadd.s32 @!p3 $0x40000, s12;
	_ =	swait.ge @!p3 [sflag:s14], $0x4000  }
0x99: {  	s15 =	simm.s32 @!p3 $0x0;
	[sflag:s14] =	ssyncset.done @!p3 $0x0  }
0x9a: {  	[sflag:s14] =	ssyncadd.s32 @!p3 $0xFFFFC000;
	s14 =	simm.s32 @!p3 $0x200  }
0x9b: {  	[tilespmem:s15], [sflag:$0x1] =	stream.linear.gather @!p3 [hbm4b:s31+s15], $0x100, $0x38;
	[tilespmem:$0x1BA80] =	vst v63  }
0x9c: {  	_ = 	snop  }
0x9d: {  	[tilespmem:s14], [sflag:$0x1] =	stream.linear.gather @!p3 [hbm4b:s12+s15], $0x4000, $0x38;
	[tilespmem:$0x1BA80] =	vst v63  }
.Ltmp0:
0x9e: {  	_ =	swait.ge [sflag:s6], $0x100;
	(pc) =	sbr.rel @p2 .LBB2_2-.Ltmp0, $4  }
0x9f: {  	[sflag:s6] =	ssyncset.done $0x0  }
0xa0: {  	[sflag:s6] =	ssyncadd.s32 $0xFFFFFF00  }
0xa1: {  	_ =	swait.ge [sflag:s6], $0x4000  }
0xa2: {  	s10 =	sadd.s32 $0x20, s10;
	[sflag:s6] =	ssyncset.done $0x0  }
0xa3: {  	[sflag:s6] =	ssyncadd.s32 $0xFFFFC000;
	s9 =	simm.s32 @!p0 $0x1  }
0xa4: {  	[spmem:s20] =	stream.indirect.scatter.add.f32 [tilespmem:s2], [sflag:$0x4], $0x80, s18, s4, $0xb8;
	[tilespmem:$0x1BA80] =	vst v63  }
0xa5: {  	_ =	swait.ge @!p0 [sflag:s9], $0x100  }
0xa6: {  	[sflag:s9] =	ssyncset.done @!p0 $0x0  }
0xa7: {  	[sflag:s9] =	ssyncadd.s32 @!p0 $0xFFFFFF00  }
0xa8: {  	_ =	swait.ge @!p0 [sflag:s9], $0x4000  }
0xa9: {  	s10 =	simm.s32 @!p0 $0x0;
	[sflag:s9] =	ssyncset.done @!p0 $0x0  }
0xaa: {  	s12 =	simm.s32 @!p0 $0x200;
	[sflag:s9] =	ssyncadd.s32 @!p0 $0xFFFFC000;
	s9 =	simm.s32 @!p0 $0x80  }
0xab: {  	[spmem:s20] =	stream.indirect.scatter.add.f32 @!p0 [tilespmem:s12], [sflag:$0x3], $0x80, s10, s9, $0xb8;
	[tilespmem:$0x1BA80] =	vst v63  }
0xac: {  	_ =	swait.ge [sflag:s5], $0x4000  }
0xad: {  	[sflag:s5] =	ssyncset.done $0x0  }
0xae: {  	[sflag:s5] =	ssyncadd.s32 $0xFFFFC000  }
0xaf: {  	_ =	swait.ge [sflag:s7], $0x4000  }
0xb0: {  	[sflag:s7] =	ssyncset.done $0x0  }
0xb1: {  	[sflag:s7] =	ssyncadd.s32 $0xFFFFC000  }
0xb2: {  	[bflag:$0x0] =	sbarrier.arrive $0xFFFF  }
0xb3: {  	[tilespmem:s19], [sflag:$0x5] =	stream.linear.gather [spmem:s21], $0x2800, $0x38;
	[tilespmem:$0x1BA80] =	vst v63  }
0xb4: {  	_ =	swait.ge [sflag:s0], $0x2800  }
0xb5: {  	[sflag:s0] =	ssyncset.done $0x0  }
0xb6: {  	s15 =	rddreg [dreg:$0x6];
	[sflag:s0] =	ssyncadd.s32 $0xFFFFD800  }
0xb7: {  	[hbm4b:s15+s17] =	stream.linear.scatter [tilespmem:s19], [sflag:$0x5], $0x2800, $0x38;
	[tilespmem:$0x1BA80] =	vst v63  }
0xb8: {  	_ =	swait.ge [sflag:s0], $0x2800  }
0xb9: {  	[sflag:s0] =	ssyncset.done $0x0  }
0xba: {  	[sflag:s0] =	ssyncadd.s32 $0xFFFFD800  }
0xbb: {  	[tilespmem:s19], [sflag:$0x5] =	stream.linear.gather [spmem:s22], $0x2800, $0x38;
	[tilespmem:$0x1BA80] =	vst v63  }
0xbc: {  	_ =	swait.ge [sflag:s0], $0x2800  }
0xbd: {  	[sflag:s0] =	ssyncset.done $0x0  }
0xbe: {  	s31 =	rddreg [dreg:$0x7];
	[sflag:s0] =	ssyncadd.s32 $0xFFFFD800  }
0xbf: {  	[hbm4b:s31+s17] =	stream.linear.scatter [tilespmem:s19], [sflag:$0x5], $0x2800, $0x38;
	[tilespmem:$0x1BA80] =	vst v63  }
0xc0: {  	_ =	swait.ge [sflag:s0], $0x2800  }
0xc1: {  	[sflag:s0] =	ssyncset.done $0x0  }
0xc2: {  	[sflag:s0] =	ssyncadd.s32 $0xFFFFD800  }
0xc3: {  	[tilespmem:s19], [sflag:$0x5] =	stream.linear.gather [spmem:s23], $0x2800, $0x38;
	[tilespmem:$0x1BA80] =	vst v63  }
0xc4: {  	_ =	swait.ge [sflag:s0], $0x2800  }
0xc5: {  	[sflag:s0] =	ssyncset.done $0x0  }
0xc6: {  	s10 =	rddreg [dreg:$0x8];
	[sflag:s0] =	ssyncadd.s32 $0xFFFFD800  }
0xc7: {  	[hbm4b:s10+s17] =	stream.linear.scatter [tilespmem:s19], [sflag:$0x5], $0x2800, $0x38;
	[tilespmem:$0x1BA80] =	vst v63  }
0xc8: {  	_ =	swait.ge [sflag:s0], $0x2800  }
0xc9: {  	[sflag:s0] =	ssyncset.done $0x0  }
0xca: {  	[sflag:s0] =	ssyncadd.s32 $0xFFFFD800  }
0xcb: {  	[tilespmem:s19], [sflag:$0x5] =	stream.linear.gather [spmem:s24], $0x2800, $0x38;
	[tilespmem:$0x1BA80] =	vst v63  }
0xcc: {  	_ =	swait.ge [sflag:s0], $0x2800  }
0xcd: {  	[sflag:s0] =	ssyncset.done $0x0  }
0xce: {  	s12 =	rddreg [dreg:$0x9];
	[sflag:s0] =	ssyncadd.s32 $0xFFFFD800  }
0xcf: {  	[hbm4b:s12+s17] =	stream.linear.scatter [tilespmem:s19], [sflag:$0x5], $0x2800, $0x38;
	[tilespmem:$0x1BA80] =	vst v63  }
0xd0: {  	_ =	swait.ge [sflag:s0], $0x2800  }
0xd1: {  	[sflag:s0] =	ssyncset.done $0x0  }
0xd2: {  	[sflag:s0] =	ssyncadd.s32 $0xFFFFD800  }
0xd3: {  	[tilespmem:s19], [sflag:$0x5] =	stream.linear.gather [spmem:s25], $0x2800, $0x38;
	[tilespmem:$0x1BA80] =	vst v63  }
0xd4: {  	_ =	swait.ge [sflag:s0], $0x2800  }
0xd5: {  	[sflag:s0] =	ssyncset.done $0x0  }
0xd6: {  	s14 =	rddreg [dreg:$0xa];
	[sflag:s0] =	ssyncadd.s32 $0xFFFFD800  }
0xd7: {  	[hbm4b:s14+s17] =	stream.linear.scatter [tilespmem:s19], [sflag:$0x5], $0x2800, $0x38;
	[tilespmem:$0x1BA80] =	vst v63  }
0xd8: {  	_ =	swait.ge [sflag:s0], $0x2800  }
0xd9: {  	[sflag:s0] =	ssyncset.done $0x0  }
0xda: {  	[sflag:s0] =	ssyncadd.s32 $0xFFFFD800  }
0xdb: {  	[tilespmem:s19], [sflag:$0x5] =	stream.linear.gather [spmem:s26], $0x2800, $0x38;
	[tilespmem:$0x1BA80] =	vst v63  }
0xdc: {  	_ =	swait.ge [sflag:s0], $0x2800  }
0xdd: {  	[sflag:s0] =	ssyncset.done $0x0  }
0xde: {  	s15 =	rddreg [dreg:$0xb];
	[sflag:s0] =	ssyncadd.s32 $0xFFFFD800  }
0xdf: {  	[hbm4b:s15+s17] =	stream.linear.scatter [tilespmem:s19], [sflag:$0x5], $0x2800, $0x38;
	[tilespmem:$0x1BA80] =	vst v63  }
0xe0: {  	_ =	swait.ge [sflag:s0], $0x2800  }
0xe1: {  	[sflag:s0] =	ssyncset.done $0x0  }
0xe2: {  	[sflag:s0] =	ssyncadd.s32 $0xFFFFD800  }
0xe3: {  	[tilespmem:s19], [sflag:$0x5] =	stream.linear.gather [spmem:s28], $0x2800, $0x38;
	[tilespmem:$0x1BA80] =	vst v63  }
0xe4: {  	_ =	swait.ge [sflag:s0], $0x2800  }
0xe5: {  	[sflag:s0] =	ssyncset.done $0x0  }
0xe6: {  	s31 =	rddreg [dreg:$0xc];
	[sflag:s0] =	ssyncadd.s32 $0xFFFFD800  }
0xe7: {  	[hbm4b:s31+s17] =	stream.linear.scatter [tilespmem:s19], [sflag:$0x5], $0x2800, $0x38;
	[tilespmem:$0x1BA80] =	vst v63  }
0xe8: {  	_ =	swait.ge [sflag:s0], $0x2800  }
0xe9: {  	[sflag:s0] =	ssyncset.done $0x0  }
0xea: {  	s9 =	simm.s32 @!p1 $0x200;
	s10 =	simm.s32 @!p1 $0x5;
	[sflag:s0] =	ssyncadd.s32 $0xFFFFD800  }
0xeb: {  	[tilespmem:s9], [sflag:$0x5] =	stream.linear.gather @!p1 [spmem:s29], $0x2800, $0x38;
	[tilespmem:$0x1BA80] =	vst v63  }
0xec: {  	s8 =	sadd.s32 $0x1, s8;
	_ =	swait.ge @!p1 [sflag:s10], $0x2800  }
0xed: {  	p2 =	sne.s32 s8, s30;
	s12 =	simm.s32 @!p1 $0x0;
	[sflag:s10] =	ssyncset.done @!p1 $0x0  }
.Ltmp1:
0xee: {  	s14 =	rddreg [dreg:$0xd];
	[sflag:s10] =	ssyncadd.s32 @!p1 $0xFFFFD800;
	(pc) =	sbr.rel @p2 .LBB2_1-.Ltmp1, $4  }
0xef: {  	[hbm4b:s14+s12] =	stream.linear.scatter @!p1 [tilespmem:s9], [sflag:$0x5], $0x2800, $0x38;
	[tilespmem:$0x1BA80] =	vst v63  }
0xf0: {  	_ =	swait.ge @!p1 [sflag:s10], $0x2800  }
0xf1: {  	[sflag:s10] =	ssyncset.done @!p1 $0x0  }
0xf2: {  	[sflag:s10] =	ssyncadd.s32 @!p1 $0xFFFFD800  }
0xf3: {  	_ =	sfence.sel $0x180000  }
0xf4: {  	[bflag:$0x0] =	sbarrier.arrive $0xFFFF  }
0xf5: {  	_ =	strace $0x9000004A  }
0xf6: {  	s0 =	stileid.u32;
	[bflag:$0x2] =	sbarrier.arrive $0xFFFF  }
0xf7: {  	p0 =	sne.s32 s0, $0x0;
	s0 =	rddreg [dreg:$0x4]  }
0xf8: {  	s0 =	sadd.s32 @!p0 $0x100000, s0  }
0xf9: {  	[sflag:s0] =	ssyncadd.tile.s32 @!p0 $0x1;
	_ =	shalt  }
.Lfunc_end2:
_tile_overlayer_lowered:
.L_overlay_start_2:
0xfa: {  	(tag) =	ssettag $0x2  }
0xfb: {  	s0 =	rddreg [dreg:$0x0];
	s2 =	stileid.u32  }
0xfc: {  	s1 =	rddreg [dreg:$0x1];
	p0 =	sne.s32 s2, $0x0  }
0xfd: {  	s3 =	rddreg [dreg:$0x2];
	[bflag:$0x3] =	sbarrier.arrive $0xFFFF;
	s2 =	simm.s32 @!p0 $0x1C05  }
0xfe: {  	[timem:s3], [sflag:s2] =	dma.local @!p0 [hbm:s0], s1  }
0xff: {  	s0 =	simm.s32 @!p0 $0x5  }
0x100: {  	_ =	swait.ge @!p0 [sflag:s0], s1  }
0x101: {  	s1 =	ssub.s32 @!p0 $0x0, s1;
	[sflag:s0] =	ssyncset.done @!p0 $0x0  }
0x102: {  	[sflag:s0] =	ssyncadd.s32 @!p0 s1  }
0x103: {  	[bflag:$0x3] =	sbarrier.arrive $0xFFFF  }
0x104: {  	_ =	shalt  }

// kernel: kernel.7.cloned.1.call-start
scs
__scs_entry_jumppad:
0x0: {  	(pc) =	sbr.rel $0x88, $3  }
0x1: {  	(tag) =	ssettag $0x0;
	lr =	simm.s32 $0x1  }
0x2: {  	[smem:$0x3F96] =	sst lr;
	_ =	strace $0xD0000000  }
0x3: {  	_ = 	snop  }
0x4: {  	_ = 	snop  }
0x5: {  	_ = 	snop  }
0x6: {  	_ = 	snop  }
0x7: {  	_ = 	snop  }
__scs_overlays_trampoline_lowered:
0x8: {  	[smem:$0x3FA5] =	sst s0  }
0x9: {  	[smem:$0x3FA6] =	sst s1  }
0xa: {  	[smem:$0x3FA7] =	sst s2  }
0xb: {  	[smem:$0x3FA8] =	sst s3  }
0xc: {  	[smem:$0x3FA9] =	sst s4  }
0xd: {  	[smem:$0x3FAA] =	sst s5  }
0xe: {  	[smem:$0x3FAB] =	sst s6  }
0xf: {  	[smem:$0x3FAC] =	sst s7  }
0x10: {  	[smem:$0x3FAD] =	sst s8  }
0x11: {  	[smem:$0x3FAE] =	sst s9;
	s0 =	simm.s32 @!p0 $0x0  }
0x12: {  	s1 =	sld [smem:$0x3F94];
	s0 =	simm.s32 @p0 $0x1  }
0x13: {  	[smem:$0x3FAF] =	sst s0;
	s0 =	simm.s32 @!p1 $0x0  }
0x14: {  	s2 =	sld [smem:$0x3F93];
	s0 =	simm.s32 @p1 $0x1  }
0x15: {  	[smem:$0x3FB0] =	sst s0;
	s0 =	simm.s32 @!p2 $0x0  }
0x16: {  	s3 =	sld [smem:$0x3FDB];
	s0 =	simm.s32 @p2 $0x1  }
0x17: {  	s4 =	simm.s32 $0x1BF5;
	[smem:$0x3FB2] =	sst s0  }
0x18: {  	s0 =	sld [smem:$0x3F95];
	_ =	swait.ge [sflag:s4], $0x0  }
0x19: {  	s7 =	sld [smem:$0x3F96]  }
0x1a: {  	s8 =	sadd.s32 $0xFFFFE003, lr  }
0x1b: {  	s9 =	sadd.s32 $0xFFFFFEF7, lr;
	s5 =	simm.s32 $0xFFFFFFFF;
	p2 =	slt.u32 s8, $0xFFFFF086  }
0x1c: {  	p1 =	slt.u32 s9, $0xF7A;
	s5 =	simm.s32 @!p2 $0x0  }
0x1d: {  	s5 =	simm.s32 @p1 $0x1;
	p0 =	seq.s32 s7, s2  }
0x1e: {  	s7 =	smul.u32 @!p0 $0xF7A, s2;
	p2 =	seq.s32 @!p0 s5, $0x0  }
0x1f: {  	s9 =	smul.u32 $0xF7A, s1;
	s8 =	simm.s32 @!p0 $0x1BF5;
	p2 =	por !p2, p0  }
0x20: {  	[sflag:s8] =	ssyncset.s32 @!p0 $0xFFFFF086;
	s6 =	sadd.s32 @!p0 s3, s7;
	s7 =	simm.s32 @!p0 $0x108  }
0x21: {  	s3 =	sadd.s32 s3, s9;
	s6 =	sadd.s32 @!p0 $0x88, s6;
	s7 =	simm.s32 @p2 $0x1082  }
0x22: {  	[simem:s7], [sflag:s8] =	dma.local @!p0 [hbm:s6], $0xF7A  }
0x23: {  	s9 =	sor.u32 $0xD0000000, s2;
	s6 =	simm.s32 $0x108;
	_ =	swait.ge @!p0 [sflag:s8], $0x0  }
0x24: {  	s3 =	sadd.s32 $0x88, s3;
	s6 =	simm.s32 @!p1 $0x1082;
	[sflag:s4] =	ssyncset.s32 $0xFFFFF086  }
0x25: {  	[simem:s6], [sflag:s4] =	dma.local [hbm:s3], $0xF7A  }
0x26: {  	[smem:$0x3F96] =	sst s1;
	(tag) =	ssettag s2;
	_ =	strace s9  }
0x27: {  	s1 =	sld [smem:$0x3FA6]  }
0x28: {  	s2 =	sld [smem:$0x3FA7]  }
0x29: {  	s4 =	sld [smem:$0x3FA9]  }
0x2a: {  	p0 =	seq.s32 s5, $0x0;
	s5 =	sld [smem:$0x3FAA]  }
0x2b: {  	s6 =	sld [smem:$0x3FAB]  }
0x2c: {  	s7 =	sld [smem:$0x3FAC]  }
0x2d: {  	s3 =	simm.s32 $0x108;
	s8 =	sld [smem:$0x3FAD]  }
0x2e: {  	s3 =	simm.s32 @!p0 $0x1082;
	s9 =	sld [smem:$0x3FAE]  }
0x2f: {  	lr =	sadd.s32 s0, s3;
	s0 =	sld [smem:$0x3FA5]  }
0x30: {  	s3 =	sld [smem:$0x3FA8]  }
0x31: {  	[smem:$0x3FB1] =	sst s10  }
0x32: {  	s10 =	sld [smem:$0x3FAF];
	_ =	sdelay $0x3  }
0x33: {  	p0 =	seq.s32 s10, $0x1;
	s10 =	sld [smem:$0x3FB1];
	_ =	sdelay $0x3  }
0x34: {  	[smem:$0x3FB1] =	sst s10  }
0x35: {  	s10 =	sld [smem:$0x3FB0];
	_ =	sdelay $0x3  }
0x36: {  	p1 =	seq.s32 s10, $0x1;
	s10 =	sld [smem:$0x3FB1];
	_ =	sdelay $0x3  }
0x37: {  	[smem:$0x3FB1] =	sst s10  }
0x38: {  	s10 =	sld [smem:$0x3FB2]  }
0x39: {  	_ = 	snop;
	(pc) =	sbr.ind lr, $3  }
0x3a: {  	_ = 	snop  }
0x3b: {  	_ = 	snop  }
0x3c: {  	p2 =	seq.s32 s10, $0x1;
	s10 =	sld [smem:$0x3FB1]  }
0x3d: {  	_ =	shalt  }
0x3e: {  	_ =	shalt  }
0x3f: {  	_ =	shalt  }
0x40: {  	_ =	shalt  }
0x41: {  	_ =	shalt  }
0x42: {  	_ =	shalt  }
0x43: {  	_ =	shalt  }
0x44: {  	_ =	shalt  }
0x45: {  	_ =	shalt  }
0x46: {  	_ =	shalt  }
0x47: {  	_ =	shalt  }
0x48: {  	_ =	shalt  }
0x49: {  	_ =	shalt  }
0x4a: {  	_ =	shalt  }
0x4b: {  	_ =	shalt  }
0x4c: {  	_ =	shalt  }
0x4d: {  	_ =	shalt  }
0x4e: {  	_ =	shalt  }
0x4f: {  	_ =	shalt  }
0x50: {  	_ =	shalt  }
0x51: {  	_ =	shalt  }
0x52: {  	_ =	shalt  }
0x53: {  	_ =	shalt  }
0x54: {  	_ =	shalt  }
0x55: {  	_ =	shalt  }
0x56: {  	_ =	shalt  }
0x57: {  	_ =	shalt  }
0x58: {  	_ =	shalt  }
0x59: {  	_ =	shalt  }
0x5a: {  	_ =	shalt  }
0x5b: {  	_ =	shalt  }
0x5c: {  	_ =	shalt  }
0x5d: {  	_ =	shalt  }
0x5e: {  	_ =	shalt  }
0x5f: {  	_ =	shalt  }
0x60: {  	_ =	shalt  }
0x61: {  	_ =	shalt  }
0x62: {  	_ =	shalt  }
0x63: {  	_ =	shalt  }
0x64: {  	_ =	shalt  }
0x65: {  	_ =	shalt  }
0x66: {  	_ =	shalt  }
0x67: {  	_ =	shalt  }
0x68: {  	_ =	shalt  }
0x69: {  	_ =	shalt  }
0x6a: {  	_ =	shalt  }
0x6b: {  	_ =	shalt  }
0x6c: {  	_ =	shalt  }
0x6d: {  	_ =	shalt  }
0x6e: {  	_ =	shalt  }
0x6f: {  	_ =	shalt  }
0x70: {  	_ =	shalt  }
0x71: {  	_ =	shalt  }
0x72: {  	_ =	shalt  }
0x73: {  	_ =	shalt  }
0x74: {  	_ =	shalt  }
0x75: {  	_ =	shalt  }
0x76: {  	_ =	shalt  }
0x77: {  	_ =	shalt  }
0x78: {  	_ =	shalt  }
0x79: {  	_ =	shalt  }
0x7a: {  	_ =	shalt  }
0x7b: {  	_ =	shalt  }
0x7c: {  	_ =	shalt  }
0x7d: {  	_ =	shalt  }
0x7e: {  	_ =	shalt  }
0x7f: {  	_ =	shalt  }
0x80: {  	_ =	shalt  }
0x81: {  	_ =	shalt  }
0x82: {  	_ =	shalt  }
0x83: {  	_ =	shalt  }
0x84: {  	_ =	shalt  }
0x85: {  	_ =	shalt  }
0x86: {  	_ =	shalt  }
0x87: {  	_ =	shalt  }
.Lfunc_end0:
.L_simem_size_0:
called_computation_lowered:
.L_overlay_start_0:
0x88: {  	s2 =	sld [smem:$0x3FD9]  }
0x89: {  	s3 =	sld [smem:$0x3FFE];
	_ =	sdelay $0x1  }
0x8a: {  	s1 =	srdreg.scid  }
0x8b: {  	s0 =	sand.u32 $0x1, s1  }
0x8c: {  	s14 =	sshll.u32 s0, $0xA;
	s2 =	sadd.s32 s3, s2  }
0x8d: {  	s2 =	sadd.s32 s2, s14  }
0x8e: {  	[smem:$0x3FBD] =	sst s2  }
0x8f: {  	_ = 	snop  }
0x90: {  	s2 =	sld [smem:$0x3FD0];
	_ =	sdelay $0x2  }
0x91: {  	s15 =	simm.s32 $0xA;
	s4 =	simm.s32 $0x10  }
0x92: {  	[smem:s4], [sflag:s15] =	dma.local [hbm:s2], $0x1  }
0x93: {  	_ =	swait.eq [sflag:s15], $0x1  }
0x94: {  	s16 =	sld [smem:$0x10];
	[sflag:s15] =	ssyncset.done $0x0  }
0x95: {  	s17 =	sld [smem:$0x11];
	[sflag:s15] =	ssyncadd.s32 $0xFFFFFFFF  }
0x96: {  	s18 =	sld [smem:$0x12];
	(tm) =	ssettm $0x1  }
0x97: {  	s5 =	sld [smem:$0x3FFB];
	_ =	sdelay $0x3  }
0x98: {  	_ =	strace s5  }
0x99: {  	s5 =	sld [smem:$0x3FFC];
	_ =	sdelay $0x3  }
0x9a: {  	_ =	strace s5  }
0x9b: {  	s5 =	sld [smem:$0x3FFD];
	_ =	sdelay $0x3  }
0x9c: {  	_ =	strace s5  }
0x9d: {  	_ =	strace $0x8FFFFFFF  }
0x9e: {  	s19 =	sld [smem:$0x3FDB];
	_ =	sdelay $0x1  }
0x9f: {  	s6 =	simm.s32 $_scs_section_size  }
0xa0: {  	s7 =	simm.s32 $_size__tile_overlayer_lowered;
	s8 =	simm.s32 $_tile_overlayer_lowered  }
0xa1: {  	s22 =	simm.s32 $0x1BFF;
	s21 =	sshll.u32 s8, $0x1;
	s5 =	sadd.s32 s6, s19  }
0xa2: {  	s9 =	simm.s32 $0x0;
	s20 =	sshll.u32 s7, $0x1;
	s7 =	sadd.s32 s21, s5  }
0xa3: {  	[timem:s9], [sflag:s22] =	dma.local [hbm:s7], s20  }
0xa4: {  	_ =	swait.ge [sflag:s22], s20  }
0xa5: {  	s6 =	ssub.s32 $0x0, s20;
	[sflag:s22] =	ssyncset.done $0x0  }
0xa6: {  	[sflag:s22] =	ssyncadd.s32 s6;
	_ =	sdelay $0x1  }
0xa7: {  	s23 =	simm.s32 $0x1B8B  }
0xa8: {  	_ =	swait.ge [sflag:s23], $0x1  }
0xa9: {  	[sflag:s23] =	ssyncset.done $0x0  }
0xaa: {  	s25 =	simm.s32 $0x1B8E;
	s24 =	sld [smem:$0x3FFE];
	[sflag:s23] =	ssyncadd.s32 $0xFFFFFFFF  }
0xab: {  	s26 =	simm.s32 $execute0_lowered;
	[smem:$0x3FD2] =	sst s25  }
0xac: {  	s7 =	sshll.u32 s26, $0x1;
	_ =	strace $0x80000046;
	[dreg:$0x1] =	wrdreg $0xFFFFFFFF  }
0xad: {  	s28 =	simm.s32 $_size_execute0_lowered;
	s5 =	sadd.s32 s5, s7;
	[dreg:$0x0] =	wrdreg $0x0  }
0xae: {  	s7 =	sshll.u32 s28, $0x1;
	[dreg:$0x2] =	wrdreg s5  }
0xaf: {  	[dreg:$0x3] =	wrdreg s7  }
0xb0: {  	[dreg:$0x4] =	wrdreg $0xC0  }
0xb1: {  	_ =	task [dreg:s9], $0x5FFFF  }
0xb2: {  	[dreg:$0x1] =	wrdreg $0xFFFFFFFF  }
0xb3: {  	[dreg:$0x0] =	wrdreg $0x60  }
0xb4: {  	[dreg:$0x2] =	wrdreg s16  }
0xb5: {  	[dreg:$0x3] =	wrdreg s18  }
0xb6: {  	[dreg:$0x4] =	wrdreg s24  }
0xb7: {  	[dreg:$0x5] =	wrdreg s17  }
0xb8: {  	[dreg:$0x6] =	wrdreg $0x9  }
0xb9: {  	_ =	task.clear_ibuf [dreg:s9], $0x7FFFF;
	_ =	strace $0x90000046  }
0xba: {  	s29 =	simm.s32 $0x9;
	_ =	strace $0x80000048  }
0xbb: {  	_ =	swait.ge [sflag:s29], $0x1  }
0xbc: {  	[sflag:s29] =	ssyncadd.s32 $0xFFFFFFFF  }
0xbd: {  	_ =	strace $0x90000048  }
0xbe: {  	_ =	sfence  }
0xbf: {  	s30 =	sld [smem:$0x0];
	_ =	sdelay $0x2  }
0xc0: {  	s31 =	sshll.u32 s1, $0xD;
	s1 =	sshrl.u32 s1, $0x2  }
0xc1: {  	s3 =	sand.u32 $0x4000, s31;
	s1 =	sadd.s32 s1, s30  }
0xc2: {  	s0 =	sor.u32 s3, s0;
	s1 =	sshll.u32 s1, $0x11  }
0xc3: {  	s0 =	sor.u32 s1, s0  }
0xc4: {  	s0 =	sadd.s32 $0x8F2B, s0  }
0xc5: {  	[sflag:s0] =	ssyncadd.remote.s32 $0x1  }
0xc6: {  	_ =	sfence.sel $0xFFFF  }
0xc7: {  	[dreg:$0x0] =	wrdreg $0xFFFFFFFF;
	(pc) =	sbr.abs _section_cstart, $3  }
0xc8: {  	[dreg:$0x1] =	wrdreg $0xFFFFFFFF  }
0xc9: {  	_ =	task.clear_ibuf [dreg:s9], $0x2FFFF;
	_ =	strace $0x9FFFFFFF  }
0xca: {  	(tm) =	ssettm $0x7FFFFFFF  }
0xcb: {  	_ =	shalt  }
tec
execute0_lowered:
.L_overlay_start_1:
0x0: {  	(tag) =	ssettag $0x1  }
0x1: {  	s1 =	rddreg [dreg:$0x0]  }
0x2: {  	s2 =	rddreg [dreg:$0x1]  }
0x3: {  	s0 =	rddreg [dreg:$0x2]  }
0x4: {  	s5 =	simm.s32 $0x0;
	s3 =	srdreg.scid;
	s4 =	stileid.u32  }
0x5: {  	s21 =	simm.s32 $0x14500;
	s23 =	simm.s32 $0x16C80;
	s29 =	simm.s32 $0x300  }
0x6: {  	s31 =	simm.s32 $0x1;
	s30 =	simm.s32 $0x8300;
	s7 =	simm.s32 $0x0  }
0x7: {  	[smem:$0x7FF] =	sst s5;
	s3 =	sand.u32 $0x1, s3;
	s4 =	sshll.u32 s4, $0x1  }
0x8: {  	s6 =	sadd.s32 $0x2E00, s0;
	s24 =	sadd.s32 $0x2800, s0;
	s9 =	sadd.s32 $0x3400, s0  }
0x9: {  	s10 =	sadd.s32 $0x20C00, s0;
	_ =	strace $0x80000047;
	[dreg:$0x5] =	wrdreg s6  }
0xa: {  	s12 =	sadd.s32 $0x16E00, s0;
	[dreg:$0x6] =	wrdreg s24;
	s8 =	sor.u32 s3, s4  }
0xb: {  	s3 =	ssub.s32 $0x2, s3;
	s24 =	simm.s32 $0x19400;
	s6 =	simm.s32 $0x14400  }
0xc: {  	s4 =	sshll.u32 s8, $0x5;
	s25 =	sshrl.u32 s3, $0x1;
	s14 =	sor.u32 $0x40, s8  }
.Ltmp0:
0xd: {  	s15 =	sor.u32 $0x60, s8;
	s16 =	sor.u32 $0x80, s8;
	(pc) =	sbr.rel .LBB2_1-.Ltmp0, $4  }
0xe: {  	s17 =	sor.u32 $0xA0, s8;
	s18 =	sor.u32 $0xC0, s8;
	s4 =	sadd.s32 s9, s4  }
0xf: {  	s26 =	ssub.s32 s3, s25;
	[dreg:$0x7] =	wrdreg s4;
	s28 =	sadd.s32 $0x400, s4  }
0x10: {  	s19 =	sor.u32 $0xE0, s8;
	s0 =	smax.u32 s26, $0x1;
	[dreg:$0x8] =	wrdreg s28  }
0x11: {  	s25 =	simm.s32 $0x14380;
	s4 =	simm.s32 $0x2;
	[dreg:$0x9] =	wrdreg s0  }
.LBB2_27:
0x12: {  	s0 =	simm.s32 $0x3  }
0x13: {  	_ =	swait.ge [sflag:s0], $0x4000  }
0x14: {  	[sflag:s0] =	ssyncset.done $0x0  }
0x15: {  	[sflag:s0] =	ssyncadd.s32 $0xFFFFC000  }
0x16: {  	_ =	swait.ge [sflag:s0], $0x80  }
0x17: {  	[sflag:s0] =	ssyncset.done $0x0  }
0x18: {  	s26 =	simm.s32 $0x4;
	[sflag:s0] =	ssyncadd.s32 $0xFFFFFF80  }
0x19: {  	_ =	swait.ge [sflag:s26], $0x4000  }
0x1a: {  	[sflag:s26] =	ssyncset.done $0x0  }
0x1b: {  	[sflag:s26] =	ssyncadd.s32 $0xFFFFC000  }
0x1c: {  	_ =	swait.ge [sflag:s26], $0x80  }
0x1d: {  	[sflag:s26] =	ssyncset.done $0x0  }
0x1e: {  	s3 =	simm.s32 $0x5;
	[sflag:s26] =	ssyncadd.s32 $0xFFFFFF80  }
0x1f: {  	_ =	swait.ge [sflag:s3], $0x4000  }
0x20: {  	[sflag:s3] =	ssyncset.done $0x0  }
0x21: {  	[sflag:s3] =	ssyncadd.s32 $0xFFFFC000  }
0x22: {  	_ =	swait.ge [sflag:s3], $0x80  }
0x23: {  	s7 =	rddreg [dreg:$0xa]  }
0x24: {  	s28 =	rddreg [dreg:$0x9];
	s7 =	sadd.s32 $0x1, s7  }
0x25: {  	p0 =	sne.s32 s7, s28  }
.Ltmp1:
0x26: {  	_ = 	snop;
	(pc) =	sbr.rel @!p0 .LBB2_28-.Ltmp1, $3  }
0x27: {  	_ =	sdelay $0x1  }
0x28: {  	[sflag:s3] =	ssyncset.done $0x0  }
0x29: {  	[sflag:s3] =	ssyncadd.s32 $0xFFFFFF80  }
.LBB2_1:
0x2a: {  	[dreg:$0xa] =	wrdreg s7  }
0x2b: {  	s0 =	rddreg [dreg:$0x5];
	s3 =	simm.s32 $0x9  }
0x2c: {  	[tilespmem:s21], [sflag:$0x9] =	stream.linear.gather [hbm4b:s0+s5], $0x2780, $0x38;
	[tilespmem:$0x1BB80] =	vst v63  }
0x2d: {  	_ =	swait.ge [sflag:s3], $0x2780  }
0x2e: {  	[sflag:s3] =	ssyncset.done $0x0  }
0x2f: {  	s28 =	rddreg [dreg:$0x6];
	[sflag:s3] =	ssyncadd.s32 $0xFFFFD880  }
0x30: {  	[tilespmem:s23], [sflag:$0x9] =	stream.linear.gather [hbm4b:s28+s5], $0x2780, $0x38;
	[tilespmem:$0x1BB80] =	vst v63  }
0x31: {  	_ =	swait.ge [sflag:s3], $0x2780  }
0x32: {  	[sflag:s3] =	ssyncset.done $0x0  }
0x33: {  	[sflag:s3] =	ssyncadd.s32 $0xFFFFD880  }
0x34: {  	s7 =	rddreg [dreg:$0x3]  }
0x35: {  	[tilespmem:s24], [sflag:$0x9] =	stream.linear.gather [hbm4b:s7+s5], $0x2780, $0x38;
	[tilespmem:$0x1BB80] =	vst v63  }
0x36: {  	_ =	swait.ge [sflag:s3], $0x2780  }
0x37: {  	[sflag:s3] =	ssyncset.done $0x0  }
0x38: {  	s11 =	rddreg [dreg:$0x7];
	[sflag:s3] =	ssyncadd.s32 $0xFFFFD880  }
0x39: {  	[tilespmem:s5], [sflag:$0x6] =	stream.linear.gather [hbm4b:s11+s5], $0x100, $0x38;
	[tilespmem:$0x1BB80] =	vst v63  }
0x3a: {  	s20 =	simm.s32 $0x100;
	s22 =	simm.s32 $0x6;
	s13 =	rddreg [dreg:$0x8]  }
0x3b: {  	[tilespmem:s20], [sflag:$0x7] =	stream.linear.gather [hbm4b:s13+s5], $0x100, $0x38;
	[tilespmem:$0x1BB80] =	vst v63  }
0x3c: {  	_ =	swait.ge [sflag:s22], $0x100  }
.Ltmp2:
0x3d: {  	[sflag:s22] =	ssyncset.done $0x0;
	(pc) =	sbr.rel .LBB2_2-.Ltmp2, $4  }
0x3e: {  	s26 =	simm.s32 $0x80;
	[sflag:s22] =	ssyncadd.s32 $0xFFFFFF00  }
0x3f: {  	[tilespmem:s29], [sflag:$0x1] =	stream.indirect.gather [hbm4b:s1+s26], $0x80, s5, s26, $0xb8;
	[tilespmem:$0x1BB80] =	vst v63  }
0x40: {  	s28 =	simm.s32 $0xC300;
	s11 =	simm.s32 $0x0  }
0x41: {  	[tilespmem:s28], [sflag:$0x1] =	stream.indirect.gather [hbm4b:s2+s26], $0x80, s26, s26, $0xb8;
	[tilespmem:$0x1BB80] =	vst v63  }
.LBB2_26:
0x42: {  	s11 =	sadd.s32 $0x1, s11  }
0x43: {  	p0 =	sne.s32 s11, $0xE  }
.Ltmp3:
0x44: {  	_ = 	snop;
	(pc) =	sbr.rel @!p0 .LBB2_27-.Ltmp3, $1  }
0x45: {  	_ =	sdelay $0x3  }
.LBB2_2:
0x46: {  	s26 =	smul.u32 $0xC0, s11;
	_ =	sdelay $0x1  }
0x47: {  	s7 =	sadd.s32 s14, s26  }
0x48: {  	p0 =	sgt.u32 s7, $0x9C3  }
0x49: {  	s0 =	sshll.u32 @!p0 s7, $0x5  }
0x4a: {  	s13 =	simm.s32 @!p0 $0x0;
	s22 =	simm.s32 @!p0 $0x200;
	s0 =	sadd.s32 @!p0 s9, s0  }
0x4b: {  	[tilespmem:s22], [sflag:$0x8] =	stream.linear.gather @!p0 [hbm4b:s0+s13], $0x100, $0x38;
	[tilespmem:$0x1BB80] =	vst v63  }
0x4c: {  	s0 =	sor.u32 s8, s26  }
0x4d: {  	s13 =	sor.u32 $0x20, s0  }
0x4e: {  	p2 =	sgt.u32 s13, $0x9C3  }
0x4f: {  	p1 =	seq.s32 @!p2 s11, $0x0  }
0x50: {  	p1 =	por p1, p2  }
0x51: {  	s20 =	simm.s32 @!p1 $0x4  }
0x52: {  	_ =	swait.ge @!p1 [sflag:s20], $0x4000  }
0x53: {  	[sflag:s20] =	ssyncset.done @!p1 $0x0  }
0x54: {  	[sflag:s20] =	ssyncadd.s32 @!p1 $0xFFFFC000  }
0x55: {  	_ =	swait.ge @!p1 [sflag:s20], $0x80  }
0x56: {  	[sflag:s20] =	ssyncset.done @!p1 $0x0  }
0x57: {  	[sflag:s20] =	ssyncadd.s32 @!p1 $0xFFFFFF80;
	s20 =	simm.s32 @!p2 $0x7  }
0x58: {  	p1 =	sgt.u32 s0, $0x9C3;
	_ =	swait.ge @!p2 [sflag:s20], $0x100  }
.Ltmp4:
0x59: {  	s28 =	simm.s32 @!p2 $0x100;
	[sflag:s20] =	ssyncset.done @!p2 $0x0;
	(pc) =	sbr.rel @p1 .LBB2_6-.Ltmp4, $4  }
0x5a: {  	s3 =	simm.s32 @!p2 $0x4300;
	[sflag:s20] =	ssyncadd.s32 @!p2 $0xFFFFFF00;
	s20 =	simm.s32 @!p2 $0x80  }
0x5b: {  	[tilespmem:s3], [sflag:$0x2] =	stream.indirect.gather @!p2 [hbm4b:s1+s20], $0x80, s28, s20, $0xb8;
	[tilespmem:$0x1BB80] =	vst v63  }
0x5c: {  	s3 =	simm.s32 @!p2 $0x180;
	s28 =	simm.s32 @!p2 $0x10300  }
0x5d: {  	[tilespmem:s28], [sflag:$0x2] =	stream.indirect.gather @!p2 [hbm4b:s2+s20], $0x80, s3, s20, $0xb8;
	[tilespmem:$0x1BB80] =	vst v63  }
0x5e: {  	_ =	swait.ge [sflag:s31], $0x4000  }
0x5f: {  	[sflag:s31] =	ssyncset.done $0x0  }
0x60: {  	[sflag:s31] =	ssyncadd.s32 $0xFFFFC000  }
0x61: {  	_ =	swait.ge [sflag:s31], $0x4000  }
0x62: {  	[sflag:s31] =	ssyncset.done $0x0  }
0x63: {  	[sflag:s31] =	ssyncadd.s32 $0xFFFFC000  }
0x64: {  	v0 =	vld [tilespmem:$0x0]  }
0x65: {  	v1 =	vld [tilespmem:$0x80];
	_ =	sdelay $0x6  }
0x66: {  	v2 =	vld.idx.msk [tilespmem:v0+s21+$0x0], $0xffff  }
0x67: {  	v3 =	vld.idx.msk [tilespmem:v1+s21+$0x0], $0xffff  }
0x68: {  	v4 =	vld.idx.msk [tilespmem:v0+s23+$0x0], $0xffff  }
0x69: {  	v5 =	vld.idx.msk [tilespmem:v1+s23+$0x0], $0xffff  }
0x6a: {  	v0 =	vld.idx.msk [tilespmem:v0+s24+$0x0], $0xffff  }
0x6b: {  	v1 =	vld.idx.msk [tilespmem:v1+s24+$0x0], $0xffff;
	_ =	sdelay $0x2  }
0x6c: {  	v2 =	vsub.f32 v2, v3;
	v11 =	vsub.f32 v4, v5  }
0x6d: {  	v12 =	vld [tilespmem:$0x10]  }
0x6e: {  	v15 =	vld [tilespmem:$0x90];
	v0 =	vsub.f32 v0, v1;
	v13 =	vmul.f32 v2, v2;
	v14 =	vmul.f32 v11, v11;
	_ =	sdelay $0x1  }
0x6f: {  	v0 =	vmul.f32 v0, v0;
	v1 =	vadd.f32 v14, v13;
	_ =	sdelay $0x1  }
0x70: {  	v0 =	vadd.f32 v0, v1;
	_ =	sdelay $0x1  }
0x71: {  	[tilespmem:$0x14300] =	vst v0  }
0x72: {  	v0 =	vld.idx.msk [tilespmem:v12+s21+$0x0], $0xffff  }
0x73: {  	v16 =	vld.idx.msk [tilespmem:v15+s21+$0x0], $0xffff  }
0x74: {  	v17 =	vld.idx.msk [tilespmem:v12+s23+$0x0], $0xffff  }
0x75: {  	v18 =	vld.idx.msk [tilespmem:v15+s23+$0x0], $0xffff  }
0x76: {  	v4 =	vld.idx.msk [tilespmem:v12+s24+$0x0], $0xffff  }
0x77: {  	v3 =	vld.idx.msk [tilespmem:v15+s24+$0x0], $0xffff;
	_ =	sdelay $0x2  }
0x78: {  	v0 =	vsub.f32 v0, v16;
	v19 =	vsub.f32 v17, v18  }
0x79: {  	v20 =	vld [tilespmem:$0x20]  }
0x7a: {  	v21 =	vld [tilespmem:$0xA0];
	v3 =	vsub.f32 v4, v3;
	v0 =	vmul.f32 v0, v0;
	v1 =	vmul.f32 v19, v19;
	_ =	sdelay $0x1  }
0x7b: {  	v22 =	vmul.f32 v3, v3;
	v0 =	vadd.f32 v1, v0;
	_ =	sdelay $0x1  }
0x7c: {  	v0 =	vadd.f32 v22, v0;
	_ =	sdelay $0x1  }
0x7d: {  	[tilespmem:$0x14310] =	vst v0  }
0x7e: {  	v0 =	vld.idx.msk [tilespmem:v20+s21+$0x0], $0xffff  }
0x7f: {  	v23 =	vld.idx.msk [tilespmem:v21+s21+$0x0], $0xffff  }
0x80: {  	v24 =	vld.idx.msk [tilespmem:v20+s23+$0x0], $0xffff  }
0x81: {  	v25 =	vld.idx.msk [tilespmem:v21+s23+$0x0], $0xffff  }
0x82: {  	v2 =	vld.idx.msk [tilespmem:v20+s24+$0x0], $0xffff  }
0x83: {  	v4 =	vld.idx.msk [tilespmem:v21+s24+$0x0], $0xffff;
	_ =	sdelay $0x2  }
0x84: {  	v0 =	vsub.f32 v0, v23;
	v26 =	vsub.f32 v24, v25  }
0x85: {  	v27 =	vld [tilespmem:$0x30]  }
0x86: {  	v28 =	vld [tilespmem:$0xB0];
	v2 =	vsub.f32 v2, v4;
	v0 =	vmul.f32 v0, v0;
	v1 =	vmul.f32 v26, v26;
	_ =	sdelay $0x1  }
0x87: {  	v29 =	vmul.f32 v2, v2;
	v0 =	vadd.f32 v1, v0;
	_ =	sdelay $0x1  }
0x88: {  	v0 =	vadd.f32 v29, v0;
	_ =	sdelay $0x1  }
0x89: {  	[tilespmem:$0x14320] =	vst v0  }
0x8a: {  	v0 =	vld.idx.msk [tilespmem:v27+s21+$0x0], $0xffff  }
0x8b: {  	v30 =	vld.idx.msk [tilespmem:v28+s21+$0x0], $0xffff  }
0x8c: {  	v31 =	vld.idx.msk [tilespmem:v27+s23+$0x0], $0xffff  }
0x8d: {  	v32 =	vld.idx.msk [tilespmem:v28+s23+$0x0], $0xffff  }
0x8e: {  	v3 =	vld.idx.msk [tilespmem:v27+s24+$0x0], $0xffff  }
0x8f: {  	v4 =	vld.idx.msk [tilespmem:v28+s24+$0x0], $0xffff;
	_ =	sdelay $0x2  }
0x90: {  	v0 =	vsub.f32 v0, v30;
	v33 =	vsub.f32 v31, v32  }
0x91: {  	v34 =	vld [tilespmem:$0x40]  }
0x92: {  	v35 =	vld [tilespmem:$0xC0];
	v3 =	vsub.f32 v3, v4;
	v0 =	vmul.f32 v0, v0;
	v1 =	vmul.f32 v33, v33;
	_ =	sdelay $0x1  }
0x93: {  	v36 =	vmul.f32 v3, v3;
	v0 =	vadd.f32 v1, v0;
	_ =	sdelay $0x1  }
0x94: {  	v0 =	vadd.f32 v36, v0;
	_ =	sdelay $0x1  }
0x95: {  	[tilespmem:$0x14330] =	vst v0  }
0x96: {  	v0 =	vld.idx.msk [tilespmem:v34+s21+$0x0], $0xffff  }
0x97: {  	v37 =	vld.idx.msk [tilespmem:v35+s21+$0x0], $0xffff  }
0x98: {  	v38 =	vld.idx.msk [tilespmem:v34+s23+$0x0], $0xffff  }
0x99: {  	v39 =	vld.idx.msk [tilespmem:v35+s23+$0x0], $0xffff  }
0x9a: {  	v2 =	vld.idx.msk [tilespmem:v34+s24+$0x0], $0xffff  }
0x9b: {  	v4 =	vld.idx.msk [tilespmem:v35+s24+$0x0], $0xffff;
	_ =	sdelay $0x2  }
0x9c: {  	v0 =	vsub.f32 v0, v37;
	v40 =	vsub.f32 v38, v39  }
0x9d: {  	v41 =	vld [tilespmem:$0x50]  }
0x9e: {  	v42 =	vld [tilespmem:$0xD0];
	v2 =	vsub.f32 v2, v4;
	v0 =	vmul.f32 v0, v0;
	v1 =	vmul.f32 v40, v40;
	_ =	sdelay $0x1  }
0x9f: {  	v43 =	vmul.f32 v2, v2;
	v0 =	vadd.f32 v1, v0;
	_ =	sdelay $0x1  }
0xa0: {  	v0 =	vadd.f32 v43, v0;
	_ =	sdelay $0x1  }
0xa1: {  	[tilespmem:$0x14340] =	vst v0  }
0xa2: {  	v0 =	vld.idx.msk [tilespmem:v41+s21+$0x0], $0xffff  }
0xa3: {  	v44 =	vld.idx.msk [tilespmem:v42+s21+$0x0], $0xffff  }
0xa4: {  	v45 =	vld.idx.msk [tilespmem:v41+s23+$0x0], $0xffff  }
0xa5: {  	v46 =	vld.idx.msk [tilespmem:v42+s23+$0x0], $0xffff  }
0xa6: {  	v3 =	vld.idx.msk [tilespmem:v41+s24+$0x0], $0xffff  }
0xa7: {  	v4 =	vld.idx.msk [tilespmem:v42+s24+$0x0], $0xffff;
	_ =	sdelay $0x2  }
0xa8: {  	v0 =	vsub.f32 v0, v44;
	v47 =	vsub.f32 v45, v46  }
0xa9: {  	v48 =	vld [tilespmem:$0x60]  }
0xaa: {  	v49 =	vld [tilespmem:$0xE0];
	v3 =	vsub.f32 v3, v4;
	v0 =	vmul.f32 v0, v0;
	v1 =	vmul.f32 v47, v47;
	_ =	sdelay $0x1  }
0xab: {  	v50 =	vmul.f32 v3, v3;
	v0 =	vadd.f32 v1, v0;
	_ =	sdelay $0x1  }
0xac: {  	v0 =	vadd.f32 v50, v0;
	_ =	sdelay $0x1  }
0xad: {  	[tilespmem:$0x14350] =	vst v0  }
0xae: {  	v0 =	vld.idx.msk [tilespmem:v48+s21+$0x0], $0xffff  }
0xaf: {  	v51 =	vld.idx.msk [tilespmem:v49+s21+$0x0], $0xffff  }
0xb0: {  	v52 =	vld.idx.msk [tilespmem:v48+s23+$0x0], $0xffff  }
0xb1: {  	v53 =	vld.idx.msk [tilespmem:v49+s23+$0x0], $0xffff  }
0xb2: {  	v2 =	vld.idx.msk [tilespmem:v48+s24+$0x0], $0xffff  }
0xb3: {  	v4 =	vld.idx.msk [tilespmem:v49+s24+$0x0], $0xffff;
	_ =	sdelay $0x2  }
0xb4: {  	v0 =	vsub.f32 v0, v51;
	v54 =	vsub.f32 v52, v53  }
0xb5: {  	v55 =	vld [tilespmem:$0x70]  }
0xb6: {  	v56 =	vld [tilespmem:$0xF0];
	v2 =	vsub.f32 v2, v4;
	v0 =	vmul.f32 v0, v0;
	v1 =	vmul.f32 v54, v54;
	_ =	sdelay $0x1  }
0xb7: {  	v57 =	vmul.f32 v2, v2;
	v0 =	vadd.f32 v1, v0;
	_ =	sdelay $0x1  }
0xb8: {  	v0 =	vadd.f32 v57, v0;
	_ =	sdelay $0x1  }
0xb9: {  	[tilespmem:$0x14360] =	vst v0  }
0xba: {  	v0 =	vld.idx.msk [tilespmem:v55+s21+$0x0], $0xffff  }
0xbb: {  	v58 =	vld.idx.msk [tilespmem:v56+s21+$0x0], $0xffff  }
0xbc: {  	v59 =	vld.idx.msk [tilespmem:v55+s23+$0x0], $0xffff  }
0xbd: {  	v60 =	vld.idx.msk [tilespmem:v56+s23+$0x0], $0xffff  }
0xbe: {  	v3 =	vld.idx.msk [tilespmem:v55+s24+$0x0], $0xffff  }
0xbf: {  	v4 =	vld.idx.msk [tilespmem:v56+s24+$0x0], $0xffff;
	_ =	sdelay $0x2  }
0xc0: {  	v0 =	vsub.f32 v0, v58;
	v61 =	vsub.f32 v59, v60;
	_ =	sdelay $0x1  }
0xc1: {  	v62 =	vsub.f32 v3, v4;
	v0 =	vmul.f32 v0, v0;
	v1 =	vmul.f32 v61, v61;
	_ =	sdelay $0x1  }
0xc2: {  	v63 =	vmul.f32 v62, v62;
	v0 =	vadd.f32 v1, v0;
	_ =	sdelay $0x1  }
0xc3: {  	v0 =	vadd.f32 v63, v0;
	_ =	sdelay $0x1  }
0xc4: {  	s20 =	simm.s32 $0x0;
	s28 =	simm.s32 $0x200;
	[tilespmem:$0x14370] =	vst v0  }
.LBB2_4:
0xc5: {  	p1 =	sne.s32 s28, $0xFE00;
	v0 =	vld [tilespmem:s20+$0xC370]  }
0xc6: {  	v1 =	vld [tilespmem:s20+$0xC300]  }
0xc7: {  	v2 =	vld [tilespmem:s20+$0xC310]  }
0xc8: {  	v3 =	vld [tilespmem:s20+$0xC320]  }
0xc9: {  	v4 =	vld [tilespmem:s20+$0xC330]  }
0xca: {  	[tilespmem:s20+$0x370] =	vst.add.f32.msk $0xffff, v0  }
0xcb: {  	v0 =	vld [tilespmem:s20+$0xC340]  }
0xcc: {  	v5 =	vld [tilespmem:s20+$0xC350]  }
0xcd: {  	v6 =	vld [tilespmem:s20+$0xC360]  }
0xce: {  	[tilespmem:s20+$0x300] =	vst.add.f32.msk $0xffff, v1  }
0xcf: {  	[tilespmem:s20+$0x310] =	vst.add.f32.msk $0xffff, v2  }
.Ltmp5:
0xd0: {  	[tilespmem:s20+$0x320] =	vst.add.f32.msk $0xffff, v3;
	(pc) =	sbr.rel @p1 .LBB2_4-.Ltmp5, $4  }
0xd1: {  	[tilespmem:s20+$0x330] =	vst.add.f32.msk $0xffff, v4  }
0xd2: {  	[tilespmem:s20+$0x340] =	vst.add.f32.msk $0xffff, v0  }
0xd3: {  	[tilespmem:s20+$0x350] =	vst.add.f32.msk $0xffff, v5  }
0xd4: {  	[tilespmem:s20+$0x360] =	vst.add.f32.msk $0xffff, v6;
	s20 =	sshra.s32 s28, $0x2;
	s28 =	sadd.s32 $0x200, s28  }
0xd5: {  	v0 =	vld [tilespmem:s20+$0xC370]  }
0xd6: {  	v1 =	vld [tilespmem:s20+$0xC300]  }
0xd7: {  	v2 =	vld [tilespmem:s20+$0xC310]  }
0xd8: {  	v3 =	vld [tilespmem:s20+$0xC320]  }
0xd9: {  	v4 =	vld [tilespmem:s20+$0xC330]  }
0xda: {  	v63 =	vld [tilespmem:s20+$0xC340]  }
0xdb: {  	v5 =	vld [tilespmem:s20+$0xC350]  }
0xdc: {  	v6 =	vld [tilespmem:s20+$0xC360]  }
0xdd: {  	[tilespmem:s20+$0x370] =	vst.add.f32.msk $0xffff, v0  }
0xde: {  	[tilespmem:s20+$0x300] =	vst.add.f32.msk $0xffff, v1  }
0xdf: {  	[tilespmem:s20+$0x310] =	vst.add.f32.msk $0xffff, v2  }
0xe0: {  	[tilespmem:s20+$0x320] =	vst.add.f32.msk $0xffff, v3  }
0xe1: {  	[tilespmem:s20+$0x330] =	vst.add.f32.msk $0xffff, v4  }
0xe2: {  	[tilespmem:s20+$0x340] =	vst.add.f32.msk $0xffff, v63  }
0xe3: {  	s3 =	sshll.u32 s0, $0xB;
	[tilespmem:s20+$0x350] =	vst.add.f32.msk $0xffff, v5  }
0xe4: {  	s3 =	sadd.s32 s10, s3;
	[tilespmem:s20+$0x360] =	vst.add.f32.msk $0xffff, v6;
	s20 =	sshll.u32 s0, $0x4  }
0xe5: {  	[hbm4b:s3+s5] =	stream.linear.scatter [tilespmem:s29], [sflag:$0x3], $0x4000, $0x38;
	[tilespmem:$0x1BB80] =	vst v63  }
0xe6: {  	s28 =	simm.s32 $0x14300;
	s0 =	sadd.s32 s12, s20  }
0xe7: {  	[hbm4b:s0+s5] =	stream.linear.scatter [tilespmem:s28], [sflag:$0x3], $0x80, $0x38;
	[tilespmem:$0x1BB80] =	vst v63  }
.LBB2_6:
0xe8: {  	s28 =	sadd.s32 s15, s26  }
0xe9: {  	p1 =	sgt.u32 s28, $0x9C3  }
0xea: {  	p3 =	seq.s32 @!p0 s11, $0x0;
	s0 =	sshll.u32 @!p1 s28, $0x5  }
0xeb: {  	p3 =	por p3, p0;
	s20 =	simm.s32 @!p1 $0x0;
	s0 =	sadd.s32 @!p1 s9, s0  }
0xec: {  	[tilespmem:s20], [sflag:$0x6] =	stream.linear.gather @!p1 [hbm4b:s0+s20], $0x100, $0x38;
	[tilespmem:$0x1BB80] =	vst v63  }
0xed: {  	s0 =	simm.s32 @!p3 $0x5  }
0xee: {  	_ =	swait.ge @!p3 [sflag:s0], $0x4000  }
0xef: {  	[sflag:s0] =	ssyncset.done @!p3 $0x0  }
0xf0: {  	[sflag:s0] =	ssyncadd.s32 @!p3 $0xFFFFC000  }
0xf1: {  	_ =	swait.ge @!p3 [sflag:s0], $0x80  }
0xf2: {  	[sflag:s0] =	ssyncset.done @!p3 $0x0  }
0xf3: {  	[sflag:s0] =	ssyncadd.s32 @!p3 $0xFFFFFF80;
	s0 =	simm.s32 @!p0 $0x8  }
0xf4: {  	_ =	swait.ge @!p0 [sflag:s0], $0x100  }
.Ltmp6:
0xf5: {  	[sflag:s0] =	ssyncset.done @!p0 $0x0;
	(pc) =	sbr.rel @p2 .LBB2_10-.Ltmp6, $4  }
0xf6: {  	s3 =	simm.s32 @!p0 $0x8300;
	[sflag:s0] =	ssyncadd.s32 @!p0 $0xFFFFFF00;
	s0 =	simm.s32 @!p0 $0x80  }
0xf7: {  	[tilespmem:s3], [sflag:$0x1] =	stream.indirect.gather @!p0 [hbm4b:s1+s0], $0x80, s22, s0, $0xb8;
	[tilespmem:$0x1BB80] =	vst v63  }
0xf8: {  	s3 =	simm.s32 @!p0 $0x280;
	s22 =	simm.s32 @!p0 $0xC300  }
0xf9: {  	[tilespmem:s22], [sflag:$0x1] =	stream.indirect.gather @!p0 [hbm4b:s2+s0], $0x80, s3, s0, $0xb8;
	[tilespmem:$0x1BB80] =	vst v63  }
0xfa: {  	_ =	swait.ge [sflag:s4], $0x4000  }
0xfb: {  	[sflag:s4] =	ssyncset.done $0x0  }
0xfc: {  	[sflag:s4] =	ssyncadd.s32 $0xFFFFC000  }
0xfd: {  	_ =	swait.ge [sflag:s4], $0x4000  }
0xfe: {  	[sflag:s4] =	ssyncset.done $0x0  }
0xff: {  	[sflag:s4] =	ssyncadd.s32 $0xFFFFC000  }
0x100: {  	v0 =	vld [tilespmem:$0x100]  }
0x101: {  	v1 =	vld [tilespmem:$0x180];
	_ =	sdelay $0x6  }
0x102: {  	v2 =	vld.idx.msk [tilespmem:v0+s21+$0x0], $0xffff  }
0x103: {  	v3 =	vld.idx.msk [tilespmem:v1+s21+$0x0], $0xffff  }
0x104: {  	v4 =	vld.idx.msk [tilespmem:v0+s23+$0x0], $0xffff  }
0x105: {  	v5 =	vld.idx.msk [tilespmem:v1+s23+$0x0], $0xffff  }
0x106: {  	v0 =	vld.idx.msk [tilespmem:v0+s24+$0x0], $0xffff  }
0x107: {  	v1 =	vld.idx.msk [tilespmem:v1+s24+$0x0], $0xffff;
	_ =	sdelay $0x2  }
0x108: {  	v2 =	vsub.f32 v2, v3;
	v11 =	vsub.f32 v4, v5  }
0x109: {  	v12 =	vld [tilespmem:$0x110]  }
0x10a: {  	v15 =	vld [tilespmem:$0x190];
	v0 =	vsub.f32 v0, v1;
	v13 =	vmul.f32 v2, v2;
	v14 =	vmul.f32 v11, v11;
	_ =	sdelay $0x1  }
0x10b: {  	v0 =	vmul.f32 v0, v0;
	v1 =	vadd.f32 v14, v13;
	_ =	sdelay $0x1  }
0x10c: {  	v0 =	vadd.f32 v0, v1;
	_ =	sdelay $0x1  }
0x10d: {  	[tilespmem:$0x14380] =	vst v0  }
0x10e: {  	v0 =	vld.idx.msk [tilespmem:v12+s21+$0x0], $0xffff  }
0x10f: {  	v16 =	vld.idx.msk [tilespmem:v15+s21+$0x0], $0xffff  }
0x110: {  	v17 =	vld.idx.msk [tilespmem:v12+s23+$0x0], $0xffff  }
0x111: {  	v18 =	vld.idx.msk [tilespmem:v15+s23+$0x0], $0xffff  }
0x112: {  	v4 =	vld.idx.msk [tilespmem:v12+s24+$0x0], $0xffff  }
0x113: {  	v3 =	vld.idx.msk [tilespmem:v15+s24+$0x0], $0xffff;
	_ =	sdelay $0x2  }
0x114: {  	v0 =	vsub.f32 v0, v16;
	v19 =	vsub.f32 v17, v18  }
0x115: {  	v20 =	vld [tilespmem:$0x120]  }
0x116: {  	v21 =	vld [tilespmem:$0x1A0];
	v3 =	vsub.f32 v4, v3;
	v0 =	vmul.f32 v0, v0;
	v1 =	vmul.f32 v19, v19;
	_ =	sdelay $0x1  }
0x117: {  	v22 =	vmul.f32 v3, v3;
	v0 =	vadd.f32 v1, v0;
	_ =	sdelay $0x1  }
0x118: {  	v0 =	vadd.f32 v22, v0;
	_ =	sdelay $0x1  }
0x119: {  	[tilespmem:$0x14390] =	vst v0  }
0x11a: {  	v0 =	vld.idx.msk [tilespmem:v20+s21+$0x0], $0xffff  }
0x11b: {  	v23 =	vld.idx.msk [tilespmem:v21+s21+$0x0], $0xffff  }
0x11c: {  	v24 =	vld.idx.msk [tilespmem:v20+s23+$0x0], $0xffff  }
0x11d: {  	v25 =	vld.idx.msk [tilespmem:v21+s23+$0x0], $0xffff  }
0x11e: {  	v2 =	vld.idx.msk [tilespmem:v20+s24+$0x0], $0xffff  }
0x11f: {  	v4 =	vld.idx.msk [tilespmem:v21+s24+$0x0], $0xffff;
	_ =	sdelay $0x2  }
0x120: {  	v0 =	vsub.f32 v0, v23;
	v26 =	vsub.f32 v24, v25  }
0x121: {  	v27 =	vld [tilespmem:$0x130]  }
0x122: {  	v28 =	vld [tilespmem:$0x1B0];
	v2 =	vsub.f32 v2, v4;
	v0 =	vmul.f32 v0, v0;
	v1 =	vmul.f32 v26, v26;
	_ =	sdelay $0x1  }
0x123: {  	v29 =	vmul.f32 v2, v2;
	v0 =	vadd.f32 v1, v0;
	_ =	sdelay $0x1  }
0x124: {  	v0 =	vadd.f32 v29, v0;
	_ =	sdelay $0x1  }
0x125: {  	[tilespmem:$0x143A0] =	vst v0  }
0x126: {  	v0 =	vld.idx.msk [tilespmem:v27+s21+$0x0], $0xffff  }
0x127: {  	v30 =	vld.idx.msk [tilespmem:v28+s21+$0x0], $0xffff  }
0x128: {  	v31 =	vld.idx.msk [tilespmem:v27+s23+$0x0], $0xffff  }
0x129: {  	v32 =	vld.idx.msk [tilespmem:v28+s23+$0x0], $0xffff  }
0x12a: {  	v3 =	vld.idx.msk [tilespmem:v27+s24+$0x0], $0xffff  }
0x12b: {  	v4 =	vld.idx.msk [tilespmem:v28+s24+$0x0], $0xffff;
	_ =	sdelay $0x2  }
0x12c: {  	v0 =	vsub.f32 v0, v30;
	v33 =	vsub.f32 v31, v32  }
0x12d: {  	v34 =	vld [tilespmem:$0x140]  }
0x12e: {  	v35 =	vld [tilespmem:$0x1C0];
	v3 =	vsub.f32 v3, v4;
	v0 =	vmul.f32 v0, v0;
	v1 =	vmul.f32 v33, v33;
	_ =	sdelay $0x1  }
0x12f: {  	v36 =	vmul.f32 v3, v3;
	v0 =	vadd.f32 v1, v0;
	_ =	sdelay $0x1  }
0x130: {  	v0 =	vadd.f32 v36, v0;
	_ =	sdelay $0x1  }
0x131: {  	[tilespmem:$0x143B0] =	vst v0  }
0x132: {  	v0 =	vld.idx.msk [tilespmem:v34+s21+$0x0], $0xffff  }
0x133: {  	v37 =	vld.idx.msk [tilespmem:v35+s21+$0x0], $0xffff  }
0x134: {  	v38 =	vld.idx.msk [tilespmem:v34+s23+$0x0], $0xffff  }
0x135: {  	v39 =	vld.idx.msk [tilespmem:v35+s23+$0x0], $0xffff  }
0x136: {  	v2 =	vld.idx.msk [tilespmem:v34+s24+$0x0], $0xffff  }
0x137: {  	v4 =	vld.idx.msk [tilespmem:v35+s24+$0x0], $0xffff;
	_ =	sdelay $0x2  }
0x138: {  	v0 =	vsub.f32 v0, v37;
	v40 =	vsub.f32 v38, v39  }
0x139: {  	v41 =	vld [tilespmem:$0x150]  }
0x13a: {  	v42 =	vld [tilespmem:$0x1D0];
	v2 =	vsub.f32 v2, v4;
	v0 =	vmul.f32 v0, v0;
	v1 =	vmul.f32 v40, v40;
	_ =	sdelay $0x1  }
0x13b: {  	v43 =	vmul.f32 v2, v2;
	v0 =	vadd.f32 v1, v0;
	_ =	sdelay $0x1  }
0x13c: {  	v0 =	vadd.f32 v43, v0;
	_ =	sdelay $0x1  }
0x13d: {  	[tilespmem:$0x143C0] =	vst v0  }
0x13e: {  	v0 =	vld.idx.msk [tilespmem:v41+s21+$0x0], $0xffff  }
0x13f: {  	v44 =	vld.idx.msk [tilespmem:v42+s21+$0x0], $0xffff  }
0x140: {  	v45 =	vld.idx.msk [tilespmem:v41+s23+$0x0], $0xffff  }
0x141: {  	v46 =	vld.idx.msk [tilespmem:v42+s23+$0x0], $0xffff  }
0x142: {  	v3 =	vld.idx.msk [tilespmem:v41+s24+$0x0], $0xffff  }
0x143: {  	v4 =	vld.idx.msk [tilespmem:v42+s24+$0x0], $0xffff;
	_ =	sdelay $0x2  }
0x144: {  	v0 =	vsub.f32 v0, v44;
	v47 =	vsub.f32 v45, v46  }
0x145: {  	v48 =	vld [tilespmem:$0x160]  }
0x146: {  	v49 =	vld [tilespmem:$0x1E0];
	v3 =	vsub.f32 v3, v4;
	v0 =	vmul.f32 v0, v0;
	v1 =	vmul.f32 v47, v47;
	_ =	sdelay $0x1  }
0x147: {  	v50 =	vmul.f32 v3, v3;
	v0 =	vadd.f32 v1, v0;
	_ =	sdelay $0x1  }
0x148: {  	v0 =	vadd.f32 v50, v0;
	_ =	sdelay $0x1  }
0x149: {  	[tilespmem:$0x143D0] =	vst v0  }
0x14a: {  	v0 =	vld.idx.msk [tilespmem:v48+s21+$0x0], $0xffff  }
0x14b: {  	v51 =	vld.idx.msk [tilespmem:v49+s21+$0x0], $0xffff  }
0x14c: {  	v52 =	vld.idx.msk [tilespmem:v48+s23+$0x0], $0xffff  }
0x14d: {  	v53 =	vld.idx.msk [tilespmem:v49+s23+$0x0], $0xffff  }
0x14e: {  	v2 =	vld.idx.msk [tilespmem:v48+s24+$0x0], $0xffff  }
0x14f: {  	v4 =	vld.idx.msk [tilespmem:v49+s24+$0x0], $0xffff;
	_ =	sdelay $0x2  }
0x150: {  	v0 =	vsub.f32 v0, v51;
	v54 =	vsub.f32 v52, v53  }
0x151: {  	v55 =	vld [tilespmem:$0x170]  }
0x152: {  	v56 =	vld [tilespmem:$0x1F0];
	v2 =	vsub.f32 v2, v4;
	v0 =	vmul.f32 v0, v0;
	v1 =	vmul.f32 v54, v54;
	_ =	sdelay $0x1  }
0x153: {  	v57 =	vmul.f32 v2, v2;
	v0 =	vadd.f32 v1, v0;
	_ =	sdelay $0x1  }
0x154: {  	v0 =	vadd.f32 v57, v0;
	_ =	sdelay $0x1  }
0x155: {  	[tilespmem:$0x143E0] =	vst v0  }
0x156: {  	v0 =	vld.idx.msk [tilespmem:v55+s21+$0x0], $0xffff  }
0x157: {  	v58 =	vld.idx.msk [tilespmem:v56+s21+$0x0], $0xffff  }
0x158: {  	v59 =	vld.idx.msk [tilespmem:v55+s23+$0x0], $0xffff  }
0x159: {  	v60 =	vld.idx.msk [tilespmem:v56+s23+$0x0], $0xffff  }
0x15a: {  	v3 =	vld.idx.msk [tilespmem:v55+s24+$0x0], $0xffff  }
0x15b: {  	v4 =	vld.idx.msk [tilespmem:v56+s24+$0x0], $0xffff;
	_ =	sdelay $0x2  }
0x15c: {  	v0 =	vsub.f32 v0, v58;
	v61 =	vsub.f32 v59, v60;
	_ =	sdelay $0x1  }
0x15d: {  	v62 =	vsub.f32 v3, v4;
	v0 =	vmul.f32 v0, v0;
	v1 =	vmul.f32 v61, v61;
	_ =	sdelay $0x1  }
0x15e: {  	v63 =	vmul.f32 v62, v62;
	v0 =	vadd.f32 v1, v0;
	_ =	sdelay $0x1  }
0x15f: {  	v0 =	vadd.f32 v63, v0;
	_ =	sdelay $0x1  }
0x160: {  	s0 =	simm.s32 $0x0;
	s22 =	simm.s32 $0x200;
	[tilespmem:$0x143F0] =	vst v0  }
.LBB2_8:
0x161: {  	p2 =	sne.s32 s22, $0xFE00;
	v0 =	vld [tilespmem:s0+$0x10370]  }
0x162: {  	v1 =	vld [tilespmem:s0+$0x10300]  }
0x163: {  	v2 =	vld [tilespmem:s0+$0x10310]  }
0x164: {  	v3 =	vld [tilespmem:s0+$0x10320]  }
0x165: {  	v4 =	vld [tilespmem:s0+$0x10330]  }
0x166: {  	[tilespmem:s0+$0x4370] =	vst.add.f32.msk $0xffff, v0  }
0x167: {  	v0 =	vld [tilespmem:s0+$0x10340]  }
0x168: {  	v5 =	vld [tilespmem:s0+$0x10350]  }
0x169: {  	v6 =	vld [tilespmem:s0+$0x10360]  }
0x16a: {  	[tilespmem:s0+$0x4300] =	vst.add.f32.msk $0xffff, v1  }
0x16b: {  	[tilespmem:s0+$0x4310] =	vst.add.f32.msk $0xffff, v2  }
.Ltmp7:
0x16c: {  	[tilespmem:s0+$0x4320] =	vst.add.f32.msk $0xffff, v3;
	(pc) =	sbr.rel @p2 .LBB2_8-.Ltmp7, $4  }
0x16d: {  	[tilespmem:s0+$0x4330] =	vst.add.f32.msk $0xffff, v4  }
0x16e: {  	[tilespmem:s0+$0x4340] =	vst.add.f32.msk $0xffff, v0  }
0x16f: {  	[tilespmem:s0+$0x4350] =	vst.add.f32.msk $0xffff, v5  }
0x170: {  	[tilespmem:s0+$0x4360] =	vst.add.f32.msk $0xffff, v6;
	s0 =	sshra.s32 s22, $0x2;
	s22 =	sadd.s32 $0x200, s22  }
0x171: {  	v0 =	vld [tilespmem:s0+$0x10370]  }
0x172: {  	v1 =	vld [tilespmem:s0+$0x10300]  }
0x173: {  	v2 =	vld [tilespmem:s0+$0x10310]  }
0x174: {  	v3 =	vld [tilespmem:s0+$0x10320]  }
0x175: {  	v4 =	vld [tilespmem:s0+$0x10330]  }
0x176: {  	v63 =	vld [tilespmem:s0+$0x10340]  }
0x177: {  	v5 =	vld [tilespmem:s0+$0x10350]  }
0x178: {  	v6 =	vld [tilespmem:s0+$0x10360]  }
0x179: {  	[tilespmem:s0+$0x4370] =	vst.add.f32.msk $0xffff, v0  }
0x17a: {  	[tilespmem:s0+$0x4300] =	vst.add.f32.msk $0xffff, v1  }
0x17b: {  	[tilespmem:s0+$0x4310] =	vst.add.f32.msk $0xffff, v2  }
0x17c: {  	[tilespmem:s0+$0x4320] =	vst.add.f32.msk $0xffff, v3  }
0x17d: {  	[tilespmem:s0+$0x4330] =	vst.add.f32.msk $0xffff, v4  }
0x17e: {  	[tilespmem:s0+$0x4340] =	vst.add.f32.msk $0xffff, v63  }
0x17f: {  	s3 =	sshll.u32 s13, $0xB;
	[tilespmem:s0+$0x4350] =	vst.add.f32.msk $0xffff, v5  }
0x180: {  	s22 =	simm.s32 $0x4300;
	s3 =	sadd.s32 s10, s3;
	[tilespmem:s0+$0x4360] =	vst.add.f32.msk $0xffff, v6  }
0x181: {  	[hbm4b:s3+s5] =	stream.linear.scatter [tilespmem:s22], [sflag:$0x4], $0x4000, $0x38;
	[tilespmem:$0x1BB80] =	vst v63  }
0x182: {  	s22 =	sshll.u32 s13, $0x4  }
0x183: {  	s0 =	sadd.s32 s12, s22  }
0x184: {  	[hbm4b:s0+s5] =	stream.linear.scatter [tilespmem:s25], [sflag:$0x4], $0x80, $0x38;
	[tilespmem:$0x1BB80] =	vst v63  }
.LBB2_10:
0x185: {  	s13 =	sadd.s32 s16, s26  }
0x186: {  	p2 =	sgt.u32 s13, $0x9C3  }
0x187: {  	s0 =	sshll.u32 @!p2 s13, $0x5  }
0x188: {  	s3 =	simm.s32 @!p2 $0x0;
	s22 =	simm.s32 @!p2 $0x100;
	s0 =	sadd.s32 @!p2 s9, s0  }
0x189: {  	[tilespmem:s22], [sflag:$0x7] =	stream.linear.gather @!p2 [hbm4b:s0+s3], $0x100, $0x38;
	[tilespmem:$0x1BB80] =	vst v63  }
0x18a: {  	s0 =	simm.s32 @!p1 $0x3  }
0x18b: {  	_ =	swait.ge @!p1 [sflag:s0], $0x4000  }
0x18c: {  	[sflag:s0] =	ssyncset.done @!p1 $0x0  }
0x18d: {  	[sflag:s0] =	ssyncadd.s32 @!p1 $0xFFFFC000  }
0x18e: {  	_ =	swait.ge @!p1 [sflag:s0], $0x80  }
0x18f: {  	[sflag:s0] =	ssyncset.done @!p1 $0x0  }
0x190: {  	[sflag:s0] =	ssyncadd.s32 @!p1 $0xFFFFFF80;
	s0 =	simm.s32 @!p1 $0x6  }
0x191: {  	_ =	swait.ge @!p1 [sflag:s0], $0x100  }
.Ltmp8:
0x192: {  	[sflag:s0] =	ssyncset.done @!p1 $0x0;
	(pc) =	sbr.rel @p0 .LBB2_14-.Ltmp8, $4  }
0x193: {  	s3 =	simm.s32 @!p1 $0x300;
	[sflag:s0] =	ssyncadd.s32 @!p1 $0xFFFFFF00;
	s0 =	simm.s32 @!p1 $0x80  }
0x194: {  	[tilespmem:s3], [sflag:$0x2] =	stream.indirect.gather @!p1 [hbm4b:s1+s0], $0x80, s20, s0, $0xb8;
	[tilespmem:$0x1BB80] =	vst v63  }
0x195: {  	s3 =	simm.s32 @!p1 $0x10300  }
0x196: {  	[tilespmem:s3], [sflag:$0x2] =	stream.indirect.gather @!p1 [hbm4b:s2+s0], $0x80, s0, s0, $0xb8;
	[tilespmem:$0x1BB80] =	vst v63  }
0x197: {  	_ =	swait.ge [sflag:s31], $0x4000  }
0x198: {  	[sflag:s31] =	ssyncset.done $0x0  }
0x199: {  	[sflag:s31] =	ssyncadd.s32 $0xFFFFC000  }
0x19a: {  	_ =	swait.ge [sflag:s31], $0x4000  }
0x19b: {  	[sflag:s31] =	ssyncset.done $0x0  }
0x19c: {  	[sflag:s31] =	ssyncadd.s32 $0xFFFFC000  }
0x19d: {  	v0 =	vld [tilespmem:$0x200]  }
0x19e: {  	v1 =	vld [tilespmem:$0x280];
	_ =	sdelay $0x6  }
0x19f: {  	v2 =	vld.idx.msk [tilespmem:v0+s21+$0x0], $0xffff  }
0x1a0: {  	v3 =	vld.idx.msk [tilespmem:v1+s21+$0x0], $0xffff  }
0x1a1: {  	v4 =	vld.idx.msk [tilespmem:v0+s23+$0x0], $0xffff  }
0x1a2: {  	v5 =	vld.idx.msk [tilespmem:v1+s23+$0x0], $0xffff  }
0x1a3: {  	v0 =	vld.idx.msk [tilespmem:v0+s24+$0x0], $0xffff  }
0x1a4: {  	v1 =	vld.idx.msk [tilespmem:v1+s24+$0x0], $0xffff;
	_ =	sdelay $0x2  }
0x1a5: {  	v2 =	vsub.f32 v2, v3;
	v11 =	vsub.f32 v4, v5  }
0x1a6: {  	v12 =	vld [tilespmem:$0x210]  }
0x1a7: {  	v15 =	vld [tilespmem:$0x290];
	v0 =	vsub.f32 v0, v1;
	v13 =	vmul.f32 v2, v2;
	v14 =	vmul.f32 v11, v11;
	_ =	sdelay $0x1  }
0x1a8: {  	v0 =	vmul.f32 v0, v0;
	v1 =	vadd.f32 v14, v13;
	_ =	sdelay $0x1  }
0x1a9: {  	v0 =	vadd.f32 v0, v1;
	_ =	sdelay $0x1  }
0x1aa: {  	[tilespmem:$0x14400] =	vst v0  }
0x1ab: {  	v0 =	vld.idx.msk [tilespmem:v12+s21+$0x0], $0xffff  }
0x1ac: {  	v16 =	vld.idx.msk [tilespmem:v15+s21+$0x0], $0xffff  }
0x1ad: {  	v17 =	vld.idx.msk [tilespmem:v12+s23+$0x0], $0xffff  }
0x1ae: {  	v18 =	vld.idx.msk [tilespmem:v15+s23+$0x0], $0xffff  }
0x1af: {  	v4 =	vld.idx.msk [tilespmem:v12+s24+$0x0], $0xffff  }
0x1b0: {  	v3 =	vld.idx.msk [tilespmem:v15+s24+$0x0], $0xffff;
	_ =	sdelay $0x2  }
0x1b1: {  	v0 =	vsub.f32 v0, v16;
	v19 =	vsub.f32 v17, v18  }
0x1b2: {  	v20 =	vld [tilespmem:$0x220]  }
0x1b3: {  	v21 =	vld [tilespmem:$0x2A0];
	v3 =	vsub.f32 v4, v3;
	v0 =	vmul.f32 v0, v0;
	v1 =	vmul.f32 v19, v19;
	_ =	sdelay $0x1  }
0x1b4: {  	v22 =	vmul.f32 v3, v3;
	v0 =	vadd.f32 v1, v0;
	_ =	sdelay $0x1  }
0x1b5: {  	v0 =	vadd.f32 v22, v0;
	_ =	sdelay $0x1  }
0x1b6: {  	[tilespmem:$0x14410] =	vst v0  }
0x1b7: {  	v0 =	vld.idx.msk [tilespmem:v20+s21+$0x0], $0xffff  }
0x1b8: {  	v23 =	vld.idx.msk [tilespmem:v21+s21+$0x0], $0xffff  }
0x1b9: {  	v24 =	vld.idx.msk [tilespmem:v20+s23+$0x0], $0xffff  }
0x1ba: {  	v25 =	vld.idx.msk [tilespmem:v21+s23+$0x0], $0xffff  }
0x1bb: {  	v2 =	vld.idx.msk [tilespmem:v20+s24+$0x0], $0xffff  }
0x1bc: {  	v4 =	vld.idx.msk [tilespmem:v21+s24+$0x0], $0xffff;
	_ =	sdelay $0x2  }
0x1bd: {  	v0 =	vsub.f32 v0, v23;
	v26 =	vsub.f32 v24, v25  }
0x1be: {  	v27 =	vld [tilespmem:$0x230]  }
0x1bf: {  	v28 =	vld [tilespmem:$0x2B0];
	v2 =	vsub.f32 v2, v4;
	v0 =	vmul.f32 v0, v0;
	v1 =	vmul.f32 v26, v26;
	_ =	sdelay $0x1  }
0x1c0: {  	v29 =	vmul.f32 v2, v2;
	v0 =	vadd.f32 v1, v0;
	_ =	sdelay $0x1  }
0x1c1: {  	v0 =	vadd.f32 v29, v0;
	_ =	sdelay $0x1  }
0x1c2: {  	[tilespmem:$0x14420] =	vst v0  }
0x1c3: {  	v0 =	vld.idx.msk [tilespmem:v27+s21+$0x0], $0xffff  }
0x1c4: {  	v30 =	vld.idx.msk [tilespmem:v28+s21+$0x0], $0xffff  }
0x1c5: {  	v31 =	vld.idx.msk [tilespmem:v27+s23+$0x0], $0xffff  }
0x1c6: {  	v32 =	vld.idx.msk [tilespmem:v28+s23+$0x0], $0xffff  }
0x1c7: {  	v3 =	vld.idx.msk [tilespmem:v27+s24+$0x0], $0xffff  }
0x1c8: {  	v4 =	vld.idx.msk [tilespmem:v28+s24+$0x0], $0xffff;
	_ =	sdelay $0x2  }
0x1c9: {  	v0 =	vsub.f32 v0, v30;
	v33 =	vsub.f32 v31, v32  }
0x1ca: {  	v34 =	vld [tilespmem:$0x240]  }
0x1cb: {  	v35 =	vld [tilespmem:$0x2C0];
	v3 =	vsub.f32 v3, v4;
	v0 =	vmul.f32 v0, v0;
	v1 =	vmul.f32 v33, v33;
	_ =	sdelay $0x1  }
0x1cc: {  	v36 =	vmul.f32 v3, v3;
	v0 =	vadd.f32 v1, v0;
	_ =	sdelay $0x1  }
0x1cd: {  	v0 =	vadd.f32 v36, v0;
	_ =	sdelay $0x1  }
0x1ce: {  	[tilespmem:$0x14430] =	vst v0  }
0x1cf: {  	v0 =	vld.idx.msk [tilespmem:v34+s21+$0x0], $0xffff  }
0x1d0: {  	v37 =	vld.idx.msk [tilespmem:v35+s21+$0x0], $0xffff  }
0x1d1: {  	v38 =	vld.idx.msk [tilespmem:v34+s23+$0x0], $0xffff  }
0x1d2: {  	v39 =	vld.idx.msk [tilespmem:v35+s23+$0x0], $0xffff  }
0x1d3: {  	v2 =	vld.idx.msk [tilespmem:v34+s24+$0x0], $0xffff  }
0x1d4: {  	v4 =	vld.idx.msk [tilespmem:v35+s24+$0x0], $0xffff;
	_ =	sdelay $0x2  }
0x1d5: {  	v0 =	vsub.f32 v0, v37;
	v40 =	vsub.f32 v38, v39  }
0x1d6: {  	v41 =	vld [tilespmem:$0x250]  }
0x1d7: {  	v42 =	vld [tilespmem:$0x2D0];
	v2 =	vsub.f32 v2, v4;
	v0 =	vmul.f32 v0, v0;
	v1 =	vmul.f32 v40, v40;
	_ =	sdelay $0x1  }
0x1d8: {  	v43 =	vmul.f32 v2, v2;
	v0 =	vadd.f32 v1, v0;
	_ =	sdelay $0x1  }
0x1d9: {  	v0 =	vadd.f32 v43, v0;
	_ =	sdelay $0x1  }
0x1da: {  	[tilespmem:$0x14440] =	vst v0  }
0x1db: {  	v0 =	vld.idx.msk [tilespmem:v41+s21+$0x0], $0xffff  }
0x1dc: {  	v44 =	vld.idx.msk [tilespmem:v42+s21+$0x0], $0xffff  }
0x1dd: {  	v45 =	vld.idx.msk [tilespmem:v41+s23+$0x0], $0xffff  }
0x1de: {  	v46 =	vld.idx.msk [tilespmem:v42+s23+$0x0], $0xffff  }
0x1df: {  	v3 =	vld.idx.msk [tilespmem:v41+s24+$0x0], $0xffff  }
0x1e0: {  	v4 =	vld.idx.msk [tilespmem:v42+s24+$0x0], $0xffff;
	_ =	sdelay $0x2  }
0x1e1: {  	v0 =	vsub.f32 v0, v44;
	v47 =	vsub.f32 v45, v46  }
0x1e2: {  	v48 =	vld [tilespmem:$0x260]  }
0x1e3: {  	v49 =	vld [tilespmem:$0x2E0];
	v3 =	vsub.f32 v3, v4;
	v0 =	vmul.f32 v0, v0;
	v1 =	vmul.f32 v47, v47;
	_ =	sdelay $0x1  }
0x1e4: {  	v50 =	vmul.f32 v3, v3;
	v0 =	vadd.f32 v1, v0;
	_ =	sdelay $0x1  }
0x1e5: {  	v0 =	vadd.f32 v50, v0;
	_ =	sdelay $0x1  }
0x1e6: {  	[tilespmem:$0x14450] =	vst v0  }
0x1e7: {  	v0 =	vld.idx.msk [tilespmem:v48+s21+$0x0], $0xffff  }
0x1e8: {  	v51 =	vld.idx.msk [tilespmem:v49+s21+$0x0], $0xffff  }
0x1e9: {  	v52 =	vld.idx.msk [tilespmem:v48+s23+$0x0], $0xffff  }
0x1ea: {  	v53 =	vld.idx.msk [tilespmem:v49+s23+$0x0], $0xffff  }
0x1eb: {  	v2 =	vld.idx.msk [tilespmem:v48+s24+$0x0], $0xffff  }
0x1ec: {  	v4 =	vld.idx.msk [tilespmem:v49+s24+$0x0], $0xffff;
	_ =	sdelay $0x2  }
0x1ed: {  	v0 =	vsub.f32 v0, v51;
	v54 =	vsub.f32 v52, v53  }
0x1ee: {  	v55 =	vld [tilespmem:$0x270]  }
0x1ef: {  	v56 =	vld [tilespmem:$0x2F0];
	v2 =	vsub.f32 v2, v4;
	v0 =	vmul.f32 v0, v0;
	v1 =	vmul.f32 v54, v54;
	_ =	sdelay $0x1  }
0x1f0: {  	v57 =	vmul.f32 v2, v2;
	v0 =	vadd.f32 v1, v0;
	_ =	sdelay $0x1  }
0x1f1: {  	v0 =	vadd.f32 v57, v0;
	_ =	sdelay $0x1  }
0x1f2: {  	[tilespmem:$0x14460] =	vst v0  }
0x1f3: {  	v0 =	vld.idx.msk [tilespmem:v55+s21+$0x0], $0xffff  }
0x1f4: {  	v58 =	vld.idx.msk [tilespmem:v56+s21+$0x0], $0xffff  }
0x1f5: {  	v59 =	vld.idx.msk [tilespmem:v55+s23+$0x0], $0xffff  }
0x1f6: {  	v60 =	vld.idx.msk [tilespmem:v56+s23+$0x0], $0xffff  }
0x1f7: {  	v3 =	vld.idx.msk [tilespmem:v55+s24+$0x0], $0xffff  }
0x1f8: {  	v4 =	vld.idx.msk [tilespmem:v56+s24+$0x0], $0xffff;
	_ =	sdelay $0x2  }
0x1f9: {  	v0 =	vsub.f32 v0, v58;
	v61 =	vsub.f32 v59, v60;
	_ =	sdelay $0x1  }
0x1fa: {  	v62 =	vsub.f32 v3, v4;
	v0 =	vmul.f32 v0, v0;
	v1 =	vmul.f32 v61, v61;
	_ =	sdelay $0x1  }
0x1fb: {  	v63 =	vmul.f32 v62, v62;
	v0 =	vadd.f32 v1, v0;
	_ =	sdelay $0x1  }
0x1fc: {  	v0 =	vadd.f32 v63, v0;
	_ =	sdelay $0x1  }
0x1fd: {  	s0 =	simm.s32 $0x0;
	s20 =	simm.s32 $0x200;
	[tilespmem:$0x14470] =	vst v0  }
.LBB2_12:
0x1fe: {  	p0 =	sne.s32 s20, $0xFE00;
	v0 =	vld [tilespmem:s0+$0xC370]  }
0x1ff: {  	v1 =	vld [tilespmem:s0+$0xC300]  }
0x200: {  	v2 =	vld [tilespmem:s0+$0xC310]  }
0x201: {  	v3 =	vld [tilespmem:s0+$0xC320]  }
0x202: {  	v4 =	vld [tilespmem:s0+$0xC330]  }
0x203: {  	[tilespmem:s0+$0x8370] =	vst.add.f32.msk $0xffff, v0  }
0x204: {  	v0 =	vld [tilespmem:s0+$0xC340]  }
0x205: {  	v5 =	vld [tilespmem:s0+$0xC350]  }
0x206: {  	v6 =	vld [tilespmem:s0+$0xC360]  }
0x207: {  	[tilespmem:s0+$0x8300] =	vst.add.f32.msk $0xffff, v1  }
0x208: {  	[tilespmem:s0+$0x8310] =	vst.add.f32.msk $0xffff, v2  }
.Ltmp9:
0x209: {  	[tilespmem:s0+$0x8320] =	vst.add.f32.msk $0xffff, v3;
	(pc) =	sbr.rel @p0 .LBB2_12-.Ltmp9, $4  }
0x20a: {  	[tilespmem:s0+$0x8330] =	vst.add.f32.msk $0xffff, v4  }
0x20b: {  	[tilespmem:s0+$0x8340] =	vst.add.f32.msk $0xffff, v0  }
0x20c: {  	[tilespmem:s0+$0x8350] =	vst.add.f32.msk $0xffff, v5  }
0x20d: {  	[tilespmem:s0+$0x8360] =	vst.add.f32.msk $0xffff, v6;
	s0 =	sshra.s32 s20, $0x2;
	s20 =	sadd.s32 $0x200, s20  }
0x20e: {  	v0 =	vld [tilespmem:s0+$0xC370]  }
0x20f: {  	v1 =	vld [tilespmem:s0+$0xC300]  }
0x210: {  	v2 =	vld [tilespmem:s0+$0xC310]  }
0x211: {  	v3 =	vld [tilespmem:s0+$0xC320]  }
0x212: {  	v4 =	vld [tilespmem:s0+$0xC330]  }
0x213: {  	v63 =	vld [tilespmem:s0+$0xC340]  }
0x214: {  	v5 =	vld [tilespmem:s0+$0xC350]  }
0x215: {  	v6 =	vld [tilespmem:s0+$0xC360]  }
0x216: {  	[tilespmem:s0+$0x8370] =	vst.add.f32.msk $0xffff, v0  }
0x217: {  	[tilespmem:s0+$0x8300] =	vst.add.f32.msk $0xffff, v1  }
0x218: {  	[tilespmem:s0+$0x8310] =	vst.add.f32.msk $0xffff, v2  }
0x219: {  	[tilespmem:s0+$0x8320] =	vst.add.f32.msk $0xffff, v3  }
0x21a: {  	[tilespmem:s0+$0x8330] =	vst.add.f32.msk $0xffff, v4  }
0x21b: {  	[tilespmem:s0+$0x8340] =	vst.add.f32.msk $0xffff, v63  }
0x21c: {  	s3 =	sshll.u32 s7, $0xB;
	[tilespmem:s0+$0x8350] =	vst.add.f32.msk $0xffff, v5  }
0x21d: {  	s20 =	sshll.u32 s7, $0x4;
	s3 =	sadd.s32 s10, s3;
	[tilespmem:s0+$0x8360] =	vst.add.f32.msk $0xffff, v6  }
0x21e: {  	[hbm4b:s3+s5] =	stream.linear.scatter [tilespmem:s30], [sflag:$0x5], $0x4000, $0x38;
	[tilespmem:$0x1BB80] =	vst v63  }
0x21f: {  	s0 =	sadd.s32 s12, s20  }
0x220: {  	[hbm4b:s0+s5] =	stream.linear.scatter [tilespmem:s6], [sflag:$0x5], $0x80, $0x38;
	[tilespmem:$0x1BB80] =	vst v63  }
.LBB2_14:
0x221: {  	s7 =	sadd.s32 s17, s26  }
0x222: {  	p0 =	sgt.u32 s7, $0x9C3  }
0x223: {  	s0 =	sshll.u32 @!p0 s7, $0x5  }
0x224: {  	s20 =	simm.s32 @!p0 $0x0;
	s3 =	sadd.s32 @!p0 s9, s0;
	s0 =	simm.s32 @!p0 $0x200  }
0x225: {  	[tilespmem:s0], [sflag:$0x8] =	stream.linear.gather @!p0 [hbm4b:s3+s20], $0x100, $0x38;
	[tilespmem:$0x1BB80] =	vst v63  }
0x226: {  	s3 =	simm.s32 @!p2 $0x4  }
0x227: {  	_ =	swait.ge @!p2 [sflag:s3], $0x4000  }
0x228: {  	[sflag:s3] =	ssyncset.done @!p2 $0x0  }
0x229: {  	[sflag:s3] =	ssyncadd.s32 @!p2 $0xFFFFC000  }
0x22a: {  	_ =	swait.ge @!p2 [sflag:s3], $0x80  }
0x22b: {  	[sflag:s3] =	ssyncset.done @!p2 $0x0  }
0x22c: {  	[sflag:s3] =	ssyncadd.s32 @!p2 $0xFFFFFF80;
	s3 =	simm.s32 @!p2 $0x7  }
0x22d: {  	_ =	swait.ge @!p2 [sflag:s3], $0x100  }
.Ltmp10:
0x22e: {  	[sflag:s3] =	ssyncset.done @!p2 $0x0;
	(pc) =	sbr.rel @p1 .LBB2_18-.Ltmp10, $4  }
0x22f: {  	s20 =	simm.s32 @!p2 $0x4300;
	[sflag:s3] =	ssyncadd.s32 @!p2 $0xFFFFFF00;
	s3 =	simm.s32 @!p2 $0x80  }
0x230: {  	[tilespmem:s20], [sflag:$0x1] =	stream.indirect.gather @!p2 [hbm4b:s1+s3], $0x80, s22, s3, $0xb8;
	[tilespmem:$0x1BB80] =	vst v63  }
0x231: {  	s20 =	simm.s32 @!p2 $0x180;
	s22 =	simm.s32 @!p2 $0xC300  }
0x232: {  	[tilespmem:s22], [sflag:$0x1] =	stream.indirect.gather @!p2 [hbm4b:s2+s3], $0x80, s20, s3, $0xb8;
	[tilespmem:$0x1BB80] =	vst v63  }
0x233: {  	_ =	swait.ge [sflag:s4], $0x4000  }
0x234: {  	[sflag:s4] =	ssyncset.done $0x0  }
0x235: {  	[sflag:s4] =	ssyncadd.s32 $0xFFFFC000  }
0x236: {  	_ =	swait.ge [sflag:s4], $0x4000  }
0x237: {  	[sflag:s4] =	ssyncset.done $0x0  }
0x238: {  	[sflag:s4] =	ssyncadd.s32 $0xFFFFC000  }
0x239: {  	v0 =	vld [tilespmem:$0x0]  }
0x23a: {  	v1 =	vld [tilespmem:$0x80];
	_ =	sdelay $0x6  }
0x23b: {  	v2 =	vld.idx.msk [tilespmem:v0+s21+$0x0], $0xffff  }
0x23c: {  	v3 =	vld.idx.msk [tilespmem:v1+s21+$0x0], $0xffff  }
0x23d: {  	v4 =	vld.idx.msk [tilespmem:v0+s23+$0x0], $0xffff  }
0x23e: {  	v5 =	vld.idx.msk [tilespmem:v1+s23+$0x0], $0xffff  }
0x23f: {  	v0 =	vld.idx.msk [tilespmem:v0+s24+$0x0], $0xffff  }
0x240: {  	v1 =	vld.idx.msk [tilespmem:v1+s24+$0x0], $0xffff;
	_ =	sdelay $0x2  }
0x241: {  	v2 =	vsub.f32 v2, v3;
	v11 =	vsub.f32 v4, v5  }
0x242: {  	v12 =	vld [tilespmem:$0x10]  }
0x243: {  	v15 =	vld [tilespmem:$0x90];
	v0 =	vsub.f32 v0, v1;
	v13 =	vmul.f32 v2, v2;
	v14 =	vmul.f32 v11, v11;
	_ =	sdelay $0x1  }
0x244: {  	v0 =	vmul.f32 v0, v0;
	v1 =	vadd.f32 v14, v13;
	_ =	sdelay $0x1  }
0x245: {  	v0 =	vadd.f32 v0, v1;
	_ =	sdelay $0x1  }
0x246: {  	[tilespmem:$0x14300] =	vst v0  }
0x247: {  	v0 =	vld.idx.msk [tilespmem:v12+s21+$0x0], $0xffff  }
0x248: {  	v16 =	vld.idx.msk [tilespmem:v15+s21+$0x0], $0xffff  }
0x249: {  	v17 =	vld.idx.msk [tilespmem:v12+s23+$0x0], $0xffff  }
0x24a: {  	v18 =	vld.idx.msk [tilespmem:v15+s23+$0x0], $0xffff  }
0x24b: {  	v4 =	vld.idx.msk [tilespmem:v12+s24+$0x0], $0xffff  }
0x24c: {  	v3 =	vld.idx.msk [tilespmem:v15+s24+$0x0], $0xffff;
	_ =	sdelay $0x2  }
0x24d: {  	v0 =	vsub.f32 v0, v16;
	v19 =	vsub.f32 v17, v18  }
0x24e: {  	v20 =	vld [tilespmem:$0x20]  }
0x24f: {  	v21 =	vld [tilespmem:$0xA0];
	v3 =	vsub.f32 v4, v3;
	v0 =	vmul.f32 v0, v0;
	v1 =	vmul.f32 v19, v19;
	_ =	sdelay $0x1  }
0x250: {  	v22 =	vmul.f32 v3, v3;
	v0 =	vadd.f32 v1, v0;
	_ =	sdelay $0x1  }
0x251: {  	v0 =	vadd.f32 v22, v0;
	_ =	sdelay $0x1  }
0x252: {  	[tilespmem:$0x14310] =	vst v0  }
0x253: {  	v0 =	vld.idx.msk [tilespmem:v20+s21+$0x0], $0xffff  }
0x254: {  	v23 =	vld.idx.msk [tilespmem:v21+s21+$0x0], $0xffff  }
0x255: {  	v24 =	vld.idx.msk [tilespmem:v20+s23+$0x0], $0xffff  }
0x256: {  	v25 =	vld.idx.msk [tilespmem:v21+s23+$0x0], $0xffff  }
0x257: {  	v2 =	vld.idx.msk [tilespmem:v20+s24+$0x0], $0xffff  }
0x258: {  	v4 =	vld.idx.msk [tilespmem:v21+s24+$0x0], $0xffff;
	_ =	sdelay $0x2  }
0x259: {  	v0 =	vsub.f32 v0, v23;
	v26 =	vsub.f32 v24, v25  }
0x25a: {  	v27 =	vld [tilespmem:$0x30]  }
0x25b: {  	v28 =	vld [tilespmem:$0xB0];
	v2 =	vsub.f32 v2, v4;
	v0 =	vmul.f32 v0, v0;
	v1 =	vmul.f32 v26, v26;
	_ =	sdelay $0x1  }
0x25c: {  	v29 =	vmul.f32 v2, v2;
	v0 =	vadd.f32 v1, v0;
	_ =	sdelay $0x1  }
0x25d: {  	v0 =	vadd.f32 v29, v0;
	_ =	sdelay $0x1  }
0x25e: {  	[tilespmem:$0x14320] =	vst v0  }
0x25f: {  	v0 =	vld.idx.msk [tilespmem:v27+s21+$0x0], $0xffff  }
0x260: {  	v30 =	vld.idx.msk [tilespmem:v28+s21+$0x0], $0xffff  }
0x261: {  	v31 =	vld.idx.msk [tilespmem:v27+s23+$0x0], $0xffff  }
0x262: {  	v32 =	vld.idx.msk [tilespmem:v28+s23+$0x0], $0xffff  }
0x263: {  	v3 =	vld.idx.msk [tilespmem:v27+s24+$0x0], $0xffff  }
0x264: {  	v4 =	vld.idx.msk [tilespmem:v28+s24+$0x0], $0xffff;
	_ =	sdelay $0x2  }
0x265: {  	v0 =	vsub.f32 v0, v30;
	v33 =	vsub.f32 v31, v32  }
0x266: {  	v34 =	vld [tilespmem:$0x40]  }
0x267: {  	v35 =	vld [tilespmem:$0xC0];
	v3 =	vsub.f32 v3, v4;
	v0 =	vmul.f32 v0, v0;
	v1 =	vmul.f32 v33, v33;
	_ =	sdelay $0x1  }
0x268: {  	v36 =	vmul.f32 v3, v3;
	v0 =	vadd.f32 v1, v0;
	_ =	sdelay $0x1  }
0x269: {  	v0 =	vadd.f32 v36, v0;
	_ =	sdelay $0x1  }
0x26a: {  	[tilespmem:$0x14330] =	vst v0  }
0x26b: {  	v0 =	vld.idx.msk [tilespmem:v34+s21+$0x0], $0xffff  }
0x26c: {  	v37 =	vld.idx.msk [tilespmem:v35+s21+$0x0], $0xffff  }
0x26d: {  	v38 =	vld.idx.msk [tilespmem:v34+s23+$0x0], $0xffff  }
0x26e: {  	v39 =	vld.idx.msk [tilespmem:v35+s23+$0x0], $0xffff  }
0x26f: {  	v2 =	vld.idx.msk [tilespmem:v34+s24+$0x0], $0xffff  }
0x270: {  	v4 =	vld.idx.msk [tilespmem:v35+s24+$0x0], $0xffff;
	_ =	sdelay $0x2  }
0x271: {  	v0 =	vsub.f32 v0, v37;
	v40 =	vsub.f32 v38, v39  }
0x272: {  	v41 =	vld [tilespmem:$0x50]  }
0x273: {  	v42 =	vld [tilespmem:$0xD0];
	v2 =	vsub.f32 v2, v4;
	v0 =	vmul.f32 v0, v0;
	v1 =	vmul.f32 v40, v40;
	_ =	sdelay $0x1  }
0x274: {  	v43 =	vmul.f32 v2, v2;
	v0 =	vadd.f32 v1, v0;
	_ =	sdelay $0x1  }
0x275: {  	v0 =	vadd.f32 v43, v0;
	_ =	sdelay $0x1  }
0x276: {  	[tilespmem:$0x14340] =	vst v0  }
0x277: {  	v0 =	vld.idx.msk [tilespmem:v41+s21+$0x0], $0xffff  }
0x278: {  	v44 =	vld.idx.msk [tilespmem:v42+s21+$0x0], $0xffff  }
0x279: {  	v45 =	vld.idx.msk [tilespmem:v41+s23+$0x0], $0xffff  }
0x27a: {  	v46 =	vld.idx.msk [tilespmem:v42+s23+$0x0], $0xffff  }
0x27b: {  	v3 =	vld.idx.msk [tilespmem:v41+s24+$0x0], $0xffff  }
0x27c: {  	v4 =	vld.idx.msk [tilespmem:v42+s24+$0x0], $0xffff;
	_ =	sdelay $0x2  }
0x27d: {  	v0 =	vsub.f32 v0, v44;
	v47 =	vsub.f32 v45, v46  }
0x27e: {  	v48 =	vld [tilespmem:$0x60]  }
0x27f: {  	v49 =	vld [tilespmem:$0xE0];
	v3 =	vsub.f32 v3, v4;
	v0 =	vmul.f32 v0, v0;
	v1 =	vmul.f32 v47, v47;
	_ =	sdelay $0x1  }
0x280: {  	v50 =	vmul.f32 v3, v3;
	v0 =	vadd.f32 v1, v0;
	_ =	sdelay $0x1  }
0x281: {  	v0 =	vadd.f32 v50, v0;
	_ =	sdelay $0x1  }
0x282: {  	[tilespmem:$0x14350] =	vst v0  }
0x283: {  	v0 =	vld.idx.msk [tilespmem:v48+s21+$0x0], $0xffff  }
0x284: {  	v51 =	vld.idx.msk [tilespmem:v49+s21+$0x0], $0xffff  }
0x285: {  	v52 =	vld.idx.msk [tilespmem:v48+s23+$0x0], $0xffff  }
0x286: {  	v53 =	vld.idx.msk [tilespmem:v49+s23+$0x0], $0xffff  }
0x287: {  	v2 =	vld.idx.msk [tilespmem:v48+s24+$0x0], $0xffff  }
0x288: {  	v4 =	vld.idx.msk [tilespmem:v49+s24+$0x0], $0xffff;
	_ =	sdelay $0x2  }
0x289: {  	v0 =	vsub.f32 v0, v51;
	v54 =	vsub.f32 v52, v53  }
0x28a: {  	v55 =	vld [tilespmem:$0x70]  }
0x28b: {  	v56 =	vld [tilespmem:$0xF0];
	v2 =	vsub.f32 v2, v4;
	v0 =	vmul.f32 v0, v0;
	v1 =	vmul.f32 v54, v54;
	_ =	sdelay $0x1  }
0x28c: {  	v57 =	vmul.f32 v2, v2;
	v0 =	vadd.f32 v1, v0;
	_ =	sdelay $0x1  }
0x28d: {  	v0 =	vadd.f32 v57, v0;
	_ =	sdelay $0x1  }
0x28e: {  	[tilespmem:$0x14360] =	vst v0  }
0x28f: {  	v0 =	vld.idx.msk [tilespmem:v55+s21+$0x0], $0xffff  }
0x290: {  	v58 =	vld.idx.msk [tilespmem:v56+s21+$0x0], $0xffff  }
0x291: {  	v59 =	vld.idx.msk [tilespmem:v55+s23+$0x0], $0xffff  }
0x292: {  	v60 =	vld.idx.msk [tilespmem:v56+s23+$0x0], $0xffff  }
0x293: {  	v3 =	vld.idx.msk [tilespmem:v55+s24+$0x0], $0xffff  }
0x294: {  	v4 =	vld.idx.msk [tilespmem:v56+s24+$0x0], $0xffff;
	_ =	sdelay $0x2  }
0x295: {  	v0 =	vsub.f32 v0, v58;
	v61 =	vsub.f32 v59, v60;
	_ =	sdelay $0x1  }
0x296: {  	v62 =	vsub.f32 v3, v4;
	v0 =	vmul.f32 v0, v0;
	v1 =	vmul.f32 v61, v61;
	_ =	sdelay $0x1  }
0x297: {  	v63 =	vmul.f32 v62, v62;
	v0 =	vadd.f32 v1, v0;
	_ =	sdelay $0x1  }
0x298: {  	v0 =	vadd.f32 v63, v0;
	_ =	sdelay $0x1  }
0x299: {  	s20 =	simm.s32 $0x0;
	s22 =	simm.s32 $0x200;
	[tilespmem:$0x14370] =	vst v0  }
.LBB2_16:
0x29a: {  	p1 =	sne.s32 s22, $0xFE00;
	v0 =	vld [tilespmem:s20+$0x10370]  }
0x29b: {  	v1 =	vld [tilespmem:s20+$0x10300]  }
0x29c: {  	v2 =	vld [tilespmem:s20+$0x10310]  }
0x29d: {  	v3 =	vld [tilespmem:s20+$0x10320]  }
0x29e: {  	v4 =	vld [tilespmem:s20+$0x10330]  }
0x29f: {  	[tilespmem:s20+$0x370] =	vst.add.f32.msk $0xffff, v0  }
0x2a0: {  	v0 =	vld [tilespmem:s20+$0x10340]  }
0x2a1: {  	v5 =	vld [tilespmem:s20+$0x10350]  }
0x2a2: {  	v6 =	vld [tilespmem:s20+$0x10360]  }
0x2a3: {  	[tilespmem:s20+$0x300] =	vst.add.f32.msk $0xffff, v1  }
0x2a4: {  	[tilespmem:s20+$0x310] =	vst.add.f32.msk $0xffff, v2  }
.Ltmp11:
0x2a5: {  	[tilespmem:s20+$0x320] =	vst.add.f32.msk $0xffff, v3;
	(pc) =	sbr.rel @p1 .LBB2_16-.Ltmp11, $4  }
0x2a6: {  	[tilespmem:s20+$0x330] =	vst.add.f32.msk $0xffff, v4  }
0x2a7: {  	[tilespmem:s20+$0x340] =	vst.add.f32.msk $0xffff, v0  }
0x2a8: {  	[tilespmem:s20+$0x350] =	vst.add.f32.msk $0xffff, v5  }
0x2a9: {  	[tilespmem:s20+$0x360] =	vst.add.f32.msk $0xffff, v6;
	s20 =	sshra.s32 s22, $0x2;
	s22 =	sadd.s32 $0x200, s22  }
0x2aa: {  	v0 =	vld [tilespmem:s20+$0x10370]  }
0x2ab: {  	v1 =	vld [tilespmem:s20+$0x10300]  }
0x2ac: {  	v2 =	vld [tilespmem:s20+$0x10310]  }
0x2ad: {  	v3 =	vld [tilespmem:s20+$0x10320]  }
0x2ae: {  	v4 =	vld [tilespmem:s20+$0x10330]  }
0x2af: {  	v63 =	vld [tilespmem:s20+$0x10340]  }
0x2b0: {  	v5 =	vld [tilespmem:s20+$0x10350]  }
0x2b1: {  	v6 =	vld [tilespmem:s20+$0x10360]  }
0x2b2: {  	[tilespmem:s20+$0x370] =	vst.add.f32.msk $0xffff, v0  }
0x2b3: {  	[tilespmem:s20+$0x300] =	vst.add.f32.msk $0xffff, v1  }
0x2b4: {  	[tilespmem:s20+$0x310] =	vst.add.f32.msk $0xffff, v2  }
0x2b5: {  	[tilespmem:s20+$0x320] =	vst.add.f32.msk $0xffff, v3  }
0x2b6: {  	[tilespmem:s20+$0x330] =	vst.add.f32.msk $0xffff, v4  }
0x2b7: {  	[tilespmem:s20+$0x340] =	vst.add.f32.msk $0xffff, v63  }
0x2b8: {  	s3 =	sshll.u32 s28, $0xB;
	[tilespmem:s20+$0x350] =	vst.add.f32.msk $0xffff, v5  }
0x2b9: {  	s22 =	sshll.u32 s28, $0x4;
	s3 =	sadd.s32 s10, s3;
	[tilespmem:s20+$0x360] =	vst.add.f32.msk $0xffff, v6  }
0x2ba: {  	[hbm4b:s3+s5] =	stream.linear.scatter [tilespmem:s29], [sflag:$0x3], $0x4000, $0x38;
	[tilespmem:$0x1BB80] =	vst v63  }
0x2bb: {  	s28 =	simm.s32 $0x14300;
	s3 =	sadd.s32 s12, s22  }
0x2bc: {  	[hbm4b:s3+s5] =	stream.linear.scatter [tilespmem:s28], [sflag:$0x3], $0x80, $0x38;
	[tilespmem:$0x1BB80] =	vst v63  }
.LBB2_18:
0x2bd: {  	s3 =	sadd.s32 s18, s26  }
0x2be: {  	p1 =	sgt.u32 s3, $0x9C3  }
0x2bf: {  	s3 =	sshll.u32 @!p1 s3, $0x5  }
0x2c0: {  	s20 =	simm.s32 @!p1 $0x0;
	s3 =	sadd.s32 @!p1 s9, s3  }
0x2c1: {  	[tilespmem:s20], [sflag:$0x6] =	stream.linear.gather @!p1 [hbm4b:s3+s20], $0x100, $0x38;
	[tilespmem:$0x1BB80] =	vst v63  }
0x2c2: {  	s3 =	simm.s32 @!p0 $0x5  }
0x2c3: {  	_ =	swait.ge @!p0 [sflag:s3], $0x4000  }
0x2c4: {  	[sflag:s3] =	ssyncset.done @!p0 $0x0  }
0x2c5: {  	[sflag:s3] =	ssyncadd.s32 @!p0 $0xFFFFC000  }
0x2c6: {  	_ =	swait.ge @!p0 [sflag:s3], $0x80  }
0x2c7: {  	[sflag:s3] =	ssyncset.done @!p0 $0x0  }
0x2c8: {  	[sflag:s3] =	ssyncadd.s32 @!p0 $0xFFFFFF80;
	s3 =	simm.s32 @!p0 $0x8  }
0x2c9: {  	_ =	swait.ge @!p0 [sflag:s3], $0x100  }
.Ltmp12:
0x2ca: {  	[sflag:s3] =	ssyncset.done @!p0 $0x0;
	(pc) =	sbr.rel @p2 .LBB2_22-.Ltmp12, $4  }
0x2cb: {  	s22 =	simm.s32 @!p0 $0x8300;
	[sflag:s3] =	ssyncadd.s32 @!p0 $0xFFFFFF00;
	s3 =	simm.s32 @!p0 $0x80  }
0x2cc: {  	[tilespmem:s22], [sflag:$0x2] =	stream.indirect.gather @!p0 [hbm4b:s1+s3], $0x80, s0, s3, $0xb8;
	[tilespmem:$0x1BB80] =	vst v63  }
0x2cd: {  	s0 =	simm.s32 @!p0 $0x280;
	s22 =	simm.s32 @!p0 $0x10300  }
0x2ce: {  	[tilespmem:s22], [sflag:$0x2] =	stream.indirect.gather @!p0 [hbm4b:s2+s3], $0x80, s0, s3, $0xb8;
	[tilespmem:$0x1BB80] =	vst v63  }
0x2cf: {  	_ =	swait.ge [sflag:s31], $0x4000  }
0x2d0: {  	[sflag:s31] =	ssyncset.done $0x0  }
0x2d1: {  	[sflag:s31] =	ssyncadd.s32 $0xFFFFC000  }
0x2d2: {  	_ =	swait.ge [sflag:s31], $0x4000  }
0x2d3: {  	[sflag:s31] =	ssyncset.done $0x0  }
0x2d4: {  	[sflag:s31] =	ssyncadd.s32 $0xFFFFC000  }
0x2d5: {  	v0 =	vld [tilespmem:$0x100]  }
0x2d6: {  	v1 =	vld [tilespmem:$0x180];
	_ =	sdelay $0x6  }
0x2d7: {  	v2 =	vld.idx.msk [tilespmem:v0+s21+$0x0], $0xffff  }
0x2d8: {  	v3 =	vld.idx.msk [tilespmem:v1+s21+$0x0], $0xffff  }
0x2d9: {  	v4 =	vld.idx.msk [tilespmem:v0+s23+$0x0], $0xffff  }
0x2da: {  	v5 =	vld.idx.msk [tilespmem:v1+s23+$0x0], $0xffff  }
0x2db: {  	v0 =	vld.idx.msk [tilespmem:v0+s24+$0x0], $0xffff  }
0x2dc: {  	v1 =	vld.idx.msk [tilespmem:v1+s24+$0x0], $0xffff;
	_ =	sdelay $0x2  }
0x2dd: {  	v2 =	vsub.f32 v2, v3;
	v11 =	vsub.f32 v4, v5  }
0x2de: {  	v12 =	vld [tilespmem:$0x110]  }
0x2df: {  	v15 =	vld [tilespmem:$0x190];
	v0 =	vsub.f32 v0, v1;
	v13 =	vmul.f32 v2, v2;
	v14 =	vmul.f32 v11, v11;
	_ =	sdelay $0x1  }
0x2e0: {  	v0 =	vmul.f32 v0, v0;
	v1 =	vadd.f32 v14, v13;
	_ =	sdelay $0x1  }
0x2e1: {  	v0 =	vadd.f32 v0, v1;
	_ =	sdelay $0x1  }
0x2e2: {  	[tilespmem:$0x14380] =	vst v0  }
0x2e3: {  	v0 =	vld.idx.msk [tilespmem:v12+s21+$0x0], $0xffff  }
0x2e4: {  	v16 =	vld.idx.msk [tilespmem:v15+s21+$0x0], $0xffff  }
0x2e5: {  	v17 =	vld.idx.msk [tilespmem:v12+s23+$0x0], $0xffff  }
0x2e6: {  	v18 =	vld.idx.msk [tilespmem:v15+s23+$0x0], $0xffff  }
0x2e7: {  	v4 =	vld.idx.msk [tilespmem:v12+s24+$0x0], $0xffff  }
0x2e8: {  	v3 =	vld.idx.msk [tilespmem:v15+s24+$0x0], $0xffff;
	_ =	sdelay $0x2  }
0x2e9: {  	v0 =	vsub.f32 v0, v16;
	v19 =	vsub.f32 v17, v18  }
0x2ea: {  	v20 =	vld [tilespmem:$0x120]  }
0x2eb: {  	v21 =	vld [tilespmem:$0x1A0];
	v3 =	vsub.f32 v4, v3;
	v0 =	vmul.f32 v0, v0;
	v1 =	vmul.f32 v19, v19;
	_ =	sdelay $0x1  }
0x2ec: {  	v22 =	vmul.f32 v3, v3;
	v0 =	vadd.f32 v1, v0;
	_ =	sdelay $0x1  }
0x2ed: {  	v0 =	vadd.f32 v22, v0;
	_ =	sdelay $0x1  }
0x2ee: {  	[tilespmem:$0x14390] =	vst v0  }
0x2ef: {  	v0 =	vld.idx.msk [tilespmem:v20+s21+$0x0], $0xffff  }
0x2f0: {  	v23 =	vld.idx.msk [tilespmem:v21+s21+$0x0], $0xffff  }
0x2f1: {  	v24 =	vld.idx.msk [tilespmem:v20+s23+$0x0], $0xffff  }
0x2f2: {  	v25 =	vld.idx.msk [tilespmem:v21+s23+$0x0], $0xffff  }
0x2f3: {  	v2 =	vld.idx.msk [tilespmem:v20+s24+$0x0], $0xffff  }
0x2f4: {  	v4 =	vld.idx.msk [tilespmem:v21+s24+$0x0], $0xffff;
	_ =	sdelay $0x2  }
0x2f5: {  	v0 =	vsub.f32 v0, v23;
	v26 =	vsub.f32 v24, v25  }
0x2f6: {  	v27 =	vld [tilespmem:$0x130]  }
0x2f7: {  	v28 =	vld [tilespmem:$0x1B0];
	v2 =	vsub.f32 v2, v4;
	v0 =	vmul.f32 v0, v0;
	v1 =	vmul.f32 v26, v26;
	_ =	sdelay $0x1  }
0x2f8: {  	v29 =	vmul.f32 v2, v2;
	v0 =	vadd.f32 v1, v0;
	_ =	sdelay $0x1  }
0x2f9: {  	v0 =	vadd.f32 v29, v0;
	_ =	sdelay $0x1  }
0x2fa: {  	[tilespmem:$0x143A0] =	vst v0  }
0x2fb: {  	v0 =	vld.idx.msk [tilespmem:v27+s21+$0x0], $0xffff  }
0x2fc: {  	v30 =	vld.idx.msk [tilespmem:v28+s21+$0x0], $0xffff  }
0x2fd: {  	v31 =	vld.idx.msk [tilespmem:v27+s23+$0x0], $0xffff  }
0x2fe: {  	v32 =	vld.idx.msk [tilespmem:v28+s23+$0x0], $0xffff  }
0x2ff: {  	v3 =	vld.idx.msk [tilespmem:v27+s24+$0x0], $0xffff  }
0x300: {  	v4 =	vld.idx.msk [tilespmem:v28+s24+$0x0], $0xffff;
	_ =	sdelay $0x2  }
0x301: {  	v0 =	vsub.f32 v0, v30;
	v33 =	vsub.f32 v31, v32  }
0x302: {  	v34 =	vld [tilespmem:$0x140]  }
0x303: {  	v35 =	vld [tilespmem:$0x1C0];
	v3 =	vsub.f32 v3, v4;
	v0 =	vmul.f32 v0, v0;
	v1 =	vmul.f32 v33, v33;
	_ =	sdelay $0x1  }
0x304: {  	v36 =	vmul.f32 v3, v3;
	v0 =	vadd.f32 v1, v0;
	_ =	sdelay $0x1  }
0x305: {  	v0 =	vadd.f32 v36, v0;
	_ =	sdelay $0x1  }
0x306: {  	[tilespmem:$0x143B0] =	vst v0  }
0x307: {  	v0 =	vld.idx.msk [tilespmem:v34+s21+$0x0], $0xffff  }
0x308: {  	v37 =	vld.idx.msk [tilespmem:v35+s21+$0x0], $0xffff  }
0x309: {  	v38 =	vld.idx.msk [tilespmem:v34+s23+$0x0], $0xffff  }
0x30a: {  	v39 =	vld.idx.msk [tilespmem:v35+s23+$0x0], $0xffff  }
0x30b: {  	v2 =	vld.idx.msk [tilespmem:v34+s24+$0x0], $0xffff  }
0x30c: {  	v4 =	vld.idx.msk [tilespmem:v35+s24+$0x0], $0xffff;
	_ =	sdelay $0x2  }
0x30d: {  	v0 =	vsub.f32 v0, v37;
	v40 =	vsub.f32 v38, v39  }
0x30e: {  	v41 =	vld [tilespmem:$0x150]  }
0x30f: {  	v42 =	vld [tilespmem:$0x1D0];
	v2 =	vsub.f32 v2, v4;
	v0 =	vmul.f32 v0, v0;
	v1 =	vmul.f32 v40, v40;
	_ =	sdelay $0x1  }
0x310: {  	v43 =	vmul.f32 v2, v2;
	v0 =	vadd.f32 v1, v0;
	_ =	sdelay $0x1  }
0x311: {  	v0 =	vadd.f32 v43, v0;
	_ =	sdelay $0x1  }
0x312: {  	[tilespmem:$0x143C0] =	vst v0  }
0x313: {  	v0 =	vld.idx.msk [tilespmem:v41+s21+$0x0], $0xffff  }
0x314: {  	v44 =	vld.idx.msk [tilespmem:v42+s21+$0x0], $0xffff  }
0x315: {  	v45 =	vld.idx.msk [tilespmem:v41+s23+$0x0], $0xffff  }
0x316: {  	v46 =	vld.idx.msk [tilespmem:v42+s23+$0x0], $0xffff  }
0x317: {  	v3 =	vld.idx.msk [tilespmem:v41+s24+$0x0], $0xffff  }
0x318: {  	v4 =	vld.idx.msk [tilespmem:v42+s24+$0x0], $0xffff;
	_ =	sdelay $0x2  }
0x319: {  	v0 =	vsub.f32 v0, v44;
	v47 =	vsub.f32 v45, v46  }
0x31a: {  	v48 =	vld [tilespmem:$0x160]  }
0x31b: {  	v49 =	vld [tilespmem:$0x1E0];
	v3 =	vsub.f32 v3, v4;
	v0 =	vmul.f32 v0, v0;
	v1 =	vmul.f32 v47, v47;
	_ =	sdelay $0x1  }
0x31c: {  	v50 =	vmul.f32 v3, v3;
	v0 =	vadd.f32 v1, v0;
	_ =	sdelay $0x1  }
0x31d: {  	v0 =	vadd.f32 v50, v0;
	_ =	sdelay $0x1  }
0x31e: {  	[tilespmem:$0x143D0] =	vst v0  }
0x31f: {  	v0 =	vld.idx.msk [tilespmem:v48+s21+$0x0], $0xffff  }
0x320: {  	v51 =	vld.idx.msk [tilespmem:v49+s21+$0x0], $0xffff  }
0x321: {  	v52 =	vld.idx.msk [tilespmem:v48+s23+$0x0], $0xffff  }
0x322: {  	v53 =	vld.idx.msk [tilespmem:v49+s23+$0x0], $0xffff  }
0x323: {  	v2 =	vld.idx.msk [tilespmem:v48+s24+$0x0], $0xffff  }
0x324: {  	v4 =	vld.idx.msk [tilespmem:v49+s24+$0x0], $0xffff;
	_ =	sdelay $0x2  }
0x325: {  	v0 =	vsub.f32 v0, v51;
	v54 =	vsub.f32 v52, v53  }
0x326: {  	v55 =	vld [tilespmem:$0x170]  }
0x327: {  	v56 =	vld [tilespmem:$0x1F0];
	v2 =	vsub.f32 v2, v4;
	v0 =	vmul.f32 v0, v0;
	v1 =	vmul.f32 v54, v54;
	_ =	sdelay $0x1  }
0x328: {  	v57 =	vmul.f32 v2, v2;
	v0 =	vadd.f32 v1, v0;
	_ =	sdelay $0x1  }
0x329: {  	v0 =	vadd.f32 v57, v0;
	_ =	sdelay $0x1  }
0x32a: {  	[tilespmem:$0x143E0] =	vst v0  }
0x32b: {  	v0 =	vld.idx.msk [tilespmem:v55+s21+$0x0], $0xffff  }
0x32c: {  	v58 =	vld.idx.msk [tilespmem:v56+s21+$0x0], $0xffff  }
0x32d: {  	v59 =	vld.idx.msk [tilespmem:v55+s23+$0x0], $0xffff  }
0x32e: {  	v60 =	vld.idx.msk [tilespmem:v56+s23+$0x0], $0xffff  }
0x32f: {  	v3 =	vld.idx.msk [tilespmem:v55+s24+$0x0], $0xffff  }
0x330: {  	v4 =	vld.idx.msk [tilespmem:v56+s24+$0x0], $0xffff;
	_ =	sdelay $0x2  }
0x331: {  	v0 =	vsub.f32 v0, v58;
	v61 =	vsub.f32 v59, v60;
	_ =	sdelay $0x1  }
0x332: {  	v62 =	vsub.f32 v3, v4;
	v0 =	vmul.f32 v0, v0;
	v1 =	vmul.f32 v61, v61;
	_ =	sdelay $0x1  }
0x333: {  	v63 =	vmul.f32 v62, v62;
	v0 =	vadd.f32 v1, v0;
	_ =	sdelay $0x1  }
0x334: {  	v0 =	vadd.f32 v63, v0;
	_ =	sdelay $0x1  }
0x335: {  	s0 =	simm.s32 $0x0;
	s22 =	simm.s32 $0x200;
	[tilespmem:$0x143F0] =	vst v0  }
.LBB2_20:
0x336: {  	p2 =	sne.s32 s22, $0xFE00;
	v0 =	vld [tilespmem:s0+$0xC370]  }
0x337: {  	v1 =	vld [tilespmem:s0+$0xC300]  }
0x338: {  	v2 =	vld [tilespmem:s0+$0xC310]  }
0x339: {  	v3 =	vld [tilespmem:s0+$0xC320]  }
0x33a: {  	v4 =	vld [tilespmem:s0+$0xC330]  }
0x33b: {  	[tilespmem:s0+$0x4370] =	vst.add.f32.msk $0xffff, v0  }
0x33c: {  	v0 =	vld [tilespmem:s0+$0xC340]  }
0x33d: {  	v5 =	vld [tilespmem:s0+$0xC350]  }
0x33e: {  	v6 =	vld [tilespmem:s0+$0xC360]  }
0x33f: {  	[tilespmem:s0+$0x4300] =	vst.add.f32.msk $0xffff, v1  }
0x340: {  	[tilespmem:s0+$0x4310] =	vst.add.f32.msk $0xffff, v2  }
.Ltmp13:
0x341: {  	[tilespmem:s0+$0x4320] =	vst.add.f32.msk $0xffff, v3;
	(pc) =	sbr.rel @p2 .LBB2_20-.Ltmp13, $4  }
0x342: {  	[tilespmem:s0+$0x4330] =	vst.add.f32.msk $0xffff, v4  }
0x343: {  	[tilespmem:s0+$0x4340] =	vst.add.f32.msk $0xffff, v0  }
0x344: {  	[tilespmem:s0+$0x4350] =	vst.add.f32.msk $0xffff, v5  }
0x345: {  	[tilespmem:s0+$0x4360] =	vst.add.f32.msk $0xffff, v6;
	s0 =	sshra.s32 s22, $0x2;
	s22 =	sadd.s32 $0x200, s22  }
0x346: {  	v0 =	vld [tilespmem:s0+$0xC370]  }
0x347: {  	v1 =	vld [tilespmem:s0+$0xC300]  }
0x348: {  	v2 =	vld [tilespmem:s0+$0xC310]  }
0x349: {  	v3 =	vld [tilespmem:s0+$0xC320]  }
0x34a: {  	v4 =	vld [tilespmem:s0+$0xC330]  }
0x34b: {  	v63 =	vld [tilespmem:s0+$0xC340]  }
0x34c: {  	v5 =	vld [tilespmem:s0+$0xC350]  }
0x34d: {  	v6 =	vld [tilespmem:s0+$0xC360]  }
0x34e: {  	[tilespmem:s0+$0x4370] =	vst.add.f32.msk $0xffff, v0  }
0x34f: {  	[tilespmem:s0+$0x4300] =	vst.add.f32.msk $0xffff, v1  }
0x350: {  	[tilespmem:s0+$0x4310] =	vst.add.f32.msk $0xffff, v2  }
0x351: {  	[tilespmem:s0+$0x4320] =	vst.add.f32.msk $0xffff, v3  }
0x352: {  	[tilespmem:s0+$0x4330] =	vst.add.f32.msk $0xffff, v4  }
0x353: {  	[tilespmem:s0+$0x4340] =	vst.add.f32.msk $0xffff, v63  }
0x354: {  	s3 =	sshll.u32 s13, $0xB;
	[tilespmem:s0+$0x4350] =	vst.add.f32.msk $0xffff, v5  }
0x355: {  	s22 =	simm.s32 $0x4300;
	s28 =	sshll.u32 s13, $0x4;
	s3 =	sadd.s32 s10, s3;
	[tilespmem:s0+$0x4360] =	vst.add.f32.msk $0xffff, v6  }
0x356: {  	[hbm4b:s3+s5] =	stream.linear.scatter [tilespmem:s22], [sflag:$0x4], $0x4000, $0x38;
	[tilespmem:$0x1BB80] =	vst v63  }
0x357: {  	s0 =	sadd.s32 s12, s28  }
0x358: {  	[hbm4b:s0+s5] =	stream.linear.scatter [tilespmem:s25], [sflag:$0x4], $0x80, $0x38;
	[tilespmem:$0x1BB80] =	vst v63  }
.LBB2_22:
0x359: {  	s0 =	sadd.s32 s19, s26  }
0x35a: {  	p2 =	sgt.u32 s0, $0x9C3  }
0x35b: {  	s0 =	sshll.u32 @!p2 s0, $0x5  }
0x35c: {  	s3 =	simm.s32 @!p2 $0x0;
	s13 =	simm.s32 @!p2 $0x100;
	s0 =	sadd.s32 @!p2 s9, s0  }
0x35d: {  	[tilespmem:s13], [sflag:$0x7] =	stream.linear.gather @!p2 [hbm4b:s0+s3], $0x100, $0x38;
	[tilespmem:$0x1BB80] =	vst v63  }
0x35e: {  	s0 =	simm.s32 @!p1 $0x3  }
0x35f: {  	_ =	swait.ge @!p1 [sflag:s0], $0x4000  }
0x360: {  	[sflag:s0] =	ssyncset.done @!p1 $0x0  }
0x361: {  	[sflag:s0] =	ssyncadd.s32 @!p1 $0xFFFFC000  }
0x362: {  	_ =	swait.ge @!p1 [sflag:s0], $0x80  }
0x363: {  	[sflag:s0] =	ssyncset.done @!p1 $0x0  }
0x364: {  	[sflag:s0] =	ssyncadd.s32 @!p1 $0xFFFFFF80;
	s0 =	simm.s32 @!p1 $0x6  }
0x365: {  	_ =	swait.ge @!p1 [sflag:s0], $0x100  }
.Ltmp14:
0x366: {  	[sflag:s0] =	ssyncset.done @!p1 $0x0;
	(pc) =	sbr.rel @p0 .LBB2_26-.Ltmp14, $4  }
0x367: {  	s3 =	simm.s32 @!p1 $0x300;
	[sflag:s0] =	ssyncadd.s32 @!p1 $0xFFFFFF00;
	s0 =	simm.s32 @!p1 $0x80  }
0x368: {  	[tilespmem:s3], [sflag:$0x1] =	stream.indirect.gather @!p1 [hbm4b:s1+s0], $0x80, s20, s0, $0xb8;
	[tilespmem:$0x1BB80] =	vst v63  }
0x369: {  	s3 =	simm.s32 @!p1 $0xC300  }
0x36a: {  	[tilespmem:s3], [sflag:$0x1] =	stream.indirect.gather @!p1 [hbm4b:s2+s0], $0x80, s0, s0, $0xb8;
	[tilespmem:$0x1BB80] =	vst v63  }
0x36b: {  	_ =	swait.ge [sflag:s4], $0x4000  }
0x36c: {  	[sflag:s4] =	ssyncset.done $0x0  }
0x36d: {  	[sflag:s4] =	ssyncadd.s32 $0xFFFFC000  }
0x36e: {  	_ =	swait.ge [sflag:s4], $0x4000  }
0x36f: {  	[sflag:s4] =	ssyncset.done $0x0  }
0x370: {  	[sflag:s4] =	ssyncadd.s32 $0xFFFFC000  }
0x371: {  	v0 =	vld [tilespmem:$0x200]  }
0x372: {  	v1 =	vld [tilespmem:$0x280];
	_ =	sdelay $0x6  }
0x373: {  	v2 =	vld.idx.msk [tilespmem:v0+s21+$0x0], $0xffff  }
0x374: {  	v3 =	vld.idx.msk [tilespmem:v1+s21+$0x0], $0xffff  }
0x375: {  	v4 =	vld.idx.msk [tilespmem:v0+s23+$0x0], $0xffff  }
0x376: {  	v5 =	vld.idx.msk [tilespmem:v1+s23+$0x0], $0xffff  }
0x377: {  	v0 =	vld.idx.msk [tilespmem:v0+s24+$0x0], $0xffff  }
0x378: {  	v1 =	vld.idx.msk [tilespmem:v1+s24+$0x0], $0xffff;
	_ =	sdelay $0x2  }
0x379: {  	v2 =	vsub.f32 v2, v3;
	v11 =	vsub.f32 v4, v5  }
0x37a: {  	v12 =	vld [tilespmem:$0x210]  }
0x37b: {  	v15 =	vld [tilespmem:$0x290];
	v0 =	vsub.f32 v0, v1;
	v13 =	vmul.f32 v2, v2;
	v14 =	vmul.f32 v11, v11;
	_ =	sdelay $0x1  }
0x37c: {  	v0 =	vmul.f32 v0, v0;
	v1 =	vadd.f32 v14, v13;
	_ =	sdelay $0x1  }
0x37d: {  	v0 =	vadd.f32 v0, v1;
	_ =	sdelay $0x1  }
0x37e: {  	[tilespmem:$0x14400] =	vst v0  }
0x37f: {  	v0 =	vld.idx.msk [tilespmem:v12+s21+$0x0], $0xffff  }
0x380: {  	v16 =	vld.idx.msk [tilespmem:v15+s21+$0x0], $0xffff  }
0x381: {  	v17 =	vld.idx.msk [tilespmem:v12+s23+$0x0], $0xffff  }
0x382: {  	v18 =	vld.idx.msk [tilespmem:v15+s23+$0x0], $0xffff  }
0x383: {  	v4 =	vld.idx.msk [tilespmem:v12+s24+$0x0], $0xffff  }
0x384: {  	v3 =	vld.idx.msk [tilespmem:v15+s24+$0x0], $0xffff;
	_ =	sdelay $0x2  }
0x385: {  	v0 =	vsub.f32 v0, v16;
	v19 =	vsub.f32 v17, v18  }
0x386: {  	v20 =	vld [tilespmem:$0x220]  }
0x387: {  	v21 =	vld [tilespmem:$0x2A0];
	v3 =	vsub.f32 v4, v3;
	v0 =	vmul.f32 v0, v0;
	v1 =	vmul.f32 v19, v19;
	_ =	sdelay $0x1  }
0x388: {  	v22 =	vmul.f32 v3, v3;
	v0 =	vadd.f32 v1, v0;
	_ =	sdelay $0x1  }
0x389: {  	v0 =	vadd.f32 v22, v0;
	_ =	sdelay $0x1  }
0x38a: {  	[tilespmem:$0x14410] =	vst v0  }
0x38b: {  	v0 =	vld.idx.msk [tilespmem:v20+s21+$0x0], $0xffff  }
0x38c: {  	v23 =	vld.idx.msk [tilespmem:v21+s21+$0x0], $0xffff  }
0x38d: {  	v24 =	vld.idx.msk [tilespmem:v20+s23+$0x0], $0xffff  }
0x38e: {  	v25 =	vld.idx.msk [tilespmem:v21+s23+$0x0], $0xffff  }
0x38f: {  	v2 =	vld.idx.msk [tilespmem:v20+s24+$0x0], $0xffff  }
0x390: {  	v4 =	vld.idx.msk [tilespmem:v21+s24+$0x0], $0xffff;
	_ =	sdelay $0x2  }
0x391: {  	v0 =	vsub.f32 v0, v23;
	v26 =	vsub.f32 v24, v25  }
0x392: {  	v27 =	vld [tilespmem:$0x230]  }
0x393: {  	v28 =	vld [tilespmem:$0x2B0];
	v2 =	vsub.f32 v2, v4;
	v0 =	vmul.f32 v0, v0;
	v1 =	vmul.f32 v26, v26;
	_ =	sdelay $0x1  }
0x394: {  	v29 =	vmul.f32 v2, v2;
	v0 =	vadd.f32 v1, v0;
	_ =	sdelay $0x1  }
0x395: {  	v0 =	vadd.f32 v29, v0;
	_ =	sdelay $0x1  }
0x396: {  	[tilespmem:$0x14420] =	vst v0  }
0x397: {  	v0 =	vld.idx.msk [tilespmem:v27+s21+$0x0], $0xffff  }
0x398: {  	v30 =	vld.idx.msk [tilespmem:v28+s21+$0x0], $0xffff  }
0x399: {  	v31 =	vld.idx.msk [tilespmem:v27+s23+$0x0], $0xffff  }
0x39a: {  	v32 =	vld.idx.msk [tilespmem:v28+s23+$0x0], $0xffff  }
0x39b: {  	v3 =	vld.idx.msk [tilespmem:v27+s24+$0x0], $0xffff  }
0x39c: {  	v4 =	vld.idx.msk [tilespmem:v28+s24+$0x0], $0xffff;
	_ =	sdelay $0x2  }
0x39d: {  	v0 =	vsub.f32 v0, v30;
	v33 =	vsub.f32 v31, v32  }
0x39e: {  	v34 =	vld [tilespmem:$0x240]  }
0x39f: {  	v35 =	vld [tilespmem:$0x2C0];
	v3 =	vsub.f32 v3, v4;
	v0 =	vmul.f32 v0, v0;
	v1 =	vmul.f32 v33, v33;
	_ =	sdelay $0x1  }
0x3a0: {  	v36 =	vmul.f32 v3, v3;
	v0 =	vadd.f32 v1, v0;
	_ =	sdelay $0x1  }
0x3a1: {  	v0 =	vadd.f32 v36, v0;
	_ =	sdelay $0x1  }
0x3a2: {  	[tilespmem:$0x14430] =	vst v0  }
0x3a3: {  	v0 =	vld.idx.msk [tilespmem:v34+s21+$0x0], $0xffff  }
0x3a4: {  	v37 =	vld.idx.msk [tilespmem:v35+s21+$0x0], $0xffff  }
0x3a5: {  	v38 =	vld.idx.msk [tilespmem:v34+s23+$0x0], $0xffff  }
0x3a6: {  	v39 =	vld.idx.msk [tilespmem:v35+s23+$0x0], $0xffff  }
0x3a7: {  	v2 =	vld.idx.msk [tilespmem:v34+s24+$0x0], $0xffff  }
0x3a8: {  	v4 =	vld.idx.msk [tilespmem:v35+s24+$0x0], $0xffff;
	_ =	sdelay $0x2  }
0x3a9: {  	v0 =	vsub.f32 v0, v37;
	v40 =	vsub.f32 v38, v39  }
0x3aa: {  	v41 =	vld [tilespmem:$0x250]  }
0x3ab: {  	v42 =	vld [tilespmem:$0x2D0];
	v2 =	vsub.f32 v2, v4;
	v0 =	vmul.f32 v0, v0;
	v1 =	vmul.f32 v40, v40;
	_ =	sdelay $0x1  }
0x3ac: {  	v43 =	vmul.f32 v2, v2;
	v0 =	vadd.f32 v1, v0;
	_ =	sdelay $0x1  }
0x3ad: {  	v0 =	vadd.f32 v43, v0;
	_ =	sdelay $0x1  }
0x3ae: {  	[tilespmem:$0x14440] =	vst v0  }
0x3af: {  	v0 =	vld.idx.msk [tilespmem:v41+s21+$0x0], $0xffff  }
0x3b0: {  	v44 =	vld.idx.msk [tilespmem:v42+s21+$0x0], $0xffff  }
0x3b1: {  	v45 =	vld.idx.msk [tilespmem:v41+s23+$0x0], $0xffff  }
0x3b2: {  	v46 =	vld.idx.msk [tilespmem:v42+s23+$0x0], $0xffff  }
0x3b3: {  	v3 =	vld.idx.msk [tilespmem:v41+s24+$0x0], $0xffff  }
0x3b4: {  	v4 =	vld.idx.msk [tilespmem:v42+s24+$0x0], $0xffff;
	_ =	sdelay $0x2  }
0x3b5: {  	v0 =	vsub.f32 v0, v44;
	v47 =	vsub.f32 v45, v46  }
0x3b6: {  	v48 =	vld [tilespmem:$0x260]  }
0x3b7: {  	v49 =	vld [tilespmem:$0x2E0];
	v3 =	vsub.f32 v3, v4;
	v0 =	vmul.f32 v0, v0;
	v1 =	vmul.f32 v47, v47;
	_ =	sdelay $0x1  }
0x3b8: {  	v50 =	vmul.f32 v3, v3;
	v0 =	vadd.f32 v1, v0;
	_ =	sdelay $0x1  }
0x3b9: {  	v0 =	vadd.f32 v50, v0;
	_ =	sdelay $0x1  }
0x3ba: {  	[tilespmem:$0x14450] =	vst v0  }
0x3bb: {  	v0 =	vld.idx.msk [tilespmem:v48+s21+$0x0], $0xffff  }
0x3bc: {  	v51 =	vld.idx.msk [tilespmem:v49+s21+$0x0], $0xffff  }
0x3bd: {  	v52 =	vld.idx.msk [tilespmem:v48+s23+$0x0], $0xffff  }
0x3be: {  	v53 =	vld.idx.msk [tilespmem:v49+s23+$0x0], $0xffff  }
0x3bf: {  	v2 =	vld.idx.msk [tilespmem:v48+s24+$0x0], $0xffff  }
0x3c0: {  	v4 =	vld.idx.msk [tilespmem:v49+s24+$0x0], $0xffff;
	_ =	sdelay $0x2  }
0x3c1: {  	v0 =	vsub.f32 v0, v51;
	v54 =	vsub.f32 v52, v53  }
0x3c2: {  	v55 =	vld [tilespmem:$0x270]  }
0x3c3: {  	v56 =	vld [tilespmem:$0x2F0];
	v2 =	vsub.f32 v2, v4;
	v0 =	vmul.f32 v0, v0;
	v1 =	vmul.f32 v54, v54;
	_ =	sdelay $0x1  }
0x3c4: {  	v57 =	vmul.f32 v2, v2;
	v0 =	vadd.f32 v1, v0;
	_ =	sdelay $0x1  }
0x3c5: {  	v0 =	vadd.f32 v57, v0;
	_ =	sdelay $0x1  }
0x3c6: {  	[tilespmem:$0x14460] =	vst v0  }
0x3c7: {  	v0 =	vld.idx.msk [tilespmem:v55+s21+$0x0], $0xffff  }
0x3c8: {  	v58 =	vld.idx.msk [tilespmem:v56+s21+$0x0], $0xffff  }
0x3c9: {  	v59 =	vld.idx.msk [tilespmem:v55+s23+$0x0], $0xffff  }
0x3ca: {  	v60 =	vld.idx.msk [tilespmem:v56+s23+$0x0], $0xffff  }
0x3cb: {  	v3 =	vld.idx.msk [tilespmem:v55+s24+$0x0], $0xffff  }
0x3cc: {  	v4 =	vld.idx.msk [tilespmem:v56+s24+$0x0], $0xffff;
	_ =	sdelay $0x2  }
0x3cd: {  	v0 =	vsub.f32 v0, v58;
	v61 =	vsub.f32 v59, v60;
	_ =	sdelay $0x1  }
0x3ce: {  	v62 =	vsub.f32 v3, v4;
	v0 =	vmul.f32 v0, v0;
	v1 =	vmul.f32 v61, v61;
	_ =	sdelay $0x1  }
0x3cf: {  	v63 =	vmul.f32 v62, v62;
	v0 =	vadd.f32 v1, v0;
	_ =	sdelay $0x1  }
0x3d0: {  	v0 =	vadd.f32 v63, v0;
	_ =	sdelay $0x1  }
0x3d1: {  	s0 =	simm.s32 $0x0;
	s13 =	simm.s32 $0x200;
	[tilespmem:$0x14470] =	vst v0  }
.LBB2_24:
0x3d2: {  	p0 =	sne.s32 s13, $0xFE00;
	v0 =	vld [tilespmem:s0+$0x10370]  }
0x3d3: {  	v1 =	vld [tilespmem:s0+$0x10300]  }
0x3d4: {  	v2 =	vld [tilespmem:s0+$0x10310]  }
0x3d5: {  	v3 =	vld [tilespmem:s0+$0x10320]  }
0x3d6: {  	v4 =	vld [tilespmem:s0+$0x10330]  }
0x3d7: {  	[tilespmem:s0+$0x8370] =	vst.add.f32.msk $0xffff, v0  }
0x3d8: {  	v0 =	vld [tilespmem:s0+$0x10340]  }
0x3d9: {  	v5 =	vld [tilespmem:s0+$0x10350]  }
0x3da: {  	v6 =	vld [tilespmem:s0+$0x10360]  }
0x3db: {  	[tilespmem:s0+$0x8300] =	vst.add.f32.msk $0xffff, v1  }
0x3dc: {  	[tilespmem:s0+$0x8310] =	vst.add.f32.msk $0xffff, v2  }
.Ltmp15:
0x3dd: {  	[tilespmem:s0+$0x8320] =	vst.add.f32.msk $0xffff, v3;
	(pc) =	sbr.rel @p0 .LBB2_24-.Ltmp15, $4  }
0x3de: {  	[tilespmem:s0+$0x8330] =	vst.add.f32.msk $0xffff, v4  }
0x3df: {  	[tilespmem:s0+$0x8340] =	vst.add.f32.msk $0xffff, v0  }
0x3e0: {  	[tilespmem:s0+$0x8350] =	vst.add.f32.msk $0xffff, v5  }
0x3e1: {  	[tilespmem:s0+$0x8360] =	vst.add.f32.msk $0xffff, v6;
	s0 =	sshra.s32 s13, $0x2;
	s13 =	sadd.s32 $0x200, s13  }
0x3e2: {  	v0 =	vld [tilespmem:s0+$0x10370]  }
0x3e3: {  	v1 =	vld [tilespmem:s0+$0x10300]  }
0x3e4: {  	v2 =	vld [tilespmem:s0+$0x10310]  }
0x3e5: {  	v3 =	vld [tilespmem:s0+$0x10320]  }
0x3e6: {  	v4 =	vld [tilespmem:s0+$0x10330]  }
0x3e7: {  	v63 =	vld [tilespmem:s0+$0x10340]  }
0x3e8: {  	v5 =	vld [tilespmem:s0+$0x10350]  }
0x3e9: {  	v6 =	vld [tilespmem:s0+$0x10360]  }
0x3ea: {  	[tilespmem:s0+$0x8370] =	vst.add.f32.msk $0xffff, v0  }
0x3eb: {  	[tilespmem:s0+$0x8300] =	vst.add.f32.msk $0xffff, v1  }
0x3ec: {  	[tilespmem:s0+$0x8310] =	vst.add.f32.msk $0xffff, v2  }
0x3ed: {  	[tilespmem:s0+$0x8320] =	vst.add.f32.msk $0xffff, v3  }
0x3ee: {  	[tilespmem:s0+$0x8330] =	vst.add.f32.msk $0xffff, v4  }
0x3ef: {  	[tilespmem:s0+$0x8340] =	vst.add.f32.msk $0xffff, v63  }
.Ltmp16:
0x3f0: {  	s3 =	sshll.u32 s7, $0xB;
	[tilespmem:s0+$0x8350] =	vst.add.f32.msk $0xffff, v5;
	(pc) =	sbr.rel .LBB2_26-.Ltmp16, $4  }
0x3f1: {  	s28 =	sshll.u32 s7, $0x4;
	s26 =	sadd.s32 s10, s3;
	[tilespmem:s0+$0x8360] =	vst.add.f32.msk $0xffff, v6  }
0x3f2: {  	[hbm4b:s26+s5] =	stream.linear.scatter [tilespmem:s30], [sflag:$0x5], $0x4000, $0x38;
	[tilespmem:$0x1BB80] =	vst v63  }
0x3f3: {  	s0 =	sadd.s32 s12, s28  }
0x3f4: {  	[hbm4b:s0+s5] =	stream.linear.scatter [tilespmem:s6], [sflag:$0x5], $0x80, $0x38;
	[tilespmem:$0x1BB80] =	vst v63  }
.LBB2_28:
0x3f5: {  	_ =	sfence.sel $0x180000  }
0x3f6: {  	[bflag:$0x0] =	sbarrier.arrive $0xFFFF  }
0x3f7: {  	_ =	strace $0x90000047  }
0x3f8: {  	s0 =	stileid.u32;
	[bflag:$0x2] =	sbarrier.arrive $0xFFFF  }
0x3f9: {  	p0 =	sne.s32 s0, $0x0;
	s0 =	rddreg [dreg:$0x4]  }
0x3fa: {  	s0 =	sadd.s32 @!p0 $0x100000, s0  }
0x3fb: {  	[sflag:s0] =	ssyncadd.tile.s32 @!p0 $0x1;
	_ =	shalt  }
.Lfunc_end2:
_tile_overlayer_lowered:
.L_overlay_start_2:
0x3fc: {  	(tag) =	ssettag $0x2  }
0x3fd: {  	s0 =	rddreg [dreg:$0x0];
	s2 =	stileid.u32  }
0x3fe: {  	s1 =	rddreg [dreg:$0x1];
	p0 =	sne.s32 s2, $0x0  }
0x3ff: {  	s3 =	rddreg [dreg:$0x2];
	[bflag:$0x3] =	sbarrier.arrive $0xFFFF;
	s2 =	simm.s32 @!p0 $0x1C09  }
0x400: {  	[timem:s3], [sflag:s2] =	dma.local @!p0 [hbm:s0], s1  }
0x401: {  	s0 =	simm.s32 @!p0 $0x9  }
0x402: {  	_ =	swait.ge @!p0 [sflag:s0], s1  }
0x403: {  	s1 =	ssub.s32 @!p0 $0x0, s1;
	[sflag:s0] =	ssyncset.done @!p0 $0x0  }
0x404: {  	[sflag:s0] =	ssyncadd.s32 @!p0 s1  }
0x405: {  	[bflag:$0x3] =	sbarrier.arrive $0xFFFF  }
0x406: {  	_ =	shalt  }

</sc_bundles>
